<compile_context>
chip_gen: v7x
topology: tpu7x:2x2x1
jax: 0.10.2.dev20260603
libtpu: 0.0.44.dev20260713+nightly
codegen_flags: <defaults>
</compile_context>

<pallas_src>
import functools

import jax
import jax.numpy as jnp
from jax import lax
from jax.experimental import pallas as pl
from jax.experimental.pallas import tpu as pltpu
from jax.experimental.pallas import tpu_sc as plsc

N = 100000
E = 3200000
D_IN = 10
D_HID = 16
D_OUT = 2

NC = 2
NS = 16
NW = NC * NS
BLK = 128
BPW = 800
KB = 16
CHUNKS = BPW // KB
KBA = 10
CHUNKS_A = BPW // KBA
NB = NW * BPW
BPW0_D = 928
BPW1_D = NB // NS - BPW0_D
BPW0_A = 1400
BPW1_A = NB // NS - BPW0_A
EP = NB * BLK
NP = 100352
RPS = NP // NS

def _deg_body(src_h, dst_h, out_h, idx_s, idx_d, ones_v, zb, acc_s, acc_d,
              sem_i, sem_s):
    c = lax.axis_index("c")
    s = lax.axis_index("s")
    wid = c * NS + s

    def fill(i, _):
        zb[pl.ds(i * 16, 16)] = jnp.zeros((16,), jnp.float32)
        return 0

    lax.fori_loop(0, RPS // 16, fill, 0)
    for i in range(BLK // 16):
        ones_v[pl.ds(i * 16, 16)] = jnp.ones((16,), jnp.float32)
    pltpu.sync_copy(zb, acc_s.at[pl.ds(s * RPS, RPS)])
    pltpu.sync_copy(zb, acc_d.at[pl.ds(s * RPS, RPS)])
    plsc.subcore_barrier()

    base = lax.select(c == 0, s * BPW0_D, NS * BPW0_D + s * BPW1_D)
    nchunks = lax.select(c == 0, BPW0_D // KB, BPW1_D // KB)

    def load_idx(k):
        blk0 = base + k * KB
        par = lax.rem(k, 2)
        pltpu.async_copy(src_h.at[pl.ds(blk0, KB)], idx_s.at[par], sem_i)
        pltpu.async_copy(dst_h.at[pl.ds(blk0, KB)], idx_d.at[par], sem_i)

    load_idx(0)

    def chunk(k, _):
        par = lax.rem(k, 2)
        pltpu.make_async_copy(src_h.at[pl.ds(0, KB)], idx_s.at[par], sem_i).wait()
        pltpu.make_async_copy(dst_h.at[pl.ds(0, KB)], idx_d.at[par], sem_i).wait()

        @pl.when(k < nchunks - 1)
        def _():
            load_idx(k + 1)

        for j in range(KB):
            pltpu.sync_copy(ones_v, acc_s.at[idx_s.at[par, j]], add=True)
            pltpu.sync_copy(ones_v, acc_d.at[idx_d.at[par, j]], add=True)
        return 0

    lax.fori_loop(0, nchunks, chunk, 0)
    plsc.subcore_barrier()
    pltpu.sync_copy(acc_s.at[pl.ds(s * RPS, RPS)], out_h.at[c, 0, pl.ds(s * RPS, RPS)])
    pltpu.sync_copy(acc_d.at[pl.ds(s * RPS, RPS)], out_h.at[c, 1, pl.ds(s * RPS, RPS)])


@functools.lru_cache(maxsize=None)
def _build_deg():
    return pl.kernel(
        _deg_body,
        out_type=jax.ShapeDtypeStruct((NC, 2, NP), jnp.float32),
        mesh=plsc.VectorSubcoreMesh(core_axis_name="c", subcore_axis_name="s"),
        compiler_params=pltpu.CompilerParams(
            use_tc_tiling_on_sc=False, skip_device_barrier=True),
        scratch_types=[
            pltpu.VMEM((2, KB, BLK), jnp.int32),
            pltpu.VMEM((2, KB, BLK), jnp.int32),
            pltpu.VMEM((BLK,), jnp.float32),
            pltpu.VMEM((RPS,), jnp.float32),
            pltpu.VMEM_SHARED((NP,), jnp.float32),
            pltpu.VMEM_SHARED((NP,), jnp.float32),
            pltpu.SemaphoreType.DMA,
            pltpu.SemaphoreType.DMA,
        ],
    )


def _agg_body(src_h, dst_h, tab_h, out_h, idx_s, idx_d, rows, zb, acc,
              sem_i, sem_g, sem_s):
    c = lax.axis_index("c")
    s = lax.axis_index("s")
    wid = c * NS + s

    def fillz(i, _):
        zb[i] = jnp.zeros((16,), jnp.float32)
        return 0

    lax.fori_loop(0, BLK, fillz, 0)

    def zero_acc(i, _):
        pltpu.sync_copy(zb, acc.at[pl.ds(s * RPS + i * BLK, BLK)])
        return 0

    lax.fori_loop(0, RPS // BLK, zero_acc, 0)
    plsc.subcore_barrier()

    base = lax.select(c == 0, s * BPW0_A, NS * BPW0_A + s * BPW1_A)
    base = lax.min(base, NB - KBA)
    nchunks = lax.select(c == 0, BPW0_A // KBA, BPW1_A // KBA)

    def load_idx(k):
        blk0 = base + k * KBA
        par = lax.rem(k, 2)
        pltpu.async_copy(src_h.at[pl.ds(blk0, KBA)], idx_s.at[par], sem_i)
        pltpu.async_copy(dst_h.at[pl.ds(blk0, KBA)], idx_d.at[par], sem_i)

    @pl.when(nchunks > 0)
    def _():
        load_idx(0)

    def chunk(k, _):
        par = lax.rem(k, 2)
        @pl.when(k > 0)
        def _():
            pltpu.make_async_copy(
                tab_h.at[pl.ds(0, KBA * BLK)], rows, sem_s).wait()

        pltpu.make_async_copy(src_h.at[pl.ds(0, KBA)], idx_s.at[par], sem_i).wait()
        pltpu.make_async_copy(dst_h.at[pl.ds(0, KBA)], idx_d.at[par], sem_i).wait()

        @pl.when(k < nchunks - 1)
        def _():
            load_idx(k + 1)

        hs = []
        for j in range(KBA):
            hs.append(pltpu.async_copy(
                tab_h.at[idx_s.at[par, j]],
                rows.at[pl.ds(j * BLK, BLK)], sem_g))
        for j in range(KBA):
            hs[j].wait()
            pltpu.async_copy(rows.at[pl.ds(j * BLK, BLK)],
                             acc.at[idx_d.at[par, j]], sem_s, add=True)
        return 0

    lax.fori_loop(0, nchunks, chunk, 0)

    @pl.when(nchunks > 0)
    def _():
        pltpu.make_async_copy(tab_h.at[pl.ds(0, KBA * BLK)], rows, sem_s).wait()

    plsc.subcore_barrier()
    pltpu.sync_copy(acc.at[pl.ds(s * RPS, RPS)], out_h.at[c, pl.ds(s * RPS, RPS)])


@functools.lru_cache(maxsize=None)
def _build_agg():
    return pl.kernel(
        _agg_body,
        out_type=jax.ShapeDtypeStruct((NC, NP, D_HID), jnp.float32),
        mesh=plsc.VectorSubcoreMesh(core_axis_name="c", subcore_axis_name="s"),
        compiler_params=pltpu.CompilerParams(
            use_tc_tiling_on_sc=False, skip_device_barrier=True),
        scratch_types=[
            pltpu.VMEM((2, KBA, BLK), jnp.int32),
            pltpu.VMEM((2, KBA, BLK), jnp.int32),
            pltpu.VMEM((KBA * BLK, D_HID), jnp.float32),
            pltpu.VMEM((BLK, D_HID), jnp.float32),
            pltpu.VMEM_SHARED((NP, D_HID), jnp.float32),
            pltpu.SemaphoreType.DMA,
            pltpu.SemaphoreType.DMA,
            pltpu.SemaphoreType.DMA,
        ],
    )


def _deg_pass(srcp, dstp):
    return _build_deg()(srcp, dstp)


def _agg_pass(srcp, dstp, table):
    return _build_agg()(srcp, dstp, table)



BN = 1024


def _norm(d):
    return lax.rsqrt(jnp.maximum(d, 1.0)).reshape(BN, 1)


def _tc0_body(f_ref, w_ref, o_ref):
    o_ref[...] = jnp.dot(f_ref[...], w_ref[...],
                         preferred_element_type=jnp.float32,
                         precision=lax.Precision.HIGHEST)


def _tc1_body(h_ref, dg_ref, o_ref):
    ns = _norm(dg_ref[0, 0] + dg_ref[1, 0])
    o_ref[...] = h_ref[...] * ns


def _tc2_body(m_ref, dg_ref, b_ref, o_ref):
    m = m_ref[0] + m_ref[1]
    nd = _norm(dg_ref[0, 1] + dg_ref[1, 1])
    ns = _norm(dg_ref[0, 0] + dg_ref[1, 0])
    x = jnp.maximum(m * nd + b_ref[...], 0.0)
    o_ref[...] = x * ns


def _tc3_body(m_ref, dg_ref, w_ref, b_ref, o_ref):
    m = m_ref[0] + m_ref[1]
    nd = _norm(dg_ref[0, 1] + dg_ref[1, 1])
    o_ref[...] = (jnp.dot(m, w_ref[...], preferred_element_type=jnp.float32,
                          precision=lax.Precision.HIGHEST)
                  * nd + b_ref[...])[:, :D_OUT]


_deg_spec = pl.BlockSpec((NC, 2, BN), lambda i: (0, 0, i))
_vec_spec = pl.BlockSpec((BN, D_HID), lambda i: (i, 0))
_par_spec = pl.BlockSpec((NC, BN, D_HID), lambda i: (0, i, 0))
_b_spec = pl.BlockSpec((1, D_HID), lambda i: (0, 0))

_tc0_call = pl.pallas_call(
    _tc0_body,
    grid=(NP // BN,),
    in_specs=[pl.BlockSpec((BN, D_IN), lambda i: (i, 0)),
              pl.BlockSpec((D_IN, D_HID), lambda i: (0, 0))],
    out_specs=_vec_spec,
    out_shape=jax.ShapeDtypeStruct((NP, D_HID), jnp.float32),
)

_tc1_call = pl.pallas_call(
    _tc1_body,
    grid=(NP // BN,),
    in_specs=[_vec_spec, _deg_spec],
    out_specs=_vec_spec,
    out_shape=jax.ShapeDtypeStruct((NP, D_HID), jnp.float32),
)

_tc2_call = pl.pallas_call(
    _tc2_body,
    grid=(NP // BN,),
    in_specs=[_par_spec, _deg_spec, _b_spec],
    out_specs=_vec_spec,
    out_shape=jax.ShapeDtypeStruct((NP, D_HID), jnp.float32),
)

_tc3_call = pl.pallas_call(
    _tc3_body,
    grid=(NP // BN,),
    in_specs=[_par_spec, _deg_spec,
              pl.BlockSpec((D_HID, D_HID), lambda i: (0, 0)), _b_spec],
    out_specs=pl.BlockSpec((BN, D_OUT), lambda i: (i, 0)),
    out_shape=jax.ShapeDtypeStruct((N, D_OUT), jnp.float32),
)


def kernel(features, edge_index, W1, b1, W2, b2):
    src = edge_index[0]
    dst = edge_index[1]
    pad = jnp.full((EP - E,), N, dtype=jnp.int32)
    srcp = jnp.concatenate([src, pad]).reshape(NB, BLK)
    dstp = jnp.concatenate([dst, pad]).reshape(NB, BLK)
    W2p = jnp.pad(W2, ((0, 0), (0, D_HID - D_OUT)))
    b1r = b1.reshape(1, D_HID)
    b2p = jnp.pad(b2, (0, D_HID - D_OUT)).reshape(1, D_HID)

    H = _tc0_call(features, W1)
    degs = _deg_pass(srcp, dstp)
    T1 = _tc1_call(H, degs)
    M1 = _agg_pass(srcp, dstp, T1)
    T2 = _tc2_call(M1, degs, b1r)
    M2 = _agg_pass(srcp, dstp, T2)
    return _tc3_call(M2, degs, W2p, b2p)

# --- scband reference (transcript-rebuilt; emitter-appended) ---
"""Pipeline reference for scband-gnnmodel-13116830122530 (READ-ONLY COPY).

The authoritative reference and input builder live on the scoring server;
editing this copy changes nothing except your own understanding.
"""

import jax, jax.numpy as jnp
import numpy as np

N = 100000
E = 3200000
D_IN = 10
D_HID = 16
D_OUT = 2


def setup_inputs(seed: int = 0) -> dict:
    key = jax.random.key(seed)
    k1, k2, k3, k4, k5, k6 = jax.random.split(key, 6)
    features = jax.random.normal(k1, (N, D_IN), dtype=jnp.float32)
    edge_index = jax.random.randint(k2, (2, E), 0, N, dtype=jnp.int32)
    # DGL GraphConv params: weight [in, out] (xavier), bias [out] (zeros init, use small randn for a nontrivial reference)
    W1 = jax.random.normal(k3, (D_IN, D_HID), dtype=jnp.float32) * (1.0 / np.sqrt(D_IN))
    b1 = jax.random.normal(k4, (D_HID,), dtype=jnp.float32) * 0.01
    W2 = jax.random.normal(k5, (D_HID, D_OUT), dtype=jnp.float32) * (1.0 / np.sqrt(D_HID))
    b2 = jax.random.normal(k6, (D_OUT,), dtype=jnp.float32) * 0.01
    return {"features": features, "edge_index": edge_index, "W1": W1, "b1": b1, "W2": W2, "b2": b2}


def _graph_conv(x, src, dst, W, b):
    # DGL GraphConv with norm='both':
    #   h = x * out_deg^{-1/2}; h = h @ W; m = scatter_sum(h[src] -> dst); out = m * in_deg^{-1/2} + b
    out_deg = jnp.bincount(src, length=N).astype(x.dtype)
    in_deg = jnp.bincount(dst, length=N).astype(x.dtype)
    norm_src = jnp.clip(out_deg, 1.0, None) ** -0.5
    norm_dst = jnp.clip(in_deg, 1.0, None) ** -0.5
    h = x * norm_src[:, None]
    h = h @ W
    m = jax.ops.segment_sum(h[src], dst, num_segments=N)
    return m * norm_dst[:, None] + b


def reference(features, edge_index, W1, b1, W2, b2):
    src = edge_index[0]
    dst = edge_index[1]
    x = jax.nn.relu(_graph_conv(features, src, dst, W1, b1))
    x = _graph_conv(x, src, dst, W2, b2)
    return x

if __name__ == "__main__":
    import jax
    _d = setup_inputs()
    print(jax.jit(kernel)(*tuple(_d.values())))

</pallas_src>

<mosaic_0001>
#map = affine_map<(d0, d1) -> (0, 0)>
#map1 = affine_map<(d0, d1) -> (0, 0, 0)>
module attributes {stable_mosaic.version = 14 : i64} {
  func.func @_deg_body(%arg0: i32, %arg1: i32, %arg2: memref<25600x128xi32, #tpu.memory_space<hbm>>, %arg3: memref<25600x128xi32, #tpu.memory_space<hbm>>, %arg4: memref<2x2x100352xf32, #tpu.memory_space<hbm>>, %arg5: memref<2x16x128xi32, #tpu.memory_space<vmem>>, %arg6: memref<2x16x128xi32, #tpu.memory_space<vmem>>, %arg7: memref<128xf32, #tpu.memory_space<vmem>>, %arg8: memref<6272xf32, #tpu.memory_space<vmem>>, %arg9: memref<100352xf32, #tpu.memory_space<vmem_shared>>, %arg10: memref<100352xf32, #tpu.memory_space<vmem_shared>>, %arg11: memref<!tpu.dma_semaphore, #tpu.memory_space<semaphore_mem>>, %arg12: memref<!tpu.dma_semaphore, #tpu.memory_space<semaphore_mem>>) attributes {dimension_semantics = [#tpu.dimension_semantics<core_parallel>, #tpu.dimension_semantics<subcore_parallel>], iteration_bounds = array<i64: 2, 16>, scalar_prefetch = 0 : i64, scratch_operands = 8 : i64, tpu.core_type = #tpu.core_type<sc_vector_subcore>, window_params = [{transform_indices = #map}, {transform_indices = #map}, {transform_indices = #map1}]} {
    %mul3A = arith.constant 16 : i32
    %mul3A_0 = arith.muli %arg0, %mul3A : i32
    %add3A = arith.addi %mul3A_0, %arg1 : i32
    %scan3A = arith.constant 0 : i32
    %scan3A_1 = arith.constant 0 : i32
    %scan3A_2 = arith.constant 392 : i32
    %scan3A_3 = arith.addi %scan3A_1, %scan3A_2 : i32
    %scan3A_4 = arith.constant 1 : i32
    %scan3A_5 = scf.for %scan3A_117 = %scan3A_1 to %scan3A_3 step %scan3A_4 iter_args(%scan3A_118 = %scan3A) -> (i32)  : i32 {
      %broadcast_in_dim3A_119 = arith.constant 0.000000e+00 : f32
      %broadcast_in_dim3A_120 = vector.broadcast %broadcast_in_dim3A_119 : f32 to vector<16xf32>
      %mul3A_121 = arith.constant 16 : i32
      %mul3A_122 = arith.muli %scan3A_117, %mul3A_121 : i32
      %swap3A_123 = arith.index_cast %mul3A_122 : i32 to index
      %swap3A_124 = tpu.vector_load %arg8[%swap3A_123] {strides = array<i32>} : memref<6272xf32, #tpu.memory_space<vmem>>, vector<16xf32>,
      %swap3A_125 = vector.shape_cast %swap3A_124 : vector<16xf32> to vector<16xf32>
      %swap3A_126 = vector.shape_cast %broadcast_in_dim3A_120 : vector<16xf32> to vector<16xf32>
      tpu.vector_store %arg8[%swap3A_123], %swap3A_126 {strides = array<i32>} : memref<6272xf32, #tpu.memory_space<vmem>>, vector<16xf32>,
      %scan3A_127 = arith.constant 0 : i32
      scf.yield %scan3A_127 : i32
    }
    %scan3A_6 = arith.constant 392 : i32
    %broadcast_in_dim3A = arith.constant 1.000000e+00 : f32
    %broadcast_in_dim3A_7 = vector.broadcast %broadcast_in_dim3A : f32 to vector<16xf32>
    %swap3A = arith.constant 0 : index
    %swap3A_8 = tpu.vector_load %arg7[%swap3A] {strides = array<i32>} : memref<128xf32, #tpu.memory_space<vmem>>, vector<16xf32>,
    %swap3A_9 = vector.shape_cast %swap3A_8 : vector<16xf32> to vector<16xf32>
    %swap3A_10 = vector.shape_cast %broadcast_in_dim3A_7 : vector<16xf32> to vector<16xf32>
    tpu.vector_store %arg7[%swap3A], %swap3A_10 {strides = array<i32>} : memref<128xf32, #tpu.memory_space<vmem>>, vector<16xf32>,
    %broadcast_in_dim3A_11 = arith.constant 1.000000e+00 : f32
    %broadcast_in_dim3A_12 = vector.broadcast %broadcast_in_dim3A_11 : f32 to vector<16xf32>
    %swap3A_13 = arith.constant 16 : index
    %swap3A_14 = tpu.vector_load %arg7[%swap3A_13] {strides = array<i32>} : memref<128xf32, #tpu.memory_space<vmem>>, vector<16xf32>,
    %swap3A_15 = vector.shape_cast %swap3A_14 : vector<16xf32> to vector<16xf32>
    %swap3A_16 = vector.shape_cast %broadcast_in_dim3A_12 : vector<16xf32> to vector<16xf32>
    tpu.vector_store %arg7[%swap3A_13], %swap3A_16 {strides = array<i32>} : memref<128xf32, #tpu.memory_space<vmem>>, vector<16xf32>,
    %broadcast_in_dim3A_17 = arith.constant 1.000000e+00 : f32
    %broadcast_in_dim3A_18 = vector.broadcast %broadcast_in_dim3A_17 : f32 to vector<16xf32>
    %swap3A_19 = arith.constant 32 : index
    %swap3A_20 = tpu.vector_load %arg7[%swap3A_19] {strides = array<i32>} : memref<128xf32, #tpu.memory_space<vmem>>, vector<16xf32>,
    %swap3A_21 = vector.shape_cast %swap3A_20 : vector<16xf32> to vector<16xf32>
    %swap3A_22 = vector.shape_cast %broadcast_in_dim3A_18 : vector<16xf32> to vector<16xf32>
    tpu.vector_store %arg7[%swap3A_19], %swap3A_22 {strides = array<i32>} : memref<128xf32, #tpu.memory_space<vmem>>, vector<16xf32>,
    %broadcast_in_dim3A_23 = arith.constant 1.000000e+00 : f32
    %broadcast_in_dim3A_24 = vector.broadcast %broadcast_in_dim3A_23 : f32 to vector<16xf32>
    %swap3A_25 = arith.constant 48 : index
    %swap3A_26 = tpu.vector_load %arg7[%swap3A_25] {strides = array<i32>} : memref<128xf32, #tpu.memory_space<vmem>>, vector<16xf32>,
    %swap3A_27 = vector.shape_cast %swap3A_26 : vector<16xf32> to vector<16xf32>
    %swap3A_28 = vector.shape_cast %broadcast_in_dim3A_24 : vector<16xf32> to vector<16xf32>
    tpu.vector_store %arg7[%swap3A_25], %swap3A_28 {strides = array<i32>} : memref<128xf32, #tpu.memory_space<vmem>>, vector<16xf32>,
    %broadcast_in_dim3A_29 = arith.constant 1.000000e+00 : f32
    %broadcast_in_dim3A_30 = vector.broadcast %broadcast_in_dim3A_29 : f32 to vector<16xf32>
    %swap3A_31 = arith.constant 64 : index
    %swap3A_32 = tpu.vector_load %arg7[%swap3A_31] {strides = array<i32>} : memref<128xf32, #tpu.memory_space<vmem>>, vector<16xf32>,
    %swap3A_33 = vector.shape_cast %swap3A_32 : vector<16xf32> to vector<16xf32>
    %swap3A_34 = vector.shape_cast %broadcast_in_dim3A_30 : vector<16xf32> to vector<16xf32>
    tpu.vector_store %arg7[%swap3A_31], %swap3A_34 {strides = array<i32>} : memref<128xf32, #tpu.memory_space<vmem>>, vector<16xf32>,
    %broadcast_in_dim3A_35 = arith.constant 1.000000e+00 : f32
    %broadcast_in_dim3A_36 = vector.broadcast %broadcast_in_dim3A_35 : f32 to vector<16xf32>
    %swap3A_37 = arith.constant 80 : index
    %swap3A_38 = tpu.vector_load %arg7[%swap3A_37] {strides = array<i32>} : memref<128xf32, #tpu.memory_space<vmem>>, vector<16xf32>,
    %swap3A_39 = vector.shape_cast %swap3A_38 : vector<16xf32> to vector<16xf32>
    %swap3A_40 = vector.shape_cast %broadcast_in_dim3A_36 : vector<16xf32> to vector<16xf32>
    tpu.vector_store %arg7[%swap3A_37], %swap3A_40 {strides = array<i32>} : memref<128xf32, #tpu.memory_space<vmem>>, vector<16xf32>,
    %broadcast_in_dim3A_41 = arith.constant 1.000000e+00 : f32
    %broadcast_in_dim3A_42 = vector.broadcast %broadcast_in_dim3A_41 : f32 to vector<16xf32>
    %swap3A_43 = arith.constant 96 : index
    %swap3A_44 = tpu.vector_load %arg7[%swap3A_43] {strides = array<i32>} : memref<128xf32, #tpu.memory_space<vmem>>, vector<16xf32>,
    %swap3A_45 = vector.shape_cast %swap3A_44 : vector<16xf32> to vector<16xf32>
    %swap3A_46 = vector.shape_cast %broadcast_in_dim3A_42 : vector<16xf32> to vector<16xf32>
    tpu.vector_store %arg7[%swap3A_43], %swap3A_46 {strides = array<i32>} : memref<128xf32, #tpu.memory_space<vmem>>, vector<16xf32>,
    %broadcast_in_dim3A_47 = arith.constant 1.000000e+00 : f32
    %broadcast_in_dim3A_48 = vector.broadcast %broadcast_in_dim3A_47 : f32 to vector<16xf32>
    %swap3A_49 = arith.constant 112 : index
    %swap3A_50 = tpu.vector_load %arg7[%swap3A_49] {strides = array<i32>} : memref<128xf32, #tpu.memory_space<vmem>>, vector<16xf32>,
    %swap3A_51 = vector.shape_cast %swap3A_50 : vector<16xf32> to vector<16xf32>
    %swap3A_52 = vector.shape_cast %broadcast_in_dim3A_48 : vector<16xf32> to vector<16xf32>
    tpu.vector_store %arg7[%swap3A_49], %swap3A_52 {strides = array<i32>} : memref<128xf32, #tpu.memory_space<vmem>>, vector<16xf32>,
    %mul3A_53 = arith.constant 6272 : i32
    %mul3A_54 = arith.muli %arg1, %mul3A_53 : i32
    "tpu.region"() ({
      %run_scoped3A_117 = tpu.sem_alloc : memref<!tpu.dma_semaphore, #tpu.memory_space<semaphore_mem>>
      %dma_start3A_118 = tpu.memref_slice %arg9[%mul3A_54] : memref<100352xf32, #tpu.memory_space<vmem_shared>> -> memref<6272xf32, #tpu.memory_space<vmem_shared>>
      %dma_start3A_119 = tpu.memref_slice %arg9[%mul3A_54] : memref<100352xf32, #tpu.memory_space<vmem_shared>> -> memref<6272xf32, #tpu.memory_space<vmem_shared>>
      tpu.enqueue_dma source(%arg8 : memref<6272xf32, #tpu.memory_space<vmem>>) target(%dma_start3A_119 : memref<6272xf32, #tpu.memory_space<vmem_shared>>) target_semaphore(%run_scoped3A_117 : memref<!tpu.dma_semaphore, #tpu.memory_space<semaphore_mem>>)
      %dma_wait3A = tpu.memref_slice %arg9[%mul3A_54] : memref<100352xf32, #tpu.memory_space<vmem_shared>> -> memref<6272xf32, #tpu.memory_space<vmem_shared>>
      %dma_wait3A_120 = tpu.memref_slice %arg9[%mul3A_54] : memref<100352xf32, #tpu.memory_space<vmem_shared>> -> memref<6272xf32, #tpu.memory_space<vmem_shared>>
      tpu.wait_dma2 semaphore(%run_scoped3A_117 : memref<!tpu.dma_semaphore, #tpu.memory_space<semaphore_mem>>) src(%arg8 : memref<6272xf32, #tpu.memory_space<vmem>>) dst(%dma_wait3A_120 : memref<6272xf32, #tpu.memory_space<vmem_shared>>)
      tpu.yield
    }) : () -> ()
    %mul3A_55 = arith.constant 6272 : i32
    %mul3A_56 = arith.muli %arg1, %mul3A_55 : i32
    "tpu.region"() ({
      %run_scoped3A_117 = tpu.sem_alloc : memref<!tpu.dma_semaphore, #tpu.memory_space<semaphore_mem>>
      %dma_start3A_118 = tpu.memref_slice %arg10[%mul3A_56] : memref<100352xf32, #tpu.memory_space<vmem_shared>> -> memref<6272xf32, #tpu.memory_space<vmem_shared>>
      %dma_start3A_119 = tpu.memref_slice %arg10[%mul3A_56] : memref<100352xf32, #tpu.memory_space<vmem_shared>> -> memref<6272xf32, #tpu.memory_space<vmem_shared>>
      tpu.enqueue_dma source(%arg8 : memref<6272xf32, #tpu.memory_space<vmem>>) target(%dma_start3A_119 : memref<6272xf32, #tpu.memory_space<vmem_shared>>) target_semaphore(%run_scoped3A_117 : memref<!tpu.dma_semaphore, #tpu.memory_space<semaphore_mem>>)
      %dma_wait3A = tpu.memref_slice %arg10[%mul3A_56] : memref<100352xf32, #tpu.memory_space<vmem_shared>> -> memref<6272xf32, #tpu.memory_space<vmem_shared>>
      %dma_wait3A_120 = tpu.memref_slice %arg10[%mul3A_56] : memref<100352xf32, #tpu.memory_space<vmem_shared>> -> memref<6272xf32, #tpu.memory_space<vmem_shared>>
      tpu.wait_dma2 semaphore(%run_scoped3A_117 : memref<!tpu.dma_semaphore, #tpu.memory_space<semaphore_mem>>) src(%arg8 : memref<6272xf32, #tpu.memory_space<vmem>>) dst(%dma_wait3A_120 : memref<6272xf32, #tpu.memory_space<vmem_shared>>)
      tpu.yield
    }) : () -> ()
    %barrier3A = arith.constant 0 : index
    tpu.barrier barrier_id(%barrier3A)
    %eq3A = arith.constant 0 : i32
    %eq3A_57 = arith.cmpi eq, %arg0, %eq3A : i32
    %mul3A_58 = arith.constant 928 : i32
    %mul3A_59 = arith.muli %arg1, %mul3A_58 : i32
    %mul3A_60 = arith.constant 672 : i32
    %mul3A_61 = arith.muli %arg1, %mul3A_60 : i32
    %add3A_62 = arith.constant 14848 : i32
    %add3A_63 = arith.addi %add3A_62, %mul3A_61 : i32
    %select_n3A = arith.select %eq3A_57, %mul3A_59, %add3A_63 : i32
    %eq3A_64 = arith.constant 0 : i32
    %eq3A_65 = arith.cmpi eq, %arg0, %eq3A_64 : i32
    %select_n3A_66 = arith.constant 42 : i32
    %select_n3A_67 = arith.constant 58 : i32
    %select_n3A_68 = arith.select %eq3A_65, %select_n3A_67, %select_n3A_66 : i32
    %add3A_69 = arith.constant 0 : i32
    %add3A_70 = arith.addi %select_n3A, %add3A_69 : i32
    %rem3A = arith.constant 0 : i32
    %rem3A_71 = arith.constant 2 : i32
    %rem3A_72 = arith.remsi %rem3A, %rem3A_71 : i32
    %dma_start3A = arith.constant 0 : i32
    %dma_start3A_73 = arith.constant 0 : i32
    %dma_start3A_74 = tpu.memref_slice %arg5[%rem3A_72, %dma_start3A, %dma_start3A_73] : memref<2x16x128xi32, #tpu.memory_space<vmem>> -> memref<1x16x128xi32, #tpu.memory_space<vmem>>
    %dma_start3A_75 = tpu.memref_squeeze %dma_start3A_74 : memref<1x16x128xi32, #tpu.memory_space<vmem>> -> memref<16x128xi32, #tpu.memory_space<vmem>>
    %dma_start3A_76 = arith.constant 0 : i32
    %dma_start3A_77 = tpu.memref_slice %arg2[%add3A_70, %dma_start3A_76] : memref<25600x128xi32, #tpu.memory_space<hbm>> -> memref<16x128xi32, #tpu.memory_space<hbm>>
    %dma_start3A_78 = arith.constant 0 : i32
    %dma_start3A_79 = arith.constant 0 : i32
    %dma_start3A_80 = tpu.memref_slice %arg5[%rem3A_72, %dma_start3A_78, %dma_start3A_79] : memref<2x16x128xi32, #tpu.memory_space<vmem>> -> memref<1x16x128xi32, #tpu.memory_space<vmem>>
    %dma_start3A_81 = tpu.memref_squeeze %dma_start3A_80 : memref<1x16x128xi32, #tpu.memory_space<vmem>> -> memref<16x128xi32, #tpu.memory_space<vmem>>
    %dma_start3A_82 = arith.constant 0 : i32
    %dma_start3A_83 = tpu.memref_slice %arg2[%add3A_70, %dma_start3A_82] : memref<25600x128xi32, #tpu.memory_space<hbm>> -> memref<16x128xi32, #tpu.memory_space<hbm>>
    tpu.enqueue_dma source(%dma_start3A_83 : memref<16x128xi32, #tpu.memory_space<hbm>>) target(%dma_start3A_81 : memref<16x128xi32, #tpu.memory_space<vmem>>) target_semaphore(%arg11 : memref<!tpu.dma_semaphore, #tpu.memory_space<semaphore_mem>>)
    %dma_start3A_84 = arith.constant 0 : i32
    %dma_start3A_85 = arith.constant 0 : i32
    %dma_start3A_86 = tpu.memref_slice %arg6[%rem3A_72, %dma_start3A_84, %dma_start3A_85] : memref<2x16x128xi32, #tpu.memory_space<vmem>> -> memref<1x16x128xi32, #tpu.memory_space<vmem>>
    %dma_start3A_87 = tpu.memref_squeeze %dma_start3A_86 : memref<1x16x128xi32, #tpu.memory_space<vmem>> -> memref<16x128xi32, #tpu.memory_space<vmem>>
    %dma_start3A_88 = arith.constant 0 : i32
    %dma_start3A_89 = tpu.memref_slice %arg3[%add3A_70, %dma_start3A_88] : memref<25600x128xi32, #tpu.memory_space<hbm>> -> memref<16x128xi32, #tpu.memory_space<hbm>>
    %dma_start3A_90 = arith.constant 0 : i32
    %dma_start3A_91 = arith.constant 0 : i32
    %dma_start3A_92 = tpu.memref_slice %arg6[%rem3A_72, %dma_start3A_90, %dma_start3A_91] : memref<2x16x128xi32, #tpu.memory_space<vmem>> -> memref<1x16x128xi32, #tpu.memory_space<vmem>>
    %dma_start3A_93 = tpu.memref_squeeze %dma_start3A_92 : memref<1x16x128xi32, #tpu.memory_space<vmem>> -> memref<16x128xi32, #tpu.memory_space<vmem>>
    %dma_start3A_94 = arith.constant 0 : i32
    %dma_start3A_95 = tpu.memref_slice %arg3[%add3A_70, %dma_start3A_94] : memref<25600x128xi32, #tpu.memory_space<hbm>> -> memref<16x128xi32, #tpu.memory_space<hbm>>
    tpu.enqueue_dma source(%dma_start3A_95 : memref<16x128xi32, #tpu.memory_space<hbm>>) target(%dma_start3A_93 : memref<16x128xi32, #tpu.memory_space<vmem>>) target_semaphore(%arg11 : memref<!tpu.dma_semaphore, #tpu.memory_space<semaphore_mem>>)
    %while3A = arith.constant 0 : i32
    %while3A_96 = arith.constant 0 : i32
    %while3A_97 = arith.subi %select_n3A_68, %while3A : i32
    %while3A_98 = arith.addi %while3A, %while3A_97 : i32
    %while3A_99 = arith.constant 1 : i32
    %while3A_100 = arith.divsi %while3A_97, %while3A_99 : i32
    %while3A_101 = arith.muli %while3A_100, %while3A_99 : i32
    %while3A_102 = arith.addi %while3A, %while3A_101 : i32
    %while3A_103 = arith.constant 1 : i32
    %while3A_104 = scf.for %while3A_117 = %while3A to %while3A_102 step %while3A_103 iter_args(%while3A_118 = %while3A_96) -> (i32)  : i32 {
      %rem3A_119 = arith.constant 2 : i32
      %rem3A_120 = arith.remsi %while3A_117, %rem3A_119 : i32
      %dma_wait3A = arith.constant 0 : i32
      %dma_wait3A_121 = arith.constant 0 : i32
      %dma_wait3A_122 = tpu.memref_slice %arg5[%rem3A_120, %dma_wait3A, %dma_wait3A_121] : memref<2x16x128xi32, #tpu.memory_space<vmem>> -> memref<1x16x128xi32, #tpu.memory_space<vmem>>
      %dma_wait3A_123 = tpu.memref_squeeze %dma_wait3A_122 : memref<1x16x128xi32, #tpu.memory_space<vmem>> -> memref<16x128xi32, #tpu.memory_space<vmem>>
      %dma_wait3A_124 = arith.constant 0 : i32
      %dma_wait3A_125 = arith.constant 0 : i32
      %dma_wait3A_126 = tpu.memref_slice %arg2[%dma_wait3A_124, %dma_wait3A_125] : memref<25600x128xi32, #tpu.memory_space<hbm>> -> memref<16x128xi32, #tpu.memory_space<hbm>>
      %dma_wait3A_127 = arith.constant 0 : i32
      %dma_wait3A_128 = arith.constant 0 : i32
      %dma_wait3A_129 = tpu.memref_slice %arg5[%rem3A_120, %dma_wait3A_127, %dma_wait3A_128] : memref<2x16x128xi32, #tpu.memory_space<vmem>> -> memref<1x16x128xi32, #tpu.memory_space<vmem>>
      %dma_wait3A_130 = tpu.memref_squeeze %dma_wait3A_129 : memref<1x16x128xi32, #tpu.memory_space<vmem>> -> memref<16x128xi32, #tpu.memory_space<vmem>>
      %dma_wait3A_131 = arith.constant 0 : i32
      %dma_wait3A_132 = arith.constant 0 : i32
      %dma_wait3A_133 = tpu.memref_slice %arg2[%dma_wait3A_131, %dma_wait3A_132] : memref<25600x128xi32, #tpu.memory_space<hbm>> -> memref<16x128xi32, #tpu.memory_space<hbm>>
      tpu.wait_dma2 semaphore(%arg11 : memref<!tpu.dma_semaphore, #tpu.memory_space<semaphore_mem>>) src(%dma_wait3A_133 : memref<16x128xi32, #tpu.memory_space<hbm>>) dst(%dma_wait3A_130 : memref<16x128xi32, #tpu.memory_space<vmem>>)
      %dma_wait3A_134 = arith.constant 0 : i32
      %dma_wait3A_135 = arith.constant 0 : i32
      %dma_wait3A_136 = tpu.memref_slice %arg6[%rem3A_120, %dma_wait3A_134, %dma_wait3A_135] : memref<2x16x128xi32, #tpu.memory_space<vmem>> -> memref<1x16x128xi32, #tpu.memory_space<vmem>>
      %dma_wait3A_137 = tpu.memref_squeeze %dma_wait3A_136 : memref<1x16x128xi32, #tpu.memory_space<vmem>> -> memref<16x128xi32, #tpu.memory_space<vmem>>
      %dma_wait3A_138 = arith.constant 0 : i32
      %dma_wait3A_139 = arith.constant 0 : i32
      %dma_wait3A_140 = tpu.memref_slice %arg3[%dma_wait3A_138, %dma_wait3A_139] : memref<25600x128xi32, #tpu.memory_space<hbm>> -> memref<16x128xi32, #tpu.memory_space<hbm>>
      %dma_wait3A_141 = arith.constant 0 : i32
      %dma_wait3A_142 = arith.constant 0 : i32
      %dma_wait3A_143 = tpu.memref_slice %arg6[%rem3A_120, %dma_wait3A_141, %dma_wait3A_142] : memref<2x16x128xi32, #tpu.memory_space<vmem>> -> memref<1x16x128xi32, #tpu.memory_space<vmem>>
      %dma_wait3A_144 = tpu.memref_squeeze %dma_wait3A_143 : memref<1x16x128xi32, #tpu.memory_space<vmem>> -> memref<16x128xi32, #tpu.memory_space<vmem>>
      %dma_wait3A_145 = arith.constant 0 : i32
      %dma_wait3A_146 = arith.constant 0 : i32
      %dma_wait3A_147 = tpu.memref_slice %arg3[%dma_wait3A_145, %dma_wait3A_146] : memref<25600x128xi32, #tpu.memory_space<hbm>> -> memref<16x128xi32, #tpu.memory_space<hbm>>
      tpu.wait_dma2 semaphore(%arg11 : memref<!tpu.dma_semaphore, #tpu.memory_space<semaphore_mem>>) src(%dma_wait3A_147 : memref<16x128xi32, #tpu.memory_space<hbm>>) dst(%dma_wait3A_144 : memref<16x128xi32, #tpu.memory_space<vmem>>)
      %sub3A = arith.constant 1 : i32
      %sub3A_148 = arith.subi %select_n3A_68, %sub3A : i32
      %lt3A = arith.cmpi slt, %while3A_117, %sub3A_148 : i32
      %convert_element_type3A = arith.extui %lt3A : i1 to i32
      %cond3A = arith.constant 0 : i32
      %cond3A_149 = arith.cmpi ne, %convert_element_type3A, %cond3A : i32
      scf.if %cond3A_149 {
        %add3A_183 = arith.constant 1 : i32
        %add3A_184 = arith.addi %while3A_117, %add3A_183 : i32
        %mul3A_185 = arith.constant 16 : i32
        %mul3A_186 = arith.muli %add3A_184, %mul3A_185 : i32
        %add3A_187 = arith.addi %select_n3A, %mul3A_186 : i32
        %rem3A_188 = arith.constant 2 : i32
        %rem3A_189 = arith.remsi %add3A_184, %rem3A_188 : i32
        %dma_start3A_190 = arith.constant 0 : i32
        %dma_start3A_191 = arith.constant 0 : i32
        %dma_start3A_192 = tpu.memref_slice %arg5[%rem3A_189, %dma_start3A_190, %dma_start3A_191] : memref<2x16x128xi32, #tpu.memory_space<vmem>> -> memref<1x16x128xi32, #tpu.memory_space<vmem>>
        %dma_start3A_193 = tpu.memref_squeeze %dma_start3A_192 : memref<1x16x128xi32, #tpu.memory_space<vmem>> -> memref<16x128xi32, #tpu.memory_space<vmem>>
        %dma_start3A_194 = arith.constant 0 : i32
        %dma_start3A_195 = tpu.memref_slice %arg2[%add3A_187, %dma_start3A_194] : memref<25600x128xi32, #tpu.memory_space<hbm>> -> memref<16x128xi32, #tpu.memory_space<hbm>>
        %dma_start3A_196 = arith.constant 0 : i32
        %dma_start3A_197 = arith.constant 0 : i32
        %dma_start3A_198 = tpu.memref_slice %arg5[%rem3A_189, %dma_start3A_196, %dma_start3A_197] : memref<2x16x128xi32, #tpu.memory_space<vmem>> -> memref<1x16x128xi32, #tpu.memory_space<vmem>>
        %dma_start3A_199 = tpu.memref_squeeze %dma_start3A_198 : memref<1x16x128xi32, #tpu.memory_space<vmem>> -> memref<16x128xi32, #tpu.memory_space<vmem>>
        %dma_start3A_200 = arith.constant 0 : i32
        %dma_start3A_201 = tpu.memref_slice %arg2[%add3A_187, %dma_start3A_200] : memref<25600x128xi32, #tpu.memory_space<hbm>> -> memref<16x128xi32, #tpu.memory_space<hbm>>
        tpu.enqueue_dma source(%dma_start3A_201 : memref<16x128xi32, #tpu.memory_space<hbm>>) target(%dma_start3A_199 : memref<16x128xi32, #tpu.memory_space<vmem>>) target_semaphore(%arg11 : memref<!tpu.dma_semaphore, #tpu.memory_space<semaphore_mem>>)
        %dma_start3A_202 = arith.constant 0 : i32
        %dma_start3A_203 = arith.constant 0 : i32
        %dma_start3A_204 = tpu.memref_slice %arg6[%rem3A_189, %dma_start3A_202, %dma_start3A_203] : memref<2x16x128xi32, #tpu.memory_space<vmem>> -> memref<1x16x128xi32, #tpu.memory_space<vmem>>
        %dma_start3A_205 = tpu.memref_squeeze %dma_start3A_204 : memref<1x16x128xi32, #tpu.memory_space<vmem>> -> memref<16x128xi32, #tpu.memory_space<vmem>>
        %dma_start3A_206 = arith.constant 0 : i32
        %dma_start3A_207 = tpu.memref_slice %arg3[%add3A_187, %dma_start3A_206] : memref<25600x128xi32, #tpu.memory_space<hbm>> -> memref<16x128xi32, #tpu.memory_space<hbm>>
        %dma_start3A_208 = arith.constant 0 : i32
        %dma_start3A_209 = arith.constant 0 : i32
        %dma_start3A_210 = tpu.memref_slice %arg6[%rem3A_189, %dma_start3A_208, %dma_start3A_209] : memref<2x16x128xi32, #tpu.memory_space<vmem>> -> memref<1x16x128xi32, #tpu.memory_space<vmem>>
        %dma_start3A_211 = tpu.memref_squeeze %dma_start3A_210 : memref<1x16x128xi32, #tpu.memory_space<vmem>> -> memref<16x128xi32, #tpu.memory_space<vmem>>
        %dma_start3A_212 = arith.constant 0 : i32
        %dma_start3A_213 = tpu.memref_slice %arg3[%add3A_187, %dma_start3A_212] : memref<25600x128xi32, #tpu.memory_space<hbm>> -> memref<16x128xi32, #tpu.memory_space<hbm>>
        tpu.enqueue_dma source(%dma_start3A_213 : memref<16x128xi32, #tpu.memory_space<hbm>>) target(%dma_start3A_211 : memref<16x128xi32, #tpu.memory_space<vmem>>) target_semaphore(%arg11 : memref<!tpu.dma_semaphore, #tpu.memory_space<semaphore_mem>>)
      } else {
      }
      %run_scoped3A_150 = arith.constant 0 : i32
      "tpu.region"() ({
        %run_scoped3A_183 = tpu.sem_alloc : memref<!tpu.dma_semaphore, #tpu.memory_space<semaphore_mem>>
        %dma_start3A_184 = arith.constant 0 : i32
        %dma_start3A_185 = tpu.memref_slice %arg5[%rem3A_120, %run_scoped3A_150, %dma_start3A_184] : memref<2x16x128xi32, #tpu.memory_space<vmem>> -> memref<1x1x128xi32, #tpu.memory_space<vmem>>
        %dma_start3A_186 = tpu.memref_squeeze %dma_start3A_185 : memref<1x1x128xi32, #tpu.memory_space<vmem>> -> memref<128xi32, #tpu.memory_space<vmem>>
        %dma_start3A_187 = arith.constant 0 : i32
        %dma_start3A_188 = tpu.memref_slice %arg9[%dma_start3A_187] : memref<100352xf32, #tpu.memory_space<vmem_shared>> -> memref<100352xf32, #tpu.memory_space<vmem_shared>>
        tpu.enqueue_indirect_dma source(%arg7 : memref<128xf32, #tpu.memory_space<vmem>>) target(%dma_start3A_188 : memref<100352xf32, #tpu.memory_space<vmem_shared>>) offsets(%dma_start3A_186 : memref<128xi32, #tpu.memory_space<vmem>>) semaphore(%run_scoped3A_183 : memref<!tpu.dma_semaphore, #tpu.memory_space<semaphore_mem>>) {add = true}
        %dma_wait3A_189 = arith.constant 0 : i32
        %dma_wait3A_190 = tpu.memref_slice %arg5[%rem3A_120, %run_scoped3A_150, %dma_wait3A_189] : memref<2x16x128xi32, #tpu.memory_space<vmem>> -> memref<1x1x128xi32, #tpu.memory_space<vmem>>
        %dma_wait3A_191 = tpu.memref_squeeze %dma_wait3A_190 : memref<1x1x128xi32, #tpu.memory_space<vmem>> -> memref<128xi32, #tpu.memory_space<vmem>>
        %dma_wait3A_192 = arith.constant 0 : i32
        %dma_wait3A_193 = tpu.memref_slice %arg9[%dma_wait3A_192] : memref<100352xf32, #tpu.memory_space<vmem_shared>> -> memref<100352xf32, #tpu.memory_space<vmem_shared>>
        tpu.wait_indirect_dma semaphore(%run_scoped3A_183 : memref<!tpu.dma_semaphore, #tpu.memory_space<semaphore_mem>>) src(%arg7 : memref<128xf32, #tpu.memory_space<vmem>>) dst(%dma_wait3A_193 : memref<100352xf32, #tpu.memory_space<vmem_shared>>)
        tpu.yield
      }) : () -> ()
      %run_scoped3A_151 = arith.constant 0 : i32
      "tpu.region"() ({
        %run_scoped3A_183 = tpu.sem_alloc : memref<!tpu.dma_semaphore, #tpu.memory_space<semaphore_mem>>
        %dma_start3A_184 = arith.constant 0 : i32
        %dma_start3A_185 = tpu.memref_slice %arg6[%rem3A_120, %run_scoped3A_151, %dma_start3A_184] : memref<2x16x128xi32, #tpu.memory_space<vmem>> -> memref<1x1x128xi32, #tpu.memory_space<vmem>>
        %dma_start3A_186 = tpu.memref_squeeze %dma_start3A_185 : memref<1x1x128xi32, #tpu.memory_space<vmem>> -> memref<128xi32, #tpu.memory_space<vmem>>
        %dma_start3A_187 = arith.constant 0 : i32
        %dma_start3A_188 = tpu.memref_slice %arg10[%dma_start3A_187] : memref<100352xf32, #tpu.memory_space<vmem_shared>> -> memref<100352xf32, #tpu.memory_space<vmem_shared>>
        tpu.enqueue_indirect_dma source(%arg7 : memref<128xf32, #tpu.memory_space<vmem>>) target(%dma_start3A_188 : memref<100352xf32, #tpu.memory_space<vmem_shared>>) offsets(%dma_start3A_186 : memref<128xi32, #tpu.memory_space<vmem>>) semaphore(%run_scoped3A_183 : memref<!tpu.dma_semaphore, #tpu.memory_space<semaphore_mem>>) {add = true}
        %dma_wait3A_189 = arith.constant 0 : i32
        %dma_wait3A_190 = tpu.memref_slice %arg6[%rem3A_120, %run_scoped3A_151, %dma_wait3A_189] : memref<2x16x128xi32, #tpu.memory_space<vmem>> -> memref<1x1x128xi32, #tpu.memory_space<vmem>>
        %dma_wait3A_191 = tpu.memref_squeeze %dma_wait3A_190 : memref<1x1x128xi32, #tpu.memory_space<vmem>> -> memref<128xi32, #tpu.memory_space<vmem>>
        %dma_wait3A_192 = arith.constant 0 : i32
        %dma_wait3A_193 = tpu.memref_slice %arg10[%dma_wait3A_192] : memref<100352xf32, #tpu.memory_space<vmem_shared>> -> memref<100352xf32, #tpu.memory_space<vmem_shared>>
        tpu.wait_indirect_dma semaphore(%run_scoped3A_183 : memref<!tpu.dma_semaphore, #tpu.memory_space<semaphore_mem>>) src(%arg7 : memref<128xf32, #tpu.memory_space<vmem>>) dst(%dma_wait3A_193 : memref<100352xf32, #tpu.memory_space<vmem_shared>>)
        tpu.yield
      }) : () -> ()
      %run_scoped3A_152 = arith.constant 1 : i32
      "tpu.region"() ({
        %run_scoped3A_183 = tpu.sem_alloc : memref<!tpu.dma_semaphore, #tpu.memory_space<semaphore_mem>>
        %dma_start3A_184 = arith.constant 0 : i32
        %dma_start3A_185 = tpu.memref_slice %arg5[%rem3A_120, %run_scoped3A_152, %dma_start3A_184] : memref<2x16x128xi32, #tpu.memory_space<vmem>> -> memref<1x1x128xi32, #tpu.memory_space<vmem>>
        %dma_start3A_186 = tpu.memref_squeeze %dma_start3A_185 : memref<1x1x128xi32, #tpu.memory_space<vmem>> -> memref<128xi32, #tpu.memory_space<vmem>>
        %dma_start3A_187 = arith.constant 0 : i32
        %dma_start3A_188 = tpu.memref_slice %arg9[%dma_start3A_187] : memref<100352xf32, #tpu.memory_space<vmem_shared>> -> memref<100352xf32, #tpu.memory_space<vmem_shared>>
        tpu.enqueue_indirect_dma source(%arg7 : memref<128xf32, #tpu.memory_space<vmem>>) target(%dma_start3A_188 : memref<100352xf32, #tpu.memory_space<vmem_shared>>) offsets(%dma_start3A_186 : memref<128xi32, #tpu.memory_space<vmem>>) semaphore(%run_scoped3A_183 : memref<!tpu.dma_semaphore, #tpu.memory_space<semaphore_mem>>) {add = true}
        %dma_wait3A_189 = arith.constant 0 : i32
        %dma_wait3A_190 = tpu.memref_slice %arg5[%rem3A_120, %run_scoped3A_152, %dma_wait3A_189] : memref<2x16x128xi32, #tpu.memory_space<vmem>> -> memref<1x1x128xi32, #tpu.memory_space<vmem>>
        %dma_wait3A_191 = tpu.memref_squeeze %dma_wait3A_190 : memref<1x1x128xi32, #tpu.memory_space<vmem>> -> memref<128xi32, #tpu.memory_space<vmem>>
        %dma_wait3A_192 = arith.constant 0 : i32
        %dma_wait3A_193 = tpu.memref_slice %arg9[%dma_wait3A_192] : memref<100352xf32, #tpu.memory_space<vmem_shared>> -> memref<100352xf32, #tpu.memory_space<vmem_shared>>
        tpu.wait_indirect_dma semaphore(%run_scoped3A_183 : memref<!tpu.dma_semaphore, #tpu.memory_space<semaphore_mem>>) src(%arg7 : memref<128xf32, #tpu.memory_space<vmem>>) dst(%dma_wait3A_193 : memref<100352xf32, #tpu.memory_space<vmem_shared>>)
        tpu.yield
      }) : () -> ()
      %run_scoped3A_153 = arith.constant 1 : i32
      "tpu.region"() ({
        %run_scoped3A_183 = tpu.sem_alloc : memref<!tpu.dma_semaphore, #tpu.memory_space<semaphore_mem>>
        %dma_start3A_184 = arith.constant 0 : i32
        %dma_start3A_185 = tpu.memref_slice %arg6[%rem3A_120, %run_scoped3A_153, %dma_start3A_184] : memref<2x16x128xi32, #tpu.memory_space<vmem>> -> memref<1x1x128xi32, #tpu.memory_space<vmem>>
        %dma_start3A_186 = tpu.memref_squeeze %dma_start3A_185 : memref<1x1x128xi32, #tpu.memory_space<vmem>> -> memref<128xi32, #tpu.memory_space<vmem>>
        %dma_start3A_187 = arith.constant 0 : i32
        %dma_start3A_188 = tpu.memref_slice %arg10[%dma_start3A_187] : memref<100352xf32, #tpu.memory_space<vmem_shared>> -> memref<100352xf32, #tpu.memory_space<vmem_shared>>
        tpu.enqueue_indirect_dma source(%arg7 : memref<128xf32, #tpu.memory_space<vmem>>) target(%dma_start3A_188 : memref<100352xf32, #tpu.memory_space<vmem_shared>>) offsets(%dma_start3A_186 : memref<128xi32, #tpu.memory_space<vmem>>) semaphore(%run_scoped3A_183 : memref<!tpu.dma_semaphore, #tpu.memory_space<semaphore_mem>>) {add = true}
        %dma_wait3A_189 = arith.constant 0 : i32
        %dma_wait3A_190 = tpu.memref_slice %arg6[%rem3A_120, %run_scoped3A_153, %dma_wait3A_189] : memref<2x16x128xi32, #tpu.memory_space<vmem>> -> memref<1x1x128xi32, #tpu.memory_space<vmem>>
        %dma_wait3A_191 = tpu.memref_squeeze %dma_wait3A_190 : memref<1x1x128xi32, #tpu.memory_space<vmem>> -> memref<128xi32, #tpu.memory_space<vmem>>
        %dma_wait3A_192 = arith.constant 0 : i32
        %dma_wait3A_193 = tpu.memref_slice %arg10[%dma_wait3A_192] : memref<100352xf32, #tpu.memory_space<vmem_shared>> -> memref<100352xf32, #tpu.memory_space<vmem_shared>>
        tpu.wait_indirect_dma semaphore(%run_scoped3A_183 : memref<!tpu.dma_semaphore, #tpu.memory_space<semaphore_mem>>) src(%arg7 : memref<128xf32, #tpu.memory_space<vmem>>) dst(%dma_wait3A_193 : memref<100352xf32, #tpu.memory_space<vmem_shared>>)
        tpu.yield
      }) : () -> ()
      %run_scoped3A_154 = arith.constant 2 : i32
      "tpu.region"() ({
        %run_scoped3A_183 = tpu.sem_alloc : memref<!tpu.dma_semaphore, #tpu.memory_space<semaphore_mem>>
        %dma_start3A_184 = arith.constant 0 : i32
        %dma_start3A_185 = tpu.memref_slice %arg5[%rem3A_120, %run_scoped3A_154, %dma_start3A_184] : memref<2x16x128xi32, #tpu.memory_space<vmem>> -> memref<1x1x128xi32, #tpu.memory_space<vmem>>
        %dma_start3A_186 = tpu.memref_squeeze %dma_start3A_185 : memref<1x1x128xi32, #tpu.memory_space<vmem>> -> memref<128xi32, #tpu.memory_space<vmem>>
        %dma_start3A_187 = arith.constant 0 : i32
        %dma_start3A_188 = tpu.memref_slice %arg9[%dma_start3A_187] : memref<100352xf32, #tpu.memory_space<vmem_shared>> -> memref<100352xf32, #tpu.memory_space<vmem_shared>>
        tpu.enqueue_indirect_dma source(%arg7 : memref<128xf32, #tpu.memory_space<vmem>>) target(%dma_start3A_188 : memref<100352xf32, #tpu.memory_space<vmem_shared>>) offsets(%dma_start3A_186 : memref<128xi32, #tpu.memory_space<vmem>>) semaphore(%run_scoped3A_183 : memref<!tpu.dma_semaphore, #tpu.memory_space<semaphore_mem>>) {add = true}
        %dma_wait3A_189 = arith.constant 0 : i32
        %dma_wait3A_190 = tpu.memref_slice %arg5[%rem3A_120, %run_scoped3A_154, %dma_wait3A_189] : memref<2x16x128xi32, #tpu.memory_space<vmem>> -> memref<1x1x128xi32, #tpu.memory_space<vmem>>
        %dma_wait3A_191 = tpu.memref_squeeze %dma_wait3A_190 : memref<1x1x128xi32, #tpu.memory_space<vmem>> -> memref<128xi32, #tpu.memory_space<vmem>>
        %dma_wait3A_192 = arith.constant 0 : i32
        %dma_wait3A_193 = tpu.memref_slice %arg9[%dma_wait3A_192] : memref<100352xf32, #tpu.memory_space<vmem_shared>> -> memref<100352xf32, #tpu.memory_space<vmem_shared>>
        tpu.wait_indirect_dma semaphore(%run_scoped3A_183 : memref<!tpu.dma_semaphore, #tpu.memory_space<semaphore_mem>>) src(%arg7 : memref<128xf32, #tpu.memory_space<vmem>>) dst(%dma_wait3A_193 : memref<100352xf32, #tpu.memory_space<vmem_shared>>)
        tpu.yield
      }) : () -> ()
      %run_scoped3A_155 = arith.constant 2 : i32
      "tpu.region"() ({
        %run_scoped3A_183 = tpu.sem_alloc : memref<!tpu.dma_semaphore, #tpu.memory_space<semaphore_mem>>
        %dma_start3A_184 = arith.constant 0 : i32
        %dma_start3A_185 = tpu.memref_slice %arg6[%rem3A_120, %run_scoped3A_155, %dma_start3A_184] : memref<2x16x128xi32, #tpu.memory_space<vmem>> -> memref<1x1x128xi32, #tpu.memory_space<vmem>>
        %dma_start3A_186 = tpu.memref_squeeze %dma_start3A_185 : memref<1x1x128xi32, #tpu.memory_space<vmem>> -> memref<128xi32, #tpu.memory_space<vmem>>
        %dma_start3A_187 = arith.constant 0 : i32
        %dma_start3A_188 = tpu.memref_slice %arg10[%dma_start3A_187] : memref<100352xf32, #tpu.memory_space<vmem_shared>> -> memref<100352xf32, #tpu.memory_space<vmem_shared>>
        tpu.enqueue_indirect_dma source(%arg7 : memref<128xf32, #tpu.memory_space<vmem>>) target(%dma_start3A_188 : memref<100352xf32, #tpu.memory_space<vmem_shared>>) offsets(%dma_start3A_186 : memref<128xi32, #tpu.memory_space<vmem>>) semaphore(%run_scoped3A_183 : memref<!tpu.dma_semaphore, #tpu.memory_space<semaphore_mem>>) {add = true}
        %dma_wait3A_189 = arith.constant 0 : i32
        %dma_wait3A_190 = tpu.memref_slice %arg6[%rem3A_120, %run_scoped3A_155, %dma_wait3A_189] : memref<2x16x128xi32, #tpu.memory_space<vmem>> -> memref<1x1x128xi32, #tpu.memory_space<vmem>>
        %dma_wait3A_191 = tpu.memref_squeeze %dma_wait3A_190 : memref<1x1x128xi32, #tpu.memory_space<vmem>> -> memref<128xi32, #tpu.memory_space<vmem>>
        %dma_wait3A_192 = arith.constant 0 : i32
        %dma_wait3A_193 = tpu.memref_slice %arg10[%dma_wait3A_192] : memref<100352xf32, #tpu.memory_space<vmem_shared>> -> memref<100352xf32, #tpu.memory_space<vmem_shared>>
        tpu.wait_indirect_dma semaphore(%run_scoped3A_183 : memref<!tpu.dma_semaphore, #tpu.memory_space<semaphore_mem>>) src(%arg7 : memref<128xf32, #tpu.memory_space<vmem>>) dst(%dma_wait3A_193 : memref<100352xf32, #tpu.memory_space<vmem_shared>>)
        tpu.yield
      }) : () -> ()
      %run_scoped3A_156 = arith.constant 3 : i32
      "tpu.region"() ({
        %run_scoped3A_183 = tpu.sem_alloc : memref<!tpu.dma_semaphore, #tpu.memory_space<semaphore_mem>>
        %dma_start3A_184 = arith.constant 0 : i32
        %dma_start3A_185 = tpu.memref_slice %arg5[%rem3A_120, %run_scoped3A_156, %dma_start3A_184] : memref<2x16x128xi32, #tpu.memory_space<vmem>> -> memref<1x1x128xi32, #tpu.memory_space<vmem>>
        %dma_start3A_186 = tpu.memref_squeeze %dma_start3A_185 : memref<1x1x128xi32, #tpu.memory_space<vmem>> -> memref<128xi32, #tpu.memory_space<vmem>>
        %dma_start3A_187 = arith.constant 0 : i32
        %dma_start3A_188 = tpu.memref_slice %arg9[%dma_start3A_187] : memref<100352xf32, #tpu.memory_space<vmem_shared>> -> memref<100352xf32, #tpu.memory_space<vmem_shared>>
        tpu.enqueue_indirect_dma source(%arg7 : memref<128xf32, #tpu.memory_space<vmem>>) target(%dma_start3A_188 : memref<100352xf32, #tpu.memory_space<vmem_shared>>) offsets(%dma_start3A_186 : memref<128xi32, #tpu.memory_space<vmem>>) semaphore(%run_scoped3A_183 : memref<!tpu.dma_semaphore, #tpu.memory_space<semaphore_mem>>) {add = true}
        %dma_wait3A_189 = arith.constant 0 : i32
        %dma_wait3A_190 = tpu.memref_slice %arg5[%rem3A_120, %run_scoped3A_156, %dma_wait3A_189] : memref<2x16x128xi32, #tpu.memory_space<vmem>> -> memref<1x1x128xi32, #tpu.memory_space<vmem>>
        %dma_wait3A_191 = tpu.memref_squeeze %dma_wait3A_190 : memref<1x1x128xi32, #tpu.memory_space<vmem>> -> memref<128xi32, #tpu.memory_space<vmem>>
        %dma_wait3A_192 = arith.constant 0 : i32
        %dma_wait3A_193 = tpu.memref_slice %arg9[%dma_wait3A_192] : memref<100352xf32, #tpu.memory_space<vmem_shared>> -> memref<100352xf32, #tpu.memory_space<vmem_shared>>
        tpu.wait_indirect_dma semaphore(%run_scoped3A_183 : memref<!tpu.dma_semaphore, #tpu.memory_space<semaphore_mem>>) src(%arg7 : memref<128xf32, #tpu.memory_space<vmem>>) dst(%dma_wait3A_193 : memref<100352xf32, #tpu.memory_space<vmem_shared>>)
        tpu.yield
      }) : () -> ()
      %run_scoped3A_157 = arith.constant 3 : i32
      "tpu.region"() ({
        %run_scoped3A_183 = tpu.sem_alloc : memref<!tpu.dma_semaphore, #tpu.memory_space<semaphore_mem>>
        %dma_start3A_184 = arith.constant 0 : i32
        %dma_start3A_185 = tpu.memref_slice %arg6[%rem3A_120, %run_scoped3A_157, %dma_start3A_184] : memref<2x16x128xi32, #tpu.memory_space<vmem>> -> memref<1x1x128xi32, #tpu.memory_space<vmem>>
        %dma_start3A_186 = tpu.memref_squeeze %dma_start3A_185 : memref<1x1x128xi32, #tpu.memory_space<vmem>> -> memref<128xi32, #tpu.memory_space<vmem>>
        %dma_start3A_187 = arith.constant 0 : i32
        %dma_start3A_188 = tpu.memref_slice %arg10[%dma_start3A_187] : memref<100352xf32, #tpu.memory_space<vmem_shared>> -> memref<100352xf32, #tpu.memory_space<vmem_shared>>
        tpu.enqueue_indirect_dma source(%arg7 : memref<128xf32, #tpu.memory_space<vmem>>) target(%dma_start3A_188 : memref<100352xf32, #tpu.memory_space<vmem_shared>>) offsets(%dma_start3A_186 : memref<128xi32, #tpu.memory_space<vmem>>) semaphore(%run_scoped3A_183 : memref<!tpu.dma_semaphore, #tpu.memory_space<semaphore_mem>>) {add = true}
        %dma_wait3A_189 = arith.constant 0 : i32
        %dma_wait3A_190 = tpu.memref_slice %arg6[%rem3A_120, %run_scoped3A_157, %dma_wait3A_189] : memref<2x16x128xi32, #tpu.memory_space<vmem>> -> memref<1x1x128xi32, #tpu.memory_space<vmem>>
        %dma_wait3A_191 = tpu.memref_squeeze %dma_wait3A_190 : memref<1x1x128xi32, #tpu.memory_space<vmem>> -> memref<128xi32, #tpu.memory_space<vmem>>
        %dma_wait3A_192 = arith.constant 0 : i32
        %dma_wait3A_193 = tpu.memref_slice %arg10[%dma_wait3A_192] : memref<100352xf32, #tpu.memory_space<vmem_shared>> -> memref<100352xf32, #tpu.memory_space<vmem_shared>>
        tpu.wait_indirect_dma semaphore(%run_scoped3A_183 : memref<!tpu.dma_semaphore, #tpu.memory_space<semaphore_mem>>) src(%arg7 : memref<128xf32, #tpu.memory_space<vmem>>) dst(%dma_wait3A_193 : memref<100352xf32, #tpu.memory_space<vmem_shared>>)
        tpu.yield
      }) : () -> ()
      %run_scoped3A_158 = arith.constant 4 : i32
      "tpu.region"() ({
        %run_scoped3A_183 = tpu.sem_alloc : memref<!tpu.dma_semaphore, #tpu.memory_space<semaphore_mem>>
        %dma_start3A_184 = arith.constant 0 : i32
        %dma_start3A_185 = tpu.memref_slice %arg5[%rem3A_120, %run_scoped3A_158, %dma_start3A_184] : memref<2x16x128xi32, #tpu.memory_space<vmem>> -> memref<1x1x128xi32, #tpu.memory_space<vmem>>
        %dma_start3A_186 = tpu.memref_squeeze %dma_start3A_185 : memref<1x1x128xi32, #tpu.memory_space<vmem>> -> memref<128xi32, #tpu.memory_space<vmem>>
        %dma_start3A_187 = arith.constant 0 : i32
        %dma_start3A_188 = tpu.memref_slice %arg9[%dma_start3A_187] : memref<100352xf32, #tpu.memory_space<vmem_shared>> -> memref<100352xf32, #tpu.memory_space<vmem_shared>>
        tpu.enqueue_indirect_dma source(%arg7 : memref<128xf32, #tpu.memory_space<vmem>>) target(%dma_start3A_188 : memref<100352xf32, #tpu.memory_space<vmem_shared>>) offsets(%dma_start3A_186 : memref<128xi32, #tpu.memory_space<vmem>>) semaphore(%run_scoped3A_183 : memref<!tpu.dma_semaphore, #tpu.memory_space<semaphore_mem>>) {add = true}
        %dma_wait3A_189 = arith.constant 0 : i32
        %dma_wait3A_190 = tpu.memref_slice %arg5[%rem3A_120, %run_scoped3A_158, %dma_wait3A_189] : memref<2x16x128xi32, #tpu.memory_space<vmem>> -> memref<1x1x128xi32, #tpu.memory_space<vmem>>
        %dma_wait3A_191 = tpu.memref_squeeze %dma_wait3A_190 : memref<1x1x128xi32, #tpu.memory_space<vmem>> -> memref<128xi32, #tpu.memory_space<vmem>>
        %dma_wait3A_192 = arith.constant 0 : i32
        %dma_wait3A_193 = tpu.memref_slice %arg9[%dma_wait3A_192] : memref<100352xf32, #tpu.memory_space<vmem_shared>> -> memref<100352xf32, #tpu.memory_space<vmem_shared>>
        tpu.wait_indirect_dma semaphore(%run_scoped3A_183 : memref<!tpu.dma_semaphore, #tpu.memory_space<semaphore_mem>>) src(%arg7 : memref<128xf32, #tpu.memory_space<vmem>>) dst(%dma_wait3A_193 : memref<100352xf32, #tpu.memory_space<vmem_shared>>)
        tpu.yield
      }) : () -> ()
      %run_scoped3A_159 = arith.constant 4 : i32
      "tpu.region"() ({
        %run_scoped3A_183 = tpu.sem_alloc : memref<!tpu.dma_semaphore, #tpu.memory_space<semaphore_mem>>
        %dma_start3A_184 = arith.constant 0 : i32
        %dma_start3A_185 = tpu.memref_slice %arg6[%rem3A_120, %run_scoped3A_159, %dma_start3A_184] : memref<2x16x128xi32, #tpu.memory_space<vmem>> -> memref<1x1x128xi32, #tpu.memory_space<vmem>>
        %dma_start3A_186 = tpu.memref_squeeze %dma_start3A_185 : memref<1x1x128xi32, #tpu.memory_space<vmem>> -> memref<128xi32, #tpu.memory_space<vmem>>
        %dma_start3A_187 = arith.constant 0 : i32
        %dma_start3A_188 = tpu.memref_slice %arg10[%dma_start3A_187] : memref<100352xf32, #tpu.memory_space<vmem_shared>> -> memref<100352xf32, #tpu.memory_space<vmem_shared>>
        tpu.enqueue_indirect_dma source(%arg7 : memref<128xf32, #tpu.memory_space<vmem>>) target(%dma_start3A_188 : memref<100352xf32, #tpu.memory_space<vmem_shared>>) offsets(%dma_start3A_186 : memref<128xi32, #tpu.memory_space<vmem>>) semaphore(%run_scoped3A_183 : memref<!tpu.dma_semaphore, #tpu.memory_space<semaphore_mem>>) {add = true}
        %dma_wait3A_189 = arith.constant 0 : i32
        %dma_wait3A_190 = tpu.memref_slice %arg6[%rem3A_120, %run_scoped3A_159, %dma_wait3A_189] : memref<2x16x128xi32, #tpu.memory_space<vmem>> -> memref<1x1x128xi32, #tpu.memory_space<vmem>>
        %dma_wait3A_191 = tpu.memref_squeeze %dma_wait3A_190 : memref<1x1x128xi32, #tpu.memory_space<vmem>> -> memref<128xi32, #tpu.memory_space<vmem>>
        %dma_wait3A_192 = arith.constant 0 : i32
        %dma_wait3A_193 = tpu.memref_slice %arg10[%dma_wait3A_192] : memref<100352xf32, #tpu.memory_space<vmem_shared>> -> memref<100352xf32, #tpu.memory_space<vmem_shared>>
        tpu.wait_indirect_dma semaphore(%run_scoped3A_183 : memref<!tpu.dma_semaphore, #tpu.memory_space<semaphore_mem>>) src(%arg7 : memref<128xf32, #tpu.memory_space<vmem>>) dst(%dma_wait3A_193 : memref<100352xf32, #tpu.memory_space<vmem_shared>>)
        tpu.yield
      }) : () -> ()
      %run_scoped3A_160 = arith.constant 5 : i32
      "tpu.region"() ({
        %run_scoped3A_183 = tpu.sem_alloc : memref<!tpu.dma_semaphore, #tpu.memory_space<semaphore_mem>>
        %dma_start3A_184 = arith.constant 0 : i32
        %dma_start3A_185 = tpu.memref_slice %arg5[%rem3A_120, %run_scoped3A_160, %dma_start3A_184] : memref<2x16x128xi32, #tpu.memory_space<vmem>> -> memref<1x1x128xi32, #tpu.memory_space<vmem>>
        %dma_start3A_186 = tpu.memref_squeeze %dma_start3A_185 : memref<1x1x128xi32, #tpu.memory_space<vmem>> -> memref<128xi32, #tpu.memory_space<vmem>>
        %dma_start3A_187 = arith.constant 0 : i32
        %dma_start3A_188 = tpu.memref_slice %arg9[%dma_start3A_187] : memref<100352xf32, #tpu.memory_space<vmem_shared>> -> memref<100352xf32, #tpu.memory_space<vmem_shared>>
        tpu.enqueue_indirect_dma source(%arg7 : memref<128xf32, #tpu.memory_space<vmem>>) target(%dma_start3A_188 : memref<100352xf32, #tpu.memory_space<vmem_shared>>) offsets(%dma_start3A_186 : memref<128xi32, #tpu.memory_space<vmem>>) semaphore(%run_scoped3A_183 : memref<!tpu.dma_semaphore, #tpu.memory_space<semaphore_mem>>) {add = true}
        %dma_wait3A_189 = arith.constant 0 : i32
        %dma_wait3A_190 = tpu.memref_slice %arg5[%rem3A_120, %run_scoped3A_160, %dma_wait3A_189] : memref<2x16x128xi32, #tpu.memory_space<vmem>> -> memref<1x1x128xi32, #tpu.memory_space<vmem>>
        %dma_wait3A_191 = tpu.memref_squeeze %dma_wait3A_190 : memref<1x1x128xi32, #tpu.memory_space<vmem>> -> memref<128xi32, #tpu.memory_space<vmem>>
        %dma_wait3A_192 = arith.constant 0 : i32
        %dma_wait3A_193 = tpu.memref_slice %arg9[%dma_wait3A_192] : memref<100352xf32, #tpu.memory_space<vmem_shared>> -> memref<100352xf32, #tpu.memory_space<vmem_shared>>
        tpu.wait_indirect_dma semaphore(%run_scoped3A_183 : memref<!tpu.dma_semaphore, #tpu.memory_space<semaphore_mem>>) src(%arg7 : memref<128xf32, #tpu.memory_space<vmem>>) dst(%dma_wait3A_193 : memref<100352xf32, #tpu.memory_space<vmem_shared>>)
        tpu.yield
      }) : () -> ()
      %run_scoped3A_161 = arith.constant 5 : i32
      "tpu.region"() ({
        %run_scoped3A_183 = tpu.sem_alloc : memref<!tpu.dma_semaphore, #tpu.memory_space<semaphore_mem>>
        %dma_start3A_184 = arith.constant 0 : i32
        %dma_start3A_185 = tpu.memref_slice %arg6[%rem3A_120, %run_scoped3A_161, %dma_start3A_184] : memref<2x16x128xi32, #tpu.memory_space<vmem>> -> memref<1x1x128xi32, #tpu.memory_space<vmem>>
        %dma_start3A_186 = tpu.memref_squeeze %dma_start3A_185 : memref<1x1x128xi32, #tpu.memory_space<vmem>> -> memref<128xi32, #tpu.memory_space<vmem>>
        %dma_start3A_187 = arith.constant 0 : i32
        %dma_start3A_188 = tpu.memref_slice %arg10[%dma_start3A_187] : memref<100352xf32, #tpu.memory_space<vmem_shared>> -> memref<100352xf32, #tpu.memory_space<vmem_shared>>
        tpu.enqueue_indirect_dma source(%arg7 : memref<128xf32, #tpu.memory_space<vmem>>) target(%dma_start3A_188 : memref<100352xf32, #tpu.memory_space<vmem_shared>>) offsets(%dma_start3A_186 : memref<128xi32, #tpu.memory_space<vmem>>) semaphore(%run_scoped3A_183 : memref<!tpu.dma_semaphore, #tpu.memory_space<semaphore_mem>>) {add = true}
        %dma_wait3A_189 = arith.constant 0 : i32
        %dma_wait3A_190 = tpu.memref_slice %arg6[%rem3A_120, %run_scoped3A_161, %dma_wait3A_189] : memref<2x16x128xi32, #tpu.memory_space<vmem>> -> memref<1x1x128xi32, #tpu.memory_space<vmem>>
        %dma_wait3A_191 = tpu.memref_squeeze %dma_wait3A_190 : memref<1x1x128xi32, #tpu.memory_space<vmem>> -> memref<128xi32, #tpu.memory_space<vmem>>
        %dma_wait3A_192 = arith.constant 0 : i32
        %dma_wait3A_193 = tpu.memref_slice %arg10[%dma_wait3A_192] : memref<100352xf32, #tpu.memory_space<vmem_shared>> -> memref<100352xf32, #tpu.memory_space<vmem_shared>>
        tpu.wait_indirect_dma semaphore(%run_scoped3A_183 : memref<!tpu.dma_semaphore, #tpu.memory_space<semaphore_mem>>) src(%arg7 : memref<128xf32, #tpu.memory_space<vmem>>) dst(%dma_wait3A_193 : memref<100352xf32, #tpu.memory_space<vmem_shared>>)
        tpu.yield
      }) : () -> ()
      %run_scoped3A_162 = arith.constant 6 : i32
      "tpu.region"() ({
        %run_scoped3A_183 = tpu.sem_alloc : memref<!tpu.dma_semaphore, #tpu.memory_space<semaphore_mem>>
        %dma_start3A_184 = arith.constant 0 : i32
        %dma_start3A_185 = tpu.memref_slice %arg5[%rem3A_120, %run_scoped3A_162, %dma_start3A_184] : memref<2x16x128xi32, #tpu.memory_space<vmem>> -> memref<1x1x128xi32, #tpu.memory_space<vmem>>
        %dma_start3A_186 = tpu.memref_squeeze %dma_start3A_185 : memref<1x1x128xi32, #tpu.memory_space<vmem>> -> memref<128xi32, #tpu.memory_space<vmem>>
        %dma_start3A_187 = arith.constant 0 : i32
        %dma_start3A_188 = tpu.memref_slice %arg9[%dma_start3A_187] : memref<100352xf32, #tpu.memory_space<vmem_shared>> -> memref<100352xf32, #tpu.memory_space<vmem_shared>>
        tpu.enqueue_indirect_dma source(%arg7 : memref<128xf32, #tpu.memory_space<vmem>>) target(%dma_start3A_188 : memref<100352xf32, #tpu.memory_space<vmem_shared>>) offsets(%dma_start3A_186 : memref<128xi32, #tpu.memory_space<vmem>>) semaphore(%run_scoped3A_183 : memref<!tpu.dma_semaphore, #tpu.memory_space<semaphore_mem>>) {add = true}
        %dma_wait3A_189 = arith.constant 0 : i32
        %dma_wait3A_190 = tpu.memref_slice %arg5[%rem3A_120, %run_scoped3A_162, %dma_wait3A_189] : memref<2x16x128xi32, #tpu.memory_space<vmem>> -> memref<1x1x128xi32, #tpu.memory_space<vmem>>
        %dma_wait3A_191 = tpu.memref_squeeze %dma_wait3A_190 : memref<1x1x128xi32, #tpu.memory_space<vmem>> -> memref<128xi32, #tpu.memory_space<vmem>>
        %dma_wait3A_192 = arith.constant 0 : i32
        %dma_wait3A_193 = tpu.memref_slice %arg9[%dma_wait3A_192] : memref<100352xf32, #tpu.memory_space<vmem_shared>> -> memref<100352xf32, #tpu.memory_space<vmem_shared>>
        tpu.wait_indirect_dma semaphore(%run_scoped3A_183 : memref<!tpu.dma_semaphore, #tpu.memory_space<semaphore_mem>>) src(%arg7 : memref<128xf32, #tpu.memory_space<vmem>>) dst(%dma_wait3A_193 : memref<100352xf32, #tpu.memory_space<vmem_shared>>)
        tpu.yield
      }) : () -> ()
      %run_scoped3A_163 = arith.constant 6 : i32
      "tpu.region"() ({
        %run_scoped3A_183 = tpu.sem_alloc : memref<!tpu.dma_semaphore, #tpu.memory_space<semaphore_mem>>
        %dma_start3A_184 = arith.constant 0 : i32
        %dma_start3A_185 = tpu.memref_slice %arg6[%rem3A_120, %run_scoped3A_163, %dma_start3A_184] : memref<2x16x128xi32, #tpu.memory_space<vmem>> -> memref<1x1x128xi32, #tpu.memory_space<vmem>>
        %dma_start3A_186 = tpu.memref_squeeze %dma_start3A_185 : memref<1x1x128xi32, #tpu.memory_space<vmem>> -> memref<128xi32, #tpu.memory_space<vmem>>
        %dma_start3A_187 = arith.constant 0 : i32
        %dma_start3A_188 = tpu.memref_slice %arg10[%dma_start3A_187] : memref<100352xf32, #tpu.memory_space<vmem_shared>> -> memref<100352xf32, #tpu.memory_space<vmem_shared>>
        tpu.enqueue_indirect_dma source(%arg7 : memref<128xf32, #tpu.memory_space<vmem>>) target(%dma_start3A_188 : memref<100352xf32, #tpu.memory_space<vmem_shared>>) offsets(%dma_start3A_186 : memref<128xi32, #tpu.memory_space<vmem>>) semaphore(%run_scoped3A_183 : memref<!tpu.dma_semaphore, #tpu.memory_space<semaphore_mem>>) {add = true}
        %dma_wait3A_189 = arith.constant 0 : i32
        %dma_wait3A_190 = tpu.memref_slice %arg6[%rem3A_120, %run_scoped3A_163, %dma_wait3A_189] : memref<2x16x128xi32, #tpu.memory_space<vmem>> -> memref<1x1x128xi32, #tpu.memory_space<vmem>>
        %dma_wait3A_191 = tpu.memref_squeeze %dma_wait3A_190 : memref<1x1x128xi32, #tpu.memory_space<vmem>> -> memref<128xi32, #tpu.memory_space<vmem>>
        %dma_wait3A_192 = arith.constant 0 : i32
        %dma_wait3A_193 = tpu.memref_slice %arg10[%dma_wait3A_192] : memref<100352xf32, #tpu.memory_space<vmem_shared>> -> memref<100352xf32, #tpu.memory_space<vmem_shared>>
        tpu.wait_indirect_dma semaphore(%run_scoped3A_183 : memref<!tpu.dma_semaphore, #tpu.memory_space<semaphore_mem>>) src(%arg7 : memref<128xf32, #tpu.memory_space<vmem>>) dst(%dma_wait3A_193 : memref<100352xf32, #tpu.memory_space<vmem_shared>>)
        tpu.yield
      }) : () -> ()
      %run_scoped3A_164 = arith.constant 7 : i32
      "tpu.region"() ({
        %run_scoped3A_183 = tpu.sem_alloc : memref<!tpu.dma_semaphore, #tpu.memory_space<semaphore_mem>>
        %dma_start3A_184 = arith.constant 0 : i32
        %dma_start3A_185 = tpu.memref_slice %arg5[%rem3A_120, %run_scoped3A_164, %dma_start3A_184] : memref<2x16x128xi32, #tpu.memory_space<vmem>> -> memref<1x1x128xi32, #tpu.memory_space<vmem>>
        %dma_start3A_186 = tpu.memref_squeeze %dma_start3A_185 : memref<1x1x128xi32, #tpu.memory_space<vmem>> -> memref<128xi32, #tpu.memory_space<vmem>>
        %dma_start3A_187 = arith.constant 0 : i32
        %dma_start3A_188 = tpu.memref_slice %arg9[%dma_start3A_187] : memref<100352xf32, #tpu.memory_space<vmem_shared>> -> memref<100352xf32, #tpu.memory_space<vmem_shared>>
        tpu.enqueue_indirect_dma source(%arg7 : memref<128xf32, #tpu.memory_space<vmem>>) target(%dma_start3A_188 : memref<100352xf32, #tpu.memory_space<vmem_shared>>) offsets(%dma_start3A_186 : memref<128xi32, #tpu.memory_space<vmem>>) semaphore(%run_scoped3A_183 : memref<!tpu.dma_semaphore, #tpu.memory_space<semaphore_mem>>) {add = true}
        %dma_wait3A_189 = arith.constant 0 : i32
        %dma_wait3A_190 = tpu.memref_slice %arg5[%rem3A_120, %run_scoped3A_164, %dma_wait3A_189] : memref<2x16x128xi32, #tpu.memory_space<vmem>> -> memref<1x1x128xi32, #tpu.memory_space<vmem>>
        %dma_wait3A_191 = tpu.memref_squeeze %dma_wait3A_190 : memref<1x1x128xi32, #tpu.memory_space<vmem>> -> memref<128xi32, #tpu.memory_space<vmem>>
        %dma_wait3A_192 = arith.constant 0 : i32
        %dma_wait3A_193 = tpu.memref_slice %arg9[%dma_wait3A_192] : memref<100352xf32, #tpu.memory_space<vmem_shared>> -> memref<100352xf32, #tpu.memory_space<vmem_shared>>
        tpu.wait_indirect_dma semaphore(%run_scoped3A_183 : memref<!tpu.dma_semaphore, #tpu.memory_space<semaphore_mem>>) src(%arg7 : memref<128xf32, #tpu.memory_space<vmem>>) dst(%dma_wait3A_193 : memref<100352xf32, #tpu.memory_space<vmem_shared>>)
        tpu.yield
      }) : () -> ()
      %run_scoped3A_165 = arith.constant 7 : i32
      "tpu.region"() ({
        %run_scoped3A_183 = tpu.sem_alloc : memref<!tpu.dma_semaphore, #tpu.memory_space<semaphore_mem>>
        %dma_start3A_184 = arith.constant 0 : i32
        %dma_start3A_185 = tpu.memref_slice %arg6[%rem3A_120, %run_scoped3A_165, %dma_start3A_184] : memref<2x16x128xi32, #tpu.memory_space<vmem>> -> memref<1x1x128xi32, #tpu.memory_space<vmem>>
        %dma_start3A_186 = tpu.memref_squeeze %dma_start3A_185 : memref<1x1x128xi32, #tpu.memory_space<vmem>> -> memref<128xi32, #tpu.memory_space<vmem>>
        %dma_start3A_187 = arith.constant 0 : i32
        %dma_start3A_188 = tpu.memref_slice %arg10[%dma_start3A_187] : memref<100352xf32, #tpu.memory_space<vmem_shared>> -> memref<100352xf32, #tpu.memory_space<vmem_shared>>
        tpu.enqueue_indirect_dma source(%arg7 : memref<128xf32, #tpu.memory_space<vmem>>) target(%dma_start3A_188 : memref<100352xf32, #tpu.memory_space<vmem_shared>>) offsets(%dma_start3A_186 : memref<128xi32, #tpu.memory_space<vmem>>) semaphore(%run_scoped3A_183 : memref<!tpu.dma_semaphore, #tpu.memory_space<semaphore_mem>>) {add = true}
        %dma_wait3A_189 = arith.constant 0 : i32
        %dma_wait3A_190 = tpu.memref_slice %arg6[%rem3A_120, %run_scoped3A_165, %dma_wait3A_189] : memref<2x16x128xi32, #tpu.memory_space<vmem>> -> memref<1x1x128xi32, #tpu.memory_space<vmem>>
        %dma_wait3A_191 = tpu.memref_squeeze %dma_wait3A_190 : memref<1x1x128xi32, #tpu.memory_space<vmem>> -> memref<128xi32, #tpu.memory_space<vmem>>
        %dma_wait3A_192 = arith.constant 0 : i32
        %dma_wait3A_193 = tpu.memref_slice %arg10[%dma_wait3A_192] : memref<100352xf32, #tpu.memory_space<vmem_shared>> -> memref<100352xf32, #tpu.memory_space<vmem_shared>>
        tpu.wait_indirect_dma semaphore(%run_scoped3A_183 : memref<!tpu.dma_semaphore, #tpu.memory_space<semaphore_mem>>) src(%arg7 : memref<128xf32, #tpu.memory_space<vmem>>) dst(%dma_wait3A_193 : memref<100352xf32, #tpu.memory_space<vmem_shared>>)
        tpu.yield
      }) : () -> ()
      %run_scoped3A_166 = arith.constant 8 : i32
      "tpu.region"() ({
        %run_scoped3A_183 = tpu.sem_alloc : memref<!tpu.dma_semaphore, #tpu.memory_space<semaphore_mem>>
        %dma_start3A_184 = arith.constant 0 : i32
        %dma_start3A_185 = tpu.memref_slice %arg5[%rem3A_120, %run_scoped3A_166, %dma_start3A_184] : memref<2x16x128xi32, #tpu.memory_space<vmem>> -> memref<1x1x128xi32, #tpu.memory_space<vmem>>
        %dma_start3A_186 = tpu.memref_squeeze %dma_start3A_185 : memref<1x1x128xi32, #tpu.memory_space<vmem>> -> memref<128xi32, #tpu.memory_space<vmem>>
        %dma_start3A_187 = arith.constant 0 : i32
        %dma_start3A_188 = tpu.memref_slice %arg9[%dma_start3A_187] : memref<100352xf32, #tpu.memory_space<vmem_shared>> -> memref<100352xf32, #tpu.memory_space<vmem_shared>>
        tpu.enqueue_indirect_dma source(%arg7 : memref<128xf32, #tpu.memory_space<vmem>>) target(%dma_start3A_188 : memref<100352xf32, #tpu.memory_space<vmem_shared>>) offsets(%dma_start3A_186 : memref<128xi32, #tpu.memory_space<vmem>>) semaphore(%run_scoped3A_183 : memref<!tpu.dma_semaphore, #tpu.memory_space<semaphore_mem>>) {add = true}
        %dma_wait3A_189 = arith.constant 0 : i32
        %dma_wait3A_190 = tpu.memref_slice %arg5[%rem3A_120, %run_scoped3A_166, %dma_wait3A_189] : memref<2x16x128xi32, #tpu.memory_space<vmem>> -> memref<1x1x128xi32, #tpu.memory_space<vmem>>
        %dma_wait3A_191 = tpu.memref_squeeze %dma_wait3A_190 : memref<1x1x128xi32, #tpu.memory_space<vmem>> -> memref<128xi32, #tpu.memory_space<vmem>>
        %dma_wait3A_192 = arith.constant 0 : i32
        %dma_wait3A_193 = tpu.memref_slice %arg9[%dma_wait3A_192] : memref<100352xf32, #tpu.memory_space<vmem_shared>> -> memref<100352xf32, #tpu.memory_space<vmem_shared>>
        tpu.wait_indirect_dma semaphore(%run_scoped3A_183 : memref<!tpu.dma_semaphore, #tpu.memory_space<semaphore_mem>>) src(%arg7 : memref<128xf32, #tpu.memory_space<vmem>>) dst(%dma_wait3A_193 : memref<100352xf32, #tpu.memory_space<vmem_shared>>)
        tpu.yield
      }) : () -> ()
      %run_scoped3A_167 = arith.constant 8 : i32
      "tpu.region"() ({
        %run_scoped3A_183 = tpu.sem_alloc : memref<!tpu.dma_semaphore, #tpu.memory_space<semaphore_mem>>
        %dma_start3A_184 = arith.constant 0 : i32
        %dma_start3A_185 = tpu.memref_slice %arg6[%rem3A_120, %run_scoped3A_167, %dma_start3A_184] : memref<2x16x128xi32, #tpu.memory_space<vmem>> -> memref<1x1x128xi32, #tpu.memory_space<vmem>>
        %dma_start3A_186 = tpu.memref_squeeze %dma_start3A_185 : memref<1x1x128xi32, #tpu.memory_space<vmem>> -> memref<128xi32, #tpu.memory_space<vmem>>
        %dma_start3A_187 = arith.constant 0 : i32
        %dma_start3A_188 = tpu.memref_slice %arg10[%dma_start3A_187] : memref<100352xf32, #tpu.memory_space<vmem_shared>> -> memref<100352xf32, #tpu.memory_space<vmem_shared>>
        tpu.enqueue_indirect_dma source(%arg7 : memref<128xf32, #tpu.memory_space<vmem>>) target(%dma_start3A_188 : memref<100352xf32, #tpu.memory_space<vmem_shared>>) offsets(%dma_start3A_186 : memref<128xi32, #tpu.memory_space<vmem>>) semaphore(%run_scoped3A_183 : memref<!tpu.dma_semaphore, #tpu.memory_space<semaphore_mem>>) {add = true}
        %dma_wait3A_189 = arith.constant 0 : i32
        %dma_wait3A_190 = tpu.memref_slice %arg6[%rem3A_120, %run_scoped3A_167, %dma_wait3A_189] : memref<2x16x128xi32, #tpu.memory_space<vmem>> -> memref<1x1x128xi32, #tpu.memory_space<vmem>>
        %dma_wait3A_191 = tpu.memref_squeeze %dma_wait3A_190 : memref<1x1x128xi32, #tpu.memory_space<vmem>> -> memref<128xi32, #tpu.memory_space<vmem>>
        %dma_wait3A_192 = arith.constant 0 : i32
        %dma_wait3A_193 = tpu.memref_slice %arg10[%dma_wait3A_192] : memref<100352xf32, #tpu.memory_space<vmem_shared>> -> memref<100352xf32, #tpu.memory_space<vmem_shared>>
        tpu.wait_indirect_dma semaphore(%run_scoped3A_183 : memref<!tpu.dma_semaphore, #tpu.memory_space<semaphore_mem>>) src(%arg7 : memref<128xf32, #tpu.memory_space<vmem>>) dst(%dma_wait3A_193 : memref<100352xf32, #tpu.memory_space<vmem_shared>>)
        tpu.yield
      }) : () -> ()
      %run_scoped3A_168 = arith.constant 9 : i32
      "tpu.region"() ({
        %run_scoped3A_183 = tpu.sem_alloc : memref<!tpu.dma_semaphore, #tpu.memory_space<semaphore_mem>>
        %dma_start3A_184 = arith.constant 0 : i32
        %dma_start3A_185 = tpu.memref_slice %arg5[%rem3A_120, %run_scoped3A_168, %dma_start3A_184] : memref<2x16x128xi32, #tpu.memory_space<vmem>> -> memref<1x1x128xi32, #tpu.memory_space<vmem>>
        %dma_start3A_186 = tpu.memref_squeeze %dma_start3A_185 : memref<1x1x128xi32, #tpu.memory_space<vmem>> -> memref<128xi32, #tpu.memory_space<vmem>>
        %dma_start3A_187 = arith.constant 0 : i32
        %dma_start3A_188 = tpu.memref_slice %arg9[%dma_start3A_187] : memref<100352xf32, #tpu.memory_space<vmem_shared>> -> memref<100352xf32, #tpu.memory_space<vmem_shared>>
        tpu.enqueue_indirect_dma source(%arg7 : memref<128xf32, #tpu.memory_space<vmem>>) target(%dma_start3A_188 : memref<100352xf32, #tpu.memory_space<vmem_shared>>) offsets(%dma_start3A_186 : memref<128xi32, #tpu.memory_space<vmem>>) semaphore(%run_scoped3A_183 : memref<!tpu.dma_semaphore, #tpu.memory_space<semaphore_mem>>) {add = true}
        %dma_wait3A_189 = arith.constant 0 : i32
        %dma_wait3A_190 = tpu.memref_slice %arg5[%rem3A_120, %run_scoped3A_168, %dma_wait3A_189] : memref<2x16x128xi32, #tpu.memory_space<vmem>> -> memref<1x1x128xi32, #tpu.memory_space<vmem>>
        %dma_wait3A_191 = tpu.memref_squeeze %dma_wait3A_190 : memref<1x1x128xi32, #tpu.memory_space<vmem>> -> memref<128xi32, #tpu.memory_space<vmem>>
        %dma_wait3A_192 = arith.constant 0 : i32
        %dma_wait3A_193 = tpu.memref_slice %arg9[%dma_wait3A_192] : memref<100352xf32, #tpu.memory_space<vmem_shared>> -> memref<100352xf32, #tpu.memory_space<vmem_shared>>
        tpu.wait_indirect_dma semaphore(%run_scoped3A_183 : memref<!tpu.dma_semaphore, #tpu.memory_space<semaphore_mem>>) src(%arg7 : memref<128xf32, #tpu.memory_space<vmem>>) dst(%dma_wait3A_193 : memref<100352xf32, #tpu.memory_space<vmem_shared>>)
        tpu.yield
      }) : () -> ()
      %run_scoped3A_169 = arith.constant 9 : i32
      "tpu.region"() ({
        %run_scoped3A_183 = tpu.sem_alloc : memref<!tpu.dma_semaphore, #tpu.memory_space<semaphore_mem>>
        %dma_start3A_184 = arith.constant 0 : i32
        %dma_start3A_185 = tpu.memref_slice %arg6[%rem3A_120, %run_scoped3A_169, %dma_start3A_184] : memref<2x16x128xi32, #tpu.memory_space<vmem>> -> memref<1x1x128xi32, #tpu.memory_space<vmem>>
        %dma_start3A_186 = tpu.memref_squeeze %dma_start3A_185 : memref<1x1x128xi32, #tpu.memory_space<vmem>> -> memref<128xi32, #tpu.memory_space<vmem>>
        %dma_start3A_187 = arith.constant 0 : i32
        %dma_start3A_188 = tpu.memref_slice %arg10[%dma_start3A_187] : memref<100352xf32, #tpu.memory_space<vmem_shared>> -> memref<100352xf32, #tpu.memory_space<vmem_shared>>
        tpu.enqueue_indirect_dma source(%arg7 : memref<128xf32, #tpu.memory_space<vmem>>) target(%dma_start3A_188 : memref<100352xf32, #tpu.memory_space<vmem_shared>>) offsets(%dma_start3A_186 : memref<128xi32, #tpu.memory_space<vmem>>) semaphore(%run_scoped3A_183 : memref<!tpu.dma_semaphore, #tpu.memory_space<semaphore_mem>>) {add = true}
        %dma_wait3A_189 = arith.constant 0 : i32
        %dma_wait3A_190 = tpu.memref_slice %arg6[%rem3A_120, %run_scoped3A_169, %dma_wait3A_189] : memref<2x16x128xi32, #tpu.memory_space<vmem>> -> memref<1x1x128xi32, #tpu.memory_space<vmem>>
        %dma_wait3A_191 = tpu.memref_squeeze %dma_wait3A_190 : memref<1x1x128xi32, #tpu.memory_space<vmem>> -> memref<128xi32, #tpu.memory_space<vmem>>
        %dma_wait3A_192 = arith.constant 0 : i32
        %dma_wait3A_193 = tpu.memref_slice %arg10[%dma_wait3A_192] : memref<100352xf32, #tpu.memory_space<vmem_shared>> -> memref<100352xf32, #tpu.memory_space<vmem_shared>>
        tpu.wait_indirect_dma semaphore(%run_scoped3A_183 : memref<!tpu.dma_semaphore, #tpu.memory_space<semaphore_mem>>) src(%arg7 : memref<128xf32, #tpu.memory_space<vmem>>) dst(%dma_wait3A_193 : memref<100352xf32, #tpu.memory_space<vmem_shared>>)
        tpu.yield
      }) : () -> ()
      %run_scoped3A_170 = arith.constant 10 : i32
      "tpu.region"() ({
        %run_scoped3A_183 = tpu.sem_alloc : memref<!tpu.dma_semaphore, #tpu.memory_space<semaphore_mem>>
        %dma_start3A_184 = arith.constant 0 : i32
        %dma_start3A_185 = tpu.memref_slice %arg5[%rem3A_120, %run_scoped3A_170, %dma_start3A_184] : memref<2x16x128xi32, #tpu.memory_space<vmem>> -> memref<1x1x128xi32, #tpu.memory_space<vmem>>
        %dma_start3A_186 = tpu.memref_squeeze %dma_start3A_185 : memref<1x1x128xi32, #tpu.memory_space<vmem>> -> memref<128xi32, #tpu.memory_space<vmem>>
        %dma_start3A_187 = arith.constant 0 : i32
        %dma_start3A_188 = tpu.memref_slice %arg9[%dma_start3A_187] : memref<100352xf32, #tpu.memory_space<vmem_shared>> -> memref<100352xf32, #tpu.memory_space<vmem_shared>>
        tpu.enqueue_indirect_dma source(%arg7 : memref<128xf32, #tpu.memory_space<vmem>>) target(%dma_start3A_188 : memref<100352xf32, #tpu.memory_space<vmem_shared>>) offsets(%dma_start3A_186 : memref<128xi32, #tpu.memory_space<vmem>>) semaphore(%run_scoped3A_183 : memref<!tpu.dma_semaphore, #tpu.memory_space<semaphore_mem>>) {add = true}
        %dma_wait3A_189 = arith.constant 0 : i32
        %dma_wait3A_190 = tpu.memref_slice %arg5[%rem3A_120, %run_scoped3A_170, %dma_wait3A_189] : memref<2x16x128xi32, #tpu.memory_space<vmem>> -> memref<1x1x128xi32, #tpu.memory_space<vmem>>
        %dma_wait3A_191 = tpu.memref_squeeze %dma_wait3A_190 : memref<1x1x128xi32, #tpu.memory_space<vmem>> -> memref<128xi32, #tpu.memory_space<vmem>>
        %dma_wait3A_192 = arith.constant 0 : i32
        %dma_wait3A_193 = tpu.memref_slice %arg9[%dma_wait3A_192] : memref<100352xf32, #tpu.memory_space<vmem_shared>> -> memref<100352xf32, #tpu.memory_space<vmem_shared>>
        tpu.wait_indirect_dma semaphore(%run_scoped3A_183 : memref<!tpu.dma_semaphore, #tpu.memory_space<semaphore_mem>>) src(%arg7 : memref<128xf32, #tpu.memory_space<vmem>>) dst(%dma_wait3A_193 : memref<100352xf32, #tpu.memory_space<vmem_shared>>)
        tpu.yield
      }) : () -> ()
      %run_scoped3A_171 = arith.constant 10 : i32
      "tpu.region"() ({
        %run_scoped3A_183 = tpu.sem_alloc : memref<!tpu.dma_semaphore, #tpu.memory_space<semaphore_mem>>
        %dma_start3A_184 = arith.constant 0 : i32
        %dma_start3A_185 = tpu.memref_slice %arg6[%rem3A_120, %run_scoped3A_171, %dma_start3A_184] : memref<2x16x128xi32, #tpu.memory_space<vmem>> -> memref<1x1x128xi32, #tpu.memory_space<vmem>>
        %dma_start3A_186 = tpu.memref_squeeze %dma_start3A_185 : memref<1x1x128xi32, #tpu.memory_space<vmem>> -> memref<128xi32, #tpu.memory_space<vmem>>
        %dma_start3A_187 = arith.constant 0 : i32
        %dma_start3A_188 = tpu.memref_slice %arg10[%dma_start3A_187] : memref<100352xf32, #tpu.memory_space<vmem_shared>> -> memref<100352xf32, #tpu.memory_space<vmem_shared>>
        tpu.enqueue_indirect_dma source(%arg7 : memref<128xf32, #tpu.memory_space<vmem>>) target(%dma_start3A_188 : memref<100352xf32, #tpu.memory_space<vmem_shared>>) offsets(%dma_start3A_186 : memref<128xi32, #tpu.memory_space<vmem>>) semaphore(%run_scoped3A_183 : memref<!tpu.dma_semaphore, #tpu.memory_space<semaphore_mem>>) {add = true}
        %dma_wait3A_189 = arith.constant 0 : i32
        %dma_wait3A_190 = tpu.memref_slice %arg6[%rem3A_120, %run_scoped3A_171, %dma_wait3A_189] : memref<2x16x128xi32, #tpu.memory_space<vmem>> -> memref<1x1x128xi32, #tpu.memory_space<vmem>>
        %dma_wait3A_191 = tpu.memref_squeeze %dma_wait3A_190 : memref<1x1x128xi32, #tpu.memory_space<vmem>> -> memref<128xi32, #tpu.memory_space<vmem>>
        %dma_wait3A_192 = arith.constant 0 : i32
        %dma_wait3A_193 = tpu.memref_slice %arg10[%dma_wait3A_192] : memref<100352xf32, #tpu.memory_space<vmem_shared>> -> memref<100352xf32, #tpu.memory_space<vmem_shared>>
        tpu.wait_indirect_dma semaphore(%run_scoped3A_183 : memref<!tpu.dma_semaphore, #tpu.memory_space<semaphore_mem>>) src(%arg7 : memref<128xf32, #tpu.memory_space<vmem>>) dst(%dma_wait3A_193 : memref<100352xf32, #tpu.memory_space<vmem_shared>>)
        tpu.yield
      }) : () -> ()
      %run_scoped3A_172 = arith.constant 11 : i32
      "tpu.region"() ({
        %run_scoped3A_183 = tpu.sem_alloc : memref<!tpu.dma_semaphore, #tpu.memory_space<semaphore_mem>>
        %dma_start3A_184 = arith.constant 0 : i32
        %dma_start3A_185 = tpu.memref_slice %arg5[%rem3A_120, %run_scoped3A_172, %dma_start3A_184] : memref<2x16x128xi32, #tpu.memory_space<vmem>> -> memref<1x1x128xi32, #tpu.memory_space<vmem>>
        %dma_start3A_186 = tpu.memref_squeeze %dma_start3A_185 : memref<1x1x128xi32, #tpu.memory_space<vmem>> -> memref<128xi32, #tpu.memory_space<vmem>>
        %dma_start3A_187 = arith.constant 0 : i32
        %dma_start3A_188 = tpu.memref_slice %arg9[%dma_start3A_187] : memref<100352xf32, #tpu.memory_space<vmem_shared>> -> memref<100352xf32, #tpu.memory_space<vmem_shared>>
        tpu.enqueue_indirect_dma source(%arg7 : memref<128xf32, #tpu.memory_space<vmem>>) target(%dma_start3A_188 : memref<100352xf32, #tpu.memory_space<vmem_shared>>) offsets(%dma_start3A_186 : memref<128xi32, #tpu.memory_space<vmem>>) semaphore(%run_scoped3A_183 : memref<!tpu.dma_semaphore, #tpu.memory_space<semaphore_mem>>) {add = true}
        %dma_wait3A_189 = arith.constant 0 : i32
        %dma_wait3A_190 = tpu.memref_slice %arg5[%rem3A_120, %run_scoped3A_172, %dma_wait3A_189] : memref<2x16x128xi32, #tpu.memory_space<vmem>> -> memref<1x1x128xi32, #tpu.memory_space<vmem>>
        %dma_wait3A_191 = tpu.memref_squeeze %dma_wait3A_190 : memref<1x1x128xi32, #tpu.memory_space<vmem>> -> memref<128xi32, #tpu.memory_space<vmem>>
        %dma_wait3A_192 = arith.constant 0 : i32
        %dma_wait3A_193 = tpu.memref_slice %arg9[%dma_wait3A_192] : memref<100352xf32, #tpu.memory_space<vmem_shared>> -> memref<100352xf32, #tpu.memory_space<vmem_shared>>
        tpu.wait_indirect_dma semaphore(%run_scoped3A_183 : memref<!tpu.dma_semaphore, #tpu.memory_space<semaphore_mem>>) src(%arg7 : memref<128xf32, #tpu.memory_space<vmem>>) dst(%dma_wait3A_193 : memref<100352xf32, #tpu.memory_space<vmem_shared>>)
        tpu.yield
      }) : () -> ()
      %run_scoped3A_173 = arith.constant 11 : i32
      "tpu.region"() ({
        %run_scoped3A_183 = tpu.sem_alloc : memref<!tpu.dma_semaphore, #tpu.memory_space<semaphore_mem>>
        %dma_start3A_184 = arith.constant 0 : i32
        %dma_start3A_185 = tpu.memref_slice %arg6[%rem3A_120, %run_scoped3A_173, %dma_start3A_184] : memref<2x16x128xi32, #tpu.memory_space<vmem>> -> memref<1x1x128xi32, #tpu.memory_space<vmem>>
        %dma_start3A_186 = tpu.memref_squeeze %dma_start3A_185 : memref<1x1x128xi32, #tpu.memory_space<vmem>> -> memref<128xi32, #tpu.memory_space<vmem>>
        %dma_start3A_187 = arith.constant 0 : i32
        %dma_start3A_188 = tpu.memref_slice %arg10[%dma_start3A_187] : memref<100352xf32, #tpu.memory_space<vmem_shared>> -> memref<100352xf32, #tpu.memory_space<vmem_shared>>
        tpu.enqueue_indirect_dma source(%arg7 : memref<128xf32, #tpu.memory_space<vmem>>) target(%dma_start3A_188 : memref<100352xf32, #tpu.memory_space<vmem_shared>>) offsets(%dma_start3A_186 : memref<128xi32, #tpu.memory_space<vmem>>) semaphore(%run_scoped3A_183 : memref<!tpu.dma_semaphore, #tpu.memory_space<semaphore_mem>>) {add = true}
        %dma_wait3A_189 = arith.constant 0 : i32
        %dma_wait3A_190 = tpu.memref_slice %arg6[%rem3A_120, %run_scoped3A_173, %dma_wait3A_189] : memref<2x16x128xi32, #tpu.memory_space<vmem>> -> memref<1x1x128xi32, #tpu.memory_space<vmem>>
        %dma_wait3A_191 = tpu.memref_squeeze %dma_wait3A_190 : memref<1x1x128xi32, #tpu.memory_space<vmem>> -> memref<128xi32, #tpu.memory_space<vmem>>
        %dma_wait3A_192 = arith.constant 0 : i32
        %dma_wait3A_193 = tpu.memref_slice %arg10[%dma_wait3A_192] : memref<100352xf32, #tpu.memory_space<vmem_shared>> -> memref<100352xf32, #tpu.memory_space<vmem_shared>>
        tpu.wait_indirect_dma semaphore(%run_scoped3A_183 : memref<!tpu.dma_semaphore, #tpu.memory_space<semaphore_mem>>) src(%arg7 : memref<128xf32, #tpu.memory_space<vmem>>) dst(%dma_wait3A_193 : memref<100352xf32, #tpu.memory_space<vmem_shared>>)
        tpu.yield
      }) : () -> ()
      %run_scoped3A_174 = arith.constant 12 : i32
      "tpu.region"() ({
        %run_scoped3A_183 = tpu.sem_alloc : memref<!tpu.dma_semaphore, #tpu.memory_space<semaphore_mem>>
        %dma_start3A_184 = arith.constant 0 : i32
        %dma_start3A_185 = tpu.memref_slice %arg5[%rem3A_120, %run_scoped3A_174, %dma_start3A_184] : memref<2x16x128xi32, #tpu.memory_space<vmem>> -> memref<1x1x128xi32, #tpu.memory_space<vmem>>
        %dma_start3A_186 = tpu.memref_squeeze %dma_start3A_185 : memref<1x1x128xi32, #tpu.memory_space<vmem>> -> memref<128xi32, #tpu.memory_space<vmem>>
        %dma_start3A_187 = arith.constant 0 : i32
        %dma_start3A_188 = tpu.memref_slice %arg9[%dma_start3A_187] : memref<100352xf32, #tpu.memory_space<vmem_shared>> -> memref<100352xf32, #tpu.memory_space<vmem_shared>>
        tpu.enqueue_indirect_dma source(%arg7 : memref<128xf32, #tpu.memory_space<vmem>>) target(%dma_start3A_188 : memref<100352xf32, #tpu.memory_space<vmem_shared>>) offsets(%dma_start3A_186 : memref<128xi32, #tpu.memory_space<vmem>>) semaphore(%run_scoped3A_183 : memref<!tpu.dma_semaphore, #tpu.memory_space<semaphore_mem>>) {add = true}
        %dma_wait3A_189 = arith.constant 0 : i32
        %dma_wait3A_190 = tpu.memref_slice %arg5[%rem3A_120, %run_scoped3A_174, %dma_wait3A_189] : memref<2x16x128xi32, #tpu.memory_space<vmem>> -> memref<1x1x128xi32, #tpu.memory_space<vmem>>
        %dma_wait3A_191 = tpu.memref_squeeze %dma_wait3A_190 : memref<1x1x128xi32, #tpu.memory_space<vmem>> -> memref<128xi32, #tpu.memory_space<vmem>>
        %dma_wait3A_192 = arith.constant 0 : i32
        %dma_wait3A_193 = tpu.memref_slice %arg9[%dma_wait3A_192] : memref<100352xf32, #tpu.memory_space<vmem_shared>> -> memref<100352xf32, #tpu.memory_space<vmem_shared>>
        tpu.wait_indirect_dma semaphore(%run_scoped3A_183 : memref<!tpu.dma_semaphore, #tpu.memory_space<semaphore_mem>>) src(%arg7 : memref<128xf32, #tpu.memory_space<vmem>>) dst(%dma_wait3A_193 : memref<100352xf32, #tpu.memory_space<vmem_shared>>)
        tpu.yield
      }) : () -> ()
      %run_scoped3A_175 = arith.constant 12 : i32
      "tpu.region"() ({
        %run_scoped3A_183 = tpu.sem_alloc : memref<!tpu.dma_semaphore, #tpu.memory_space<semaphore_mem>>
        %dma_start3A_184 = arith.constant 0 : i32
        %dma_start3A_185 = tpu.memref_slice %arg6[%rem3A_120, %run_scoped3A_175, %dma_start3A_184] : memref<2x16x128xi32, #tpu.memory_space<vmem>> -> memref<1x1x128xi32, #tpu.memory_space<vmem>>
        %dma_start3A_186 = tpu.memref_squeeze %dma_start3A_185 : memref<1x1x128xi32, #tpu.memory_space<vmem>> -> memref<128xi32, #tpu.memory_space<vmem>>
        %dma_start3A_187 = arith.constant 0 : i32
        %dma_start3A_188 = tpu.memref_slice %arg10[%dma_start3A_187] : memref<100352xf32, #tpu.memory_space<vmem_shared>> -> memref<100352xf32, #tpu.memory_space<vmem_shared>>
        tpu.enqueue_indirect_dma source(%arg7 : memref<128xf32, #tpu.memory_space<vmem>>) target(%dma_start3A_188 : memref<100352xf32, #tpu.memory_space<vmem_shared>>) offsets(%dma_start3A_186 : memref<128xi32, #tpu.memory_space<vmem>>) semaphore(%run_scoped3A_183 : memref<!tpu.dma_semaphore, #tpu.memory_space<semaphore_mem>>) {add = true}
        %dma_wait3A_189 = arith.constant 0 : i32
        %dma_wait3A_190 = tpu.memref_slice %arg6[%rem3A_120, %run_scoped3A_175, %dma_wait3A_189] : memref<2x16x128xi32, #tpu.memory_space<vmem>> -> memref<1x1x128xi32, #tpu.memory_space<vmem>>
        %dma_wait3A_191 = tpu.memref_squeeze %dma_wait3A_190 : memref<1x1x128xi32, #tpu.memory_space<vmem>> -> memref<128xi32, #tpu.memory_space<vmem>>
        %dma_wait3A_192 = arith.constant 0 : i32
        %dma_wait3A_193 = tpu.memref_slice %arg10[%dma_wait3A_192] : memref<100352xf32, #tpu.memory_space<vmem_shared>> -> memref<100352xf32, #tpu.memory_space<vmem_shared>>
        tpu.wait_indirect_dma semaphore(%run_scoped3A_183 : memref<!tpu.dma_semaphore, #tpu.memory_space<semaphore_mem>>) src(%arg7 : memref<128xf32, #tpu.memory_space<vmem>>) dst(%dma_wait3A_193 : memref<100352xf32, #tpu.memory_space<vmem_shared>>)
        tpu.yield
      }) : () -> ()
      %run_scoped3A_176 = arith.constant 13 : i32
      "tpu.region"() ({
        %run_scoped3A_183 = tpu.sem_alloc : memref<!tpu.dma_semaphore, #tpu.memory_space<semaphore_mem>>
        %dma_start3A_184 = arith.constant 0 : i32
        %dma_start3A_185 = tpu.memref_slice %arg5[%rem3A_120, %run_scoped3A_176, %dma_start3A_184] : memref<2x16x128xi32, #tpu.memory_space<vmem>> -> memref<1x1x128xi32, #tpu.memory_space<vmem>>
        %dma_start3A_186 = tpu.memref_squeeze %dma_start3A_185 : memref<1x1x128xi32, #tpu.memory_space<vmem>> -> memref<128xi32, #tpu.memory_space<vmem>>
        %dma_start3A_187 = arith.constant 0 : i32
        %dma_start3A_188 = tpu.memref_slice %arg9[%dma_start3A_187] : memref<100352xf32, #tpu.memory_space<vmem_shared>> -> memref<100352xf32, #tpu.memory_space<vmem_shared>>
        tpu.enqueue_indirect_dma source(%arg7 : memref<128xf32, #tpu.memory_space<vmem>>) target(%dma_start3A_188 : memref<100352xf32, #tpu.memory_space<vmem_shared>>) offsets(%dma_start3A_186 : memref<128xi32, #tpu.memory_space<vmem>>) semaphore(%run_scoped3A_183 : memref<!tpu.dma_semaphore, #tpu.memory_space<semaphore_mem>>) {add = true}
        %dma_wait3A_189 = arith.constant 0 : i32
        %dma_wait3A_190 = tpu.memref_slice %arg5[%rem3A_120, %run_scoped3A_176, %dma_wait3A_189] : memref<2x16x128xi32, #tpu.memory_space<vmem>> -> memref<1x1x128xi32, #tpu.memory_space<vmem>>
        %dma_wait3A_191 = tpu.memref_squeeze %dma_wait3A_190 : memref<1x1x128xi32, #tpu.memory_space<vmem>> -> memref<128xi32, #tpu.memory_space<vmem>>
        %dma_wait3A_192 = arith.constant 0 : i32
        %dma_wait3A_193 = tpu.memref_slice %arg9[%dma_wait3A_192] : memref<100352xf32, #tpu.memory_space<vmem_shared>> -> memref<100352xf32, #tpu.memory_space<vmem_shared>>
        tpu.wait_indirect_dma semaphore(%run_scoped3A_183 : memref<!tpu.dma_semaphore, #tpu.memory_space<semaphore_mem>>) src(%arg7 : memref<128xf32, #tpu.memory_space<vmem>>) dst(%dma_wait3A_193 : memref<100352xf32, #tpu.memory_space<vmem_shared>>)
        tpu.yield
      }) : () -> ()
      %run_scoped3A_177 = arith.constant 13 : i32
      "tpu.region"() ({
        %run_scoped3A_183 = tpu.sem_alloc : memref<!tpu.dma_semaphore, #tpu.memory_space<semaphore_mem>>
        %dma_start3A_184 = arith.constant 0 : i32
        %dma_start3A_185 = tpu.memref_slice %arg6[%rem3A_120, %run_scoped3A_177, %dma_start3A_184] : memref<2x16x128xi32, #tpu.memory_space<vmem>> -> memref<1x1x128xi32, #tpu.memory_space<vmem>>
        %dma_start3A_186 = tpu.memref_squeeze %dma_start3A_185 : memref<1x1x128xi32, #tpu.memory_space<vmem>> -> memref<128xi32, #tpu.memory_space<vmem>>
        %dma_start3A_187 = arith.constant 0 : i32
        %dma_start3A_188 = tpu.memref_slice %arg10[%dma_start3A_187] : memref<100352xf32, #tpu.memory_space<vmem_shared>> -> memref<100352xf32, #tpu.memory_space<vmem_shared>>
        tpu.enqueue_indirect_dma source(%arg7 : memref<128xf32, #tpu.memory_space<vmem>>) target(%dma_start3A_188 : memref<100352xf32, #tpu.memory_space<vmem_shared>>) offsets(%dma_start3A_186 : memref<128xi32, #tpu.memory_space<vmem>>) semaphore(%run_scoped3A_183 : memref<!tpu.dma_semaphore, #tpu.memory_space<semaphore_mem>>) {add = true}
        %dma_wait3A_189 = arith.constant 0 : i32
        %dma_wait3A_190 = tpu.memref_slice %arg6[%rem3A_120, %run_scoped3A_177, %dma_wait3A_189] : memref<2x16x128xi32, #tpu.memory_space<vmem>> -> memref<1x1x128xi32, #tpu.memory_space<vmem>>
        %dma_wait3A_191 = tpu.memref_squeeze %dma_wait3A_190 : memref<1x1x128xi32, #tpu.memory_space<vmem>> -> memref<128xi32, #tpu.memory_space<vmem>>
        %dma_wait3A_192 = arith.constant 0 : i32
        %dma_wait3A_193 = tpu.memref_slice %arg10[%dma_wait3A_192] : memref<100352xf32, #tpu.memory_space<vmem_shared>> -> memref<100352xf32, #tpu.memory_space<vmem_shared>>
        tpu.wait_indirect_dma semaphore(%run_scoped3A_183 : memref<!tpu.dma_semaphore, #tpu.memory_space<semaphore_mem>>) src(%arg7 : memref<128xf32, #tpu.memory_space<vmem>>) dst(%dma_wait3A_193 : memref<100352xf32, #tpu.memory_space<vmem_shared>>)
        tpu.yield
      }) : () -> ()
      %run_scoped3A_178 = arith.constant 14 : i32
      "tpu.region"() ({
        %run_scoped3A_183 = tpu.sem_alloc : memref<!tpu.dma_semaphore, #tpu.memory_space<semaphore_mem>>
        %dma_start3A_184 = arith.constant 0 : i32
        %dma_start3A_185 = tpu.memref_slice %arg5[%rem3A_120, %run_scoped3A_178, %dma_start3A_184] : memref<2x16x128xi32, #tpu.memory_space<vmem>> -> memref<1x1x128xi32, #tpu.memory_space<vmem>>
        %dma_start3A_186 = tpu.memref_squeeze %dma_start3A_185 : memref<1x1x128xi32, #tpu.memory_space<vmem>> -> memref<128xi32, #tpu.memory_space<vmem>>
        %dma_start3A_187 = arith.constant 0 : i32
        %dma_start3A_188 = tpu.memref_slice %arg9[%dma_start3A_187] : memref<100352xf32, #tpu.memory_space<vmem_shared>> -> memref<100352xf32, #tpu.memory_space<vmem_shared>>
        tpu.enqueue_indirect_dma source(%arg7 : memref<128xf32, #tpu.memory_space<vmem>>) target(%dma_start3A_188 : memref<100352xf32, #tpu.memory_space<vmem_shared>>) offsets(%dma_start3A_186 : memref<128xi32, #tpu.memory_space<vmem>>) semaphore(%run_scoped3A_183 : memref<!tpu.dma_semaphore, #tpu.memory_space<semaphore_mem>>) {add = true}
        %dma_wait3A_189 = arith.constant 0 : i32
        %dma_wait3A_190 = tpu.memref_slice %arg5[%rem3A_120, %run_scoped3A_178, %dma_wait3A_189] : memref<2x16x128xi32, #tpu.memory_space<vmem>> -> memref<1x1x128xi32, #tpu.memory_space<vmem>>
        %dma_wait3A_191 = tpu.memref_squeeze %dma_wait3A_190 : memref<1x1x128xi32, #tpu.memory_space<vmem>> -> memref<128xi32, #tpu.memory_space<vmem>>
        %dma_wait3A_192 = arith.constant 0 : i32
        %dma_wait3A_193 = tpu.memref_slice %arg9[%dma_wait3A_192] : memref<100352xf32, #tpu.memory_space<vmem_shared>> -> memref<100352xf32, #tpu.memory_space<vmem_shared>>
        tpu.wait_indirect_dma semaphore(%run_scoped3A_183 : memref<!tpu.dma_semaphore, #tpu.memory_space<semaphore_mem>>) src(%arg7 : memref<128xf32, #tpu.memory_space<vmem>>) dst(%dma_wait3A_193 : memref<100352xf32, #tpu.memory_space<vmem_shared>>)
        tpu.yield
      }) : () -> ()
      %run_scoped3A_179 = arith.constant 14 : i32
      "tpu.region"() ({
        %run_scoped3A_183 = tpu.sem_alloc : memref<!tpu.dma_semaphore, #tpu.memory_space<semaphore_mem>>
        %dma_start3A_184 = arith.constant 0 : i32
        %dma_start3A_185 = tpu.memref_slice %arg6[%rem3A_120, %run_scoped3A_179, %dma_start3A_184] : memref<2x16x128xi32, #tpu.memory_space<vmem>> -> memref<1x1x128xi32, #tpu.memory_space<vmem>>
        %dma_start3A_186 = tpu.memref_squeeze %dma_start3A_185 : memref<1x1x128xi32, #tpu.memory_space<vmem>> -> memref<128xi32, #tpu.memory_space<vmem>>
        %dma_start3A_187 = arith.constant 0 : i32
        %dma_start3A_188 = tpu.memref_slice %arg10[%dma_start3A_187] : memref<100352xf32, #tpu.memory_space<vmem_shared>> -> memref<100352xf32, #tpu.memory_space<vmem_shared>>
        tpu.enqueue_indirect_dma source(%arg7 : memref<128xf32, #tpu.memory_space<vmem>>) target(%dma_start3A_188 : memref<100352xf32, #tpu.memory_space<vmem_shared>>) offsets(%dma_start3A_186 : memref<128xi32, #tpu.memory_space<vmem>>) semaphore(%run_scoped3A_183 : memref<!tpu.dma_semaphore, #tpu.memory_space<semaphore_mem>>) {add = true}
        %dma_wait3A_189 = arith.constant 0 : i32
        %dma_wait3A_190 = tpu.memref_slice %arg6[%rem3A_120, %run_scoped3A_179, %dma_wait3A_189] : memref<2x16x128xi32, #tpu.memory_space<vmem>> -> memref<1x1x128xi32, #tpu.memory_space<vmem>>
        %dma_wait3A_191 = tpu.memref_squeeze %dma_wait3A_190 : memref<1x1x128xi32, #tpu.memory_space<vmem>> -> memref<128xi32, #tpu.memory_space<vmem>>
        %dma_wait3A_192 = arith.constant 0 : i32
        %dma_wait3A_193 = tpu.memref_slice %arg10[%dma_wait3A_192] : memref<100352xf32, #tpu.memory_space<vmem_shared>> -> memref<100352xf32, #tpu.memory_space<vmem_shared>>
        tpu.wait_indirect_dma semaphore(%run_scoped3A_183 : memref<!tpu.dma_semaphore, #tpu.memory_space<semaphore_mem>>) src(%arg7 : memref<128xf32, #tpu.memory_space<vmem>>) dst(%dma_wait3A_193 : memref<100352xf32, #tpu.memory_space<vmem_shared>>)
        tpu.yield
      }) : () -> ()
      %run_scoped3A_180 = arith.constant 15 : i32
      "tpu.region"() ({
        %run_scoped3A_183 = tpu.sem_alloc : memref<!tpu.dma_semaphore, #tpu.memory_space<semaphore_mem>>
        %dma_start3A_184 = arith.constant 0 : i32
        %dma_start3A_185 = tpu.memref_slice %arg5[%rem3A_120, %run_scoped3A_180, %dma_start3A_184] : memref<2x16x128xi32, #tpu.memory_space<vmem>> -> memref<1x1x128xi32, #tpu.memory_space<vmem>>
        %dma_start3A_186 = tpu.memref_squeeze %dma_start3A_185 : memref<1x1x128xi32, #tpu.memory_space<vmem>> -> memref<128xi32, #tpu.memory_space<vmem>>
        %dma_start3A_187 = arith.constant 0 : i32
        %dma_start3A_188 = tpu.memref_slice %arg9[%dma_start3A_187] : memref<100352xf32, #tpu.memory_space<vmem_shared>> -> memref<100352xf32, #tpu.memory_space<vmem_shared>>
        tpu.enqueue_indirect_dma source(%arg7 : memref<128xf32, #tpu.memory_space<vmem>>) target(%dma_start3A_188 : memref<100352xf32, #tpu.memory_space<vmem_shared>>) offsets(%dma_start3A_186 : memref<128xi32, #tpu.memory_space<vmem>>) semaphore(%run_scoped3A_183 : memref<!tpu.dma_semaphore, #tpu.memory_space<semaphore_mem>>) {add = true}
        %dma_wait3A_189 = arith.constant 0 : i32
        %dma_wait3A_190 = tpu.memref_slice %arg5[%rem3A_120, %run_scoped3A_180, %dma_wait3A_189] : memref<2x16x128xi32, #tpu.memory_space<vmem>> -> memref<1x1x128xi32, #tpu.memory_space<vmem>>
        %dma_wait3A_191 = tpu.memref_squeeze %dma_wait3A_190 : memref<1x1x128xi32, #tpu.memory_space<vmem>> -> memref<128xi32, #tpu.memory_space<vmem>>
        %dma_wait3A_192 = arith.constant 0 : i32
        %dma_wait3A_193 = tpu.memref_slice %arg9[%dma_wait3A_192] : memref<100352xf32, #tpu.memory_space<vmem_shared>> -> memref<100352xf32, #tpu.memory_space<vmem_shared>>
        tpu.wait_indirect_dma semaphore(%run_scoped3A_183 : memref<!tpu.dma_semaphore, #tpu.memory_space<semaphore_mem>>) src(%arg7 : memref<128xf32, #tpu.memory_space<vmem>>) dst(%dma_wait3A_193 : memref<100352xf32, #tpu.memory_space<vmem_shared>>)
        tpu.yield
      }) : () -> ()
      %run_scoped3A_181 = arith.constant 15 : i32
      "tpu.region"() ({
        %run_scoped3A_183 = tpu.sem_alloc : memref<!tpu.dma_semaphore, #tpu.memory_space<semaphore_mem>>
        %dma_start3A_184 = arith.constant 0 : i32
        %dma_start3A_185 = tpu.memref_slice %arg6[%rem3A_120, %run_scoped3A_181, %dma_start3A_184] : memref<2x16x128xi32, #tpu.memory_space<vmem>> -> memref<1x1x128xi32, #tpu.memory_space<vmem>>
        %dma_start3A_186 = tpu.memref_squeeze %dma_start3A_185 : memref<1x1x128xi32, #tpu.memory_space<vmem>> -> memref<128xi32, #tpu.memory_space<vmem>>
        %dma_start3A_187 = arith.constant 0 : i32
        %dma_start3A_188 = tpu.memref_slice %arg10[%dma_start3A_187] : memref<100352xf32, #tpu.memory_space<vmem_shared>> -> memref<100352xf32, #tpu.memory_space<vmem_shared>>
        tpu.enqueue_indirect_dma source(%arg7 : memref<128xf32, #tpu.memory_space<vmem>>) target(%dma_start3A_188 : memref<100352xf32, #tpu.memory_space<vmem_shared>>) offsets(%dma_start3A_186 : memref<128xi32, #tpu.memory_space<vmem>>) semaphore(%run_scoped3A_183 : memref<!tpu.dma_semaphore, #tpu.memory_space<semaphore_mem>>) {add = true}
        %dma_wait3A_189 = arith.constant 0 : i32
        %dma_wait3A_190 = tpu.memref_slice %arg6[%rem3A_120, %run_scoped3A_181, %dma_wait3A_189] : memref<2x16x128xi32, #tpu.memory_space<vmem>> -> memref<1x1x128xi32, #tpu.memory_space<vmem>>
        %dma_wait3A_191 = tpu.memref_squeeze %dma_wait3A_190 : memref<1x1x128xi32, #tpu.memory_space<vmem>> -> memref<128xi32, #tpu.memory_space<vmem>>
        %dma_wait3A_192 = arith.constant 0 : i32
        %dma_wait3A_193 = tpu.memref_slice %arg10[%dma_wait3A_192] : memref<100352xf32, #tpu.memory_space<vmem_shared>> -> memref<100352xf32, #tpu.memory_space<vmem_shared>>
        tpu.wait_indirect_dma semaphore(%run_scoped3A_183 : memref<!tpu.dma_semaphore, #tpu.memory_space<semaphore_mem>>) src(%arg7 : memref<128xf32, #tpu.memory_space<vmem>>) dst(%dma_wait3A_193 : memref<100352xf32, #tpu.memory_space<vmem_shared>>)
        tpu.yield
      }) : () -> ()
      %while3A_182 = arith.constant 0 : i32
      scf.yield %while3A_182 : i32
    }
    %while3A_105 = arith.constant 1 : i32
    %while3A_106 = scf.for %while3A_117 = %while3A_102 to %while3A_98 step %while3A_105 iter_args(%while3A_118 = %while3A_104) -> (i32)  : i32 {
      %rem3A_119 = arith.constant 2 : i32
      %rem3A_120 = arith.remsi %while3A_117, %rem3A_119 : i32
      %dma_wait3A = arith.constant 0 : i32
      %dma_wait3A_121 = arith.constant 0 : i32
      %dma_wait3A_122 = tpu.memref_slice %arg5[%rem3A_120, %dma_wait3A, %dma_wait3A_121] : memref<2x16x128xi32, #tpu.memory_space<vmem>> -> memref<1x16x128xi32, #tpu.memory_space<vmem>>
      %dma_wait3A_123 = tpu.memref_squeeze %dma_wait3A_122 : memref<1x16x128xi32, #tpu.memory_space<vmem>> -> memref<16x128xi32, #tpu.memory_space<vmem>>
      %dma_wait3A_124 = arith.constant 0 : i32
      %dma_wait3A_125 = arith.constant 0 : i32
      %dma_wait3A_126 = tpu.memref_slice %arg2[%dma_wait3A_124, %dma_wait3A_125] : memref<25600x128xi32, #tpu.memory_space<hbm>> -> memref<16x128xi32, #tpu.memory_space<hbm>>
      %dma_wait3A_127 = arith.constant 0 : i32
      %dma_wait3A_128 = arith.constant 0 : i32
      %dma_wait3A_129 = tpu.memref_slice %arg5[%rem3A_120, %dma_wait3A_127, %dma_wait3A_128] : memref<2x16x128xi32, #tpu.memory_space<vmem>> -> memref<1x16x128xi32, #tpu.memory_space<vmem>>
      %dma_wait3A_130 = tpu.memref_squeeze %dma_wait3A_129 : memref<1x16x128xi32, #tpu.memory_space<vmem>> -> memref<16x128xi32, #tpu.memory_space<vmem>>
      %dma_wait3A_131 = arith.constant 0 : i32
      %dma_wait3A_132 = arith.constant 0 : i32
      %dma_wait3A_133 = tpu.memref_slice %arg2[%dma_wait3A_131, %dma_wait3A_132] : memref<25600x128xi32, #tpu.memory_space<hbm>> -> memref<16x128xi32, #tpu.memory_space<hbm>>
      tpu.wait_dma2 semaphore(%arg11 : memref<!tpu.dma_semaphore, #tpu.memory_space<semaphore_mem>>) src(%dma_wait3A_133 : memref<16x128xi32, #tpu.memory_space<hbm>>) dst(%dma_wait3A_130 : memref<16x128xi32, #tpu.memory_space<vmem>>)
      %dma_wait3A_134 = arith.constant 0 : i32
      %dma_wait3A_135 = arith.constant 0 : i32
      %dma_wait3A_136 = tpu.memref_slice %arg6[%rem3A_120, %dma_wait3A_134, %dma_wait3A_135] : memref<2x16x128xi32, #tpu.memory_space<vmem>> -> memref<1x16x128xi32, #tpu.memory_space<vmem>>
      %dma_wait3A_137 = tpu.memref_squeeze %dma_wait3A_136 : memref<1x16x128xi32, #tpu.memory_space<vmem>> -> memref<16x128xi32, #tpu.memory_space<vmem>>
      %dma_wait3A_138 = arith.constant 0 : i32
      %dma_wait3A_139 = arith.constant 0 : i32
      %dma_wait3A_140 = tpu.memref_slice %arg3[%dma_wait3A_138, %dma_wait3A_139] : memref<25600x128xi32, #tpu.memory_space<hbm>> -> memref<16x128xi32, #tpu.memory_space<hbm>>
      %dma_wait3A_141 = arith.constant 0 : i32
      %dma_wait3A_142 = arith.constant 0 : i32
      %dma_wait3A_143 = tpu.memref_slice %arg6[%rem3A_120, %dma_wait3A_141, %dma_wait3A_142] : memref<2x16x128xi32, #tpu.memory_space<vmem>> -> memref<1x16x128xi32, #tpu.memory_space<vmem>>
      %dma_wait3A_144 = tpu.memref_squeeze %dma_wait3A_143 : memref<1x16x128xi32, #tpu.memory_space<vmem>> -> memref<16x128xi32, #tpu.memory_space<vmem>>
      %dma_wait3A_145 = arith.constant 0 : i32
      %dma_wait3A_146 = arith.constant 0 : i32
      %dma_wait3A_147 = tpu.memref_slice %arg3[%dma_wait3A_145, %dma_wait3A_146] : memref<25600x128xi32, #tpu.memory_space<hbm>> -> memref<16x128xi32, #tpu.memory_space<hbm>>
      tpu.wait_dma2 semaphore(%arg11 : memref<!tpu.dma_semaphore, #tpu.memory_space<semaphore_mem>>) src(%dma_wait3A_147 : memref<16x128xi32, #tpu.memory_space<hbm>>) dst(%dma_wait3A_144 : memref<16x128xi32, #tpu.memory_space<vmem>>)
      %sub3A = arith.constant 1 : i32
      %sub3A_148 = arith.subi %select_n3A_68, %sub3A : i32
      %lt3A = arith.cmpi slt, %while3A_117, %sub3A_148 : i32
      %convert_element_type3A = arith.extui %lt3A : i1 to i32
      %cond3A = arith.constant 0 : i32
      %cond3A_149 = arith.cmpi ne, %convert_element_type3A, %cond3A : i32
      scf.if %cond3A_149 {
        %add3A_183 = arith.constant 1 : i32
        %add3A_184 = arith.addi %while3A_117, %add3A_183 : i32
        %mul3A_185 = arith.constant 16 : i32
        %mul3A_186 = arith.muli %add3A_184, %mul3A_185 : i32
        %add3A_187 = arith.addi %select_n3A, %mul3A_186 : i32
        %rem3A_188 = arith.constant 2 : i32
        %rem3A_189 = arith.remsi %add3A_184, %rem3A_188 : i32
        %dma_start3A_190 = arith.constant 0 : i32
        %dma_start3A_191 = arith.constant 0 : i32
        %dma_start3A_192 = tpu.memref_slice %arg5[%rem3A_189, %dma_start3A_190, %dma_start3A_191] : memref<2x16x128xi32, #tpu.memory_space<vmem>> -> memref<1x16x128xi32, #tpu.memory_space<vmem>>
        %dma_start3A_193 = tpu.memref_squeeze %dma_start3A_192 : memref<1x16x128xi32, #tpu.memory_space<vmem>> -> memref<16x128xi32, #tpu.memory_space<vmem>>
        %dma_start3A_194 = arith.constant 0 : i32
        %dma_start3A_195 = tpu.memref_slice %arg2[%add3A_187, %dma_start3A_194] : memref<25600x128xi32, #tpu.memory_space<hbm>> -> memref<16x128xi32, #tpu.memory_space<hbm>>
        %dma_start3A_196 = arith.constant 0 : i32
        %dma_start3A_197 = arith.constant 0 : i32
        %dma_start3A_198 = tpu.memref_slice %arg5[%rem3A_189, %dma_start3A_196, %dma_start3A_197] : memref<2x16x128xi32, #tpu.memory_space<vmem>> -> memref<1x16x128xi32, #tpu.memory_space<vmem>>
        %dma_start3A_199 = tpu.memref_squeeze %dma_start3A_198 : memref<1x16x128xi32, #tpu.memory_space<vmem>> -> memref<16x128xi32, #tpu.memory_space<vmem>>
        %dma_start3A_200 = arith.constant 0 : i32
        %dma_start3A_201 = tpu.memref_slice %arg2[%add3A_187, %dma_start3A_200] : memref<25600x128xi32, #tpu.memory_space<hbm>> -> memref<16x128xi32, #tpu.memory_space<hbm>>
        tpu.enqueue_dma source(%dma_start3A_201 : memref<16x128xi32, #tpu.memory_space<hbm>>) target(%dma_start3A_199 : memref<16x128xi32, #tpu.memory_space<vmem>>) target_semaphore(%arg11 : memref<!tpu.dma_semaphore, #tpu.memory_space<semaphore_mem>>)
        %dma_start3A_202 = arith.constant 0 : i32
        %dma_start3A_203 = arith.constant 0 : i32
        %dma_start3A_204 = tpu.memref_slice %arg6[%rem3A_189, %dma_start3A_202, %dma_start3A_203] : memref<2x16x128xi32, #tpu.memory_space<vmem>> -> memref<1x16x128xi32, #tpu.memory_space<vmem>>
        %dma_start3A_205 = tpu.memref_squeeze %dma_start3A_204 : memref<1x16x128xi32, #tpu.memory_space<vmem>> -> memref<16x128xi32, #tpu.memory_space<vmem>>
        %dma_start3A_206 = arith.constant 0 : i32
        %dma_start3A_207 = tpu.memref_slice %arg3[%add3A_187, %dma_start3A_206] : memref<25600x128xi32, #tpu.memory_space<hbm>> -> memref<16x128xi32, #tpu.memory_space<hbm>>
        %dma_start3A_208 = arith.constant 0 : i32
        %dma_start3A_209 = arith.constant 0 : i32
        %dma_start3A_210 = tpu.memref_slice %arg6[%rem3A_189, %dma_start3A_208, %dma_start3A_209] : memref<2x16x128xi32, #tpu.memory_space<vmem>> -> memref<1x16x128xi32, #tpu.memory_space<vmem>>
        %dma_start3A_211 = tpu.memref_squeeze %dma_start3A_210 : memref<1x16x128xi32, #tpu.memory_space<vmem>> -> memref<16x128xi32, #tpu.memory_space<vmem>>
        %dma_start3A_212 = arith.constant 0 : i32
        %dma_start3A_213 = tpu.memref_slice %arg3[%add3A_187, %dma_start3A_212] : memref<25600x128xi32, #tpu.memory_space<hbm>> -> memref<16x128xi32, #tpu.memory_space<hbm>>
        tpu.enqueue_dma source(%dma_start3A_213 : memref<16x128xi32, #tpu.memory_space<hbm>>) target(%dma_start3A_211 : memref<16x128xi32, #tpu.memory_space<vmem>>) target_semaphore(%arg11 : memref<!tpu.dma_semaphore, #tpu.memory_space<semaphore_mem>>)
      } else {
      }
      %run_scoped3A_150 = arith.constant 0 : i32
      "tpu.region"() ({
        %run_scoped3A_183 = tpu.sem_alloc : memref<!tpu.dma_semaphore, #tpu.memory_space<semaphore_mem>>
        %dma_start3A_184 = arith.constant 0 : i32
        %dma_start3A_185 = tpu.memref_slice %arg5[%rem3A_120, %run_scoped3A_150, %dma_start3A_184] : memref<2x16x128xi32, #tpu.memory_space<vmem>> -> memref<1x1x128xi32, #tpu.memory_space<vmem>>
        %dma_start3A_186 = tpu.memref_squeeze %dma_start3A_185 : memref<1x1x128xi32, #tpu.memory_space<vmem>> -> memref<128xi32, #tpu.memory_space<vmem>>
        %dma_start3A_187 = arith.constant 0 : i32
        %dma_start3A_188 = tpu.memref_slice %arg9[%dma_start3A_187] : memref<100352xf32, #tpu.memory_space<vmem_shared>> -> memref<100352xf32, #tpu.memory_space<vmem_shared>>
        tpu.enqueue_indirect_dma source(%arg7 : memref<128xf32, #tpu.memory_space<vmem>>) target(%dma_start3A_188 : memref<100352xf32, #tpu.memory_space<vmem_shared>>) offsets(%dma_start3A_186 : memref<128xi32, #tpu.memory_space<vmem>>) semaphore(%run_scoped3A_183 : memref<!tpu.dma_semaphore, #tpu.memory_space<semaphore_mem>>) {add = true}
        %dma_wait3A_189 = arith.constant 0 : i32
        %dma_wait3A_190 = tpu.memref_slice %arg5[%rem3A_120, %run_scoped3A_150, %dma_wait3A_189] : memref<2x16x128xi32, #tpu.memory_space<vmem>> -> memref<1x1x128xi32, #tpu.memory_space<vmem>>
        %dma_wait3A_191 = tpu.memref_squeeze %dma_wait3A_190 : memref<1x1x128xi32, #tpu.memory_space<vmem>> -> memref<128xi32, #tpu.memory_space<vmem>>
        %dma_wait3A_192 = arith.constant 0 : i32
        %dma_wait3A_193 = tpu.memref_slice %arg9[%dma_wait3A_192] : memref<100352xf32, #tpu.memory_space<vmem_shared>> -> memref<100352xf32, #tpu.memory_space<vmem_shared>>
        tpu.wait_indirect_dma semaphore(%run_scoped3A_183 : memref<!tpu.dma_semaphore, #tpu.memory_space<semaphore_mem>>) src(%arg7 : memref<128xf32, #tpu.memory_space<vmem>>) dst(%dma_wait3A_193 : memref<100352xf32, #tpu.memory_space<vmem_shared>>)
        tpu.yield
      }) : () -> ()
      %run_scoped3A_151 = arith.constant 0 : i32
      "tpu.region"() ({
        %run_scoped3A_183 = tpu.sem_alloc : memref<!tpu.dma_semaphore, #tpu.memory_space<semaphore_mem>>
        %dma_start3A_184 = arith.constant 0 : i32
        %dma_start3A_185 = tpu.memref_slice %arg6[%rem3A_120, %run_scoped3A_151, %dma_start3A_184] : memref<2x16x128xi32, #tpu.memory_space<vmem>> -> memref<1x1x128xi32, #tpu.memory_space<vmem>>
        %dma_start3A_186 = tpu.memref_squeeze %dma_start3A_185 : memref<1x1x128xi32, #tpu.memory_space<vmem>> -> memref<128xi32, #tpu.memory_space<vmem>>
        %dma_start3A_187 = arith.constant 0 : i32
        %dma_start3A_188 = tpu.memref_slice %arg10[%dma_start3A_187] : memref<100352xf32, #tpu.memory_space<vmem_shared>> -> memref<100352xf32, #tpu.memory_space<vmem_shared>>
        tpu.enqueue_indirect_dma source(%arg7 : memref<128xf32, #tpu.memory_space<vmem>>) target(%dma_start3A_188 : memref<100352xf32, #tpu.memory_space<vmem_shared>>) offsets(%dma_start3A_186 : memref<128xi32, #tpu.memory_space<vmem>>) semaphore(%run_scoped3A_183 : memref<!tpu.dma_semaphore, #tpu.memory_space<semaphore_mem>>) {add = true}
        %dma_wait3A_189 = arith.constant 0 : i32
        %dma_wait3A_190 = tpu.memref_slice %arg6[%rem3A_120, %run_scoped3A_151, %dma_wait3A_189] : memref<2x16x128xi32, #tpu.memory_space<vmem>> -> memref<1x1x128xi32, #tpu.memory_space<vmem>>
        %dma_wait3A_191 = tpu.memref_squeeze %dma_wait3A_190 : memref<1x1x128xi32, #tpu.memory_space<vmem>> -> memref<128xi32, #tpu.memory_space<vmem>>
        %dma_wait3A_192 = arith.constant 0 : i32
        %dma_wait3A_193 = tpu.memref_slice %arg10[%dma_wait3A_192] : memref<100352xf32, #tpu.memory_space<vmem_shared>> -> memref<100352xf32, #tpu.memory_space<vmem_shared>>
        tpu.wait_indirect_dma semaphore(%run_scoped3A_183 : memref<!tpu.dma_semaphore, #tpu.memory_space<semaphore_mem>>) src(%arg7 : memref<128xf32, #tpu.memory_space<vmem>>) dst(%dma_wait3A_193 : memref<100352xf32, #tpu.memory_space<vmem_shared>>)
        tpu.yield
      }) : () -> ()
      %run_scoped3A_152 = arith.constant 1 : i32
      "tpu.region"() ({
        %run_scoped3A_183 = tpu.sem_alloc : memref<!tpu.dma_semaphore, #tpu.memory_space<semaphore_mem>>
        %dma_start3A_184 = arith.constant 0 : i32
        %dma_start3A_185 = tpu.memref_slice %arg5[%rem3A_120, %run_scoped3A_152, %dma_start3A_184] : memref<2x16x128xi32, #tpu.memory_space<vmem>> -> memref<1x1x128xi32, #tpu.memory_space<vmem>>
        %dma_start3A_186 = tpu.memref_squeeze %dma_start3A_185 : memref<1x1x128xi32, #tpu.memory_space<vmem>> -> memref<128xi32, #tpu.memory_space<vmem>>
        %dma_start3A_187 = arith.constant 0 : i32
        %dma_start3A_188 = tpu.memref_slice %arg9[%dma_start3A_187] : memref<100352xf32, #tpu.memory_space<vmem_shared>> -> memref<100352xf32, #tpu.memory_space<vmem_shared>>
        tpu.enqueue_indirect_dma source(%arg7 : memref<128xf32, #tpu.memory_space<vmem>>) target(%dma_start3A_188 : memref<100352xf32, #tpu.memory_space<vmem_shared>>) offsets(%dma_start3A_186 : memref<128xi32, #tpu.memory_space<vmem>>) semaphore(%run_scoped3A_183 : memref<!tpu.dma_semaphore, #tpu.memory_space<semaphore_mem>>) {add = true}
        %dma_wait3A_189 = arith.constant 0 : i32
        %dma_wait3A_190 = tpu.memref_slice %arg5[%rem3A_120, %run_scoped3A_152, %dma_wait3A_189] : memref<2x16x128xi32, #tpu.memory_space<vmem>> -> memref<1x1x128xi32, #tpu.memory_space<vmem>>
        %dma_wait3A_191 = tpu.memref_squeeze %dma_wait3A_190 : memref<1x1x128xi32, #tpu.memory_space<vmem>> -> memref<128xi32, #tpu.memory_space<vmem>>
        %dma_wait3A_192 = arith.constant 0 : i32
        %dma_wait3A_193 = tpu.memref_slice %arg9[%dma_wait3A_192] : memref<100352xf32, #tpu.memory_space<vmem_shared>> -> memref<100352xf32, #tpu.memory_space<vmem_shared>>
        tpu.wait_indirect_dma semaphore(%run_scoped3A_183 : memref<!tpu.dma_semaphore, #tpu.memory_space<semaphore_mem>>) src(%arg7 : memref<128xf32, #tpu.memory_space<vmem>>) dst(%dma_wait3A_193 : memref<100352xf32, #tpu.memory_space<vmem_shared>>)
        tpu.yield
      }) : () -> ()
      %run_scoped3A_153 = arith.constant 1 : i32
      "tpu.region"() ({
        %run_scoped3A_183 = tpu.sem_alloc : memref<!tpu.dma_semaphore, #tpu.memory_space<semaphore_mem>>
        %dma_start3A_184 = arith.constant 0 : i32
        %dma_start3A_185 = tpu.memref_slice %arg6[%rem3A_120, %run_scoped3A_153, %dma_start3A_184] : memref<2x16x128xi32, #tpu.memory_space<vmem>> -> memref<1x1x128xi32, #tpu.memory_space<vmem>>
        %dma_start3A_186 = tpu.memref_squeeze %dma_start3A_185 : memref<1x1x128xi32, #tpu.memory_space<vmem>> -> memref<128xi32, #tpu.memory_space<vmem>>
        %dma_start3A_187 = arith.constant 0 : i32
        %dma_start3A_188 = tpu.memref_slice %arg10[%dma_start3A_187] : memref<100352xf32, #tpu.memory_space<vmem_shared>> -> memref<100352xf32, #tpu.memory_space<vmem_shared>>
        tpu.enqueue_indirect_dma source(%arg7 : memref<128xf32, #tpu.memory_space<vmem>>) target(%dma_start3A_188 : memref<100352xf32, #tpu.memory_space<vmem_shared>>) offsets(%dma_start3A_186 : memref<128xi32, #tpu.memory_space<vmem>>) semaphore(%run_scoped3A_183 : memref<!tpu.dma_semaphore, #tpu.memory_space<semaphore_mem>>) {add = true}
        %dma_wait3A_189 = arith.constant 0 : i32
        %dma_wait3A_190 = tpu.memref_slice %arg6[%rem3A_120, %run_scoped3A_153, %dma_wait3A_189] : memref<2x16x128xi32, #tpu.memory_space<vmem>> -> memref<1x1x128xi32, #tpu.memory_space<vmem>>
        %dma_wait3A_191 = tpu.memref_squeeze %dma_wait3A_190 : memref<1x1x128xi32, #tpu.memory_space<vmem>> -> memref<128xi32, #tpu.memory_space<vmem>>
        %dma_wait3A_192 = arith.constant 0 : i32
        %dma_wait3A_193 = tpu.memref_slice %arg10[%dma_wait3A_192] : memref<100352xf32, #tpu.memory_space<vmem_shared>> -> memref<100352xf32, #tpu.memory_space<vmem_shared>>
        tpu.wait_indirect_dma semaphore(%run_scoped3A_183 : memref<!tpu.dma_semaphore, #tpu.memory_space<semaphore_mem>>) src(%arg7 : memref<128xf32, #tpu.memory_space<vmem>>) dst(%dma_wait3A_193 : memref<100352xf32, #tpu.memory_space<vmem_shared>>)
        tpu.yield
      }) : () -> ()
      %run_scoped3A_154 = arith.constant 2 : i32
      "tpu.region"() ({
        %run_scoped3A_183 = tpu.sem_alloc : memref<!tpu.dma_semaphore, #tpu.memory_space<semaphore_mem>>
        %dma_start3A_184 = arith.constant 0 : i32
        %dma_start3A_185 = tpu.memref_slice %arg5[%rem3A_120, %run_scoped3A_154, %dma_start3A_184] : memref<2x16x128xi32, #tpu.memory_space<vmem>> -> memref<1x1x128xi32, #tpu.memory_space<vmem>>
        %dma_start3A_186 = tpu.memref_squeeze %dma_start3A_185 : memref<1x1x128xi32, #tpu.memory_space<vmem>> -> memref<128xi32, #tpu.memory_space<vmem>>
        %dma_start3A_187 = arith.constant 0 : i32
        %dma_start3A_188 = tpu.memref_slice %arg9[%dma_start3A_187] : memref<100352xf32, #tpu.memory_space<vmem_shared>> -> memref<100352xf32, #tpu.memory_space<vmem_shared>>
        tpu.enqueue_indirect_dma source(%arg7 : memref<128xf32, #tpu.memory_space<vmem>>) target(%dma_start3A_188 : memref<100352xf32, #tpu.memory_space<vmem_shared>>) offsets(%dma_start3A_186 : memref<128xi32, #tpu.memory_space<vmem>>) semaphore(%run_scoped3A_183 : memref<!tpu.dma_semaphore, #tpu.memory_space<semaphore_mem>>) {add = true}
        %dma_wait3A_189 = arith.constant 0 : i32
        %dma_wait3A_190 = tpu.memref_slice %arg5[%rem3A_120, %run_scoped3A_154, %dma_wait3A_189] : memref<2x16x128xi32, #tpu.memory_space<vmem>> -> memref<1x1x128xi32, #tpu.memory_space<vmem>>
        %dma_wait3A_191 = tpu.memref_squeeze %dma_wait3A_190 : memref<1x1x128xi32, #tpu.memory_space<vmem>> -> memref<128xi32, #tpu.memory_space<vmem>>
        %dma_wait3A_192 = arith.constant 0 : i32
        %dma_wait3A_193 = tpu.memref_slice %arg9[%dma_wait3A_192] : memref<100352xf32, #tpu.memory_space<vmem_shared>> -> memref<100352xf32, #tpu.memory_space<vmem_shared>>
        tpu.wait_indirect_dma semaphore(%run_scoped3A_183 : memref<!tpu.dma_semaphore, #tpu.memory_space<semaphore_mem>>) src(%arg7 : memref<128xf32, #tpu.memory_space<vmem>>) dst(%dma_wait3A_193 : memref<100352xf32, #tpu.memory_space<vmem_shared>>)
        tpu.yield
      }) : () -> ()
      %run_scoped3A_155 = arith.constant 2 : i32
      "tpu.region"() ({
        %run_scoped3A_183 = tpu.sem_alloc : memref<!tpu.dma_semaphore, #tpu.memory_space<semaphore_mem>>
        %dma_start3A_184 = arith.constant 0 : i32
        %dma_start3A_185 = tpu.memref_slice %arg6[%rem3A_120, %run_scoped3A_155, %dma_start3A_184] : memref<2x16x128xi32, #tpu.memory_space<vmem>> -> memref<1x1x128xi32, #tpu.memory_space<vmem>>
        %dma_start3A_186 = tpu.memref_squeeze %dma_start3A_185 : memref<1x1x128xi32, #tpu.memory_space<vmem>> -> memref<128xi32, #tpu.memory_space<vmem>>
        %dma_start3A_187 = arith.constant 0 : i32
        %dma_start3A_188 = tpu.memref_slice %arg10[%dma_start3A_187] : memref<100352xf32, #tpu.memory_space<vmem_shared>> -> memref<100352xf32, #tpu.memory_space<vmem_shared>>
        tpu.enqueue_indirect_dma source(%arg7 : memref<128xf32, #tpu.memory_space<vmem>>) target(%dma_start3A_188 : memref<100352xf32, #tpu.memory_space<vmem_shared>>) offsets(%dma_start3A_186 : memref<128xi32, #tpu.memory_space<vmem>>) semaphore(%run_scoped3A_183 : memref<!tpu.dma_semaphore, #tpu.memory_space<semaphore_mem>>) {add = true}
        %dma_wait3A_189 = arith.constant 0 : i32
        %dma_wait3A_190 = tpu.memref_slice %arg6[%rem3A_120, %run_scoped3A_155, %dma_wait3A_189] : memref<2x16x128xi32, #tpu.memory_space<vmem>> -> memref<1x1x128xi32, #tpu.memory_space<vmem>>
        %dma_wait3A_191 = tpu.memref_squeeze %dma_wait3A_190 : memref<1x1x128xi32, #tpu.memory_space<vmem>> -> memref<128xi32, #tpu.memory_space<vmem>>
        %dma_wait3A_192 = arith.constant 0 : i32
        %dma_wait3A_193 = tpu.memref_slice %arg10[%dma_wait3A_192] : memref<100352xf32, #tpu.memory_space<vmem_shared>> -> memref<100352xf32, #tpu.memory_space<vmem_shared>>
        tpu.wait_indirect_dma semaphore(%run_scoped3A_183 : memref<!tpu.dma_semaphore, #tpu.memory_space<semaphore_mem>>) src(%arg7 : memref<128xf32, #tpu.memory_space<vmem>>) dst(%dma_wait3A_193 : memref<100352xf32, #tpu.memory_space<vmem_shared>>)
        tpu.yield
      }) : () -> ()
      %run_scoped3A_156 = arith.constant 3 : i32
      "tpu.region"() ({
        %run_scoped3A_183 = tpu.sem_alloc : memref<!tpu.dma_semaphore, #tpu.memory_space<semaphore_mem>>
        %dma_start3A_184 = arith.constant 0 : i32
        %dma_start3A_185 = tpu.memref_slice %arg5[%rem3A_120, %run_scoped3A_156, %dma_start3A_184] : memref<2x16x128xi32, #tpu.memory_space<vmem>> -> memref<1x1x128xi32, #tpu.memory_space<vmem>>
        %dma_start3A_186 = tpu.memref_squeeze %dma_start3A_185 : memref<1x1x128xi32, #tpu.memory_space<vmem>> -> memref<128xi32, #tpu.memory_space<vmem>>
        %dma_start3A_187 = arith.constant 0 : i32
        %dma_start3A_188 = tpu.memref_slice %arg9[%dma_start3A_187] : memref<100352xf32, #tpu.memory_space<vmem_shared>> -> memref<100352xf32, #tpu.memory_space<vmem_shared>>
        tpu.enqueue_indirect_dma source(%arg7 : memref<128xf32, #tpu.memory_space<vmem>>) target(%dma_start3A_188 : memref<100352xf32, #tpu.memory_space<vmem_shared>>) offsets(%dma_start3A_186 : memref<128xi32, #tpu.memory_space<vmem>>) semaphore(%run_scoped3A_183 : memref<!tpu.dma_semaphore, #tpu.memory_space<semaphore_mem>>) {add = true}
        %dma_wait3A_189 = arith.constant 0 : i32
        %dma_wait3A_190 = tpu.memref_slice %arg5[%rem3A_120, %run_scoped3A_156, %dma_wait3A_189] : memref<2x16x128xi32, #tpu.memory_space<vmem>> -> memref<1x1x128xi32, #tpu.memory_space<vmem>>
        %dma_wait3A_191 = tpu.memref_squeeze %dma_wait3A_190 : memref<1x1x128xi32, #tpu.memory_space<vmem>> -> memref<128xi32, #tpu.memory_space<vmem>>
        %dma_wait3A_192 = arith.constant 0 : i32
        %dma_wait3A_193 = tpu.memref_slice %arg9[%dma_wait3A_192] : memref<100352xf32, #tpu.memory_space<vmem_shared>> -> memref<100352xf32, #tpu.memory_space<vmem_shared>>
        tpu.wait_indirect_dma semaphore(%run_scoped3A_183 : memref<!tpu.dma_semaphore, #tpu.memory_space<semaphore_mem>>) src(%arg7 : memref<128xf32, #tpu.memory_space<vmem>>) dst(%dma_wait3A_193 : memref<100352xf32, #tpu.memory_space<vmem_shared>>)
        tpu.yield
      }) : () -> ()
      %run_scoped3A_157 = arith.constant 3 : i32
      "tpu.region"() ({
        %run_scoped3A_183 = tpu.sem_alloc : memref<!tpu.dma_semaphore, #tpu.memory_space<semaphore_mem>>
        %dma_start3A_184 = arith.constant 0 : i32
        %dma_start3A_185 = tpu.memref_slice %arg6[%rem3A_120, %run_scoped3A_157, %dma_start3A_184] : memref<2x16x128xi32, #tpu.memory_space<vmem>> -> memref<1x1x128xi32, #tpu.memory_space<vmem>>
        %dma_start3A_186 = tpu.memref_squeeze %dma_start3A_185 : memref<1x1x128xi32, #tpu.memory_space<vmem>> -> memref<128xi32, #tpu.memory_space<vmem>>
        %dma_start3A_187 = arith.constant 0 : i32
        %dma_start3A_188 = tpu.memref_slice %arg10[%dma_start3A_187] : memref<100352xf32, #tpu.memory_space<vmem_shared>> -> memref<100352xf32, #tpu.memory_space<vmem_shared>>
        tpu.enqueue_indirect_dma source(%arg7 : memref<128xf32, #tpu.memory_space<vmem>>) target(%dma_start3A_188 : memref<100352xf32, #tpu.memory_space<vmem_shared>>) offsets(%dma_start3A_186 : memref<128xi32, #tpu.memory_space<vmem>>) semaphore(%run_scoped3A_183 : memref<!tpu.dma_semaphore, #tpu.memory_space<semaphore_mem>>) {add = true}
        %dma_wait3A_189 = arith.constant 0 : i32
        %dma_wait3A_190 = tpu.memref_slice %arg6[%rem3A_120, %run_scoped3A_157, %dma_wait3A_189] : memref<2x16x128xi32, #tpu.memory_space<vmem>> -> memref<1x1x128xi32, #tpu.memory_space<vmem>>
        %dma_wait3A_191 = tpu.memref_squeeze %dma_wait3A_190 : memref<1x1x128xi32, #tpu.memory_space<vmem>> -> memref<128xi32, #tpu.memory_space<vmem>>
        %dma_wait3A_192 = arith.constant 0 : i32
        %dma_wait3A_193 = tpu.memref_slice %arg10[%dma_wait3A_192] : memref<100352xf32, #tpu.memory_space<vmem_shared>> -> memref<100352xf32, #tpu.memory_space<vmem_shared>>
        tpu.wait_indirect_dma semaphore(%run_scoped3A_183 : memref<!tpu.dma_semaphore, #tpu.memory_space<semaphore_mem>>) src(%arg7 : memref<128xf32, #tpu.memory_space<vmem>>) dst(%dma_wait3A_193 : memref<100352xf32, #tpu.memory_space<vmem_shared>>)
        tpu.yield
      }) : () -> ()
      %run_scoped3A_158 = arith.constant 4 : i32
      "tpu.region"() ({
        %run_scoped3A_183 = tpu.sem_alloc : memref<!tpu.dma_semaphore, #tpu.memory_space<semaphore_mem>>
        %dma_start3A_184 = arith.constant 0 : i32
        %dma_start3A_185 = tpu.memref_slice %arg5[%rem3A_120, %run_scoped3A_158, %dma_start3A_184] : memref<2x16x128xi32, #tpu.memory_space<vmem>> -> memref<1x1x128xi32, #tpu.memory_space<vmem>>
        %dma_start3A_186 = tpu.memref_squeeze %dma_start3A_185 : memref<1x1x128xi32, #tpu.memory_space<vmem>> -> memref<128xi32, #tpu.memory_space<vmem>>
        %dma_start3A_187 = arith.constant 0 : i32
        %dma_start3A_188 = tpu.memref_slice %arg9[%dma_start3A_187] : memref<100352xf32, #tpu.memory_space<vmem_shared>> -> memref<100352xf32, #tpu.memory_space<vmem_shared>>
        tpu.enqueue_indirect_dma source(%arg7 : memref<128xf32, #tpu.memory_space<vmem>>) target(%dma_start3A_188 : memref<100352xf32, #tpu.memory_space<vmem_shared>>) offsets(%dma_start3A_186 : memref<128xi32, #tpu.memory_space<vmem>>) semaphore(%run_scoped3A_183 : memref<!tpu.dma_semaphore, #tpu.memory_space<semaphore_mem>>) {add = true}
        %dma_wait3A_189 = arith.constant 0 : i32
        %dma_wait3A_190 = tpu.memref_slice %arg5[%rem3A_120, %run_scoped3A_158, %dma_wait3A_189] : memref<2x16x128xi32, #tpu.memory_space<vmem>> -> memref<1x1x128xi32, #tpu.memory_space<vmem>>
        %dma_wait3A_191 = tpu.memref_squeeze %dma_wait3A_190 : memref<1x1x128xi32, #tpu.memory_space<vmem>> -> memref<128xi32, #tpu.memory_space<vmem>>
        %dma_wait3A_192 = arith.constant 0 : i32
        %dma_wait3A_193 = tpu.memref_slice %arg9[%dma_wait3A_192] : memref<100352xf32, #tpu.memory_space<vmem_shared>> -> memref<100352xf32, #tpu.memory_space<vmem_shared>>
        tpu.wait_indirect_dma semaphore(%run_scoped3A_183 : memref<!tpu.dma_semaphore, #tpu.memory_space<semaphore_mem>>) src(%arg7 : memref<128xf32, #tpu.memory_space<vmem>>) dst(%dma_wait3A_193 : memref<100352xf32, #tpu.memory_space<vmem_shared>>)
        tpu.yield
      }) : () -> ()
      %run_scoped3A_159 = arith.constant 4 : i32
      "tpu.region"() ({
        %run_scoped3A_183 = tpu.sem_alloc : memref<!tpu.dma_semaphore, #tpu.memory_space<semaphore_mem>>
        %dma_start3A_184 = arith.constant 0 : i32
        %dma_start3A_185 = tpu.memref_slice %arg6[%rem3A_120, %run_scoped3A_159, %dma_start3A_184] : memref<2x16x128xi32, #tpu.memory_space<vmem>> -> memref<1x1x128xi32, #tpu.memory_space<vmem>>
        %dma_start3A_186 = tpu.memref_squeeze %dma_start3A_185 : memref<1x1x128xi32, #tpu.memory_space<vmem>> -> memref<128xi32, #tpu.memory_space<vmem>>
        %dma_start3A_187 = arith.constant 0 : i32
        %dma_start3A_188 = tpu.memref_slice %arg10[%dma_start3A_187] : memref<100352xf32, #tpu.memory_space<vmem_shared>> -> memref<100352xf32, #tpu.memory_space<vmem_shared>>
        tpu.enqueue_indirect_dma source(%arg7 : memref<128xf32, #tpu.memory_space<vmem>>) target(%dma_start3A_188 : memref<100352xf32, #tpu.memory_space<vmem_shared>>) offsets(%dma_start3A_186 : memref<128xi32, #tpu.memory_space<vmem>>) semaphore(%run_scoped3A_183 : memref<!tpu.dma_semaphore, #tpu.memory_space<semaphore_mem>>) {add = true}
        %dma_wait3A_189 = arith.constant 0 : i32
        %dma_wait3A_190 = tpu.memref_slice %arg6[%rem3A_120, %run_scoped3A_159, %dma_wait3A_189] : memref<2x16x128xi32, #tpu.memory_space<vmem>> -> memref<1x1x128xi32, #tpu.memory_space<vmem>>
        %dma_wait3A_191 = tpu.memref_squeeze %dma_wait3A_190 : memref<1x1x128xi32, #tpu.memory_space<vmem>> -> memref<128xi32, #tpu.memory_space<vmem>>
        %dma_wait3A_192 = arith.constant 0 : i32
        %dma_wait3A_193 = tpu.memref_slice %arg10[%dma_wait3A_192] : memref<100352xf32, #tpu.memory_space<vmem_shared>> -> memref<100352xf32, #tpu.memory_space<vmem_shared>>
        tpu.wait_indirect_dma semaphore(%run_scoped3A_183 : memref<!tpu.dma_semaphore, #tpu.memory_space<semaphore_mem>>) src(%arg7 : memref<128xf32, #tpu.memory_space<vmem>>) dst(%dma_wait3A_193 : memref<100352xf32, #tpu.memory_space<vmem_shared>>)
        tpu.yield
      }) : () -> ()
      %run_scoped3A_160 = arith.constant 5 : i32
      "tpu.region"() ({
        %run_scoped3A_183 = tpu.sem_alloc : memref<!tpu.dma_semaphore, #tpu.memory_space<semaphore_mem>>
        %dma_start3A_184 = arith.constant 0 : i32
        %dma_start3A_185 = tpu.memref_slice %arg5[%rem3A_120, %run_scoped3A_160, %dma_start3A_184] : memref<2x16x128xi32, #tpu.memory_space<vmem>> -> memref<1x1x128xi32, #tpu.memory_space<vmem>>
        %dma_start3A_186 = tpu.memref_squeeze %dma_start3A_185 : memref<1x1x128xi32, #tpu.memory_space<vmem>> -> memref<128xi32, #tpu.memory_space<vmem>>
        %dma_start3A_187 = arith.constant 0 : i32
        %dma_start3A_188 = tpu.memref_slice %arg9[%dma_start3A_187] : memref<100352xf32, #tpu.memory_space<vmem_shared>> -> memref<100352xf32, #tpu.memory_space<vmem_shared>>
        tpu.enqueue_indirect_dma source(%arg7 : memref<128xf32, #tpu.memory_space<vmem>>) target(%dma_start3A_188 : memref<100352xf32, #tpu.memory_space<vmem_shared>>) offsets(%dma_start3A_186 : memref<128xi32, #tpu.memory_space<vmem>>) semaphore(%run_scoped3A_183 : memref<!tpu.dma_semaphore, #tpu.memory_space<semaphore_mem>>) {add = true}
        %dma_wait3A_189 = arith.constant 0 : i32
        %dma_wait3A_190 = tpu.memref_slice %arg5[%rem3A_120, %run_scoped3A_160, %dma_wait3A_189] : memref<2x16x128xi32, #tpu.memory_space<vmem>> -> memref<1x1x128xi32, #tpu.memory_space<vmem>>
        %dma_wait3A_191 = tpu.memref_squeeze %dma_wait3A_190 : memref<1x1x128xi32, #tpu.memory_space<vmem>> -> memref<128xi32, #tpu.memory_space<vmem>>
        %dma_wait3A_192 = arith.constant 0 : i32
        %dma_wait3A_193 = tpu.memref_slice %arg9[%dma_wait3A_192] : memref<100352xf32, #tpu.memory_space<vmem_shared>> -> memref<100352xf32, #tpu.memory_space<vmem_shared>>
        tpu.wait_indirect_dma semaphore(%run_scoped3A_183 : memref<!tpu.dma_semaphore, #tpu.memory_space<semaphore_mem>>) src(%arg7 : memref<128xf32, #tpu.memory_space<vmem>>) dst(%dma_wait3A_193 : memref<100352xf32, #tpu.memory_space<vmem_shared>>)
        tpu.yield
      }) : () -> ()
      %run_scoped3A_161 = arith.constant 5 : i32
      "tpu.region"() ({
        %run_scoped3A_183 = tpu.sem_alloc : memref<!tpu.dma_semaphore, #tpu.memory_space<semaphore_mem>>
        %dma_start3A_184 = arith.constant 0 : i32
        %dma_start3A_185 = tpu.memref_slice %arg6[%rem3A_120, %run_scoped3A_161, %dma_start3A_184] : memref<2x16x128xi32, #tpu.memory_space<vmem>> -> memref<1x1x128xi32, #tpu.memory_space<vmem>>
        %dma_start3A_186 = tpu.memref_squeeze %dma_start3A_185 : memref<1x1x128xi32, #tpu.memory_space<vmem>> -> memref<128xi32, #tpu.memory_space<vmem>>
        %dma_start3A_187 = arith.constant 0 : i32
        %dma_start3A_188 = tpu.memref_slice %arg10[%dma_start3A_187] : memref<100352xf32, #tpu.memory_space<vmem_shared>> -> memref<100352xf32, #tpu.memory_space<vmem_shared>>
        tpu.enqueue_indirect_dma source(%arg7 : memref<128xf32, #tpu.memory_space<vmem>>) target(%dma_start3A_188 : memref<100352xf32, #tpu.memory_space<vmem_shared>>) offsets(%dma_start3A_186 : memref<128xi32, #tpu.memory_space<vmem>>) semaphore(%run_scoped3A_183 : memref<!tpu.dma_semaphore, #tpu.memory_space<semaphore_mem>>) {add = true}
        %dma_wait3A_189 = arith.constant 0 : i32
        %dma_wait3A_190 = tpu.memref_slice %arg6[%rem3A_120, %run_scoped3A_161, %dma_wait3A_189] : memref<2x16x128xi32, #tpu.memory_space<vmem>> -> memref<1x1x128xi32, #tpu.memory_space<vmem>>
        %dma_wait3A_191 = tpu.memref_squeeze %dma_wait3A_190 : memref<1x1x128xi32, #tpu.memory_space<vmem>> -> memref<128xi32, #tpu.memory_space<vmem>>
        %dma_wait3A_192 = arith.constant 0 : i32
        %dma_wait3A_193 = tpu.memref_slice %arg10[%dma_wait3A_192] : memref<100352xf32, #tpu.memory_space<vmem_shared>> -> memref<100352xf32, #tpu.memory_space<vmem_shared>>
        tpu.wait_indirect_dma semaphore(%run_scoped3A_183 : memref<!tpu.dma_semaphore, #tpu.memory_space<semaphore_mem>>) src(%arg7 : memref<128xf32, #tpu.memory_space<vmem>>) dst(%dma_wait3A_193 : memref<100352xf32, #tpu.memory_space<vmem_shared>>)
        tpu.yield
      }) : () -> ()
      %run_scoped3A_162 = arith.constant 6 : i32
      "tpu.region"() ({
        %run_scoped3A_183 = tpu.sem_alloc : memref<!tpu.dma_semaphore, #tpu.memory_space<semaphore_mem>>
        %dma_start3A_184 = arith.constant 0 : i32
        %dma_start3A_185 = tpu.memref_slice %arg5[%rem3A_120, %run_scoped3A_162, %dma_start3A_184] : memref<2x16x128xi32, #tpu.memory_space<vmem>> -> memref<1x1x128xi32, #tpu.memory_space<vmem>>
        %dma_start3A_186 = tpu.memref_squeeze %dma_start3A_185 : memref<1x1x128xi32, #tpu.memory_space<vmem>> -> memref<128xi32, #tpu.memory_space<vmem>>
        %dma_start3A_187 = arith.constant 0 : i32
        %dma_start3A_188 = tpu.memref_slice %arg9[%dma_start3A_187] : memref<100352xf32, #tpu.memory_space<vmem_shared>> -> memref<100352xf32, #tpu.memory_space<vmem_shared>>
        tpu.enqueue_indirect_dma source(%arg7 : memref<128xf32, #tpu.memory_space<vmem>>) target(%dma_start3A_188 : memref<100352xf32, #tpu.memory_space<vmem_shared>>) offsets(%dma_start3A_186 : memref<128xi32, #tpu.memory_space<vmem>>) semaphore(%run_scoped3A_183 : memref<!tpu.dma_semaphore, #tpu.memory_space<semaphore_mem>>) {add = true}
        %dma_wait3A_189 = arith.constant 0 : i32
        %dma_wait3A_190 = tpu.memref_slice %arg5[%rem3A_120, %run_scoped3A_162, %dma_wait3A_189] : memref<2x16x128xi32, #tpu.memory_space<vmem>> -> memref<1x1x128xi32, #tpu.memory_space<vmem>>
        %dma_wait3A_191 = tpu.memref_squeeze %dma_wait3A_190 : memref<1x1x128xi32, #tpu.memory_space<vmem>> -> memref<128xi32, #tpu.memory_space<vmem>>
        %dma_wait3A_192 = arith.constant 0 : i32
        %dma_wait3A_193 = tpu.memref_slice %arg9[%dma_wait3A_192] : memref<100352xf32, #tpu.memory_space<vmem_shared>> -> memref<100352xf32, #tpu.memory_space<vmem_shared>>
        tpu.wait_indirect_dma semaphore(%run_scoped3A_183 : memref<!tpu.dma_semaphore, #tpu.memory_space<semaphore_mem>>) src(%arg7 : memref<128xf32, #tpu.memory_space<vmem>>) dst(%dma_wait3A_193 : memref<100352xf32, #tpu.memory_space<vmem_shared>>)
        tpu.yield
      }) : () -> ()
      %run_scoped3A_163 = arith.constant 6 : i32
      "tpu.region"() ({
        %run_scoped3A_183 = tpu.sem_alloc : memref<!tpu.dma_semaphore, #tpu.memory_space<semaphore_mem>>
        %dma_start3A_184 = arith.constant 0 : i32
        %dma_start3A_185 = tpu.memref_slice %arg6[%rem3A_120, %run_scoped3A_163, %dma_start3A_184] : memref<2x16x128xi32, #tpu.memory_space<vmem>> -> memref<1x1x128xi32, #tpu.memory_space<vmem>>
        %dma_start3A_186 = tpu.memref_squeeze %dma_start3A_185 : memref<1x1x128xi32, #tpu.memory_space<vmem>> -> memref<128xi32, #tpu.memory_space<vmem>>
        %dma_start3A_187 = arith.constant 0 : i32
        %dma_start3A_188 = tpu.memref_slice %arg10[%dma_start3A_187] : memref<100352xf32, #tpu.memory_space<vmem_shared>> -> memref<100352xf32, #tpu.memory_space<vmem_shared>>
        tpu.enqueue_indirect_dma source(%arg7 : memref<128xf32, #tpu.memory_space<vmem>>) target(%dma_start3A_188 : memref<100352xf32, #tpu.memory_space<vmem_shared>>) offsets(%dma_start3A_186 : memref<128xi32, #tpu.memory_space<vmem>>) semaphore(%run_scoped3A_183 : memref<!tpu.dma_semaphore, #tpu.memory_space<semaphore_mem>>) {add = true}
        %dma_wait3A_189 = arith.constant 0 : i32
        %dma_wait3A_190 = tpu.memref_slice %arg6[%rem3A_120, %run_scoped3A_163, %dma_wait3A_189] : memref<2x16x128xi32, #tpu.memory_space<vmem>> -> memref<1x1x128xi32, #tpu.memory_space<vmem>>
        %dma_wait3A_191 = tpu.memref_squeeze %dma_wait3A_190 : memref<1x1x128xi32, #tpu.memory_space<vmem>> -> memref<128xi32, #tpu.memory_space<vmem>>
        %dma_wait3A_192 = arith.constant 0 : i32
        %dma_wait3A_193 = tpu.memref_slice %arg10[%dma_wait3A_192] : memref<100352xf32, #tpu.memory_space<vmem_shared>> -> memref<100352xf32, #tpu.memory_space<vmem_shared>>
        tpu.wait_indirect_dma semaphore(%run_scoped3A_183 : memref<!tpu.dma_semaphore, #tpu.memory_space<semaphore_mem>>) src(%arg7 : memref<128xf32, #tpu.memory_space<vmem>>) dst(%dma_wait3A_193 : memref<100352xf32, #tpu.memory_space<vmem_shared>>)
        tpu.yield
      }) : () -> ()
      %run_scoped3A_164 = arith.constant 7 : i32
      "tpu.region"() ({
        %run_scoped3A_183 = tpu.sem_alloc : memref<!tpu.dma_semaphore, #tpu.memory_space<semaphore_mem>>
        %dma_start3A_184 = arith.constant 0 : i32
        %dma_start3A_185 = tpu.memref_slice %arg5[%rem3A_120, %run_scoped3A_164, %dma_start3A_184] : memref<2x16x128xi32, #tpu.memory_space<vmem>> -> memref<1x1x128xi32, #tpu.memory_space<vmem>>
        %dma_start3A_186 = tpu.memref_squeeze %dma_start3A_185 : memref<1x1x128xi32, #tpu.memory_space<vmem>> -> memref<128xi32, #tpu.memory_space<vmem>>
        %dma_start3A_187 = arith.constant 0 : i32
        %dma_start3A_188 = tpu.memref_slice %arg9[%dma_start3A_187] : memref<100352xf32, #tpu.memory_space<vmem_shared>> -> memref<100352xf32, #tpu.memory_space<vmem_shared>>
        tpu.enqueue_indirect_dma source(%arg7 : memref<128xf32, #tpu.memory_space<vmem>>) target(%dma_start3A_188 : memref<100352xf32, #tpu.memory_space<vmem_shared>>) offsets(%dma_start3A_186 : memref<128xi32, #tpu.memory_space<vmem>>) semaphore(%run_scoped3A_183 : memref<!tpu.dma_semaphore, #tpu.memory_space<semaphore_mem>>) {add = true}
        %dma_wait3A_189 = arith.constant 0 : i32
        %dma_wait3A_190 = tpu.memref_slice %arg5[%rem3A_120, %run_scoped3A_164, %dma_wait3A_189] : memref<2x16x128xi32, #tpu.memory_space<vmem>> -> memref<1x1x128xi32, #tpu.memory_space<vmem>>
        %dma_wait3A_191 = tpu.memref_squeeze %dma_wait3A_190 : memref<1x1x128xi32, #tpu.memory_space<vmem>> -> memref<128xi32, #tpu.memory_space<vmem>>
        %dma_wait3A_192 = arith.constant 0 : i32
        %dma_wait3A_193 = tpu.memref_slice %arg9[%dma_wait3A_192] : memref<100352xf32, #tpu.memory_space<vmem_shared>> -> memref<100352xf32, #tpu.memory_space<vmem_shared>>
        tpu.wait_indirect_dma semaphore(%run_scoped3A_183 : memref<!tpu.dma_semaphore, #tpu.memory_space<semaphore_mem>>) src(%arg7 : memref<128xf32, #tpu.memory_space<vmem>>) dst(%dma_wait3A_193 : memref<100352xf32, #tpu.memory_space<vmem_shared>>)
        tpu.yield
      }) : () -> ()
      %run_scoped3A_165 = arith.constant 7 : i32
      "tpu.region"() ({
        %run_scoped3A_183 = tpu.sem_alloc : memref<!tpu.dma_semaphore, #tpu.memory_space<semaphore_mem>>
        %dma_start3A_184 = arith.constant 0 : i32
        %dma_start3A_185 = tpu.memref_slice %arg6[%rem3A_120, %run_scoped3A_165, %dma_start3A_184] : memref<2x16x128xi32, #tpu.memory_space<vmem>> -> memref<1x1x128xi32, #tpu.memory_space<vmem>>
        %dma_start3A_186 = tpu.memref_squeeze %dma_start3A_185 : memref<1x1x128xi32, #tpu.memory_space<vmem>> -> memref<128xi32, #tpu.memory_space<vmem>>
        %dma_start3A_187 = arith.constant 0 : i32
        %dma_start3A_188 = tpu.memref_slice %arg10[%dma_start3A_187] : memref<100352xf32, #tpu.memory_space<vmem_shared>> -> memref<100352xf32, #tpu.memory_space<vmem_shared>>
        tpu.enqueue_indirect_dma source(%arg7 : memref<128xf32, #tpu.memory_space<vmem>>) target(%dma_start3A_188 : memref<100352xf32, #tpu.memory_space<vmem_shared>>) offsets(%dma_start3A_186 : memref<128xi32, #tpu.memory_space<vmem>>) semaphore(%run_scoped3A_183 : memref<!tpu.dma_semaphore, #tpu.memory_space<semaphore_mem>>) {add = true}
        %dma_wait3A_189 = arith.constant 0 : i32
        %dma_wait3A_190 = tpu.memref_slice %arg6[%rem3A_120, %run_scoped3A_165, %dma_wait3A_189] : memref<2x16x128xi32, #tpu.memory_space<vmem>> -> memref<1x1x128xi32, #tpu.memory_space<vmem>>
        %dma_wait3A_191 = tpu.memref_squeeze %dma_wait3A_190 : memref<1x1x128xi32, #tpu.memory_space<vmem>> -> memref<128xi32, #tpu.memory_space<vmem>>
        %dma_wait3A_192 = arith.constant 0 : i32
        %dma_wait3A_193 = tpu.memref_slice %arg10[%dma_wait3A_192] : memref<100352xf32, #tpu.memory_space<vmem_shared>> -> memref<100352xf32, #tpu.memory_space<vmem_shared>>
        tpu.wait_indirect_dma semaphore(%run_scoped3A_183 : memref<!tpu.dma_semaphore, #tpu.memory_space<semaphore_mem>>) src(%arg7 : memref<128xf32, #tpu.memory_space<vmem>>) dst(%dma_wait3A_193 : memref<100352xf32, #tpu.memory_space<vmem_shared>>)
        tpu.yield
      }) : () -> ()
      %run_scoped3A_166 = arith.constant 8 : i32
      "tpu.region"() ({
        %run_scoped3A_183 = tpu.sem_alloc : memref<!tpu.dma_semaphore, #tpu.memory_space<semaphore_mem>>
        %dma_start3A_184 = arith.constant 0 : i32
        %dma_start3A_185 = tpu.memref_slice %arg5[%rem3A_120, %run_scoped3A_166, %dma_start3A_184] : memref<2x16x128xi32, #tpu.memory_space<vmem>> -> memref<1x1x128xi32, #tpu.memory_space<vmem>>
        %dma_start3A_186 = tpu.memref_squeeze %dma_start3A_185 : memref<1x1x128xi32, #tpu.memory_space<vmem>> -> memref<128xi32, #tpu.memory_space<vmem>>
        %dma_start3A_187 = arith.constant 0 : i32
        %dma_start3A_188 = tpu.memref_slice %arg9[%dma_start3A_187] : memref<100352xf32, #tpu.memory_space<vmem_shared>> -> memref<100352xf32, #tpu.memory_space<vmem_shared>>
        tpu.enqueue_indirect_dma source(%arg7 : memref<128xf32, #tpu.memory_space<vmem>>) target(%dma_start3A_188 : memref<100352xf32, #tpu.memory_space<vmem_shared>>) offsets(%dma_start3A_186 : memref<128xi32, #tpu.memory_space<vmem>>) semaphore(%run_scoped3A_183 : memref<!tpu.dma_semaphore, #tpu.memory_space<semaphore_mem>>) {add = true}
        %dma_wait3A_189 = arith.constant 0 : i32
        %dma_wait3A_190 = tpu.memref_slice %arg5[%rem3A_120, %run_scoped3A_166, %dma_wait3A_189] : memref<2x16x128xi32, #tpu.memory_space<vmem>> -> memref<1x1x128xi32, #tpu.memory_space<vmem>>
        %dma_wait3A_191 = tpu.memref_squeeze %dma_wait3A_190 : memref<1x1x128xi32, #tpu.memory_space<vmem>> -> memref<128xi32, #tpu.memory_space<vmem>>
        %dma_wait3A_192 = arith.constant 0 : i32
        %dma_wait3A_193 = tpu.memref_slice %arg9[%dma_wait3A_192] : memref<100352xf32, #tpu.memory_space<vmem_shared>> -> memref<100352xf32, #tpu.memory_space<vmem_shared>>
        tpu.wait_indirect_dma semaphore(%run_scoped3A_183 : memref<!tpu.dma_semaphore, #tpu.memory_space<semaphore_mem>>) src(%arg7 : memref<128xf32, #tpu.memory_space<vmem>>) dst(%dma_wait3A_193 : memref<100352xf32, #tpu.memory_space<vmem_shared>>)
        tpu.yield
      }) : () -> ()
      %run_scoped3A_167 = arith.constant 8 : i32
      "tpu.region"() ({
        %run_scoped3A_183 = tpu.sem_alloc : memref<!tpu.dma_semaphore, #tpu.memory_space<semaphore_mem>>
        %dma_start3A_184 = arith.constant 0 : i32
        %dma_start3A_185 = tpu.memref_slice %arg6[%rem3A_120, %run_scoped3A_167, %dma_start3A_184] : memref<2x16x128xi32, #tpu.memory_space<vmem>> -> memref<1x1x128xi32, #tpu.memory_space<vmem>>
        %dma_start3A_186 = tpu.memref_squeeze %dma_start3A_185 : memref<1x1x128xi32, #tpu.memory_space<vmem>> -> memref<128xi32, #tpu.memory_space<vmem>>
        %dma_start3A_187 = arith.constant 0 : i32
        %dma_start3A_188 = tpu.memref_slice %arg10[%dma_start3A_187] : memref<100352xf32, #tpu.memory_space<vmem_shared>> -> memref<100352xf32, #tpu.memory_space<vmem_shared>>
        tpu.enqueue_indirect_dma source(%arg7 : memref<128xf32, #tpu.memory_space<vmem>>) target(%dma_start3A_188 : memref<100352xf32, #tpu.memory_space<vmem_shared>>) offsets(%dma_start3A_186 : memref<128xi32, #tpu.memory_space<vmem>>) semaphore(%run_scoped3A_183 : memref<!tpu.dma_semaphore, #tpu.memory_space<semaphore_mem>>) {add = true}
        %dma_wait3A_189 = arith.constant 0 : i32
        %dma_wait3A_190 = tpu.memref_slice %arg6[%rem3A_120, %run_scoped3A_167, %dma_wait3A_189] : memref<2x16x128xi32, #tpu.memory_space<vmem>> -> memref<1x1x128xi32, #tpu.memory_space<vmem>>
        %dma_wait3A_191 = tpu.memref_squeeze %dma_wait3A_190 : memref<1x1x128xi32, #tpu.memory_space<vmem>> -> memref<128xi32, #tpu.memory_space<vmem>>
        %dma_wait3A_192 = arith.constant 0 : i32
        %dma_wait3A_193 = tpu.memref_slice %arg10[%dma_wait3A_192] : memref<100352xf32, #tpu.memory_space<vmem_shared>> -> memref<100352xf32, #tpu.memory_space<vmem_shared>>
        tpu.wait_indirect_dma semaphore(%run_scoped3A_183 : memref<!tpu.dma_semaphore, #tpu.memory_space<semaphore_mem>>) src(%arg7 : memref<128xf32, #tpu.memory_space<vmem>>) dst(%dma_wait3A_193 : memref<100352xf32, #tpu.memory_space<vmem_shared>>)
        tpu.yield
      }) : () -> ()
      %run_scoped3A_168 = arith.constant 9 : i32
      "tpu.region"() ({
        %run_scoped3A_183 = tpu.sem_alloc : memref<!tpu.dma_semaphore, #tpu.memory_space<semaphore_mem>>
        %dma_start3A_184 = arith.constant 0 : i32
        %dma_start3A_185 = tpu.memref_slice %arg5[%rem3A_120, %run_scoped3A_168, %dma_start3A_184] : memref<2x16x128xi32, #tpu.memory_space<vmem>> -> memref<1x1x128xi32, #tpu.memory_space<vmem>>
        %dma_start3A_186 = tpu.memref_squeeze %dma_start3A_185 : memref<1x1x128xi32, #tpu.memory_space<vmem>> -> memref<128xi32, #tpu.memory_space<vmem>>
        %dma_start3A_187 = arith.constant 0 : i32
        %dma_start3A_188 = tpu.memref_slice %arg9[%dma_start3A_187] : memref<100352xf32, #tpu.memory_space<vmem_shared>> -> memref<100352xf32, #tpu.memory_space<vmem_shared>>
        tpu.enqueue_indirect_dma source(%arg7 : memref<128xf32, #tpu.memory_space<vmem>>) target(%dma_start3A_188 : memref<100352xf32, #tpu.memory_space<vmem_shared>>) offsets(%dma_start3A_186 : memref<128xi32, #tpu.memory_space<vmem>>) semaphore(%run_scoped3A_183 : memref<!tpu.dma_semaphore, #tpu.memory_space<semaphore_mem>>) {add = true}
        %dma_wait3A_189 = arith.constant 0 : i32
        %dma_wait3A_190 = tpu.memref_slice %arg5[%rem3A_120, %run_scoped3A_168, %dma_wait3A_189] : memref<2x16x128xi32, #tpu.memory_space<vmem>> -> memref<1x1x128xi32, #tpu.memory_space<vmem>>
        %dma_wait3A_191 = tpu.memref_squeeze %dma_wait3A_190 : memref<1x1x128xi32, #tpu.memory_space<vmem>> -> memref<128xi32, #tpu.memory_space<vmem>>
        %dma_wait3A_192 = arith.constant 0 : i32
        %dma_wait3A_193 = tpu.memref_slice %arg9[%dma_wait3A_192] : memref<100352xf32, #tpu.memory_space<vmem_shared>> -> memref<100352xf32, #tpu.memory_space<vmem_shared>>
        tpu.wait_indirect_dma semaphore(%run_scoped3A_183 : memref<!tpu.dma_semaphore, #tpu.memory_space<semaphore_mem>>) src(%arg7 : memref<128xf32, #tpu.memory_space<vmem>>) dst(%dma_wait3A_193 : memref<100352xf32, #tpu.memory_space<vmem_shared>>)
        tpu.yield
      }) : () -> ()
      %run_scoped3A_169 = arith.constant 9 : i32
      "tpu.region"() ({
        %run_scoped3A_183 = tpu.sem_alloc : memref<!tpu.dma_semaphore, #tpu.memory_space<semaphore_mem>>
        %dma_start3A_184 = arith.constant 0 : i32
        %dma_start3A_185 = tpu.memref_slice %arg6[%rem3A_120, %run_scoped3A_169, %dma_start3A_184] : memref<2x16x128xi32, #tpu.memory_space<vmem>> -> memref<1x1x128xi32, #tpu.memory_space<vmem>>
        %dma_start3A_186 = tpu.memref_squeeze %dma_start3A_185 : memref<1x1x128xi32, #tpu.memory_space<vmem>> -> memref<128xi32, #tpu.memory_space<vmem>>
        %dma_start3A_187 = arith.constant 0 : i32
        %dma_start3A_188 = tpu.memref_slice %arg10[%dma_start3A_187] : memref<100352xf32, #tpu.memory_space<vmem_shared>> -> memref<100352xf32, #tpu.memory_space<vmem_shared>>
        tpu.enqueue_indirect_dma source(%arg7 : memref<128xf32, #tpu.memory_space<vmem>>) target(%dma_start3A_188 : memref<100352xf32, #tpu.memory_space<vmem_shared>>) offsets(%dma_start3A_186 : memref<128xi32, #tpu.memory_space<vmem>>) semaphore(%run_scoped3A_183 : memref<!tpu.dma_semaphore, #tpu.memory_space<semaphore_mem>>) {add = true}
        %dma_wait3A_189 = arith.constant 0 : i32
        %dma_wait3A_190 = tpu.memref_slice %arg6[%rem3A_120, %run_scoped3A_169, %dma_wait3A_189] : memref<2x16x128xi32, #tpu.memory_space<vmem>> -> memref<1x1x128xi32, #tpu.memory_space<vmem>>
        %dma_wait3A_191 = tpu.memref_squeeze %dma_wait3A_190 : memref<1x1x128xi32, #tpu.memory_space<vmem>> -> memref<128xi32, #tpu.memory_space<vmem>>
        %dma_wait3A_192 = arith.constant 0 : i32
        %dma_wait3A_193 = tpu.memref_slice %arg10[%dma_wait3A_192] : memref<100352xf32, #tpu.memory_space<vmem_shared>> -> memref<100352xf32, #tpu.memory_space<vmem_shared>>
        tpu.wait_indirect_dma semaphore(%run_scoped3A_183 : memref<!tpu.dma_semaphore, #tpu.memory_space<semaphore_mem>>) src(%arg7 : memref<128xf32, #tpu.memory_space<vmem>>) dst(%dma_wait3A_193 : memref<100352xf32, #tpu.memory_space<vmem_shared>>)
        tpu.yield
      }) : () -> ()
      %run_scoped3A_170 = arith.constant 10 : i32
      "tpu.region"() ({
        %run_scoped3A_183 = tpu.sem_alloc : memref<!tpu.dma_semaphore, #tpu.memory_space<semaphore_mem>>
        %dma_start3A_184 = arith.constant 0 : i32
        %dma_start3A_185 = tpu.memref_slice %arg5[%rem3A_120, %run_scoped3A_170, %dma_start3A_184] : memref<2x16x128xi32, #tpu.memory_space<vmem>> -> memref<1x1x128xi32, #tpu.memory_space<vmem>>
        %dma_start3A_186 = tpu.memref_squeeze %dma_start3A_185 : memref<1x1x128xi32, #tpu.memory_space<vmem>> -> memref<128xi32, #tpu.memory_space<vmem>>
        %dma_start3A_187 = arith.constant 0 : i32
        %dma_start3A_188 = tpu.memref_slice %arg9[%dma_start3A_187] : memref<100352xf32, #tpu.memory_space<vmem_shared>> -> memref<100352xf32, #tpu.memory_space<vmem_shared>>
        tpu.enqueue_indirect_dma source(%arg7 : memref<128xf32, #tpu.memory_space<vmem>>) target(%dma_start3A_188 : memref<100352xf32, #tpu.memory_space<vmem_shared>>) offsets(%dma_start3A_186 : memref<128xi32, #tpu.memory_space<vmem>>) semaphore(%run_scoped3A_183 : memref<!tpu.dma_semaphore, #tpu.memory_space<semaphore_mem>>) {add = true}
        %dma_wait3A_189 = arith.constant 0 : i32
        %dma_wait3A_190 = tpu.memref_slice %arg5[%rem3A_120, %run_scoped3A_170, %dma_wait3A_189] : memref<2x16x128xi32, #tpu.memory_space<vmem>> -> memref<1x1x128xi32, #tpu.memory_space<vmem>>
        %dma_wait3A_191 = tpu.memref_squeeze %dma_wait3A_190 : memref<1x1x128xi32, #tpu.memory_space<vmem>> -> memref<128xi32, #tpu.memory_space<vmem>>
        %dma_wait3A_192 = arith.constant 0 : i32
        %dma_wait3A_193 = tpu.memref_slice %arg9[%dma_wait3A_192] : memref<100352xf32, #tpu.memory_space<vmem_shared>> -> memref<100352xf32, #tpu.memory_space<vmem_shared>>
        tpu.wait_indirect_dma semaphore(%run_scoped3A_183 : memref<!tpu.dma_semaphore, #tpu.memory_space<semaphore_mem>>) src(%arg7 : memref<128xf32, #tpu.memory_space<vmem>>) dst(%dma_wait3A_193 : memref<100352xf32, #tpu.memory_space<vmem_shared>>)
        tpu.yield
      }) : () -> ()
      %run_scoped3A_171 = arith.constant 10 : i32
      "tpu.region"() ({
        %run_scoped3A_183 = tpu.sem_alloc : memref<!tpu.dma_semaphore, #tpu.memory_space<semaphore_mem>>
        %dma_start3A_184 = arith.constant 0 : i32
        %dma_start3A_185 = tpu.memref_slice %arg6[%rem3A_120, %run_scoped3A_171, %dma_start3A_184] : memref<2x16x128xi32, #tpu.memory_space<vmem>> -> memref<1x1x128xi32, #tpu.memory_space<vmem>>
        %dma_start3A_186 = tpu.memref_squeeze %dma_start3A_185 : memref<1x1x128xi32, #tpu.memory_space<vmem>> -> memref<128xi32, #tpu.memory_space<vmem>>
        %dma_start3A_187 = arith.constant 0 : i32
        %dma_start3A_188 = tpu.memref_slice %arg10[%dma_start3A_187] : memref<100352xf32, #tpu.memory_space<vmem_shared>> -> memref<100352xf32, #tpu.memory_space<vmem_shared>>
        tpu.enqueue_indirect_dma source(%arg7 : memref<128xf32, #tpu.memory_space<vmem>>) target(%dma_start3A_188 : memref<100352xf32, #tpu.memory_space<vmem_shared>>) offsets(%dma_start3A_186 : memref<128xi32, #tpu.memory_space<vmem>>) semaphore(%run_scoped3A_183 : memref<!tpu.dma_semaphore, #tpu.memory_space<semaphore_mem>>) {add = true}
        %dma_wait3A_189 = arith.constant 0 : i32
        %dma_wait3A_190 = tpu.memref_slice %arg6[%rem3A_120, %run_scoped3A_171, %dma_wait3A_189] : memref<2x16x128xi32, #tpu.memory_space<vmem>> -> memref<1x1x128xi32, #tpu.memory_space<vmem>>
        %dma_wait3A_191 = tpu.memref_squeeze %dma_wait3A_190 : memref<1x1x128xi32, #tpu.memory_space<vmem>> -> memref<128xi32, #tpu.memory_space<vmem>>
        %dma_wait3A_192 = arith.constant 0 : i32
        %dma_wait3A_193 = tpu.memref_slice %arg10[%dma_wait3A_192] : memref<100352xf32, #tpu.memory_space<vmem_shared>> -> memref<100352xf32, #tpu.memory_space<vmem_shared>>
        tpu.wait_indirect_dma semaphore(%run_scoped3A_183 : memref<!tpu.dma_semaphore, #tpu.memory_space<semaphore_mem>>) src(%arg7 : memref<128xf32, #tpu.memory_space<vmem>>) dst(%dma_wait3A_193 : memref<100352xf32, #tpu.memory_space<vmem_shared>>)
        tpu.yield
      }) : () -> ()
      %run_scoped3A_172 = arith.constant 11 : i32
      "tpu.region"() ({
        %run_scoped3A_183 = tpu.sem_alloc : memref<!tpu.dma_semaphore, #tpu.memory_space<semaphore_mem>>
        %dma_start3A_184 = arith.constant 0 : i32
        %dma_start3A_185 = tpu.memref_slice %arg5[%rem3A_120, %run_scoped3A_172, %dma_start3A_184] : memref<2x16x128xi32, #tpu.memory_space<vmem>> -> memref<1x1x128xi32, #tpu.memory_space<vmem>>
        %dma_start3A_186 = tpu.memref_squeeze %dma_start3A_185 : memref<1x1x128xi32, #tpu.memory_space<vmem>> -> memref<128xi32, #tpu.memory_space<vmem>>
        %dma_start3A_187 = arith.constant 0 : i32
        %dma_start3A_188 = tpu.memref_slice %arg9[%dma_start3A_187] : memref<100352xf32, #tpu.memory_space<vmem_shared>> -> memref<100352xf32, #tpu.memory_space<vmem_shared>>
        tpu.enqueue_indirect_dma source(%arg7 : memref<128xf32, #tpu.memory_space<vmem>>) target(%dma_start3A_188 : memref<100352xf32, #tpu.memory_space<vmem_shared>>) offsets(%dma_start3A_186 : memref<128xi32, #tpu.memory_space<vmem>>) semaphore(%run_scoped3A_183 : memref<!tpu.dma_semaphore, #tpu.memory_space<semaphore_mem>>) {add = true}
        %dma_wait3A_189 = arith.constant 0 : i32
        %dma_wait3A_190 = tpu.memref_slice %arg5[%rem3A_120, %run_scoped3A_172, %dma_wait3A_189] : memref<2x16x128xi32, #tpu.memory_space<vmem>> -> memref<1x1x128xi32, #tpu.memory_space<vmem>>
        %dma_wait3A_191 = tpu.memref_squeeze %dma_wait3A_190 : memref<1x1x128xi32, #tpu.memory_space<vmem>> -> memref<128xi32, #tpu.memory_space<vmem>>
        %dma_wait3A_192 = arith.constant 0 : i32
        %dma_wait3A_193 = tpu.memref_slice %arg9[%dma_wait3A_192] : memref<100352xf32, #tpu.memory_space<vmem_shared>> -> memref<100352xf32, #tpu.memory_space<vmem_shared>>
        tpu.wait_indirect_dma semaphore(%run_scoped3A_183 : memref<!tpu.dma_semaphore, #tpu.memory_space<semaphore_mem>>) src(%arg7 : memref<128xf32, #tpu.memory_space<vmem>>) dst(%dma_wait3A_193 : memref<100352xf32, #tpu.memory_space<vmem_shared>>)
        tpu.yield
      }) : () -> ()
      %run_scoped3A_173 = arith.constant 11 : i32
      "tpu.region"() ({
        %run_scoped3A_183 = tpu.sem_alloc : memref<!tpu.dma_semaphore, #tpu.memory_space<semaphore_mem>>
        %dma_start3A_184 = arith.constant 0 : i32
        %dma_start3A_185 = tpu.memref_slice %arg6[%rem3A_120, %run_scoped3A_173, %dma_start3A_184] : memref<2x16x128xi32, #tpu.memory_space<vmem>> -> memref<1x1x128xi32, #tpu.memory_space<vmem>>
        %dma_start3A_186 = tpu.memref_squeeze %dma_start3A_185 : memref<1x1x128xi32, #tpu.memory_space<vmem>> -> memref<128xi32, #tpu.memory_space<vmem>>
        %dma_start3A_187 = arith.constant 0 : i32
        %dma_start3A_188 = tpu.memref_slice %arg10[%dma_start3A_187] : memref<100352xf32, #tpu.memory_space<vmem_shared>> -> memref<100352xf32, #tpu.memory_space<vmem_shared>>
        tpu.enqueue_indirect_dma source(%arg7 : memref<128xf32, #tpu.memory_space<vmem>>) target(%dma_start3A_188 : memref<100352xf32, #tpu.memory_space<vmem_shared>>) offsets(%dma_start3A_186 : memref<128xi32, #tpu.memory_space<vmem>>) semaphore(%run_scoped3A_183 : memref<!tpu.dma_semaphore, #tpu.memory_space<semaphore_mem>>) {add = true}
        %dma_wait3A_189 = arith.constant 0 : i32
        %dma_wait3A_190 = tpu.memref_slice %arg6[%rem3A_120, %run_scoped3A_173, %dma_wait3A_189] : memref<2x16x128xi32, #tpu.memory_space<vmem>> -> memref<1x1x128xi32, #tpu.memory_space<vmem>>
        %dma_wait3A_191 = tpu.memref_squeeze %dma_wait3A_190 : memref<1x1x128xi32, #tpu.memory_space<vmem>> -> memref<128xi32, #tpu.memory_space<vmem>>
        %dma_wait3A_192 = arith.constant 0 : i32
        %dma_wait3A_193 = tpu.memref_slice %arg10[%dma_wait3A_192] : memref<100352xf32, #tpu.memory_space<vmem_shared>> -> memref<100352xf32, #tpu.memory_space<vmem_shared>>
        tpu.wait_indirect_dma semaphore(%run_scoped3A_183 : memref<!tpu.dma_semaphore, #tpu.memory_space<semaphore_mem>>) src(%arg7 : memref<128xf32, #tpu.memory_space<vmem>>) dst(%dma_wait3A_193 : memref<100352xf32, #tpu.memory_space<vmem_shared>>)
        tpu.yield
      }) : () -> ()
      %run_scoped3A_174 = arith.constant 12 : i32
      "tpu.region"() ({
        %run_scoped3A_183 = tpu.sem_alloc : memref<!tpu.dma_semaphore, #tpu.memory_space<semaphore_mem>>
        %dma_start3A_184 = arith.constant 0 : i32
        %dma_start3A_185 = tpu.memref_slice %arg5[%rem3A_120, %run_scoped3A_174, %dma_start3A_184] : memref<2x16x128xi32, #tpu.memory_space<vmem>> -> memref<1x1x128xi32, #tpu.memory_space<vmem>>
        %dma_start3A_186 = tpu.memref_squeeze %dma_start3A_185 : memref<1x1x128xi32, #tpu.memory_space<vmem>> -> memref<128xi32, #tpu.memory_space<vmem>>
        %dma_start3A_187 = arith.constant 0 : i32
        %dma_start3A_188 = tpu.memref_slice %arg9[%dma_start3A_187] : memref<100352xf32, #tpu.memory_space<vmem_shared>> -> memref<100352xf32, #tpu.memory_space<vmem_shared>>
        tpu.enqueue_indirect_dma source(%arg7 : memref<128xf32, #tpu.memory_space<vmem>>) target(%dma_start3A_188 : memref<100352xf32, #tpu.memory_space<vmem_shared>>) offsets(%dma_start3A_186 : memref<128xi32, #tpu.memory_space<vmem>>) semaphore(%run_scoped3A_183 : memref<!tpu.dma_semaphore, #tpu.memory_space<semaphore_mem>>) {add = true}
        %dma_wait3A_189 = arith.constant 0 : i32
        %dma_wait3A_190 = tpu.memref_slice %arg5[%rem3A_120, %run_scoped3A_174, %dma_wait3A_189] : memref<2x16x128xi32, #tpu.memory_space<vmem>> -> memref<1x1x128xi32, #tpu.memory_space<vmem>>
        %dma_wait3A_191 = tpu.memref_squeeze %dma_wait3A_190 : memref<1x1x128xi32, #tpu.memory_space<vmem>> -> memref<128xi32, #tpu.memory_space<vmem>>
        %dma_wait3A_192 = arith.constant 0 : i32
        %dma_wait3A_193 = tpu.memref_slice %arg9[%dma_wait3A_192] : memref<100352xf32, #tpu.memory_space<vmem_shared>> -> memref<100352xf32, #tpu.memory_space<vmem_shared>>
        tpu.wait_indirect_dma semaphore(%run_scoped3A_183 : memref<!tpu.dma_semaphore, #tpu.memory_space<semaphore_mem>>) src(%arg7 : memref<128xf32, #tpu.memory_space<vmem>>) dst(%dma_wait3A_193 : memref<100352xf32, #tpu.memory_space<vmem_shared>>)
        tpu.yield
      }) : () -> ()
      %run_scoped3A_175 = arith.constant 12 : i32
      "tpu.region"() ({
        %run_scoped3A_183 = tpu.sem_alloc : memref<!tpu.dma_semaphore, #tpu.memory_space<semaphore_mem>>
        %dma_start3A_184 = arith.constant 0 : i32
        %dma_start3A_185 = tpu.memref_slice %arg6[%rem3A_120, %run_scoped3A_175, %dma_start3A_184] : memref<2x16x128xi32, #tpu.memory_space<vmem>> -> memref<1x1x128xi32, #tpu.memory_space<vmem>>
        %dma_start3A_186 = tpu.memref_squeeze %dma_start3A_185 : memref<1x1x128xi32, #tpu.memory_space<vmem>> -> memref<128xi32, #tpu.memory_space<vmem>>
        %dma_start3A_187 = arith.constant 0 : i32
        %dma_start3A_188 = tpu.memref_slice %arg10[%dma_start3A_187] : memref<100352xf32, #tpu.memory_space<vmem_shared>> -> memref<100352xf32, #tpu.memory_space<vmem_shared>>
        tpu.enqueue_indirect_dma source(%arg7 : memref<128xf32, #tpu.memory_space<vmem>>) target(%dma_start3A_188 : memref<100352xf32, #tpu.memory_space<vmem_shared>>) offsets(%dma_start3A_186 : memref<128xi32, #tpu.memory_space<vmem>>) semaphore(%run_scoped3A_183 : memref<!tpu.dma_semaphore, #tpu.memory_space<semaphore_mem>>) {add = true}
        %dma_wait3A_189 = arith.constant 0 : i32
        %dma_wait3A_190 = tpu.memref_slice %arg6[%rem3A_120, %run_scoped3A_175, %dma_wait3A_189] : memref<2x16x128xi32, #tpu.memory_space<vmem>> -> memref<1x1x128xi32, #tpu.memory_space<vmem>>
        %dma_wait3A_191 = tpu.memref_squeeze %dma_wait3A_190 : memref<1x1x128xi32, #tpu.memory_space<vmem>> -> memref<128xi32, #tpu.memory_space<vmem>>
        %dma_wait3A_192 = arith.constant 0 : i32
        %dma_wait3A_193 = tpu.memref_slice %arg10[%dma_wait3A_192] : memref<100352xf32, #tpu.memory_space<vmem_shared>> -> memref<100352xf32, #tpu.memory_space<vmem_shared>>
        tpu.wait_indirect_dma semaphore(%run_scoped3A_183 : memref<!tpu.dma_semaphore, #tpu.memory_space<semaphore_mem>>) src(%arg7 : memref<128xf32, #tpu.memory_space<vmem>>) dst(%dma_wait3A_193 : memref<100352xf32, #tpu.memory_space<vmem_shared>>)
        tpu.yield
      }) : () -> ()
      %run_scoped3A_176 = arith.constant 13 : i32
      "tpu.region"() ({
        %run_scoped3A_183 = tpu.sem_alloc : memref<!tpu.dma_semaphore, #tpu.memory_space<semaphore_mem>>
        %dma_start3A_184 = arith.constant 0 : i32
        %dma_start3A_185 = tpu.memref_slice %arg5[%rem3A_120, %run_scoped3A_176, %dma_start3A_184] : memref<2x16x128xi32, #tpu.memory_space<vmem>> -> memref<1x1x128xi32, #tpu.memory_space<vmem>>
        %dma_start3A_186 = tpu.memref_squeeze %dma_start3A_185 : memref<1x1x128xi32, #tpu.memory_space<vmem>> -> memref<128xi32, #tpu.memory_space<vmem>>
        %dma_start3A_187 = arith.constant 0 : i32
        %dma_start3A_188 = tpu.memref_slice %arg9[%dma_start3A_187] : memref<100352xf32, #tpu.memory_space<vmem_shared>> -> memref<100352xf32, #tpu.memory_space<vmem_shared>>
        tpu.enqueue_indirect_dma source(%arg7 : memref<128xf32, #tpu.memory_space<vmem>>) target(%dma_start3A_188 : memref<100352xf32, #tpu.memory_space<vmem_shared>>) offsets(%dma_start3A_186 : memref<128xi32, #tpu.memory_space<vmem>>) semaphore(%run_scoped3A_183 : memref<!tpu.dma_semaphore, #tpu.memory_space<semaphore_mem>>) {add = true}
        %dma_wait3A_189 = arith.constant 0 : i32
        %dma_wait3A_190 = tpu.memref_slice %arg5[%rem3A_120, %run_scoped3A_176, %dma_wait3A_189] : memref<2x16x128xi32, #tpu.memory_space<vmem>> -> memref<1x1x128xi32, #tpu.memory_space<vmem>>
        %dma_wait3A_191 = tpu.memref_squeeze %dma_wait3A_190 : memref<1x1x128xi32, #tpu.memory_space<vmem>> -> memref<128xi32, #tpu.memory_space<vmem>>
        %dma_wait3A_192 = arith.constant 0 : i32
        %dma_wait3A_193 = tpu.memref_slice %arg9[%dma_wait3A_192] : memref<100352xf32, #tpu.memory_space<vmem_shared>> -> memref<100352xf32, #tpu.memory_space<vmem_shared>>
        tpu.wait_indirect_dma semaphore(%run_scoped3A_183 : memref<!tpu.dma_semaphore, #tpu.memory_space<semaphore_mem>>) src(%arg7 : memref<128xf32, #tpu.memory_space<vmem>>) dst(%dma_wait3A_193 : memref<100352xf32, #tpu.memory_space<vmem_shared>>)
        tpu.yield
      }) : () -> ()
      %run_scoped3A_177 = arith.constant 13 : i32
      "tpu.region"() ({
        %run_scoped3A_183 = tpu.sem_alloc : memref<!tpu.dma_semaphore, #tpu.memory_space<semaphore_mem>>
        %dma_start3A_184 = arith.constant 0 : i32
        %dma_start3A_185 = tpu.memref_slice %arg6[%rem3A_120, %run_scoped3A_177, %dma_start3A_184] : memref<2x16x128xi32, #tpu.memory_space<vmem>> -> memref<1x1x128xi32, #tpu.memory_space<vmem>>
        %dma_start3A_186 = tpu.memref_squeeze %dma_start3A_185 : memref<1x1x128xi32, #tpu.memory_space<vmem>> -> memref<128xi32, #tpu.memory_space<vmem>>
        %dma_start3A_187 = arith.constant 0 : i32
        %dma_start3A_188 = tpu.memref_slice %arg10[%dma_start3A_187] : memref<100352xf32, #tpu.memory_space<vmem_shared>> -> memref<100352xf32, #tpu.memory_space<vmem_shared>>
        tpu.enqueue_indirect_dma source(%arg7 : memref<128xf32, #tpu.memory_space<vmem>>) target(%dma_start3A_188 : memref<100352xf32, #tpu.memory_space<vmem_shared>>) offsets(%dma_start3A_186 : memref<128xi32, #tpu.memory_space<vmem>>) semaphore(%run_scoped3A_183 : memref<!tpu.dma_semaphore, #tpu.memory_space<semaphore_mem>>) {add = true}
        %dma_wait3A_189 = arith.constant 0 : i32
        %dma_wait3A_190 = tpu.memref_slice %arg6[%rem3A_120, %run_scoped3A_177, %dma_wait3A_189] : memref<2x16x128xi32, #tpu.memory_space<vmem>> -> memref<1x1x128xi32, #tpu.memory_space<vmem>>
        %dma_wait3A_191 = tpu.memref_squeeze %dma_wait3A_190 : memref<1x1x128xi32, #tpu.memory_space<vmem>> -> memref<128xi32, #tpu.memory_space<vmem>>
        %dma_wait3A_192 = arith.constant 0 : i32
        %dma_wait3A_193 = tpu.memref_slice %arg10[%dma_wait3A_192] : memref<100352xf32, #tpu.memory_space<vmem_shared>> -> memref<100352xf32, #tpu.memory_space<vmem_shared>>
        tpu.wait_indirect_dma semaphore(%run_scoped3A_183 : memref<!tpu.dma_semaphore, #tpu.memory_space<semaphore_mem>>) src(%arg7 : memref<128xf32, #tpu.memory_space<vmem>>) dst(%dma_wait3A_193 : memref<100352xf32, #tpu.memory_space<vmem_shared>>)
        tpu.yield
      }) : () -> ()
      %run_scoped3A_178 = arith.constant 14 : i32
      "tpu.region"() ({
        %run_scoped3A_183 = tpu.sem_alloc : memref<!tpu.dma_semaphore, #tpu.memory_space<semaphore_mem>>
        %dma_start3A_184 = arith.constant 0 : i32
        %dma_start3A_185 = tpu.memref_slice %arg5[%rem3A_120, %run_scoped3A_178, %dma_start3A_184] : memref<2x16x128xi32, #tpu.memory_space<vmem>> -> memref<1x1x128xi32, #tpu.memory_space<vmem>>
        %dma_start3A_186 = tpu.memref_squeeze %dma_start3A_185 : memref<1x1x128xi32, #tpu.memory_space<vmem>> -> memref<128xi32, #tpu.memory_space<vmem>>
        %dma_start3A_187 = arith.constant 0 : i32
        %dma_start3A_188 = tpu.memref_slice %arg9[%dma_start3A_187] : memref<100352xf32, #tpu.memory_space<vmem_shared>> -> memref<100352xf32, #tpu.memory_space<vmem_shared>>
        tpu.enqueue_indirect_dma source(%arg7 : memref<128xf32, #tpu.memory_space<vmem>>) target(%dma_start3A_188 : memref<100352xf32, #tpu.memory_space<vmem_shared>>) offsets(%dma_start3A_186 : memref<128xi32, #tpu.memory_space<vmem>>) semaphore(%run_scoped3A_183 : memref<!tpu.dma_semaphore, #tpu.memory_space<semaphore_mem>>) {add = true}
        %dma_wait3A_189 = arith.constant 0 : i32
        %dma_wait3A_190 = tpu.memref_slice %arg5[%rem3A_120, %run_scoped3A_178, %dma_wait3A_189] : memref<2x16x128xi32, #tpu.memory_space<vmem>> -> memref<1x1x128xi32, #tpu.memory_space<vmem>>
        %dma_wait3A_191 = tpu.memref_squeeze %dma_wait3A_190 : memref<1x1x128xi32, #tpu.memory_space<vmem>> -> memref<128xi32, #tpu.memory_space<vmem>>
        %dma_wait3A_192 = arith.constant 0 : i32
        %dma_wait3A_193 = tpu.memref_slice %arg9[%dma_wait3A_192] : memref<100352xf32, #tpu.memory_space<vmem_shared>> -> memref<100352xf32, #tpu.memory_space<vmem_shared>>
        tpu.wait_indirect_dma semaphore(%run_scoped3A_183 : memref<!tpu.dma_semaphore, #tpu.memory_space<semaphore_mem>>) src(%arg7 : memref<128xf32, #tpu.memory_space<vmem>>) dst(%dma_wait3A_193 : memref<100352xf32, #tpu.memory_space<vmem_shared>>)
        tpu.yield
      }) : () -> ()
      %run_scoped3A_179 = arith.constant 14 : i32
      "tpu.region"() ({
        %run_scoped3A_183 = tpu.sem_alloc : memref<!tpu.dma_semaphore, #tpu.memory_space<semaphore_mem>>
        %dma_start3A_184 = arith.constant 0 : i32
        %dma_start3A_185 = tpu.memref_slice %arg6[%rem3A_120, %run_scoped3A_179, %dma_start3A_184] : memref<2x16x128xi32, #tpu.memory_space<vmem>> -> memref<1x1x128xi32, #tpu.memory_space<vmem>>
        %dma_start3A_186 = tpu.memref_squeeze %dma_start3A_185 : memref<1x1x128xi32, #tpu.memory_space<vmem>> -> memref<128xi32, #tpu.memory_space<vmem>>
        %dma_start3A_187 = arith.constant 0 : i32
        %dma_start3A_188 = tpu.memref_slice %arg10[%dma_start3A_187] : memref<100352xf32, #tpu.memory_space<vmem_shared>> -> memref<100352xf32, #tpu.memory_space<vmem_shared>>
        tpu.enqueue_indirect_dma source(%arg7 : memref<128xf32, #tpu.memory_space<vmem>>) target(%dma_start3A_188 : memref<100352xf32, #tpu.memory_space<vmem_shared>>) offsets(%dma_start3A_186 : memref<128xi32, #tpu.memory_space<vmem>>) semaphore(%run_scoped3A_183 : memref<!tpu.dma_semaphore, #tpu.memory_space<semaphore_mem>>) {add = true}
        %dma_wait3A_189 = arith.constant 0 : i32
        %dma_wait3A_190 = tpu.memref_slice %arg6[%rem3A_120, %run_scoped3A_179, %dma_wait3A_189] : memref<2x16x128xi32, #tpu.memory_space<vmem>> -> memref<1x1x128xi32, #tpu.memory_space<vmem>>
        %dma_wait3A_191 = tpu.memref_squeeze %dma_wait3A_190 : memref<1x1x128xi32, #tpu.memory_space<vmem>> -> memref<128xi32, #tpu.memory_space<vmem>>
        %dma_wait3A_192 = arith.constant 0 : i32
        %dma_wait3A_193 = tpu.memref_slice %arg10[%dma_wait3A_192] : memref<100352xf32, #tpu.memory_space<vmem_shared>> -> memref<100352xf32, #tpu.memory_space<vmem_shared>>
        tpu.wait_indirect_dma semaphore(%run_scoped3A_183 : memref<!tpu.dma_semaphore, #tpu.memory_space<semaphore_mem>>) src(%arg7 : memref<128xf32, #tpu.memory_space<vmem>>) dst(%dma_wait3A_193 : memref<100352xf32, #tpu.memory_space<vmem_shared>>)
        tpu.yield
      }) : () -> ()
      %run_scoped3A_180 = arith.constant 15 : i32
      "tpu.region"() ({
        %run_scoped3A_183 = tpu.sem_alloc : memref<!tpu.dma_semaphore, #tpu.memory_space<semaphore_mem>>
        %dma_start3A_184 = arith.constant 0 : i32
        %dma_start3A_185 = tpu.memref_slice %arg5[%rem3A_120, %run_scoped3A_180, %dma_start3A_184] : memref<2x16x128xi32, #tpu.memory_space<vmem>> -> memref<1x1x128xi32, #tpu.memory_space<vmem>>
        %dma_start3A_186 = tpu.memref_squeeze %dma_start3A_185 : memref<1x1x128xi32, #tpu.memory_space<vmem>> -> memref<128xi32, #tpu.memory_space<vmem>>
        %dma_start3A_187 = arith.constant 0 : i32
        %dma_start3A_188 = tpu.memref_slice %arg9[%dma_start3A_187] : memref<100352xf32, #tpu.memory_space<vmem_shared>> -> memref<100352xf32, #tpu.memory_space<vmem_shared>>
        tpu.enqueue_indirect_dma source(%arg7 : memref<128xf32, #tpu.memory_space<vmem>>) target(%dma_start3A_188 : memref<100352xf32, #tpu.memory_space<vmem_shared>>) offsets(%dma_start3A_186 : memref<128xi32, #tpu.memory_space<vmem>>) semaphore(%run_scoped3A_183 : memref<!tpu.dma_semaphore, #tpu.memory_space<semaphore_mem>>) {add = true}
        %dma_wait3A_189 = arith.constant 0 : i32
        %dma_wait3A_190 = tpu.memref_slice %arg5[%rem3A_120, %run_scoped3A_180, %dma_wait3A_189] : memref<2x16x128xi32, #tpu.memory_space<vmem>> -> memref<1x1x128xi32, #tpu.memory_space<vmem>>
        %dma_wait3A_191 = tpu.memref_squeeze %dma_wait3A_190 : memref<1x1x128xi32, #tpu.memory_space<vmem>> -> memref<128xi32, #tpu.memory_space<vmem>>
        %dma_wait3A_192 = arith.constant 0 : i32
        %dma_wait3A_193 = tpu.memref_slice %arg9[%dma_wait3A_192] : memref<100352xf32, #tpu.memory_space<vmem_shared>> -> memref<100352xf32, #tpu.memory_space<vmem_shared>>
        tpu.wait_indirect_dma semaphore(%run_scoped3A_183 : memref<!tpu.dma_semaphore, #tpu.memory_space<semaphore_mem>>) src(%arg7 : memref<128xf32, #tpu.memory_space<vmem>>) dst(%dma_wait3A_193 : memref<100352xf32, #tpu.memory_space<vmem_shared>>)
        tpu.yield
      }) : () -> ()
      %run_scoped3A_181 = arith.constant 15 : i32
      "tpu.region"() ({
        %run_scoped3A_183 = tpu.sem_alloc : memref<!tpu.dma_semaphore, #tpu.memory_space<semaphore_mem>>
        %dma_start3A_184 = arith.constant 0 : i32
        %dma_start3A_185 = tpu.memref_slice %arg6[%rem3A_120, %run_scoped3A_181, %dma_start3A_184] : memref<2x16x128xi32, #tpu.memory_space<vmem>> -> memref<1x1x128xi32, #tpu.memory_space<vmem>>
        %dma_start3A_186 = tpu.memref_squeeze %dma_start3A_185 : memref<1x1x128xi32, #tpu.memory_space<vmem>> -> memref<128xi32, #tpu.memory_space<vmem>>
        %dma_start3A_187 = arith.constant 0 : i32
        %dma_start3A_188 = tpu.memref_slice %arg10[%dma_start3A_187] : memref<100352xf32, #tpu.memory_space<vmem_shared>> -> memref<100352xf32, #tpu.memory_space<vmem_shared>>
        tpu.enqueue_indirect_dma source(%arg7 : memref<128xf32, #tpu.memory_space<vmem>>) target(%dma_start3A_188 : memref<100352xf32, #tpu.memory_space<vmem_shared>>) offsets(%dma_start3A_186 : memref<128xi32, #tpu.memory_space<vmem>>) semaphore(%run_scoped3A_183 : memref<!tpu.dma_semaphore, #tpu.memory_space<semaphore_mem>>) {add = true}
        %dma_wait3A_189 = arith.constant 0 : i32
        %dma_wait3A_190 = tpu.memref_slice %arg6[%rem3A_120, %run_scoped3A_181, %dma_wait3A_189] : memref<2x16x128xi32, #tpu.memory_space<vmem>> -> memref<1x1x128xi32, #tpu.memory_space<vmem>>
        %dma_wait3A_191 = tpu.memref_squeeze %dma_wait3A_190 : memref<1x1x128xi32, #tpu.memory_space<vmem>> -> memref<128xi32, #tpu.memory_space<vmem>>
        %dma_wait3A_192 = arith.constant 0 : i32
        %dma_wait3A_193 = tpu.memref_slice %arg10[%dma_wait3A_192] : memref<100352xf32, #tpu.memory_space<vmem_shared>> -> memref<100352xf32, #tpu.memory_space<vmem_shared>>
        tpu.wait_indirect_dma semaphore(%run_scoped3A_183 : memref<!tpu.dma_semaphore, #tpu.memory_space<semaphore_mem>>) src(%arg7 : memref<128xf32, #tpu.memory_space<vmem>>) dst(%dma_wait3A_193 : memref<100352xf32, #tpu.memory_space<vmem_shared>>)
        tpu.yield
      }) : () -> ()
      %while3A_182 = arith.constant 0 : i32
      scf.yield %while3A_182 : i32
    }
    %barrier3A_107 = arith.constant 0 : index
    tpu.barrier barrier_id(%barrier3A_107)
    %mul3A_108 = arith.constant 6272 : i32
    %mul3A_109 = arith.muli %arg1, %mul3A_108 : i32
    %mul3A_110 = arith.constant 6272 : i32
    %mul3A_111 = arith.muli %arg1, %mul3A_110 : i32
    %run_scoped3A = arith.constant 0 : i32
    "tpu.region"() ({
      %run_scoped3A_117 = tpu.sem_alloc : memref<!tpu.dma_semaphore, #tpu.memory_space<semaphore_mem>>
      %dma_start3A_118 = tpu.memref_slice %arg4[%arg0, %run_scoped3A, %mul3A_111] : memref<2x2x100352xf32, #tpu.memory_space<hbm>> -> memref<1x1x6272xf32, #tpu.memory_space<hbm>>
      %dma_start3A_119 = tpu.memref_squeeze %dma_start3A_118 : memref<1x1x6272xf32, #tpu.memory_space<hbm>> -> memref<6272xf32, #tpu.memory_space<hbm>>
      %dma_start3A_120 = tpu.memref_slice %arg9[%mul3A_109] : memref<100352xf32, #tpu.memory_space<vmem_shared>> -> memref<6272xf32, #tpu.memory_space<vmem_shared>>
      tpu.enqueue_dma source(%dma_start3A_120 : memref<6272xf32, #tpu.memory_space<vmem_shared>>) target(%dma_start3A_119 : memref<6272xf32, #tpu.memory_space<hbm>>) target_semaphore(%run_scoped3A_117 : memref<!tpu.dma_semaphore, #tpu.memory_space<semaphore_mem>>)
      %dma_wait3A = tpu.memref_slice %arg4[%arg0, %run_scoped3A, %mul3A_111] : memref<2x2x100352xf32, #tpu.memory_space<hbm>> -> memref<1x1x6272xf32, #tpu.memory_space<hbm>>
      %dma_wait3A_121 = tpu.memref_squeeze %dma_wait3A : memref<1x1x6272xf32, #tpu.memory_space<hbm>> -> memref<6272xf32, #tpu.memory_space<hbm>>
      %dma_wait3A_122 = tpu.memref_slice %arg9[%mul3A_109] : memref<100352xf32, #tpu.memory_space<vmem_shared>> -> memref<6272xf32, #tpu.memory_space<vmem_shared>>
      tpu.wait_dma2 semaphore(%run_scoped3A_117 : memref<!tpu.dma_semaphore, #tpu.memory_space<semaphore_mem>>) src(%dma_wait3A_122 : memref<6272xf32, #tpu.memory_space<vmem_shared>>) dst(%dma_wait3A_121 : memref<6272xf32, #tpu.memory_space<hbm>>)
      tpu.yield
    }) : () -> ()
    %mul3A_112 = arith.constant 6272 : i32
    %mul3A_113 = arith.muli %arg1, %mul3A_112 : i32
    %mul3A_114 = arith.constant 6272 : i32
    %mul3A_115 = arith.muli %arg1, %mul3A_114 : i32
    %run_scoped3A_116 = arith.constant 1 : i32
    "tpu.region"() ({
      %run_scoped3A_117 = tpu.sem_alloc : memref<!tpu.dma_semaphore, #tpu.memory_space<semaphore_mem>>
      %dma_start3A_118 = tpu.memref_slice %arg4[%arg0, %run_scoped3A_116, %mul3A_115] : memref<2x2x100352xf32, #tpu.memory_space<hbm>> -> memref<1x1x6272xf32, #tpu.memory_space<hbm>>
      %dma_start3A_119 = tpu.memref_squeeze %dma_start3A_118 : memref<1x1x6272xf32, #tpu.memory_space<hbm>> -> memref<6272xf32, #tpu.memory_space<hbm>>
      %dma_start3A_120 = tpu.memref_slice %arg10[%mul3A_113] : memref<100352xf32, #tpu.memory_space<vmem_shared>> -> memref<6272xf32, #tpu.memory_space<vmem_shared>>
      tpu.enqueue_dma source(%dma_start3A_120 : memref<6272xf32, #tpu.memory_space<vmem_shared>>) target(%dma_start3A_119 : memref<6272xf32, #tpu.memory_space<hbm>>) target_semaphore(%run_scoped3A_117 : memref<!tpu.dma_semaphore, #tpu.memory_space<semaphore_mem>>)
      %dma_wait3A = tpu.memref_slice %arg4[%arg0, %run_scoped3A_116, %mul3A_115] : memref<2x2x100352xf32, #tpu.memory_space<hbm>> -> memref<1x1x6272xf32, #tpu.memory_space<hbm>>
      %dma_wait3A_121 = tpu.memref_squeeze %dma_wait3A : memref<1x1x6272xf32, #tpu.memory_space<hbm>> -> memref<6272xf32, #tpu.memory_space<hbm>>
      %dma_wait3A_122 = tpu.memref_slice %arg10[%mul3A_113] : memref<100352xf32, #tpu.memory_space<vmem_shared>> -> memref<6272xf32, #tpu.memory_space<vmem_shared>>
      tpu.wait_dma2 semaphore(%run_scoped3A_117 : memref<!tpu.dma_semaphore, #tpu.memory_space<semaphore_mem>>) src(%dma_wait3A_122 : memref<6272xf32, #tpu.memory_space<vmem_shared>>) dst(%dma_wait3A_121 : memref<6272xf32, #tpu.memory_space<hbm>>)
      tpu.yield
    }) : () -> ()
    return
  }
}

#map = affine_map<(d0, d1) -> (0, 0)>
#map1 = affine_map<(d0, d1) -> (0, 0, 0)>
module attributes {stable_mosaic.version = 14 : i64} {
  func.func @_agg_body(%arg0: i32, %arg1: i32, %arg2: memref<25600x128xi32, #tpu.memory_space<hbm>>, %arg3: memref<25600x128xi32, #tpu.memory_space<hbm>>, %arg4: memref<100352x16xf32, #tpu.memory_space<hbm>>, %arg5: memref<2x100352x16xf32, #tpu.memory_space<hbm>>, %arg6: memref<2x10x128xi32, #tpu.memory_space<vmem>>, %arg7: memref<2x10x128xi32, #tpu.memory_space<vmem>>, %arg8: memref<1280x16xf32, #tpu.memory_space<vmem>>, %arg9: memref<128x16xf32, #tpu.memory_space<vmem>>, %arg10: memref<100352x16xf32, #tpu.memory_space<vmem_shared>>, %arg11: memref<!tpu.dma_semaphore, #tpu.memory_space<semaphore_mem>>, %arg12: memref<!tpu.dma_semaphore, #tpu.memory_space<semaphore_mem>>, %arg13: memref<!tpu.dma_semaphore, #tpu.memory_space<semaphore_mem>>) attributes {dimension_semantics = [#tpu.dimension_semantics<core_parallel>, #tpu.dimension_semantics<subcore_parallel>], iteration_bounds = array<i64: 2, 16>, scalar_prefetch = 0 : i64, scratch_operands = 8 : i64, tpu.core_type = #tpu.core_type<sc_vector_subcore>, window_params = [{transform_indices = #map}, {transform_indices = #map}, {transform_indices = #map}, {transform_indices = #map1}]} {
    %mul3A = arith.constant 16 : i32
    %mul3A_0 = arith.muli %arg0, %mul3A : i32
    %add3A = arith.addi %mul3A_0, %arg1 : i32
    %scan3A = arith.constant 0 : i32
    %scan3A_1 = arith.constant 0 : i32
    %scan3A_2 = arith.constant 128 : i32
    %scan3A_3 = arith.addi %scan3A_1, %scan3A_2 : i32
    %scan3A_4 = arith.constant 1 : i32
    %scan3A_5 = scf.for %scan3A_50 = %scan3A_1 to %scan3A_3 step %scan3A_4 iter_args(%scan3A_51 = %scan3A) -> (i32)  : i32 {
      %broadcast_in_dim3A = arith.constant 0.000000e+00 : f32
      %broadcast_in_dim3A_52 = vector.broadcast %broadcast_in_dim3A : f32 to vector<16xf32>
      %swap3A = arith.index_cast %scan3A_50 : i32 to index
      %swap3A_53 = arith.constant 0 : index
      %swap3A_54 = tpu.vector_load %arg9[%swap3A, %swap3A_53] {strides = array<i32>} : memref<128x16xf32, #tpu.memory_space<vmem>>, vector<1x16xf32>,
      %swap3A_55 = vector.shape_cast %swap3A_54 : vector<1x16xf32> to vector<16xf32>
      %swap3A_56 = vector.shape_cast %broadcast_in_dim3A_52 : vector<16xf32> to vector<1x16xf32>
      tpu.vector_store %arg9[%swap3A, %swap3A_53], %swap3A_56 {strides = array<i32>} : memref<128x16xf32, #tpu.memory_space<vmem>>, vector<1x16xf32>,
      %scan3A_57 = arith.constant 0 : i32
      scf.yield %scan3A_57 : i32
    }
    %scan3A_6 = arith.constant 128 : i32
    %scan3A_7 = arith.constant 0 : i32
    %scan3A_8 = arith.constant 0 : i32
    %scan3A_9 = arith.constant 49 : i32
    %scan3A_10 = arith.addi %scan3A_8, %scan3A_9 : i32
    %scan3A_11 = arith.constant 1 : i32
    %scan3A_12 = scf.for %scan3A_50 = %scan3A_8 to %scan3A_10 step %scan3A_11 iter_args(%scan3A_51 = %scan3A_7) -> (i32)  : i32 {
      %mul3A_52 = arith.constant 6272 : i32
      %mul3A_53 = arith.muli %arg1, %mul3A_52 : i32
      %mul3A_54 = arith.constant 128 : i32
      %mul3A_55 = arith.muli %scan3A_50, %mul3A_54 : i32
      %add3A_56 = arith.addi %mul3A_53, %mul3A_55 : i32
      "tpu.region"() ({
        %run_scoped3A = tpu.sem_alloc : memref<!tpu.dma_semaphore, #tpu.memory_space<semaphore_mem>>
        %dma_start3A = arith.constant 0 : i32
        %dma_start3A_58 = tpu.memref_slice %arg10[%add3A_56, %dma_start3A] : memref<100352x16xf32, #tpu.memory_space<vmem_shared>> -> memref<128x16xf32, #tpu.memory_space<vmem_shared>>
        %dma_start3A_59 = arith.constant 0 : i32
        %dma_start3A_60 = tpu.memref_slice %arg10[%add3A_56, %dma_start3A_59] : memref<100352x16xf32, #tpu.memory_space<vmem_shared>> -> memref<128x16xf32, #tpu.memory_space<vmem_shared>>
        tpu.enqueue_dma source(%arg9 : memref<128x16xf32, #tpu.memory_space<vmem>>) target(%dma_start3A_60 : memref<128x16xf32, #tpu.memory_space<vmem_shared>>) target_semaphore(%run_scoped3A : memref<!tpu.dma_semaphore, #tpu.memory_space<semaphore_mem>>)
        %dma_wait3A = arith.constant 0 : i32
        %dma_wait3A_61 = tpu.memref_slice %arg10[%add3A_56, %dma_wait3A] : memref<100352x16xf32, #tpu.memory_space<vmem_shared>> -> memref<128x16xf32, #tpu.memory_space<vmem_shared>>
        %dma_wait3A_62 = arith.constant 0 : i32
        %dma_wait3A_63 = tpu.memref_slice %arg10[%add3A_56, %dma_wait3A_62] : memref<100352x16xf32, #tpu.memory_space<vmem_shared>> -> memref<128x16xf32, #tpu.memory_space<vmem_shared>>
        tpu.wait_dma2 semaphore(%run_scoped3A : memref<!tpu.dma_semaphore, #tpu.memory_space<semaphore_mem>>) src(%arg9 : memref<128x16xf32, #tpu.memory_space<vmem>>) dst(%dma_wait3A_63 : memref<128x16xf32, #tpu.memory_space<vmem_shared>>)
        tpu.yield
      }) : () -> ()
      %scan3A_57 = arith.constant 0 : i32
      scf.yield %scan3A_57 : i32
    }
    %scan3A_13 = arith.constant 49 : i32
    %barrier3A = arith.constant 0 : index
    tpu.barrier barrier_id(%barrier3A)
    %eq3A = arith.constant 0 : i32
    %eq3A_14 = arith.cmpi eq, %arg0, %eq3A : i32
    %mul3A_15 = arith.constant 1400 : i32
    %mul3A_16 = arith.muli %arg1, %mul3A_15 : i32
    %mul3A_17 = arith.constant 200 : i32
    %mul3A_18 = arith.muli %arg1, %mul3A_17 : i32
    %add3A_19 = arith.constant 22400 : i32
    %add3A_20 = arith.addi %add3A_19, %mul3A_18 : i32
    %select_n3A = arith.select %eq3A_14, %mul3A_16, %add3A_20 : i32
    %min3A = arith.constant 25590 : i32
    %min3A_21 = arith.minsi %select_n3A, %min3A : i32
    %eq3A_22 = arith.constant 0 : i32
    %eq3A_23 = arith.cmpi eq, %arg0, %eq3A_22 : i32
    %select_n3A_24 = arith.constant 20 : i32
    %select_n3A_25 = arith.constant 140 : i32
    %select_n3A_26 = arith.select %eq3A_23, %select_n3A_25, %select_n3A_24 : i32
    %gt3A = arith.constant 0 : i32
    %gt3A_27 = arith.cmpi sgt, %select_n3A_26, %gt3A : i32
    %convert_element_type3A = arith.extui %gt3A_27 : i1 to i32
    %cond3A = arith.constant 0 : i32
    %cond3A_28 = arith.cmpi ne, %convert_element_type3A, %cond3A : i32
    scf.if %cond3A_28 {
      %add3A_50 = arith.constant 0 : i32
      %add3A_51 = arith.addi %min3A_21, %add3A_50 : i32
      %rem3A = arith.constant 0 : i32
      %rem3A_52 = arith.constant 2 : i32
      %rem3A_53 = arith.remsi %rem3A, %rem3A_52 : i32
      %dma_start3A = arith.constant 0 : i32
      %dma_start3A_54 = arith.constant 0 : i32
      %dma_start3A_55 = tpu.memref_slice %arg6[%rem3A_53, %dma_start3A, %dma_start3A_54] : memref<2x10x128xi32, #tpu.memory_space<vmem>> -> memref<1x10x128xi32, #tpu.memory_space<vmem>>
      %dma_start3A_56 = tpu.memref_squeeze %dma_start3A_55 : memref<1x10x128xi32, #tpu.memory_space<vmem>> -> memref<10x128xi32, #tpu.memory_space<vmem>>
      %dma_start3A_57 = arith.constant 0 : i32
      %dma_start3A_58 = tpu.memref_slice %arg2[%add3A_51, %dma_start3A_57] : memref<25600x128xi32, #tpu.memory_space<hbm>> -> memref<10x128xi32, #tpu.memory_space<hbm>>
      %dma_start3A_59 = arith.constant 0 : i32
      %dma_start3A_60 = arith.constant 0 : i32
      %dma_start3A_61 = tpu.memref_slice %arg6[%rem3A_53, %dma_start3A_59, %dma_start3A_60] : memref<2x10x128xi32, #tpu.memory_space<vmem>> -> memref<1x10x128xi32, #tpu.memory_space<vmem>>
      %dma_start3A_62 = tpu.memref_squeeze %dma_start3A_61 : memref<1x10x128xi32, #tpu.memory_space<vmem>> -> memref<10x128xi32, #tpu.memory_space<vmem>>
      %dma_start3A_63 = arith.constant 0 : i32
      %dma_start3A_64 = tpu.memref_slice %arg2[%add3A_51, %dma_start3A_63] : memref<25600x128xi32, #tpu.memory_space<hbm>> -> memref<10x128xi32, #tpu.memory_space<hbm>>
      tpu.enqueue_dma source(%dma_start3A_64 : memref<10x128xi32, #tpu.memory_space<hbm>>) target(%dma_start3A_62 : memref<10x128xi32, #tpu.memory_space<vmem>>) target_semaphore(%arg11 : memref<!tpu.dma_semaphore, #tpu.memory_space<semaphore_mem>>)
      %dma_start3A_65 = arith.constant 0 : i32
      %dma_start3A_66 = arith.constant 0 : i32
      %dma_start3A_67 = tpu.memref_slice %arg7[%rem3A_53, %dma_start3A_65, %dma_start3A_66] : memref<2x10x128xi32, #tpu.memory_space<vmem>> -> memref<1x10x128xi32, #tpu.memory_space<vmem>>
      %dma_start3A_68 = tpu.memref_squeeze %dma_start3A_67 : memref<1x10x128xi32, #tpu.memory_space<vmem>> -> memref<10x128xi32, #tpu.memory_space<vmem>>
      %dma_start3A_69 = arith.constant 0 : i32
      %dma_start3A_70 = tpu.memref_slice %arg3[%add3A_51, %dma_start3A_69] : memref<25600x128xi32, #tpu.memory_space<hbm>> -> memref<10x128xi32, #tpu.memory_space<hbm>>
      %dma_start3A_71 = arith.constant 0 : i32
      %dma_start3A_72 = arith.constant 0 : i32
      %dma_start3A_73 = tpu.memref_slice %arg7[%rem3A_53, %dma_start3A_71, %dma_start3A_72] : memref<2x10x128xi32, #tpu.memory_space<vmem>> -> memref<1x10x128xi32, #tpu.memory_space<vmem>>
      %dma_start3A_74 = tpu.memref_squeeze %dma_start3A_73 : memref<1x10x128xi32, #tpu.memory_space<vmem>> -> memref<10x128xi32, #tpu.memory_space<vmem>>
      %dma_start3A_75 = arith.constant 0 : i32
      %dma_start3A_76 = tpu.memref_slice %arg3[%add3A_51, %dma_start3A_75] : memref<25600x128xi32, #tpu.memory_space<hbm>> -> memref<10x128xi32, #tpu.memory_space<hbm>>
      tpu.enqueue_dma source(%dma_start3A_76 : memref<10x128xi32, #tpu.memory_space<hbm>>) target(%dma_start3A_74 : memref<10x128xi32, #tpu.memory_space<vmem>>) target_semaphore(%arg11 : memref<!tpu.dma_semaphore, #tpu.memory_space<semaphore_mem>>)
    } else {
    }
    %while3A = arith.constant 0 : i32
    %while3A_29 = arith.constant 0 : i32
    %while3A_30 = arith.subi %select_n3A_26, %while3A : i32
    %while3A_31 = arith.addi %while3A, %while3A_30 : i32
    %while3A_32 = arith.constant 1 : i32
    %while3A_33 = arith.divsi %while3A_30, %while3A_32 : i32
    %while3A_34 = arith.muli %while3A_33, %while3A_32 : i32
    %while3A_35 = arith.addi %while3A, %while3A_34 : i32
    %while3A_36 = arith.constant 1 : i32
    %while3A_37 = scf.for %while3A_50 = %while3A to %while3A_35 step %while3A_36 iter_args(%while3A_51 = %while3A_29) -> (i32)  : i32 {
      %rem3A = arith.constant 2 : i32
      %rem3A_52 = arith.remsi %while3A_50, %rem3A : i32
      %gt3A_53 = arith.constant 0 : i32
      %gt3A_54 = arith.cmpi sgt, %while3A_50, %gt3A_53 : i32
      %convert_element_type3A_55 = arith.extui %gt3A_54 : i1 to i32
      %cond3A_56 = arith.constant 0 : i32
      %cond3A_57 = arith.cmpi ne, %convert_element_type3A_55, %cond3A_56 : i32
      scf.if %cond3A_57 {
        %dma_wait3A_389 = arith.constant 0 : i32
        %dma_wait3A_390 = arith.constant 0 : i32
        %dma_wait3A_391 = tpu.memref_slice %arg4[%dma_wait3A_389, %dma_wait3A_390] : memref<100352x16xf32, #tpu.memory_space<hbm>> -> memref<1280x16xf32, #tpu.memory_space<hbm>>
        %dma_wait3A_392 = arith.constant 0 : i32
        %dma_wait3A_393 = arith.constant 0 : i32
        %dma_wait3A_394 = tpu.memref_slice %arg4[%dma_wait3A_392, %dma_wait3A_393] : memref<100352x16xf32, #tpu.memory_space<hbm>> -> memref<1280x16xf32, #tpu.memory_space<hbm>>
        tpu.wait_dma2 semaphore(%arg13 : memref<!tpu.dma_semaphore, #tpu.memory_space<semaphore_mem>>) src(%dma_wait3A_394 : memref<1280x16xf32, #tpu.memory_space<hbm>>) dst(%arg8 : memref<1280x16xf32, #tpu.memory_space<vmem>>)
      } else {
      }
      %dma_wait3A = arith.constant 0 : i32
      %dma_wait3A_58 = arith.constant 0 : i32
      %dma_wait3A_59 = tpu.memref_slice %arg6[%rem3A_52, %dma_wait3A, %dma_wait3A_58] : memref<2x10x128xi32, #tpu.memory_space<vmem>> -> memref<1x10x128xi32, #tpu.memory_space<vmem>>
      %dma_wait3A_60 = tpu.memref_squeeze %dma_wait3A_59 : memref<1x10x128xi32, #tpu.memory_space<vmem>> -> memref<10x128xi32, #tpu.memory_space<vmem>>
      %dma_wait3A_61 = arith.constant 0 : i32
      %dma_wait3A_62 = arith.constant 0 : i32
      %dma_wait3A_63 = tpu.memref_slice %arg2[%dma_wait3A_61, %dma_wait3A_62] : memref<25600x128xi32, #tpu.memory_space<hbm>> -> memref<10x128xi32, #tpu.memory_space<hbm>>
      %dma_wait3A_64 = arith.constant 0 : i32
      %dma_wait3A_65 = arith.constant 0 : i32
      %dma_wait3A_66 = tpu.memref_slice %arg6[%rem3A_52, %dma_wait3A_64, %dma_wait3A_65] : memref<2x10x128xi32, #tpu.memory_space<vmem>> -> memref<1x10x128xi32, #tpu.memory_space<vmem>>
      %dma_wait3A_67 = tpu.memref_squeeze %dma_wait3A_66 : memref<1x10x128xi32, #tpu.memory_space<vmem>> -> memref<10x128xi32, #tpu.memory_space<vmem>>
      %dma_wait3A_68 = arith.constant 0 : i32
      %dma_wait3A_69 = arith.constant 0 : i32
      %dma_wait3A_70 = tpu.memref_slice %arg2[%dma_wait3A_68, %dma_wait3A_69] : memref<25600x128xi32, #tpu.memory_space<hbm>> -> memref<10x128xi32, #tpu.memory_space<hbm>>
      tpu.wait_dma2 semaphore(%arg11 : memref<!tpu.dma_semaphore, #tpu.memory_space<semaphore_mem>>) src(%dma_wait3A_70 : memref<10x128xi32, #tpu.memory_space<hbm>>) dst(%dma_wait3A_67 : memref<10x128xi32, #tpu.memory_space<vmem>>)
      %dma_wait3A_71 = arith.constant 0 : i32
      %dma_wait3A_72 = arith.constant 0 : i32
      %dma_wait3A_73 = tpu.memref_slice %arg7[%rem3A_52, %dma_wait3A_71, %dma_wait3A_72] : memref<2x10x128xi32, #tpu.memory_space<vmem>> -> memref<1x10x128xi32, #tpu.memory_space<vmem>>
      %dma_wait3A_74 = tpu.memref_squeeze %dma_wait3A_73 : memref<1x10x128xi32, #tpu.memory_space<vmem>> -> memref<10x128xi32, #tpu.memory_space<vmem>>
      %dma_wait3A_75 = arith.constant 0 : i32
      %dma_wait3A_76 = arith.constant 0 : i32
      %dma_wait3A_77 = tpu.memref_slice %arg3[%dma_wait3A_75, %dma_wait3A_76] : memref<25600x128xi32, #tpu.memory_space<hbm>> -> memref<10x128xi32, #tpu.memory_space<hbm>>
      %dma_wait3A_78 = arith.constant 0 : i32
      %dma_wait3A_79 = arith.constant 0 : i32
      %dma_wait3A_80 = tpu.memref_slice %arg7[%rem3A_52, %dma_wait3A_78, %dma_wait3A_79] : memref<2x10x128xi32, #tpu.memory_space<vmem>> -> memref<1x10x128xi32, #tpu.memory_space<vmem>>
      %dma_wait3A_81 = tpu.memref_squeeze %dma_wait3A_80 : memref<1x10x128xi32, #tpu.memory_space<vmem>> -> memref<10x128xi32, #tpu.memory_space<vmem>>
      %dma_wait3A_82 = arith.constant 0 : i32
      %dma_wait3A_83 = arith.constant 0 : i32
      %dma_wait3A_84 = tpu.memref_slice %arg3[%dma_wait3A_82, %dma_wait3A_83] : memref<25600x128xi32, #tpu.memory_space<hbm>> -> memref<10x128xi32, #tpu.memory_space<hbm>>
      tpu.wait_dma2 semaphore(%arg11 : memref<!tpu.dma_semaphore, #tpu.memory_space<semaphore_mem>>) src(%dma_wait3A_84 : memref<10x128xi32, #tpu.memory_space<hbm>>) dst(%dma_wait3A_81 : memref<10x128xi32, #tpu.memory_space<vmem>>)
      %sub3A = arith.constant 1 : i32
      %sub3A_85 = arith.subi %select_n3A_26, %sub3A : i32
      %lt3A = arith.cmpi slt, %while3A_50, %sub3A_85 : i32
      %convert_element_type3A_86 = arith.extui %lt3A : i1 to i32
      %cond3A_87 = arith.constant 0 : i32
      %cond3A_88 = arith.cmpi ne, %convert_element_type3A_86, %cond3A_87 : i32
      scf.if %cond3A_88 {
        %add3A_389 = arith.constant 1 : i32
        %add3A_390 = arith.addi %while3A_50, %add3A_389 : i32
        %mul3A_391 = arith.constant 10 : i32
        %mul3A_392 = arith.muli %add3A_390, %mul3A_391 : i32
        %add3A_393 = arith.addi %min3A_21, %mul3A_392 : i32
        %rem3A_394 = arith.constant 2 : i32
        %rem3A_395 = arith.remsi %add3A_390, %rem3A_394 : i32
        %dma_start3A_396 = arith.constant 0 : i32
        %dma_start3A_397 = arith.constant 0 : i32
        %dma_start3A_398 = tpu.memref_slice %arg6[%rem3A_395, %dma_start3A_396, %dma_start3A_397] : memref<2x10x128xi32, #tpu.memory_space<vmem>> -> memref<1x10x128xi32, #tpu.memory_space<vmem>>
        %dma_start3A_399 = tpu.memref_squeeze %dma_start3A_398 : memref<1x10x128xi32, #tpu.memory_space<vmem>> -> memref<10x128xi32, #tpu.memory_space<vmem>>
        %dma_start3A_400 = arith.constant 0 : i32
        %dma_start3A_401 = tpu.memref_slice %arg2[%add3A_393, %dma_start3A_400] : memref<25600x128xi32, #tpu.memory_space<hbm>> -> memref<10x128xi32, #tpu.memory_space<hbm>>
        %dma_start3A_402 = arith.constant 0 : i32
        %dma_start3A_403 = arith.constant 0 : i32
        %dma_start3A_404 = tpu.memref_slice %arg6[%rem3A_395, %dma_start3A_402, %dma_start3A_403] : memref<2x10x128xi32, #tpu.memory_space<vmem>> -> memref<1x10x128xi32, #tpu.memory_space<vmem>>
        %dma_start3A_405 = tpu.memref_squeeze %dma_start3A_404 : memref<1x10x128xi32, #tpu.memory_space<vmem>> -> memref<10x128xi32, #tpu.memory_space<vmem>>
        %dma_start3A_406 = arith.constant 0 : i32
        %dma_start3A_407 = tpu.memref_slice %arg2[%add3A_393, %dma_start3A_406] : memref<25600x128xi32, #tpu.memory_space<hbm>> -> memref<10x128xi32, #tpu.memory_space<hbm>>
        tpu.enqueue_dma source(%dma_start3A_407 : memref<10x128xi32, #tpu.memory_space<hbm>>) target(%dma_start3A_405 : memref<10x128xi32, #tpu.memory_space<vmem>>) target_semaphore(%arg11 : memref<!tpu.dma_semaphore, #tpu.memory_space<semaphore_mem>>)
        %dma_start3A_408 = arith.constant 0 : i32
        %dma_start3A_409 = arith.constant 0 : i32
        %dma_start3A_410 = tpu.memref_slice %arg7[%rem3A_395, %dma_start3A_408, %dma_start3A_409] : memref<2x10x128xi32, #tpu.memory_space<vmem>> -> memref<1x10x128xi32, #tpu.memory_space<vmem>>
        %dma_start3A_411 = tpu.memref_squeeze %dma_start3A_410 : memref<1x10x128xi32, #tpu.memory_space<vmem>> -> memref<10x128xi32, #tpu.memory_space<vmem>>
        %dma_start3A_412 = arith.constant 0 : i32
        %dma_start3A_413 = tpu.memref_slice %arg3[%add3A_393, %dma_start3A_412] : memref<25600x128xi32, #tpu.memory_space<hbm>> -> memref<10x128xi32, #tpu.memory_space<hbm>>
        %dma_start3A_414 = arith.constant 0 : i32
        %dma_start3A_415 = arith.constant 0 : i32
        %dma_start3A_416 = tpu.memref_slice %arg7[%rem3A_395, %dma_start3A_414, %dma_start3A_415] : memref<2x10x128xi32, #tpu.memory_space<vmem>> -> memref<1x10x128xi32, #tpu.memory_space<vmem>>
        %dma_start3A_417 = tpu.memref_squeeze %dma_start3A_416 : memref<1x10x128xi32, #tpu.memory_space<vmem>> -> memref<10x128xi32, #tpu.memory_space<vmem>>
        %dma_start3A_418 = arith.constant 0 : i32
        %dma_start3A_419 = tpu.memref_slice %arg3[%add3A_393, %dma_start3A_418] : memref<25600x128xi32, #tpu.memory_space<hbm>> -> memref<10x128xi32, #tpu.memory_space<hbm>>
        tpu.enqueue_dma source(%dma_start3A_419 : memref<10x128xi32, #tpu.memory_space<hbm>>) target(%dma_start3A_417 : memref<10x128xi32, #tpu.memory_space<vmem>>) target_semaphore(%arg11 : memref<!tpu.dma_semaphore, #tpu.memory_space<semaphore_mem>>)
      } else {
      }
      %dma_start3A = arith.constant 0 : i32
      %dma_start3A_89 = arith.constant 0 : i32
      %dma_start3A_90 = arith.constant 0 : i32
      %dma_start3A_91 = tpu.memref_slice %arg8[%dma_start3A_89, %dma_start3A_90] : memref<1280x16xf32, #tpu.memory_space<vmem>> -> memref<128x16xf32, #tpu.memory_space<vmem>>
      %dma_start3A_92 = arith.constant 0 : i32
      %dma_start3A_93 = tpu.memref_slice %arg6[%rem3A_52, %dma_start3A, %dma_start3A_92] : memref<2x10x128xi32, #tpu.memory_space<vmem>> -> memref<1x1x128xi32, #tpu.memory_space<vmem>>
      %dma_start3A_94 = tpu.memref_squeeze %dma_start3A_93 : memref<1x1x128xi32, #tpu.memory_space<vmem>> -> memref<128xi32, #tpu.memory_space<vmem>>
      %dma_start3A_95 = arith.constant 0 : i32
      %dma_start3A_96 = arith.constant 0 : i32
      %dma_start3A_97 = tpu.memref_slice %arg4[%dma_start3A_95, %dma_start3A_96] : memref<100352x16xf32, #tpu.memory_space<hbm>> -> memref<100352x16xf32, #tpu.memory_space<hbm>>
      tpu.enqueue_indirect_dma source(%dma_start3A_97 : memref<100352x16xf32, #tpu.memory_space<hbm>>) target(%dma_start3A_91 : memref<128x16xf32, #tpu.memory_space<vmem>>) offsets(%dma_start3A_94 : memref<128xi32, #tpu.memory_space<vmem>>) semaphore(%arg12 : memref<!tpu.dma_semaphore, #tpu.memory_space<semaphore_mem>>)
      %dma_start3A_98 = arith.constant 1 : i32
      %dma_start3A_99 = arith.constant 128 : i32
      %dma_start3A_100 = arith.constant 0 : i32
      %dma_start3A_101 = tpu.memref_slice %arg8[%dma_start3A_99, %dma_start3A_100] : memref<1280x16xf32, #tpu.memory_space<vmem>> -> memref<128x16xf32, #tpu.memory_space<vmem>>
      %dma_start3A_102 = arith.constant 0 : i32
      %dma_start3A_103 = tpu.memref_slice %arg6[%rem3A_52, %dma_start3A_98, %dma_start3A_102] : memref<2x10x128xi32, #tpu.memory_space<vmem>> -> memref<1x1x128xi32, #tpu.memory_space<vmem>>
      %dma_start3A_104 = tpu.memref_squeeze %dma_start3A_103 : memref<1x1x128xi32, #tpu.memory_space<vmem>> -> memref<128xi32, #tpu.memory_space<vmem>>
      %dma_start3A_105 = arith.constant 0 : i32
      %dma_start3A_106 = arith.constant 0 : i32
      %dma_start3A_107 = tpu.memref_slice %arg4[%dma_start3A_105, %dma_start3A_106] : memref<100352x16xf32, #tpu.memory_space<hbm>> -> memref<100352x16xf32, #tpu.memory_space<hbm>>
      tpu.enqueue_indirect_dma source(%dma_start3A_107 : memref<100352x16xf32, #tpu.memory_space<hbm>>) target(%dma_start3A_101 : memref<128x16xf32, #tpu.memory_space<vmem>>) offsets(%dma_start3A_104 : memref<128xi32, #tpu.memory_space<vmem>>) semaphore(%arg12 : memref<!tpu.dma_semaphore, #tpu.memory_space<semaphore_mem>>)
      %dma_start3A_108 = arith.constant 2 : i32
      %dma_start3A_109 = arith.constant 256 : i32
      %dma_start3A_110 = arith.constant 0 : i32
      %dma_start3A_111 = tpu.memref_slice %arg8[%dma_start3A_109, %dma_start3A_110] : memref<1280x16xf32, #tpu.memory_space<vmem>> -> memref<128x16xf32, #tpu.memory_space<vmem>>
      %dma_start3A_112 = arith.constant 0 : i32
      %dma_start3A_113 = tpu.memref_slice %arg6[%rem3A_52, %dma_start3A_108, %dma_start3A_112] : memref<2x10x128xi32, #tpu.memory_space<vmem>> -> memref<1x1x128xi32, #tpu.memory_space<vmem>>
      %dma_start3A_114 = tpu.memref_squeeze %dma_start3A_113 : memref<1x1x128xi32, #tpu.memory_space<vmem>> -> memref<128xi32, #tpu.memory_space<vmem>>
      %dma_start3A_115 = arith.constant 0 : i32
      %dma_start3A_116 = arith.constant 0 : i32
      %dma_start3A_117 = tpu.memref_slice %arg4[%dma_start3A_115, %dma_start3A_116] : memref<100352x16xf32, #tpu.memory_space<hbm>> -> memref<100352x16xf32, #tpu.memory_space<hbm>>
      tpu.enqueue_indirect_dma source(%dma_start3A_117 : memref<100352x16xf32, #tpu.memory_space<hbm>>) target(%dma_start3A_111 : memref<128x16xf32, #tpu.memory_space<vmem>>) offsets(%dma_start3A_114 : memref<128xi32, #tpu.memory_space<vmem>>) semaphore(%arg12 : memref<!tpu.dma_semaphore, #tpu.memory_space<semaphore_mem>>)
      %dma_start3A_118 = arith.constant 3 : i32
      %dma_start3A_119 = arith.constant 384 : i32
      %dma_start3A_120 = arith.constant 0 : i32
      %dma_start3A_121 = tpu.memref_slice %arg8[%dma_start3A_119, %dma_start3A_120] : memref<1280x16xf32, #tpu.memory_space<vmem>> -> memref<128x16xf32, #tpu.memory_space<vmem>>
      %dma_start3A_122 = arith.constant 0 : i32
      %dma_start3A_123 = tpu.memref_slice %arg6[%rem3A_52, %dma_start3A_118, %dma_start3A_122] : memref<2x10x128xi32, #tpu.memory_space<vmem>> -> memref<1x1x128xi32, #tpu.memory_space<vmem>>
      %dma_start3A_124 = tpu.memref_squeeze %dma_start3A_123 : memref<1x1x128xi32, #tpu.memory_space<vmem>> -> memref<128xi32, #tpu.memory_space<vmem>>
      %dma_start3A_125 = arith.constant 0 : i32
      %dma_start3A_126 = arith.constant 0 : i32
      %dma_start3A_127 = tpu.memref_slice %arg4[%dma_start3A_125, %dma_start3A_126] : memref<100352x16xf32, #tpu.memory_space<hbm>> -> memref<100352x16xf32, #tpu.memory_space<hbm>>
      tpu.enqueue_indirect_dma source(%dma_start3A_127 : memref<100352x16xf32, #tpu.memory_space<hbm>>) target(%dma_start3A_121 : memref<128x16xf32, #tpu.memory_space<vmem>>) offsets(%dma_start3A_124 : memref<128xi32, #tpu.memory_space<vmem>>) semaphore(%arg12 : memref<!tpu.dma_semaphore, #tpu.memory_space<semaphore_mem>>)
      %dma_start3A_128 = arith.constant 4 : i32
      %dma_start3A_129 = arith.constant 512 : i32
      %dma_start3A_130 = arith.constant 0 : i32
      %dma_start3A_131 = tpu.memref_slice %arg8[%dma_start3A_129, %dma_start3A_130] : memref<1280x16xf32, #tpu.memory_space<vmem>> -> memref<128x16xf32, #tpu.memory_space<vmem>>
      %dma_start3A_132 = arith.constant 0 : i32
      %dma_start3A_133 = tpu.memref_slice %arg6[%rem3A_52, %dma_start3A_128, %dma_start3A_132] : memref<2x10x128xi32, #tpu.memory_space<vmem>> -> memref<1x1x128xi32, #tpu.memory_space<vmem>>
      %dma_start3A_134 = tpu.memref_squeeze %dma_start3A_133 : memref<1x1x128xi32, #tpu.memory_space<vmem>> -> memref<128xi32, #tpu.memory_space<vmem>>
      %dma_start3A_135 = arith.constant 0 : i32
      %dma_start3A_136 = arith.constant 0 : i32
      %dma_start3A_137 = tpu.memref_slice %arg4[%dma_start3A_135, %dma_start3A_136] : memref<100352x16xf32, #tpu.memory_space<hbm>> -> memref<100352x16xf32, #tpu.memory_space<hbm>>
      tpu.enqueue_indirect_dma source(%dma_start3A_137 : memref<100352x16xf32, #tpu.memory_space<hbm>>) target(%dma_start3A_131 : memref<128x16xf32, #tpu.memory_space<vmem>>) offsets(%dma_start3A_134 : memref<128xi32, #tpu.memory_space<vmem>>) semaphore(%arg12 : memref<!tpu.dma_semaphore, #tpu.memory_space<semaphore_mem>>)
      %dma_start3A_138 = arith.constant 5 : i32
      %dma_start3A_139 = arith.constant 640 : i32
      %dma_start3A_140 = arith.constant 0 : i32
      %dma_start3A_141 = tpu.memref_slice %arg8[%dma_start3A_139, %dma_start3A_140] : memref<1280x16xf32, #tpu.memory_space<vmem>> -> memref<128x16xf32, #tpu.memory_space<vmem>>
      %dma_start3A_142 = arith.constant 0 : i32
      %dma_start3A_143 = tpu.memref_slice %arg6[%rem3A_52, %dma_start3A_138, %dma_start3A_142] : memref<2x10x128xi32, #tpu.memory_space<vmem>> -> memref<1x1x128xi32, #tpu.memory_space<vmem>>
      %dma_start3A_144 = tpu.memref_squeeze %dma_start3A_143 : memref<1x1x128xi32, #tpu.memory_space<vmem>> -> memref<128xi32, #tpu.memory_space<vmem>>
      %dma_start3A_145 = arith.constant 0 : i32
      %dma_start3A_146 = arith.constant 0 : i32
      %dma_start3A_147 = tpu.memref_slice %arg4[%dma_start3A_145, %dma_start3A_146] : memref<100352x16xf32, #tpu.memory_space<hbm>> -> memref<100352x16xf32, #tpu.memory_space<hbm>>
      tpu.enqueue_indirect_dma source(%dma_start3A_147 : memref<100352x16xf32, #tpu.memory_space<hbm>>) target(%dma_start3A_141 : memref<128x16xf32, #tpu.memory_space<vmem>>) offsets(%dma_start3A_144 : memref<128xi32, #tpu.memory_space<vmem>>) semaphore(%arg12 : memref<!tpu.dma_semaphore, #tpu.memory_space<semaphore_mem>>)
      %dma_start3A_148 = arith.constant 6 : i32
      %dma_start3A_149 = arith.constant 768 : i32
      %dma_start3A_150 = arith.constant 0 : i32
      %dma_start3A_151 = tpu.memref_slice %arg8[%dma_start3A_149, %dma_start3A_150] : memref<1280x16xf32, #tpu.memory_space<vmem>> -> memref<128x16xf32, #tpu.memory_space<vmem>>
      %dma_start3A_152 = arith.constant 0 : i32
      %dma_start3A_153 = tpu.memref_slice %arg6[%rem3A_52, %dma_start3A_148, %dma_start3A_152] : memref<2x10x128xi32, #tpu.memory_space<vmem>> -> memref<1x1x128xi32, #tpu.memory_space<vmem>>
      %dma_start3A_154 = tpu.memref_squeeze %dma_start3A_153 : memref<1x1x128xi32, #tpu.memory_space<vmem>> -> memref<128xi32, #tpu.memory_space<vmem>>
      %dma_start3A_155 = arith.constant 0 : i32
      %dma_start3A_156 = arith.constant 0 : i32
      %dma_start3A_157 = tpu.memref_slice %arg4[%dma_start3A_155, %dma_start3A_156] : memref<100352x16xf32, #tpu.memory_space<hbm>> -> memref<100352x16xf32, #tpu.memory_space<hbm>>
      tpu.enqueue_indirect_dma source(%dma_start3A_157 : memref<100352x16xf32, #tpu.memory_space<hbm>>) target(%dma_start3A_151 : memref<128x16xf32, #tpu.memory_space<vmem>>) offsets(%dma_start3A_154 : memref<128xi32, #tpu.memory_space<vmem>>) semaphore(%arg12 : memref<!tpu.dma_semaphore, #tpu.memory_space<semaphore_mem>>)
      %dma_start3A_158 = arith.constant 7 : i32
      %dma_start3A_159 = arith.constant 896 : i32
      %dma_start3A_160 = arith.constant 0 : i32
      %dma_start3A_161 = tpu.memref_slice %arg8[%dma_start3A_159, %dma_start3A_160] : memref<1280x16xf32, #tpu.memory_space<vmem>> -> memref<128x16xf32, #tpu.memory_space<vmem>>
      %dma_start3A_162 = arith.constant 0 : i32
      %dma_start3A_163 = tpu.memref_slice %arg6[%rem3A_52, %dma_start3A_158, %dma_start3A_162] : memref<2x10x128xi32, #tpu.memory_space<vmem>> -> memref<1x1x128xi32, #tpu.memory_space<vmem>>
      %dma_start3A_164 = tpu.memref_squeeze %dma_start3A_163 : memref<1x1x128xi32, #tpu.memory_space<vmem>> -> memref<128xi32, #tpu.memory_space<vmem>>
      %dma_start3A_165 = arith.constant 0 : i32
      %dma_start3A_166 = arith.constant 0 : i32
      %dma_start3A_167 = tpu.memref_slice %arg4[%dma_start3A_165, %dma_start3A_166] : memref<100352x16xf32, #tpu.memory_space<hbm>> -> memref<100352x16xf32, #tpu.memory_space<hbm>>
      tpu.enqueue_indirect_dma source(%dma_start3A_167 : memref<100352x16xf32, #tpu.memory_space<hbm>>) target(%dma_start3A_161 : memref<128x16xf32, #tpu.memory_space<vmem>>) offsets(%dma_start3A_164 : memref<128xi32, #tpu.memory_space<vmem>>) semaphore(%arg12 : memref<!tpu.dma_semaphore, #tpu.memory_space<semaphore_mem>>)
      %dma_start3A_168 = arith.constant 8 : i32
      %dma_start3A_169 = arith.constant 1024 : i32
      %dma_start3A_170 = arith.constant 0 : i32
      %dma_start3A_171 = tpu.memref_slice %arg8[%dma_start3A_169, %dma_start3A_170] : memref<1280x16xf32, #tpu.memory_space<vmem>> -> memref<128x16xf32, #tpu.memory_space<vmem>>
      %dma_start3A_172 = arith.constant 0 : i32
      %dma_start3A_173 = tpu.memref_slice %arg6[%rem3A_52, %dma_start3A_168, %dma_start3A_172] : memref<2x10x128xi32, #tpu.memory_space<vmem>> -> memref<1x1x128xi32, #tpu.memory_space<vmem>>
      %dma_start3A_174 = tpu.memref_squeeze %dma_start3A_173 : memref<1x1x128xi32, #tpu.memory_space<vmem>> -> memref<128xi32, #tpu.memory_space<vmem>>
      %dma_start3A_175 = arith.constant 0 : i32
      %dma_start3A_176 = arith.constant 0 : i32
      %dma_start3A_177 = tpu.memref_slice %arg4[%dma_start3A_175, %dma_start3A_176] : memref<100352x16xf32, #tpu.memory_space<hbm>> -> memref<100352x16xf32, #tpu.memory_space<hbm>>
      tpu.enqueue_indirect_dma source(%dma_start3A_177 : memref<100352x16xf32, #tpu.memory_space<hbm>>) target(%dma_start3A_171 : memref<128x16xf32, #tpu.memory_space<vmem>>) offsets(%dma_start3A_174 : memref<128xi32, #tpu.memory_space<vmem>>) semaphore(%arg12 : memref<!tpu.dma_semaphore, #tpu.memory_space<semaphore_mem>>)
      %dma_start3A_178 = arith.constant 9 : i32
      %dma_start3A_179 = arith.constant 1152 : i32
      %dma_start3A_180 = arith.constant 0 : i32
      %dma_start3A_181 = tpu.memref_slice %arg8[%dma_start3A_179, %dma_start3A_180] : memref<1280x16xf32, #tpu.memory_space<vmem>> -> memref<128x16xf32, #tpu.memory_space<vmem>>
      %dma_start3A_182 = arith.constant 0 : i32
      %dma_start3A_183 = tpu.memref_slice %arg6[%rem3A_52, %dma_start3A_178, %dma_start3A_182] : memref<2x10x128xi32, #tpu.memory_space<vmem>> -> memref<1x1x128xi32, #tpu.memory_space<vmem>>
      %dma_start3A_184 = tpu.memref_squeeze %dma_start3A_183 : memref<1x1x128xi32, #tpu.memory_space<vmem>> -> memref<128xi32, #tpu.memory_space<vmem>>
      %dma_start3A_185 = arith.constant 0 : i32
      %dma_start3A_186 = arith.constant 0 : i32
      %dma_start3A_187 = tpu.memref_slice %arg4[%dma_start3A_185, %dma_start3A_186] : memref<100352x16xf32, #tpu.memory_space<hbm>> -> memref<100352x16xf32, #tpu.memory_space<hbm>>
      tpu.enqueue_indirect_dma source(%dma_start3A_187 : memref<100352x16xf32, #tpu.memory_space<hbm>>) target(%dma_start3A_181 : memref<128x16xf32, #tpu.memory_space<vmem>>) offsets(%dma_start3A_184 : memref<128xi32, #tpu.memory_space<vmem>>) semaphore(%arg12 : memref<!tpu.dma_semaphore, #tpu.memory_space<semaphore_mem>>)
      %dma_wait3A_188 = arith.constant 0 : i32
      %dma_wait3A_189 = arith.constant 0 : i32
      %dma_wait3A_190 = arith.constant 0 : i32
      %dma_wait3A_191 = tpu.memref_slice %arg8[%dma_wait3A_189, %dma_wait3A_190] : memref<1280x16xf32, #tpu.memory_space<vmem>> -> memref<128x16xf32, #tpu.memory_space<vmem>>
      %dma_wait3A_192 = arith.constant 0 : i32
      %dma_wait3A_193 = tpu.memref_slice %arg6[%rem3A_52, %dma_wait3A_188, %dma_wait3A_192] : memref<2x10x128xi32, #tpu.memory_space<vmem>> -> memref<1x1x128xi32, #tpu.memory_space<vmem>>
      %dma_wait3A_194 = tpu.memref_squeeze %dma_wait3A_193 : memref<1x1x128xi32, #tpu.memory_space<vmem>> -> memref<128xi32, #tpu.memory_space<vmem>>
      %dma_wait3A_195 = arith.constant 0 : i32
      %dma_wait3A_196 = arith.constant 0 : i32
      %dma_wait3A_197 = tpu.memref_slice %arg4[%dma_wait3A_195, %dma_wait3A_196] : memref<100352x16xf32, #tpu.memory_space<hbm>> -> memref<100352x16xf32, #tpu.memory_space<hbm>>
      tpu.wait_indirect_dma semaphore(%arg12 : memref<!tpu.dma_semaphore, #tpu.memory_space<semaphore_mem>>) src(%dma_wait3A_197 : memref<100352x16xf32, #tpu.memory_space<hbm>>) dst(%dma_wait3A_191 : memref<128x16xf32, #tpu.memory_space<vmem>>)
      %dma_start3A_198 = arith.constant 0 : i32
      %dma_start3A_199 = arith.constant 0 : i32
      %dma_start3A_200 = arith.constant 0 : i32
      %dma_start3A_201 = tpu.memref_slice %arg8[%dma_start3A_199, %dma_start3A_200] : memref<1280x16xf32, #tpu.memory_space<vmem>> -> memref<128x16xf32, #tpu.memory_space<vmem>>
      %dma_start3A_202 = arith.constant 0 : i32
      %dma_start3A_203 = tpu.memref_slice %arg7[%rem3A_52, %dma_start3A_198, %dma_start3A_202] : memref<2x10x128xi32, #tpu.memory_space<vmem>> -> memref<1x1x128xi32, #tpu.memory_space<vmem>>
      %dma_start3A_204 = tpu.memref_squeeze %dma_start3A_203 : memref<1x1x128xi32, #tpu.memory_space<vmem>> -> memref<128xi32, #tpu.memory_space<vmem>>
      %dma_start3A_205 = arith.constant 0 : i32
      %dma_start3A_206 = arith.constant 0 : i32
      %dma_start3A_207 = tpu.memref_slice %arg10[%dma_start3A_205, %dma_start3A_206] : memref<100352x16xf32, #tpu.memory_space<vmem_shared>> -> memref<100352x16xf32, #tpu.memory_space<vmem_shared>>
      tpu.enqueue_indirect_dma source(%dma_start3A_201 : memref<128x16xf32, #tpu.memory_space<vmem>>) target(%dma_start3A_207 : memref<100352x16xf32, #tpu.memory_space<vmem_shared>>) offsets(%dma_start3A_204 : memref<128xi32, #tpu.memory_space<vmem>>) semaphore(%arg13 : memref<!tpu.dma_semaphore, #tpu.memory_space<semaphore_mem>>) {add = true}
      %dma_wait3A_208 = arith.constant 1 : i32
      %dma_wait3A_209 = arith.constant 128 : i32
      %dma_wait3A_210 = arith.constant 0 : i32
      %dma_wait3A_211 = tpu.memref_slice %arg8[%dma_wait3A_209, %dma_wait3A_210] : memref<1280x16xf32, #tpu.memory_space<vmem>> -> memref<128x16xf32, #tpu.memory_space<vmem>>
      %dma_wait3A_212 = arith.constant 0 : i32
      %dma_wait3A_213 = tpu.memref_slice %arg6[%rem3A_52, %dma_wait3A_208, %dma_wait3A_212] : memref<2x10x128xi32, #tpu.memory_space<vmem>> -> memref<1x1x128xi32, #tpu.memory_space<vmem>>
      %dma_wait3A_214 = tpu.memref_squeeze %dma_wait3A_213 : memref<1x1x128xi32, #tpu.memory_space<vmem>> -> memref<128xi32, #tpu.memory_space<vmem>>
      %dma_wait3A_215 = arith.constant 0 : i32
      %dma_wait3A_216 = arith.constant 0 : i32
      %dma_wait3A_217 = tpu.memref_slice %arg4[%dma_wait3A_215, %dma_wait3A_216] : memref<100352x16xf32, #tpu.memory_space<hbm>> -> memref<100352x16xf32, #tpu.memory_space<hbm>>
      tpu.wait_indirect_dma semaphore(%arg12 : memref<!tpu.dma_semaphore, #tpu.memory_space<semaphore_mem>>) src(%dma_wait3A_217 : memref<100352x16xf32, #tpu.memory_space<hbm>>) dst(%dma_wait3A_211 : memref<128x16xf32, #tpu.memory_space<vmem>>)
      %dma_start3A_218 = arith.constant 1 : i32
      %dma_start3A_219 = arith.constant 128 : i32
      %dma_start3A_220 = arith.constant 0 : i32
      %dma_start3A_221 = tpu.memref_slice %arg8[%dma_start3A_219, %dma_start3A_220] : memref<1280x16xf32, #tpu.memory_space<vmem>> -> memref<128x16xf32, #tpu.memory_space<vmem>>
      %dma_start3A_222 = arith.constant 0 : i32
      %dma_start3A_223 = tpu.memref_slice %arg7[%rem3A_52, %dma_start3A_218, %dma_start3A_222] : memref<2x10x128xi32, #tpu.memory_space<vmem>> -> memref<1x1x128xi32, #tpu.memory_space<vmem>>
      %dma_start3A_224 = tpu.memref_squeeze %dma_start3A_223 : memref<1x1x128xi32, #tpu.memory_space<vmem>> -> memref<128xi32, #tpu.memory_space<vmem>>
      %dma_start3A_225 = arith.constant 0 : i32
      %dma_start3A_226 = arith.constant 0 : i32
      %dma_start3A_227 = tpu.memref_slice %arg10[%dma_start3A_225, %dma_start3A_226] : memref<100352x16xf32, #tpu.memory_space<vmem_shared>> -> memref<100352x16xf32, #tpu.memory_space<vmem_shared>>
      tpu.enqueue_indirect_dma source(%dma_start3A_221 : memref<128x16xf32, #tpu.memory_space<vmem>>) target(%dma_start3A_227 : memref<100352x16xf32, #tpu.memory_space<vmem_shared>>) offsets(%dma_start3A_224 : memref<128xi32, #tpu.memory_space<vmem>>) semaphore(%arg13 : memref<!tpu.dma_semaphore, #tpu.memory_space<semaphore_mem>>) {add = true}
      %dma_wait3A_228 = arith.constant 2 : i32
      %dma_wait3A_229 = arith.constant 256 : i32
      %dma_wait3A_230 = arith.constant 0 : i32
      %dma_wait3A_231 = tpu.memref_slice %arg8[%dma_wait3A_229, %dma_wait3A_230] : memref<1280x16xf32, #tpu.memory_space<vmem>> -> memref<128x16xf32, #tpu.memory_space<vmem>>
      %dma_wait3A_232 = arith.constant 0 : i32
      %dma_wait3A_233 = tpu.memref_slice %arg6[%rem3A_52, %dma_wait3A_228, %dma_wait3A_232] : memref<2x10x128xi32, #tpu.memory_space<vmem>> -> memref<1x1x128xi32, #tpu.memory_space<vmem>>
      %dma_wait3A_234 = tpu.memref_squeeze %dma_wait3A_233 : memref<1x1x128xi32, #tpu.memory_space<vmem>> -> memref<128xi32, #tpu.memory_space<vmem>>
      %dma_wait3A_235 = arith.constant 0 : i32
      %dma_wait3A_236 = arith.constant 0 : i32
      %dma_wait3A_237 = tpu.memref_slice %arg4[%dma_wait3A_235, %dma_wait3A_236] : memref<100352x16xf32, #tpu.memory_space<hbm>> -> memref<100352x16xf32, #tpu.memory_space<hbm>>
      tpu.wait_indirect_dma semaphore(%arg12 : memref<!tpu.dma_semaphore, #tpu.memory_space<semaphore_mem>>) src(%dma_wait3A_237 : memref<100352x16xf32, #tpu.memory_space<hbm>>) dst(%dma_wait3A_231 : memref<128x16xf32, #tpu.memory_space<vmem>>)
      %dma_start3A_238 = arith.constant 2 : i32
      %dma_start3A_239 = arith.constant 256 : i32
      %dma_start3A_240 = arith.constant 0 : i32
      %dma_start3A_241 = tpu.memref_slice %arg8[%dma_start3A_239, %dma_start3A_240] : memref<1280x16xf32, #tpu.memory_space<vmem>> -> memref<128x16xf32, #tpu.memory_space<vmem>>
      %dma_start3A_242 = arith.constant 0 : i32
      %dma_start3A_243 = tpu.memref_slice %arg7[%rem3A_52, %dma_start3A_238, %dma_start3A_242] : memref<2x10x128xi32, #tpu.memory_space<vmem>> -> memref<1x1x128xi32, #tpu.memory_space<vmem>>
      %dma_start3A_244 = tpu.memref_squeeze %dma_start3A_243 : memref<1x1x128xi32, #tpu.memory_space<vmem>> -> memref<128xi32, #tpu.memory_space<vmem>>
      %dma_start3A_245 = arith.constant 0 : i32
      %dma_start3A_246 = arith.constant 0 : i32
      %dma_start3A_247 = tpu.memref_slice %arg10[%dma_start3A_245, %dma_start3A_246] : memref<100352x16xf32, #tpu.memory_space<vmem_shared>> -> memref<100352x16xf32, #tpu.memory_space<vmem_shared>>
      tpu.enqueue_indirect_dma source(%dma_start3A_241 : memref<128x16xf32, #tpu.memory_space<vmem>>) target(%dma_start3A_247 : memref<100352x16xf32, #tpu.memory_space<vmem_shared>>) offsets(%dma_start3A_244 : memref<128xi32, #tpu.memory_space<vmem>>) semaphore(%arg13 : memref<!tpu.dma_semaphore, #tpu.memory_space<semaphore_mem>>) {add = true}
      %dma_wait3A_248 = arith.constant 3 : i32
      %dma_wait3A_249 = arith.constant 384 : i32
      %dma_wait3A_250 = arith.constant 0 : i32
      %dma_wait3A_251 = tpu.memref_slice %arg8[%dma_wait3A_249, %dma_wait3A_250] : memref<1280x16xf32, #tpu.memory_space<vmem>> -> memref<128x16xf32, #tpu.memory_space<vmem>>
      %dma_wait3A_252 = arith.constant 0 : i32
      %dma_wait3A_253 = tpu.memref_slice %arg6[%rem3A_52, %dma_wait3A_248, %dma_wait3A_252] : memref<2x10x128xi32, #tpu.memory_space<vmem>> -> memref<1x1x128xi32, #tpu.memory_space<vmem>>
      %dma_wait3A_254 = tpu.memref_squeeze %dma_wait3A_253 : memref<1x1x128xi32, #tpu.memory_space<vmem>> -> memref<128xi32, #tpu.memory_space<vmem>>
      %dma_wait3A_255 = arith.constant 0 : i32
      %dma_wait3A_256 = arith.constant 0 : i32
      %dma_wait3A_257 = tpu.memref_slice %arg4[%dma_wait3A_255, %dma_wait3A_256] : memref<100352x16xf32, #tpu.memory_space<hbm>> -> memref<100352x16xf32, #tpu.memory_space<hbm>>
      tpu.wait_indirect_dma semaphore(%arg12 : memref<!tpu.dma_semaphore, #tpu.memory_space<semaphore_mem>>) src(%dma_wait3A_257 : memref<100352x16xf32, #tpu.memory_space<hbm>>) dst(%dma_wait3A_251 : memref<128x16xf32, #tpu.memory_space<vmem>>)
      %dma_start3A_258 = arith.constant 3 : i32
      %dma_start3A_259 = arith.constant 384 : i32
      %dma_start3A_260 = arith.constant 0 : i32
      %dma_start3A_261 = tpu.memref_slice %arg8[%dma_start3A_259, %dma_start3A_260] : memref<1280x16xf32, #tpu.memory_space<vmem>> -> memref<128x16xf32, #tpu.memory_space<vmem>>
      %dma_start3A_262 = arith.constant 0 : i32
      %dma_start3A_263 = tpu.memref_slice %arg7[%rem3A_52, %dma_start3A_258, %dma_start3A_262] : memref<2x10x128xi32, #tpu.memory_space<vmem>> -> memref<1x1x128xi32, #tpu.memory_space<vmem>>
      %dma_start3A_264 = tpu.memref_squeeze %dma_start3A_263 : memref<1x1x128xi32, #tpu.memory_space<vmem>> -> memref<128xi32, #tpu.memory_space<vmem>>
      %dma_start3A_265 = arith.constant 0 : i32
      %dma_start3A_266 = arith.constant 0 : i32
      %dma_start3A_267 = tpu.memref_slice %arg10[%dma_start3A_265, %dma_start3A_266] : memref<100352x16xf32, #tpu.memory_space<vmem_shared>> -> memref<100352x16xf32, #tpu.memory_space<vmem_shared>>
      tpu.enqueue_indirect_dma source(%dma_start3A_261 : memref<128x16xf32, #tpu.memory_space<vmem>>) target(%dma_start3A_267 : memref<100352x16xf32, #tpu.memory_space<vmem_shared>>) offsets(%dma_start3A_264 : memref<128xi32, #tpu.memory_space<vmem>>) semaphore(%arg13 : memref<!tpu.dma_semaphore, #tpu.memory_space<semaphore_mem>>) {add = true}
      %dma_wait3A_268 = arith.constant 4 : i32
      %dma_wait3A_269 = arith.constant 512 : i32
      %dma_wait3A_270 = arith.constant 0 : i32
      %dma_wait3A_271 = tpu.memref_slice %arg8[%dma_wait3A_269, %dma_wait3A_270] : memref<1280x16xf32, #tpu.memory_space<vmem>> -> memref<128x16xf32, #tpu.memory_space<vmem>>
      %dma_wait3A_272 = arith.constant 0 : i32
      %dma_wait3A_273 = tpu.memref_slice %arg6[%rem3A_52, %dma_wait3A_268, %dma_wait3A_272] : memref<2x10x128xi32, #tpu.memory_space<vmem>> -> memref<1x1x128xi32, #tpu.memory_space<vmem>>
      %dma_wait3A_274 = tpu.memref_squeeze %dma_wait3A_273 : memref<1x1x128xi32, #tpu.memory_space<vmem>> -> memref<128xi32, #tpu.memory_space<vmem>>
      %dma_wait3A_275 = arith.constant 0 : i32
      %dma_wait3A_276 = arith.constant 0 : i32
      %dma_wait3A_277 = tpu.memref_slice %arg4[%dma_wait3A_275, %dma_wait3A_276] : memref<100352x16xf32, #tpu.memory_space<hbm>> -> memref<100352x16xf32, #tpu.memory_space<hbm>>
      tpu.wait_indirect_dma semaphore(%arg12 : memref<!tpu.dma_semaphore, #tpu.memory_space<semaphore_mem>>) src(%dma_wait3A_277 : memref<100352x16xf32, #tpu.memory_space<hbm>>) dst(%dma_wait3A_271 : memref<128x16xf32, #tpu.memory_space<vmem>>)
      %dma_start3A_278 = arith.constant 4 : i32
      %dma_start3A_279 = arith.constant 512 : i32
      %dma_start3A_280 = arith.constant 0 : i32
      %dma_start3A_281 = tpu.memref_slice %arg8[%dma_start3A_279, %dma_start3A_280] : memref<1280x16xf32, #tpu.memory_space<vmem>> -> memref<128x16xf32, #tpu.memory_space<vmem>>
      %dma_start3A_282 = arith.constant 0 : i32
      %dma_start3A_283 = tpu.memref_slice %arg7[%rem3A_52, %dma_start3A_278, %dma_start3A_282] : memref<2x10x128xi32, #tpu.memory_space<vmem>> -> memref<1x1x128xi32, #tpu.memory_space<vmem>>
      %dma_start3A_284 = tpu.memref_squeeze %dma_start3A_283 : memref<1x1x128xi32, #tpu.memory_space<vmem>> -> memref<128xi32, #tpu.memory_space<vmem>>
      %dma_start3A_285 = arith.constant 0 : i32
      %dma_start3A_286 = arith.constant 0 : i32
      %dma_start3A_287 = tpu.memref_slice %arg10[%dma_start3A_285, %dma_start3A_286] : memref<100352x16xf32, #tpu.memory_space<vmem_shared>> -> memref<100352x16xf32, #tpu.memory_space<vmem_shared>>
      tpu.enqueue_indirect_dma source(%dma_start3A_281 : memref<128x16xf32, #tpu.memory_space<vmem>>) target(%dma_start3A_287 : memref<100352x16xf32, #tpu.memory_space<vmem_shared>>) offsets(%dma_start3A_284 : memref<128xi32, #tpu.memory_space<vmem>>) semaphore(%arg13 : memref<!tpu.dma_semaphore, #tpu.memory_space<semaphore_mem>>) {add = true}
      %dma_wait3A_288 = arith.constant 5 : i32
      %dma_wait3A_289 = arith.constant 640 : i32
      %dma_wait3A_290 = arith.constant 0 : i32
      %dma_wait3A_291 = tpu.memref_slice %arg8[%dma_wait3A_289, %dma_wait3A_290] : memref<1280x16xf32, #tpu.memory_space<vmem>> -> memref<128x16xf32, #tpu.memory_space<vmem>>
      %dma_wait3A_292 = arith.constant 0 : i32
      %dma_wait3A_293 = tpu.memref_slice %arg6[%rem3A_52, %dma_wait3A_288, %dma_wait3A_292] : memref<2x10x128xi32, #tpu.memory_space<vmem>> -> memref<1x1x128xi32, #tpu.memory_space<vmem>>
      %dma_wait3A_294 = tpu.memref_squeeze %dma_wait3A_293 : memref<1x1x128xi32, #tpu.memory_space<vmem>> -> memref<128xi32, #tpu.memory_space<vmem>>
      %dma_wait3A_295 = arith.constant 0 : i32
      %dma_wait3A_296 = arith.constant 0 : i32
      %dma_wait3A_297 = tpu.memref_slice %arg4[%dma_wait3A_295, %dma_wait3A_296] : memref<100352x16xf32, #tpu.memory_space<hbm>> -> memref<100352x16xf32, #tpu.memory_space<hbm>>
      tpu.wait_indirect_dma semaphore(%arg12 : memref<!tpu.dma_semaphore, #tpu.memory_space<semaphore_mem>>) src(%dma_wait3A_297 : memref<100352x16xf32, #tpu.memory_space<hbm>>) dst(%dma_wait3A_291 : memref<128x16xf32, #tpu.memory_space<vmem>>)
      %dma_start3A_298 = arith.constant 5 : i32
      %dma_start3A_299 = arith.constant 640 : i32
      %dma_start3A_300 = arith.constant 0 : i32
      %dma_start3A_301 = tpu.memref_slice %arg8[%dma_start3A_299, %dma_start3A_300] : memref<1280x16xf32, #tpu.memory_space<vmem>> -> memref<128x16xf32, #tpu.memory_space<vmem>>
      %dma_start3A_302 = arith.constant 0 : i32
      %dma_start3A_303 = tpu.memref_slice %arg7[%rem3A_52, %dma_start3A_298, %dma_start3A_302] : memref<2x10x128xi32, #tpu.memory_space<vmem>> -> memref<1x1x128xi32, #tpu.memory_space<vmem>>
      %dma_start3A_304 = tpu.memref_squeeze %dma_start3A_303 : memref<1x1x128xi32, #tpu.memory_space<vmem>> -> memref<128xi32, #tpu.memory_space<vmem>>
      %dma_start3A_305 = arith.constant 0 : i32
      %dma_start3A_306 = arith.constant 0 : i32
      %dma_start3A_307 = tpu.memref_slice %arg10[%dma_start3A_305, %dma_start3A_306] : memref<100352x16xf32, #tpu.memory_space<vmem_shared>> -> memref<100352x16xf32, #tpu.memory_space<vmem_shared>>
      tpu.enqueue_indirect_dma source(%dma_start3A_301 : memref<128x16xf32, #tpu.memory_space<vmem>>) target(%dma_start3A_307 : memref<100352x16xf32, #tpu.memory_space<vmem_shared>>) offsets(%dma_start3A_304 : memref<128xi32, #tpu.memory_space<vmem>>) semaphore(%arg13 : memref<!tpu.dma_semaphore, #tpu.memory_space<semaphore_mem>>) {add = true}
      %dma_wait3A_308 = arith.constant 6 : i32
      %dma_wait3A_309 = arith.constant 768 : i32
      %dma_wait3A_310 = arith.constant 0 : i32
      %dma_wait3A_311 = tpu.memref_slice %arg8[%dma_wait3A_309, %dma_wait3A_310] : memref<1280x16xf32, #tpu.memory_space<vmem>> -> memref<128x16xf32, #tpu.memory_space<vmem>>
      %dma_wait3A_312 = arith.constant 0 : i32
      %dma_wait3A_313 = tpu.memref_slice %arg6[%rem3A_52, %dma_wait3A_308, %dma_wait3A_312] : memref<2x10x128xi32, #tpu.memory_space<vmem>> -> memref<1x1x128xi32, #tpu.memory_space<vmem>>
      %dma_wait3A_314 = tpu.memref_squeeze %dma_wait3A_313 : memref<1x1x128xi32, #tpu.memory_space<vmem>> -> memref<128xi32, #tpu.memory_space<vmem>>
      %dma_wait3A_315 = arith.constant 0 : i32
      %dma_wait3A_316 = arith.constant 0 : i32
      %dma_wait3A_317 = tpu.memref_slice %arg4[%dma_wait3A_315, %dma_wait3A_316] : memref<100352x16xf32, #tpu.memory_space<hbm>> -> memref<100352x16xf32, #tpu.memory_space<hbm>>
      tpu.wait_indirect_dma semaphore(%arg12 : memref<!tpu.dma_semaphore, #tpu.memory_space<semaphore_mem>>) src(%dma_wait3A_317 : memref<100352x16xf32, #tpu.memory_space<hbm>>) dst(%dma_wait3A_311 : memref<128x16xf32, #tpu.memory_space<vmem>>)
      %dma_start3A_318 = arith.constant 6 : i32
      %dma_start3A_319 = arith.constant 768 : i32
      %dma_start3A_320 = arith.constant 0 : i32
      %dma_start3A_321 = tpu.memref_slice %arg8[%dma_start3A_319, %dma_start3A_320] : memref<1280x16xf32, #tpu.memory_space<vmem>> -> memref<128x16xf32, #tpu.memory_space<vmem>>
      %dma_start3A_322 = arith.constant 0 : i32
      %dma_start3A_323 = tpu.memref_slice %arg7[%rem3A_52, %dma_start3A_318, %dma_start3A_322] : memref<2x10x128xi32, #tpu.memory_space<vmem>> -> memref<1x1x128xi32, #tpu.memory_space<vmem>>
      %dma_start3A_324 = tpu.memref_squeeze %dma_start3A_323 : memref<1x1x128xi32, #tpu.memory_space<vmem>> -> memref<128xi32, #tpu.memory_space<vmem>>
      %dma_start3A_325 = arith.constant 0 : i32
      %dma_start3A_326 = arith.constant 0 : i32
      %dma_start3A_327 = tpu.memref_slice %arg10[%dma_start3A_325, %dma_start3A_326] : memref<100352x16xf32, #tpu.memory_space<vmem_shared>> -> memref<100352x16xf32, #tpu.memory_space<vmem_shared>>
      tpu.enqueue_indirect_dma source(%dma_start3A_321 : memref<128x16xf32, #tpu.memory_space<vmem>>) target(%dma_start3A_327 : memref<100352x16xf32, #tpu.memory_space<vmem_shared>>) offsets(%dma_start3A_324 : memref<128xi32, #tpu.memory_space<vmem>>) semaphore(%arg13 : memref<!tpu.dma_semaphore, #tpu.memory_space<semaphore_mem>>) {add = true}
      %dma_wait3A_328 = arith.constant 7 : i32
      %dma_wait3A_329 = arith.constant 896 : i32
      %dma_wait3A_330 = arith.constant 0 : i32
      %dma_wait3A_331 = tpu.memref_slice %arg8[%dma_wait3A_329, %dma_wait3A_330] : memref<1280x16xf32, #tpu.memory_space<vmem>> -> memref<128x16xf32, #tpu.memory_space<vmem>>
      %dma_wait3A_332 = arith.constant 0 : i32
      %dma_wait3A_333 = tpu.memref_slice %arg6[%rem3A_52, %dma_wait3A_328, %dma_wait3A_332] : memref<2x10x128xi32, #tpu.memory_space<vmem>> -> memref<1x1x128xi32, #tpu.memory_space<vmem>>
      %dma_wait3A_334 = tpu.memref_squeeze %dma_wait3A_333 : memref<1x1x128xi32, #tpu.memory_space<vmem>> -> memref<128xi32, #tpu.memory_space<vmem>>
      %dma_wait3A_335 = arith.constant 0 : i32
      %dma_wait3A_336 = arith.constant 0 : i32
      %dma_wait3A_337 = tpu.memref_slice %arg4[%dma_wait3A_335, %dma_wait3A_336] : memref<100352x16xf32, #tpu.memory_space<hbm>> -> memref<100352x16xf32, #tpu.memory_space<hbm>>
      tpu.wait_indirect_dma semaphore(%arg12 : memref<!tpu.dma_semaphore, #tpu.memory_space<semaphore_mem>>) src(%dma_wait3A_337 : memref<100352x16xf32, #tpu.memory_space<hbm>>) dst(%dma_wait3A_331 : memref<128x16xf32, #tpu.memory_space<vmem>>)
      %dma_start3A_338 = arith.constant 7 : i32
      %dma_start3A_339 = arith.constant 896 : i32
      %dma_start3A_340 = arith.constant 0 : i32
      %dma_start3A_341 = tpu.memref_slice %arg8[%dma_start3A_339, %dma_start3A_340] : memref<1280x16xf32, #tpu.memory_space<vmem>> -> memref<128x16xf32, #tpu.memory_space<vmem>>
      %dma_start3A_342 = arith.constant 0 : i32
      %dma_start3A_343 = tpu.memref_slice %arg7[%rem3A_52, %dma_start3A_338, %dma_start3A_342] : memref<2x10x128xi32, #tpu.memory_space<vmem>> -> memref<1x1x128xi32, #tpu.memory_space<vmem>>
      %dma_start3A_344 = tpu.memref_squeeze %dma_start3A_343 : memref<1x1x128xi32, #tpu.memory_space<vmem>> -> memref<128xi32, #tpu.memory_space<vmem>>
      %dma_start3A_345 = arith.constant 0 : i32
      %dma_start3A_346 = arith.constant 0 : i32
      %dma_start3A_347 = tpu.memref_slice %arg10[%dma_start3A_345, %dma_start3A_346] : memref<100352x16xf32, #tpu.memory_space<vmem_shared>> -> memref<100352x16xf32, #tpu.memory_space<vmem_shared>>
      tpu.enqueue_indirect_dma source(%dma_start3A_341 : memref<128x16xf32, #tpu.memory_space<vmem>>) target(%dma_start3A_347 : memref<100352x16xf32, #tpu.memory_space<vmem_shared>>) offsets(%dma_start3A_344 : memref<128xi32, #tpu.memory_space<vmem>>) semaphore(%arg13 : memref<!tpu.dma_semaphore, #tpu.memory_space<semaphore_mem>>) {add = true}
      %dma_wait3A_348 = arith.constant 8 : i32
      %dma_wait3A_349 = arith.constant 1024 : i32
      %dma_wait3A_350 = arith.constant 0 : i32
      %dma_wait3A_351 = tpu.memref_slice %arg8[%dma_wait3A_349, %dma_wait3A_350] : memref<1280x16xf32, #tpu.memory_space<vmem>> -> memref<128x16xf32, #tpu.memory_space<vmem>>
      %dma_wait3A_352 = arith.constant 0 : i32
      %dma_wait3A_353 = tpu.memref_slice %arg6[%rem3A_52, %dma_wait3A_348, %dma_wait3A_352] : memref<2x10x128xi32, #tpu.memory_space<vmem>> -> memref<1x1x128xi32, #tpu.memory_space<vmem>>
      %dma_wait3A_354 = tpu.memref_squeeze %dma_wait3A_353 : memref<1x1x128xi32, #tpu.memory_space<vmem>> -> memref<128xi32, #tpu.memory_space<vmem>>
      %dma_wait3A_355 = arith.constant 0 : i32
      %dma_wait3A_356 = arith.constant 0 : i32
      %dma_wait3A_357 = tpu.memref_slice %arg4[%dma_wait3A_355, %dma_wait3A_356] : memref<100352x16xf32, #tpu.memory_space<hbm>> -> memref<100352x16xf32, #tpu.memory_space<hbm>>
      tpu.wait_indirect_dma semaphore(%arg12 : memref<!tpu.dma_semaphore, #tpu.memory_space<semaphore_mem>>) src(%dma_wait3A_357 : memref<100352x16xf32, #tpu.memory_space<hbm>>) dst(%dma_wait3A_351 : memref<128x16xf32, #tpu.memory_space<vmem>>)
      %dma_start3A_358 = arith.constant 8 : i32
      %dma_start3A_359 = arith.constant 1024 : i32
      %dma_start3A_360 = arith.constant 0 : i32
      %dma_start3A_361 = tpu.memref_slice %arg8[%dma_start3A_359, %dma_start3A_360] : memref<1280x16xf32, #tpu.memory_space<vmem>> -> memref<128x16xf32, #tpu.memory_space<vmem>>
      %dma_start3A_362 = arith.constant 0 : i32
      %dma_start3A_363 = tpu.memref_slice %arg7[%rem3A_52, %dma_start3A_358, %dma_start3A_362] : memref<2x10x128xi32, #tpu.memory_space<vmem>> -> memref<1x1x128xi32, #tpu.memory_space<vmem>>
      %dma_start3A_364 = tpu.memref_squeeze %dma_start3A_363 : memref<1x1x128xi32, #tpu.memory_space<vmem>> -> memref<128xi32, #tpu.memory_space<vmem>>
      %dma_start3A_365 = arith.constant 0 : i32
      %dma_start3A_366 = arith.constant 0 : i32
      %dma_start3A_367 = tpu.memref_slice %arg10[%dma_start3A_365, %dma_start3A_366] : memref<100352x16xf32, #tpu.memory_space<vmem_shared>> -> memref<100352x16xf32, #tpu.memory_space<vmem_shared>>
      tpu.enqueue_indirect_dma source(%dma_start3A_361 : memref<128x16xf32, #tpu.memory_space<vmem>>) target(%dma_start3A_367 : memref<100352x16xf32, #tpu.memory_space<vmem_shared>>) offsets(%dma_start3A_364 : memref<128xi32, #tpu.memory_space<vmem>>) semaphore(%arg13 : memref<!tpu.dma_semaphore, #tpu.memory_space<semaphore_mem>>) {add = true}
      %dma_wait3A_368 = arith.constant 9 : i32
      %dma_wait3A_369 = arith.constant 1152 : i32
      %dma_wait3A_370 = arith.constant 0 : i32
      %dma_wait3A_371 = tpu.memref_slice %arg8[%dma_wait3A_369, %dma_wait3A_370] : memref<1280x16xf32, #tpu.memory_space<vmem>> -> memref<128x16xf32, #tpu.memory_space<vmem>>
      %dma_wait3A_372 = arith.constant 0 : i32
      %dma_wait3A_373 = tpu.memref_slice %arg6[%rem3A_52, %dma_wait3A_368, %dma_wait3A_372] : memref<2x10x128xi32, #tpu.memory_space<vmem>> -> memref<1x1x128xi32, #tpu.memory_space<vmem>>
      %dma_wait3A_374 = tpu.memref_squeeze %dma_wait3A_373 : memref<1x1x128xi32, #tpu.memory_space<vmem>> -> memref<128xi32, #tpu.memory_space<vmem>>
      %dma_wait3A_375 = arith.constant 0 : i32
      %dma_wait3A_376 = arith.constant 0 : i32
      %dma_wait3A_377 = tpu.memref_slice %arg4[%dma_wait3A_375, %dma_wait3A_376] : memref<100352x16xf32, #tpu.memory_space<hbm>> -> memref<100352x16xf32, #tpu.memory_space<hbm>>
      tpu.wait_indirect_dma semaphore(%arg12 : memref<!tpu.dma_semaphore, #tpu.memory_space<semaphore_mem>>) src(%dma_wait3A_377 : memref<100352x16xf32, #tpu.memory_space<hbm>>) dst(%dma_wait3A_371 : memref<128x16xf32, #tpu.memory_space<vmem>>)
      %dma_start3A_378 = arith.constant 9 : i32
      %dma_start3A_379 = arith.constant 1152 : i32
      %dma_start3A_380 = arith.constant 0 : i32
      %dma_start3A_381 = tpu.memref_slice %arg8[%dma_start3A_379, %dma_start3A_380] : memref<1280x16xf32, #tpu.memory_space<vmem>> -> memref<128x16xf32, #tpu.memory_space<vmem>>
      %dma_start3A_382 = arith.constant 0 : i32
      %dma_start3A_383 = tpu.memref_slice %arg7[%rem3A_52, %dma_start3A_378, %dma_start3A_382] : memref<2x10x128xi32, #tpu.memory_space<vmem>> -> memref<1x1x128xi32, #tpu.memory_space<vmem>>
      %dma_start3A_384 = tpu.memref_squeeze %dma_start3A_383 : memref<1x1x128xi32, #tpu.memory_space<vmem>> -> memref<128xi32, #tpu.memory_space<vmem>>
      %dma_start3A_385 = arith.constant 0 : i32
      %dma_start3A_386 = arith.constant 0 : i32
      %dma_start3A_387 = tpu.memref_slice %arg10[%dma_start3A_385, %dma_start3A_386] : memref<100352x16xf32, #tpu.memory_space<vmem_shared>> -> memref<100352x16xf32, #tpu.memory_space<vmem_shared>>
      tpu.enqueue_indirect_dma source(%dma_start3A_381 : memref<128x16xf32, #tpu.memory_space<vmem>>) target(%dma_start3A_387 : memref<100352x16xf32, #tpu.memory_space<vmem_shared>>) offsets(%dma_start3A_384 : memref<128xi32, #tpu.memory_space<vmem>>) semaphore(%arg13 : memref<!tpu.dma_semaphore, #tpu.memory_space<semaphore_mem>>) {add = true}
      %while3A_388 = arith.constant 0 : i32
      scf.yield %while3A_388 : i32
    }
    %while3A_38 = arith.constant 1 : i32
    %while3A_39 = scf.for %while3A_50 = %while3A_35 to %while3A_31 step %while3A_38 iter_args(%while3A_51 = %while3A_37) -> (i32)  : i32 {
      %rem3A = arith.constant 2 : i32
      %rem3A_52 = arith.remsi %while3A_50, %rem3A : i32
      %gt3A_53 = arith.constant 0 : i32
      %gt3A_54 = arith.cmpi sgt, %while3A_50, %gt3A_53 : i32
      %convert_element_type3A_55 = arith.extui %gt3A_54 : i1 to i32
      %cond3A_56 = arith.constant 0 : i32
      %cond3A_57 = arith.cmpi ne, %convert_element_type3A_55, %cond3A_56 : i32
      scf.if %cond3A_57 {
        %dma_wait3A_389 = arith.constant 0 : i32
        %dma_wait3A_390 = arith.constant 0 : i32
        %dma_wait3A_391 = tpu.memref_slice %arg4[%dma_wait3A_389, %dma_wait3A_390] : memref<100352x16xf32, #tpu.memory_space<hbm>> -> memref<1280x16xf32, #tpu.memory_space<hbm>>
        %dma_wait3A_392 = arith.constant 0 : i32
        %dma_wait3A_393 = arith.constant 0 : i32
        %dma_wait3A_394 = tpu.memref_slice %arg4[%dma_wait3A_392, %dma_wait3A_393] : memref<100352x16xf32, #tpu.memory_space<hbm>> -> memref<1280x16xf32, #tpu.memory_space<hbm>>
        tpu.wait_dma2 semaphore(%arg13 : memref<!tpu.dma_semaphore, #tpu.memory_space<semaphore_mem>>) src(%dma_wait3A_394 : memref<1280x16xf32, #tpu.memory_space<hbm>>) dst(%arg8 : memref<1280x16xf32, #tpu.memory_space<vmem>>)
      } else {
      }
      %dma_wait3A = arith.constant 0 : i32
      %dma_wait3A_58 = arith.constant 0 : i32
      %dma_wait3A_59 = tpu.memref_slice %arg6[%rem3A_52, %dma_wait3A, %dma_wait3A_58] : memref<2x10x128xi32, #tpu.memory_space<vmem>> -> memref<1x10x128xi32, #tpu.memory_space<vmem>>
      %dma_wait3A_60 = tpu.memref_squeeze %dma_wait3A_59 : memref<1x10x128xi32, #tpu.memory_space<vmem>> -> memref<10x128xi32, #tpu.memory_space<vmem>>
      %dma_wait3A_61 = arith.constant 0 : i32
      %dma_wait3A_62 = arith.constant 0 : i32
      %dma_wait3A_63 = tpu.memref_slice %arg2[%dma_wait3A_61, %dma_wait3A_62] : memref<25600x128xi32, #tpu.memory_space<hbm>> -> memref<10x128xi32, #tpu.memory_space<hbm>>
      %dma_wait3A_64 = arith.constant 0 : i32
      %dma_wait3A_65 = arith.constant 0 : i32
      %dma_wait3A_66 = tpu.memref_slice %arg6[%rem3A_52, %dma_wait3A_64, %dma_wait3A_65] : memref<2x10x128xi32, #tpu.memory_space<vmem>> -> memref<1x10x128xi32, #tpu.memory_space<vmem>>
      %dma_wait3A_67 = tpu.memref_squeeze %dma_wait3A_66 : memref<1x10x128xi32, #tpu.memory_space<vmem>> -> memref<10x128xi32, #tpu.memory_space<vmem>>
      %dma_wait3A_68 = arith.constant 0 : i32
      %dma_wait3A_69 = arith.constant 0 : i32
      %dma_wait3A_70 = tpu.memref_slice %arg2[%dma_wait3A_68, %dma_wait3A_69] : memref<25600x128xi32, #tpu.memory_space<hbm>> -> memref<10x128xi32, #tpu.memory_space<hbm>>
      tpu.wait_dma2 semaphore(%arg11 : memref<!tpu.dma_semaphore, #tpu.memory_space<semaphore_mem>>) src(%dma_wait3A_70 : memref<10x128xi32, #tpu.memory_space<hbm>>) dst(%dma_wait3A_67 : memref<10x128xi32, #tpu.memory_space<vmem>>)
      %dma_wait3A_71 = arith.constant 0 : i32
      %dma_wait3A_72 = arith.constant 0 : i32
      %dma_wait3A_73 = tpu.memref_slice %arg7[%rem3A_52, %dma_wait3A_71, %dma_wait3A_72] : memref<2x10x128xi32, #tpu.memory_space<vmem>> -> memref<1x10x128xi32, #tpu.memory_space<vmem>>
      %dma_wait3A_74 = tpu.memref_squeeze %dma_wait3A_73 : memref<1x10x128xi32, #tpu.memory_space<vmem>> -> memref<10x128xi32, #tpu.memory_space<vmem>>
      %dma_wait3A_75 = arith.constant 0 : i32
      %dma_wait3A_76 = arith.constant 0 : i32
      %dma_wait3A_77 = tpu.memref_slice %arg3[%dma_wait3A_75, %dma_wait3A_76] : memref<25600x128xi32, #tpu.memory_space<hbm>> -> memref<10x128xi32, #tpu.memory_space<hbm>>
      %dma_wait3A_78 = arith.constant 0 : i32
      %dma_wait3A_79 = arith.constant 0 : i32
      %dma_wait3A_80 = tpu.memref_slice %arg7[%rem3A_52, %dma_wait3A_78, %dma_wait3A_79] : memref<2x10x128xi32, #tpu.memory_space<vmem>> -> memref<1x10x128xi32, #tpu.memory_space<vmem>>
      %dma_wait3A_81 = tpu.memref_squeeze %dma_wait3A_80 : memref<1x10x128xi32, #tpu.memory_space<vmem>> -> memref<10x128xi32, #tpu.memory_space<vmem>>
      %dma_wait3A_82 = arith.constant 0 : i32
      %dma_wait3A_83 = arith.constant 0 : i32
      %dma_wait3A_84 = tpu.memref_slice %arg3[%dma_wait3A_82, %dma_wait3A_83] : memref<25600x128xi32, #tpu.memory_space<hbm>> -> memref<10x128xi32, #tpu.memory_space<hbm>>
      tpu.wait_dma2 semaphore(%arg11 : memref<!tpu.dma_semaphore, #tpu.memory_space<semaphore_mem>>) src(%dma_wait3A_84 : memref<10x128xi32, #tpu.memory_space<hbm>>) dst(%dma_wait3A_81 : memref<10x128xi32, #tpu.memory_space<vmem>>)
      %sub3A = arith.constant 1 : i32
      %sub3A_85 = arith.subi %select_n3A_26, %sub3A : i32
      %lt3A = arith.cmpi slt, %while3A_50, %sub3A_85 : i32
      %convert_element_type3A_86 = arith.extui %lt3A : i1 to i32
      %cond3A_87 = arith.constant 0 : i32
      %cond3A_88 = arith.cmpi ne, %convert_element_type3A_86, %cond3A_87 : i32
      scf.if %cond3A_88 {
        %add3A_389 = arith.constant 1 : i32
        %add3A_390 = arith.addi %while3A_50, %add3A_389 : i32
        %mul3A_391 = arith.constant 10 : i32
        %mul3A_392 = arith.muli %add3A_390, %mul3A_391 : i32
        %add3A_393 = arith.addi %min3A_21, %mul3A_392 : i32
        %rem3A_394 = arith.constant 2 : i32
        %rem3A_395 = arith.remsi %add3A_390, %rem3A_394 : i32
        %dma_start3A_396 = arith.constant 0 : i32
        %dma_start3A_397 = arith.constant 0 : i32
        %dma_start3A_398 = tpu.memref_slice %arg6[%rem3A_395, %dma_start3A_396, %dma_start3A_397] : memref<2x10x128xi32, #tpu.memory_space<vmem>> -> memref<1x10x128xi32, #tpu.memory_space<vmem>>
        %dma_start3A_399 = tpu.memref_squeeze %dma_start3A_398 : memref<1x10x128xi32, #tpu.memory_space<vmem>> -> memref<10x128xi32, #tpu.memory_space<vmem>>
        %dma_start3A_400 = arith.constant 0 : i32
        %dma_start3A_401 = tpu.memref_slice %arg2[%add3A_393, %dma_start3A_400] : memref<25600x128xi32, #tpu.memory_space<hbm>> -> memref<10x128xi32, #tpu.memory_space<hbm>>
        %dma_start3A_402 = arith.constant 0 : i32
        %dma_start3A_403 = arith.constant 0 : i32
        %dma_start3A_404 = tpu.memref_slice %arg6[%rem3A_395, %dma_start3A_402, %dma_start3A_403] : memref<2x10x128xi32, #tpu.memory_space<vmem>> -> memref<1x10x128xi32, #tpu.memory_space<vmem>>
        %dma_start3A_405 = tpu.memref_squeeze %dma_start3A_404 : memref<1x10x128xi32, #tpu.memory_space<vmem>> -> memref<10x128xi32, #tpu.memory_space<vmem>>
        %dma_start3A_406 = arith.constant 0 : i32
        %dma_start3A_407 = tpu.memref_slice %arg2[%add3A_393, %dma_start3A_406] : memref<25600x128xi32, #tpu.memory_space<hbm>> -> memref<10x128xi32, #tpu.memory_space<hbm>>
        tpu.enqueue_dma source(%dma_start3A_407 : memref<10x128xi32, #tpu.memory_space<hbm>>) target(%dma_start3A_405 : memref<10x128xi32, #tpu.memory_space<vmem>>) target_semaphore(%arg11 : memref<!tpu.dma_semaphore, #tpu.memory_space<semaphore_mem>>)
        %dma_start3A_408 = arith.constant 0 : i32
        %dma_start3A_409 = arith.constant 0 : i32
        %dma_start3A_410 = tpu.memref_slice %arg7[%rem3A_395, %dma_start3A_408, %dma_start3A_409] : memref<2x10x128xi32, #tpu.memory_space<vmem>> -> memref<1x10x128xi32, #tpu.memory_space<vmem>>
        %dma_start3A_411 = tpu.memref_squeeze %dma_start3A_410 : memref<1x10x128xi32, #tpu.memory_space<vmem>> -> memref<10x128xi32, #tpu.memory_space<vmem>>
        %dma_start3A_412 = arith.constant 0 : i32
        %dma_start3A_413 = tpu.memref_slice %arg3[%add3A_393, %dma_start3A_412] : memref<25600x128xi32, #tpu.memory_space<hbm>> -> memref<10x128xi32, #tpu.memory_space<hbm>>
        %dma_start3A_414 = arith.constant 0 : i32
        %dma_start3A_415 = arith.constant 0 : i32
        %dma_start3A_416 = tpu.memref_slice %arg7[%rem3A_395, %dma_start3A_414, %dma_start3A_415] : memref<2x10x128xi32, #tpu.memory_space<vmem>> -> memref<1x10x128xi32, #tpu.memory_space<vmem>>
        %dma_start3A_417 = tpu.memref_squeeze %dma_start3A_416 : memref<1x10x128xi32, #tpu.memory_space<vmem>> -> memref<10x128xi32, #tpu.memory_space<vmem>>
        %dma_start3A_418 = arith.constant 0 : i32
        %dma_start3A_419 = tpu.memref_slice %arg3[%add3A_393, %dma_start3A_418] : memref<25600x128xi32, #tpu.memory_space<hbm>> -> memref<10x128xi32, #tpu.memory_space<hbm>>
        tpu.enqueue_dma source(%dma_start3A_419 : memref<10x128xi32, #tpu.memory_space<hbm>>) target(%dma_start3A_417 : memref<10x128xi32, #tpu.memory_space<vmem>>) target_semaphore(%arg11 : memref<!tpu.dma_semaphore, #tpu.memory_space<semaphore_mem>>)
      } else {
      }
      %dma_start3A = arith.constant 0 : i32
      %dma_start3A_89 = arith.constant 0 : i32
      %dma_start3A_90 = arith.constant 0 : i32
      %dma_start3A_91 = tpu.memref_slice %arg8[%dma_start3A_89, %dma_start3A_90] : memref<1280x16xf32, #tpu.memory_space<vmem>> -> memref<128x16xf32, #tpu.memory_space<vmem>>
      %dma_start3A_92 = arith.constant 0 : i32
      %dma_start3A_93 = tpu.memref_slice %arg6[%rem3A_52, %dma_start3A, %dma_start3A_92] : memref<2x10x128xi32, #tpu.memory_space<vmem>> -> memref<1x1x128xi32, #tpu.memory_space<vmem>>
      %dma_start3A_94 = tpu.memref_squeeze %dma_start3A_93 : memref<1x1x128xi32, #tpu.memory_space<vmem>> -> memref<128xi32, #tpu.memory_space<vmem>>
      %dma_start3A_95 = arith.constant 0 : i32
      %dma_start3A_96 = arith.constant 0 : i32
      %dma_start3A_97 = tpu.memref_slice %arg4[%dma_start3A_95, %dma_start3A_96] : memref<100352x16xf32, #tpu.memory_space<hbm>> -> memref<100352x16xf32, #tpu.memory_space<hbm>>
      tpu.enqueue_indirect_dma source(%dma_start3A_97 : memref<100352x16xf32, #tpu.memory_space<hbm>>) target(%dma_start3A_91 : memref<128x16xf32, #tpu.memory_space<vmem>>) offsets(%dma_start3A_94 : memref<128xi32, #tpu.memory_space<vmem>>) semaphore(%arg12 : memref<!tpu.dma_semaphore, #tpu.memory_space<semaphore_mem>>)
      %dma_start3A_98 = arith.constant 1 : i32
      %dma_start3A_99 = arith.constant 128 : i32
      %dma_start3A_100 = arith.constant 0 : i32
      %dma_start3A_101 = tpu.memref_slice %arg8[%dma_start3A_99, %dma_start3A_100] : memref<1280x16xf32, #tpu.memory_space<vmem>> -> memref<128x16xf32, #tpu.memory_space<vmem>>
      %dma_start3A_102 = arith.constant 0 : i32
      %dma_start3A_103 = tpu.memref_slice %arg6[%rem3A_52, %dma_start3A_98, %dma_start3A_102] : memref<2x10x128xi32, #tpu.memory_space<vmem>> -> memref<1x1x128xi32, #tpu.memory_space<vmem>>
      %dma_start3A_104 = tpu.memref_squeeze %dma_start3A_103 : memref<1x1x128xi32, #tpu.memory_space<vmem>> -> memref<128xi32, #tpu.memory_space<vmem>>
      %dma_start3A_105 = arith.constant 0 : i32
      %dma_start3A_106 = arith.constant 0 : i32
      %dma_start3A_107 = tpu.memref_slice %arg4[%dma_start3A_105, %dma_start3A_106] : memref<100352x16xf32, #tpu.memory_space<hbm>> -> memref<100352x16xf32, #tpu.memory_space<hbm>>
      tpu.enqueue_indirect_dma source(%dma_start3A_107 : memref<100352x16xf32, #tpu.memory_space<hbm>>) target(%dma_start3A_101 : memref<128x16xf32, #tpu.memory_space<vmem>>) offsets(%dma_start3A_104 : memref<128xi32, #tpu.memory_space<vmem>>) semaphore(%arg12 : memref<!tpu.dma_semaphore, #tpu.memory_space<semaphore_mem>>)
      %dma_start3A_108 = arith.constant 2 : i32
      %dma_start3A_109 = arith.constant 256 : i32
      %dma_start3A_110 = arith.constant 0 : i32
      %dma_start3A_111 = tpu.memref_slice %arg8[%dma_start3A_109, %dma_start3A_110] : memref<1280x16xf32, #tpu.memory_space<vmem>> -> memref<128x16xf32, #tpu.memory_space<vmem>>
      %dma_start3A_112 = arith.constant 0 : i32
      %dma_start3A_113 = tpu.memref_slice %arg6[%rem3A_52, %dma_start3A_108, %dma_start3A_112] : memref<2x10x128xi32, #tpu.memory_space<vmem>> -> memref<1x1x128xi32, #tpu.memory_space<vmem>>
      %dma_start3A_114 = tpu.memref_squeeze %dma_start3A_113 : memref<1x1x128xi32, #tpu.memory_space<vmem>> -> memref<128xi32, #tpu.memory_space<vmem>>
      %dma_start3A_115 = arith.constant 0 : i32
      %dma_start3A_116 = arith.constant 0 : i32
      %dma_start3A_117 = tpu.memref_slice %arg4[%dma_start3A_115, %dma_start3A_116] : memref<100352x16xf32, #tpu.memory_space<hbm>> -> memref<100352x16xf32, #tpu.memory_space<hbm>>
      tpu.enqueue_indirect_dma source(%dma_start3A_117 : memref<100352x16xf32, #tpu.memory_space<hbm>>) target(%dma_start3A_111 : memref<128x16xf32, #tpu.memory_space<vmem>>) offsets(%dma_start3A_114 : memref<128xi32, #tpu.memory_space<vmem>>) semaphore(%arg12 : memref<!tpu.dma_semaphore, #tpu.memory_space<semaphore_mem>>)
      %dma_start3A_118 = arith.constant 3 : i32
      %dma_start3A_119 = arith.constant 384 : i32
      %dma_start3A_120 = arith.constant 0 : i32
      %dma_start3A_121 = tpu.memref_slice %arg8[%dma_start3A_119, %dma_start3A_120] : memref<1280x16xf32, #tpu.memory_space<vmem>> -> memref<128x16xf32, #tpu.memory_space<vmem>>
      %dma_start3A_122 = arith.constant 0 : i32
      %dma_start3A_123 = tpu.memref_slice %arg6[%rem3A_52, %dma_start3A_118, %dma_start3A_122] : memref<2x10x128xi32, #tpu.memory_space<vmem>> -> memref<1x1x128xi32, #tpu.memory_space<vmem>>
      %dma_start3A_124 = tpu.memref_squeeze %dma_start3A_123 : memref<1x1x128xi32, #tpu.memory_space<vmem>> -> memref<128xi32, #tpu.memory_space<vmem>>
      %dma_start3A_125 = arith.constant 0 : i32
      %dma_start3A_126 = arith.constant 0 : i32
      %dma_start3A_127 = tpu.memref_slice %arg4[%dma_start3A_125, %dma_start3A_126] : memref<100352x16xf32, #tpu.memory_space<hbm>> -> memref<100352x16xf32, #tpu.memory_space<hbm>>
      tpu.enqueue_indirect_dma source(%dma_start3A_127 : memref<100352x16xf32, #tpu.memory_space<hbm>>) target(%dma_start3A_121 : memref<128x16xf32, #tpu.memory_space<vmem>>) offsets(%dma_start3A_124 : memref<128xi32, #tpu.memory_space<vmem>>) semaphore(%arg12 : memref<!tpu.dma_semaphore, #tpu.memory_space<semaphore_mem>>)
      %dma_start3A_128 = arith.constant 4 : i32
      %dma_start3A_129 = arith.constant 512 : i32
      %dma_start3A_130 = arith.constant 0 : i32
      %dma_start3A_131 = tpu.memref_slice %arg8[%dma_start3A_129, %dma_start3A_130] : memref<1280x16xf32, #tpu.memory_space<vmem>> -> memref<128x16xf32, #tpu.memory_space<vmem>>
      %dma_start3A_132 = arith.constant 0 : i32
      %dma_start3A_133 = tpu.memref_slice %arg6[%rem3A_52, %dma_start3A_128, %dma_start3A_132] : memref<2x10x128xi32, #tpu.memory_space<vmem>> -> memref<1x1x128xi32, #tpu.memory_space<vmem>>
      %dma_start3A_134 = tpu.memref_squeeze %dma_start3A_133 : memref<1x1x128xi32, #tpu.memory_space<vmem>> -> memref<128xi32, #tpu.memory_space<vmem>>
      %dma_start3A_135 = arith.constant 0 : i32
      %dma_start3A_136 = arith.constant 0 : i32
      %dma_start3A_137 = tpu.memref_slice %arg4[%dma_start3A_135, %dma_start3A_136] : memref<100352x16xf32, #tpu.memory_space<hbm>> -> memref<100352x16xf32, #tpu.memory_space<hbm>>
      tpu.enqueue_indirect_dma source(%dma_start3A_137 : memref<100352x16xf32, #tpu.memory_space<hbm>>) target(%dma_start3A_131 : memref<128x16xf32, #tpu.memory_space<vmem>>) offsets(%dma_start3A_134 : memref<128xi32, #tpu.memory_space<vmem>>) semaphore(%arg12 : memref<!tpu.dma_semaphore, #tpu.memory_space<semaphore_mem>>)
      %dma_start3A_138 = arith.constant 5 : i32
      %dma_start3A_139 = arith.constant 640 : i32
      %dma_start3A_140 = arith.constant 0 : i32
      %dma_start3A_141 = tpu.memref_slice %arg8[%dma_start3A_139, %dma_start3A_140] : memref<1280x16xf32, #tpu.memory_space<vmem>> -> memref<128x16xf32, #tpu.memory_space<vmem>>
      %dma_start3A_142 = arith.constant 0 : i32
      %dma_start3A_143 = tpu.memref_slice %arg6[%rem3A_52, %dma_start3A_138, %dma_start3A_142] : memref<2x10x128xi32, #tpu.memory_space<vmem>> -> memref<1x1x128xi32, #tpu.memory_space<vmem>>
      %dma_start3A_144 = tpu.memref_squeeze %dma_start3A_143 : memref<1x1x128xi32, #tpu.memory_space<vmem>> -> memref<128xi32, #tpu.memory_space<vmem>>
      %dma_start3A_145 = arith.constant 0 : i32
      %dma_start3A_146 = arith.constant 0 : i32
      %dma_start3A_147 = tpu.memref_slice %arg4[%dma_start3A_145, %dma_start3A_146] : memref<100352x16xf32, #tpu.memory_space<hbm>> -> memref<100352x16xf32, #tpu.memory_space<hbm>>
      tpu.enqueue_indirect_dma source(%dma_start3A_147 : memref<100352x16xf32, #tpu.memory_space<hbm>>) target(%dma_start3A_141 : memref<128x16xf32, #tpu.memory_space<vmem>>) offsets(%dma_start3A_144 : memref<128xi32, #tpu.memory_space<vmem>>) semaphore(%arg12 : memref<!tpu.dma_semaphore, #tpu.memory_space<semaphore_mem>>)
      %dma_start3A_148 = arith.constant 6 : i32
      %dma_start3A_149 = arith.constant 768 : i32
      %dma_start3A_150 = arith.constant 0 : i32
      %dma_start3A_151 = tpu.memref_slice %arg8[%dma_start3A_149, %dma_start3A_150] : memref<1280x16xf32, #tpu.memory_space<vmem>> -> memref<128x16xf32, #tpu.memory_space<vmem>>
      %dma_start3A_152 = arith.constant 0 : i32
      %dma_start3A_153 = tpu.memref_slice %arg6[%rem3A_52, %dma_start3A_148, %dma_start3A_152] : memref<2x10x128xi32, #tpu.memory_space<vmem>> -> memref<1x1x128xi32, #tpu.memory_space<vmem>>
      %dma_start3A_154 = tpu.memref_squeeze %dma_start3A_153 : memref<1x1x128xi32, #tpu.memory_space<vmem>> -> memref<128xi32, #tpu.memory_space<vmem>>
      %dma_start3A_155 = arith.constant 0 : i32
      %dma_start3A_156 = arith.constant 0 : i32
      %dma_start3A_157 = tpu.memref_slice %arg4[%dma_start3A_155, %dma_start3A_156] : memref<100352x16xf32, #tpu.memory_space<hbm>> -> memref<100352x16xf32, #tpu.memory_space<hbm>>
      tpu.enqueue_indirect_dma source(%dma_start3A_157 : memref<100352x16xf32, #tpu.memory_space<hbm>>) target(%dma_start3A_151 : memref<128x16xf32, #tpu.memory_space<vmem>>) offsets(%dma_start3A_154 : memref<128xi32, #tpu.memory_space<vmem>>) semaphore(%arg12 : memref<!tpu.dma_semaphore, #tpu.memory_space<semaphore_mem>>)
      %dma_start3A_158 = arith.constant 7 : i32
      %dma_start3A_159 = arith.constant 896 : i32
      %dma_start3A_160 = arith.constant 0 : i32
      %dma_start3A_161 = tpu.memref_slice %arg8[%dma_start3A_159, %dma_start3A_160] : memref<1280x16xf32, #tpu.memory_space<vmem>> -> memref<128x16xf32, #tpu.memory_space<vmem>>
      %dma_start3A_162 = arith.constant 0 : i32
      %dma_start3A_163 = tpu.memref_slice %arg6[%rem3A_52, %dma_start3A_158, %dma_start3A_162] : memref<2x10x128xi32, #tpu.memory_space<vmem>> -> memref<1x1x128xi32, #tpu.memory_space<vmem>>
      %dma_start3A_164 = tpu.memref_squeeze %dma_start3A_163 : memref<1x1x128xi32, #tpu.memory_space<vmem>> -> memref<128xi32, #tpu.memory_space<vmem>>
      %dma_start3A_165 = arith.constant 0 : i32
      %dma_start3A_166 = arith.constant 0 : i32
      %dma_start3A_167 = tpu.memref_slice %arg4[%dma_start3A_165, %dma_start3A_166] : memref<100352x16xf32, #tpu.memory_space<hbm>> -> memref<100352x16xf32, #tpu.memory_space<hbm>>
      tpu.enqueue_indirect_dma source(%dma_start3A_167 : memref<100352x16xf32, #tpu.memory_space<hbm>>) target(%dma_start3A_161 : memref<128x16xf32, #tpu.memory_space<vmem>>) offsets(%dma_start3A_164 : memref<128xi32, #tpu.memory_space<vmem>>) semaphore(%arg12 : memref<!tpu.dma_semaphore, #tpu.memory_space<semaphore_mem>>)
      %dma_start3A_168 = arith.constant 8 : i32
      %dma_start3A_169 = arith.constant 1024 : i32
      %dma_start3A_170 = arith.constant 0 : i32
      %dma_start3A_171 = tpu.memref_slice %arg8[%dma_start3A_169, %dma_start3A_170] : memref<1280x16xf32, #tpu.memory_space<vmem>> -> memref<128x16xf32, #tpu.memory_space<vmem>>
      %dma_start3A_172 = arith.constant 0 : i32
      %dma_start3A_173 = tpu.memref_slice %arg6[%rem3A_52, %dma_start3A_168, %dma_start3A_172] : memref<2x10x128xi32, #tpu.memory_space<vmem>> -> memref<1x1x128xi32, #tpu.memory_space<vmem>>
      %dma_start3A_174 = tpu.memref_squeeze %dma_start3A_173 : memref<1x1x128xi32, #tpu.memory_space<vmem>> -> memref<128xi32, #tpu.memory_space<vmem>>
      %dma_start3A_175 = arith.constant 0 : i32
      %dma_start3A_176 = arith.constant 0 : i32
      %dma_start3A_177 = tpu.memref_slice %arg4[%dma_start3A_175, %dma_start3A_176] : memref<100352x16xf32, #tpu.memory_space<hbm>> -> memref<100352x16xf32, #tpu.memory_space<hbm>>
      tpu.enqueue_indirect_dma source(%dma_start3A_177 : memref<100352x16xf32, #tpu.memory_space<hbm>>) target(%dma_start3A_171 : memref<128x16xf32, #tpu.memory_space<vmem>>) offsets(%dma_start3A_174 : memref<128xi32, #tpu.memory_space<vmem>>) semaphore(%arg12 : memref<!tpu.dma_semaphore, #tpu.memory_space<semaphore_mem>>)
      %dma_start3A_178 = arith.constant 9 : i32
      %dma_start3A_179 = arith.constant 1152 : i32
      %dma_start3A_180 = arith.constant 0 : i32
      %dma_start3A_181 = tpu.memref_slice %arg8[%dma_start3A_179, %dma_start3A_180] : memref<1280x16xf32, #tpu.memory_space<vmem>> -> memref<128x16xf32, #tpu.memory_space<vmem>>
      %dma_start3A_182 = arith.constant 0 : i32
      %dma_start3A_183 = tpu.memref_slice %arg6[%rem3A_52, %dma_start3A_178, %dma_start3A_182] : memref<2x10x128xi32, #tpu.memory_space<vmem>> -> memref<1x1x128xi32, #tpu.memory_space<vmem>>
      %dma_start3A_184 = tpu.memref_squeeze %dma_start3A_183 : memref<1x1x128xi32, #tpu.memory_space<vmem>> -> memref<128xi32, #tpu.memory_space<vmem>>
      %dma_start3A_185 = arith.constant 0 : i32
      %dma_start3A_186 = arith.constant 0 : i32
      %dma_start3A_187 = tpu.memref_slice %arg4[%dma_start3A_185, %dma_start3A_186] : memref<100352x16xf32, #tpu.memory_space<hbm>> -> memref<100352x16xf32, #tpu.memory_space<hbm>>
      tpu.enqueue_indirect_dma source(%dma_start3A_187 : memref<100352x16xf32, #tpu.memory_space<hbm>>) target(%dma_start3A_181 : memref<128x16xf32, #tpu.memory_space<vmem>>) offsets(%dma_start3A_184 : memref<128xi32, #tpu.memory_space<vmem>>) semaphore(%arg12 : memref<!tpu.dma_semaphore, #tpu.memory_space<semaphore_mem>>)
      %dma_wait3A_188 = arith.constant 0 : i32
      %dma_wait3A_189 = arith.constant 0 : i32
      %dma_wait3A_190 = arith.constant 0 : i32
      %dma_wait3A_191 = tpu.memref_slice %arg8[%dma_wait3A_189, %dma_wait3A_190] : memref<1280x16xf32, #tpu.memory_space<vmem>> -> memref<128x16xf32, #tpu.memory_space<vmem>>
      %dma_wait3A_192 = arith.constant 0 : i32
      %dma_wait3A_193 = tpu.memref_slice %arg6[%rem3A_52, %dma_wait3A_188, %dma_wait3A_192] : memref<2x10x128xi32, #tpu.memory_space<vmem>> -> memref<1x1x128xi32, #tpu.memory_space<vmem>>
      %dma_wait3A_194 = tpu.memref_squeeze %dma_wait3A_193 : memref<1x1x128xi32, #tpu.memory_space<vmem>> -> memref<128xi32, #tpu.memory_space<vmem>>
      %dma_wait3A_195 = arith.constant 0 : i32
      %dma_wait3A_196 = arith.constant 0 : i32
      %dma_wait3A_197 = tpu.memref_slice %arg4[%dma_wait3A_195, %dma_wait3A_196] : memref<100352x16xf32, #tpu.memory_space<hbm>> -> memref<100352x16xf32, #tpu.memory_space<hbm>>
      tpu.wait_indirect_dma semaphore(%arg12 : memref<!tpu.dma_semaphore, #tpu.memory_space<semaphore_mem>>) src(%dma_wait3A_197 : memref<100352x16xf32, #tpu.memory_space<hbm>>) dst(%dma_wait3A_191 : memref<128x16xf32, #tpu.memory_space<vmem>>)
      %dma_start3A_198 = arith.constant 0 : i32
      %dma_start3A_199 = arith.constant 0 : i32
      %dma_start3A_200 = arith.constant 0 : i32
      %dma_start3A_201 = tpu.memref_slice %arg8[%dma_start3A_199, %dma_start3A_200] : memref<1280x16xf32, #tpu.memory_space<vmem>> -> memref<128x16xf32, #tpu.memory_space<vmem>>
      %dma_start3A_202 = arith.constant 0 : i32
      %dma_start3A_203 = tpu.memref_slice %arg7[%rem3A_52, %dma_start3A_198, %dma_start3A_202] : memref<2x10x128xi32, #tpu.memory_space<vmem>> -> memref<1x1x128xi32, #tpu.memory_space<vmem>>
      %dma_start3A_204 = tpu.memref_squeeze %dma_start3A_203 : memref<1x1x128xi32, #tpu.memory_space<vmem>> -> memref<128xi32, #tpu.memory_space<vmem>>
      %dma_start3A_205 = arith.constant 0 : i32
      %dma_start3A_206 = arith.constant 0 : i32
      %dma_start3A_207 = tpu.memref_slice %arg10[%dma_start3A_205, %dma_start3A_206] : memref<100352x16xf32, #tpu.memory_space<vmem_shared>> -> memref<100352x16xf32, #tpu.memory_space<vmem_shared>>
      tpu.enqueue_indirect_dma source(%dma_start3A_201 : memref<128x16xf32, #tpu.memory_space<vmem>>) target(%dma_start3A_207 : memref<100352x16xf32, #tpu.memory_space<vmem_shared>>) offsets(%dma_start3A_204 : memref<128xi32, #tpu.memory_space<vmem>>) semaphore(%arg13 : memref<!tpu.dma_semaphore, #tpu.memory_space<semaphore_mem>>) {add = true}
      %dma_wait3A_208 = arith.constant 1 : i32
      %dma_wait3A_209 = arith.constant 128 : i32
      %dma_wait3A_210 = arith.constant 0 : i32
      %dma_wait3A_211 = tpu.memref_slice %arg8[%dma_wait3A_209, %dma_wait3A_210] : memref<1280x16xf32, #tpu.memory_space<vmem>> -> memref<128x16xf32, #tpu.memory_space<vmem>>
      %dma_wait3A_212 = arith.constant 0 : i32
      %dma_wait3A_213 = tpu.memref_slice %arg6[%rem3A_52, %dma_wait3A_208, %dma_wait3A_212] : memref<2x10x128xi32, #tpu.memory_space<vmem>> -> memref<1x1x128xi32, #tpu.memory_space<vmem>>
      %dma_wait3A_214 = tpu.memref_squeeze %dma_wait3A_213 : memref<1x1x128xi32, #tpu.memory_space<vmem>> -> memref<128xi32, #tpu.memory_space<vmem>>
      %dma_wait3A_215 = arith.constant 0 : i32
      %dma_wait3A_216 = arith.constant 0 : i32
      %dma_wait3A_217 = tpu.memref_slice %arg4[%dma_wait3A_215, %dma_wait3A_216] : memref<100352x16xf32, #tpu.memory_space<hbm>> -> memref<100352x16xf32, #tpu.memory_space<hbm>>
      tpu.wait_indirect_dma semaphore(%arg12 : memref<!tpu.dma_semaphore, #tpu.memory_space<semaphore_mem>>) src(%dma_wait3A_217 : memref<100352x16xf32, #tpu.memory_space<hbm>>) dst(%dma_wait3A_211 : memref<128x16xf32, #tpu.memory_space<vmem>>)
      %dma_start3A_218 = arith.constant 1 : i32
      %dma_start3A_219 = arith.constant 128 : i32
      %dma_start3A_220 = arith.constant 0 : i32
      %dma_start3A_221 = tpu.memref_slice %arg8[%dma_start3A_219, %dma_start3A_220] : memref<1280x16xf32, #tpu.memory_space<vmem>> -> memref<128x16xf32, #tpu.memory_space<vmem>>
      %dma_start3A_222 = arith.constant 0 : i32
      %dma_start3A_223 = tpu.memref_slice %arg7[%rem3A_52, %dma_start3A_218, %dma_start3A_222] : memref<2x10x128xi32, #tpu.memory_space<vmem>> -> memref<1x1x128xi32, #tpu.memory_space<vmem>>
      %dma_start3A_224 = tpu.memref_squeeze %dma_start3A_223 : memref<1x1x128xi32, #tpu.memory_space<vmem>> -> memref<128xi32, #tpu.memory_space<vmem>>
      %dma_start3A_225 = arith.constant 0 : i32
      %dma_start3A_226 = arith.constant 0 : i32
      %dma_start3A_227 = tpu.memref_slice %arg10[%dma_start3A_225, %dma_start3A_226] : memref<100352x16xf32, #tpu.memory_space<vmem_shared>> -> memref<100352x16xf32, #tpu.memory_space<vmem_shared>>
      tpu.enqueue_indirect_dma source(%dma_start3A_221 : memref<128x16xf32, #tpu.memory_space<vmem>>) target(%dma_start3A_227 : memref<100352x16xf32, #tpu.memory_space<vmem_shared>>) offsets(%dma_start3A_224 : memref<128xi32, #tpu.memory_space<vmem>>) semaphore(%arg13 : memref<!tpu.dma_semaphore, #tpu.memory_space<semaphore_mem>>) {add = true}
      %dma_wait3A_228 = arith.constant 2 : i32
      %dma_wait3A_229 = arith.constant 256 : i32
      %dma_wait3A_230 = arith.constant 0 : i32
      %dma_wait3A_231 = tpu.memref_slice %arg8[%dma_wait3A_229, %dma_wait3A_230] : memref<1280x16xf32, #tpu.memory_space<vmem>> -> memref<128x16xf32, #tpu.memory_space<vmem>>
      %dma_wait3A_232 = arith.constant 0 : i32
      %dma_wait3A_233 = tpu.memref_slice %arg6[%rem3A_52, %dma_wait3A_228, %dma_wait3A_232] : memref<2x10x128xi32, #tpu.memory_space<vmem>> -> memref<1x1x128xi32, #tpu.memory_space<vmem>>
      %dma_wait3A_234 = tpu.memref_squeeze %dma_wait3A_233 : memref<1x1x128xi32, #tpu.memory_space<vmem>> -> memref<128xi32, #tpu.memory_space<vmem>>
      %dma_wait3A_235 = arith.constant 0 : i32
      %dma_wait3A_236 = arith.constant 0 : i32
      %dma_wait3A_237 = tpu.memref_slice %arg4[%dma_wait3A_235, %dma_wait3A_236] : memref<100352x16xf32, #tpu.memory_space<hbm>> -> memref<100352x16xf32, #tpu.memory_space<hbm>>
      tpu.wait_indirect_dma semaphore(%arg12 : memref<!tpu.dma_semaphore, #tpu.memory_space<semaphore_mem>>) src(%dma_wait3A_237 : memref<100352x16xf32, #tpu.memory_space<hbm>>) dst(%dma_wait3A_231 : memref<128x16xf32, #tpu.memory_space<vmem>>)
      %dma_start3A_238 = arith.constant 2 : i32
      %dma_start3A_239 = arith.constant 256 : i32
      %dma_start3A_240 = arith.constant 0 : i32
      %dma_start3A_241 = tpu.memref_slice %arg8[%dma_start3A_239, %dma_start3A_240] : memref<1280x16xf32, #tpu.memory_space<vmem>> -> memref<128x16xf32, #tpu.memory_space<vmem>>
      %dma_start3A_242 = arith.constant 0 : i32
      %dma_start3A_243 = tpu.memref_slice %arg7[%rem3A_52, %dma_start3A_238, %dma_start3A_242] : memref<2x10x128xi32, #tpu.memory_space<vmem>> -> memref<1x1x128xi32, #tpu.memory_space<vmem>>
      %dma_start3A_244 = tpu.memref_squeeze %dma_start3A_243 : memref<1x1x128xi32, #tpu.memory_space<vmem>> -> memref<128xi32, #tpu.memory_space<vmem>>
      %dma_start3A_245 = arith.constant 0 : i32
      %dma_start3A_246 = arith.constant 0 : i32
      %dma_start3A_247 = tpu.memref_slice %arg10[%dma_start3A_245, %dma_start3A_246] : memref<100352x16xf32, #tpu.memory_space<vmem_shared>> -> memref<100352x16xf32, #tpu.memory_space<vmem_shared>>
      tpu.enqueue_indirect_dma source(%dma_start3A_241 : memref<128x16xf32, #tpu.memory_space<vmem>>) target(%dma_start3A_247 : memref<100352x16xf32, #tpu.memory_space<vmem_shared>>) offsets(%dma_start3A_244 : memref<128xi32, #tpu.memory_space<vmem>>) semaphore(%arg13 : memref<!tpu.dma_semaphore, #tpu.memory_space<semaphore_mem>>) {add = true}
      %dma_wait3A_248 = arith.constant 3 : i32
      %dma_wait3A_249 = arith.constant 384 : i32
      %dma_wait3A_250 = arith.constant 0 : i32
      %dma_wait3A_251 = tpu.memref_slice %arg8[%dma_wait3A_249, %dma_wait3A_250] : memref<1280x16xf32, #tpu.memory_space<vmem>> -> memref<128x16xf32, #tpu.memory_space<vmem>>
      %dma_wait3A_252 = arith.constant 0 : i32
      %dma_wait3A_253 = tpu.memref_slice %arg6[%rem3A_52, %dma_wait3A_248, %dma_wait3A_252] : memref<2x10x128xi32, #tpu.memory_space<vmem>> -> memref<1x1x128xi32, #tpu.memory_space<vmem>>
      %dma_wait3A_254 = tpu.memref_squeeze %dma_wait3A_253 : memref<1x1x128xi32, #tpu.memory_space<vmem>> -> memref<128xi32, #tpu.memory_space<vmem>>
      %dma_wait3A_255 = arith.constant 0 : i32
      %dma_wait3A_256 = arith.constant 0 : i32
      %dma_wait3A_257 = tpu.memref_slice %arg4[%dma_wait3A_255, %dma_wait3A_256] : memref<100352x16xf32, #tpu.memory_space<hbm>> -> memref<100352x16xf32, #tpu.memory_space<hbm>>
      tpu.wait_indirect_dma semaphore(%arg12 : memref<!tpu.dma_semaphore, #tpu.memory_space<semaphore_mem>>) src(%dma_wait3A_257 : memref<100352x16xf32, #tpu.memory_space<hbm>>) dst(%dma_wait3A_251 : memref<128x16xf32, #tpu.memory_space<vmem>>)
      %dma_start3A_258 = arith.constant 3 : i32
      %dma_start3A_259 = arith.constant 384 : i32
      %dma_start3A_260 = arith.constant 0 : i32
      %dma_start3A_261 = tpu.memref_slice %arg8[%dma_start3A_259, %dma_start3A_260] : memref<1280x16xf32, #tpu.memory_space<vmem>> -> memref<128x16xf32, #tpu.memory_space<vmem>>
      %dma_start3A_262 = arith.constant 0 : i32
      %dma_start3A_263 = tpu.memref_slice %arg7[%rem3A_52, %dma_start3A_258, %dma_start3A_262] : memref<2x10x128xi32, #tpu.memory_space<vmem>> -> memref<1x1x128xi32, #tpu.memory_space<vmem>>
      %dma_start3A_264 = tpu.memref_squeeze %dma_start3A_263 : memref<1x1x128xi32, #tpu.memory_space<vmem>> -> memref<128xi32, #tpu.memory_space<vmem>>
      %dma_start3A_265 = arith.constant 0 : i32
      %dma_start3A_266 = arith.constant 0 : i32
      %dma_start3A_267 = tpu.memref_slice %arg10[%dma_start3A_265, %dma_start3A_266] : memref<100352x16xf32, #tpu.memory_space<vmem_shared>> -> memref<100352x16xf32, #tpu.memory_space<vmem_shared>>
      tpu.enqueue_indirect_dma source(%dma_start3A_261 : memref<128x16xf32, #tpu.memory_space<vmem>>) target(%dma_start3A_267 : memref<100352x16xf32, #tpu.memory_space<vmem_shared>>) offsets(%dma_start3A_264 : memref<128xi32, #tpu.memory_space<vmem>>) semaphore(%arg13 : memref<!tpu.dma_semaphore, #tpu.memory_space<semaphore_mem>>) {add = true}
      %dma_wait3A_268 = arith.constant 4 : i32
      %dma_wait3A_269 = arith.constant 512 : i32
      %dma_wait3A_270 = arith.constant 0 : i32
      %dma_wait3A_271 = tpu.memref_slice %arg8[%dma_wait3A_269, %dma_wait3A_270] : memref<1280x16xf32, #tpu.memory_space<vmem>> -> memref<128x16xf32, #tpu.memory_space<vmem>>
      %dma_wait3A_272 = arith.constant 0 : i32
      %dma_wait3A_273 = tpu.memref_slice %arg6[%rem3A_52, %dma_wait3A_268, %dma_wait3A_272] : memref<2x10x128xi32, #tpu.memory_space<vmem>> -> memref<1x1x128xi32, #tpu.memory_space<vmem>>
      %dma_wait3A_274 = tpu.memref_squeeze %dma_wait3A_273 : memref<1x1x128xi32, #tpu.memory_space<vmem>> -> memref<128xi32, #tpu.memory_space<vmem>>
      %dma_wait3A_275 = arith.constant 0 : i32
      %dma_wait3A_276 = arith.constant 0 : i32
      %dma_wait3A_277 = tpu.memref_slice %arg4[%dma_wait3A_275, %dma_wait3A_276] : memref<100352x16xf32, #tpu.memory_space<hbm>> -> memref<100352x16xf32, #tpu.memory_space<hbm>>
      tpu.wait_indirect_dma semaphore(%arg12 : memref<!tpu.dma_semaphore, #tpu.memory_space<semaphore_mem>>) src(%dma_wait3A_277 : memref<100352x16xf32, #tpu.memory_space<hbm>>) dst(%dma_wait3A_271 : memref<128x16xf32, #tpu.memory_space<vmem>>)
      %dma_start3A_278 = arith.constant 4 : i32
      %dma_start3A_279 = arith.constant 512 : i32
      %dma_start3A_280 = arith.constant 0 : i32
      %dma_start3A_281 = tpu.memref_slice %arg8[%dma_start3A_279, %dma_start3A_280] : memref<1280x16xf32, #tpu.memory_space<vmem>> -> memref<128x16xf32, #tpu.memory_space<vmem>>
      %dma_start3A_282 = arith.constant 0 : i32
      %dma_start3A_283 = tpu.memref_slice %arg7[%rem3A_52, %dma_start3A_278, %dma_start3A_282] : memref<2x10x128xi32, #tpu.memory_space<vmem>> -> memref<1x1x128xi32, #tpu.memory_space<vmem>>
      %dma_start3A_284 = tpu.memref_squeeze %dma_start3A_283 : memref<1x1x128xi32, #tpu.memory_space<vmem>> -> memref<128xi32, #tpu.memory_space<vmem>>
      %dma_start3A_285 = arith.constant 0 : i32
      %dma_start3A_286 = arith.constant 0 : i32
      %dma_start3A_287 = tpu.memref_slice %arg10[%dma_start3A_285, %dma_start3A_286] : memref<100352x16xf32, #tpu.memory_space<vmem_shared>> -> memref<100352x16xf32, #tpu.memory_space<vmem_shared>>
      tpu.enqueue_indirect_dma source(%dma_start3A_281 : memref<128x16xf32, #tpu.memory_space<vmem>>) target(%dma_start3A_287 : memref<100352x16xf32, #tpu.memory_space<vmem_shared>>) offsets(%dma_start3A_284 : memref<128xi32, #tpu.memory_space<vmem>>) semaphore(%arg13 : memref<!tpu.dma_semaphore, #tpu.memory_space<semaphore_mem>>) {add = true}
      %dma_wait3A_288 = arith.constant 5 : i32
      %dma_wait3A_289 = arith.constant 640 : i32
      %dma_wait3A_290 = arith.constant 0 : i32
      %dma_wait3A_291 = tpu.memref_slice %arg8[%dma_wait3A_289, %dma_wait3A_290] : memref<1280x16xf32, #tpu.memory_space<vmem>> -> memref<128x16xf32, #tpu.memory_space<vmem>>
      %dma_wait3A_292 = arith.constant 0 : i32
      %dma_wait3A_293 = tpu.memref_slice %arg6[%rem3A_52, %dma_wait3A_288, %dma_wait3A_292] : memref<2x10x128xi32, #tpu.memory_space<vmem>> -> memref<1x1x128xi32, #tpu.memory_space<vmem>>
      %dma_wait3A_294 = tpu.memref_squeeze %dma_wait3A_293 : memref<1x1x128xi32, #tpu.memory_space<vmem>> -> memref<128xi32, #tpu.memory_space<vmem>>
      %dma_wait3A_295 = arith.constant 0 : i32
      %dma_wait3A_296 = arith.constant 0 : i32
      %dma_wait3A_297 = tpu.memref_slice %arg4[%dma_wait3A_295, %dma_wait3A_296] : memref<100352x16xf32, #tpu.memory_space<hbm>> -> memref<100352x16xf32, #tpu.memory_space<hbm>>
      tpu.wait_indirect_dma semaphore(%arg12 : memref<!tpu.dma_semaphore, #tpu.memory_space<semaphore_mem>>) src(%dma_wait3A_297 : memref<100352x16xf32, #tpu.memory_space<hbm>>) dst(%dma_wait3A_291 : memref<128x16xf32, #tpu.memory_space<vmem>>)
      %dma_start3A_298 = arith.constant 5 : i32
      %dma_start3A_299 = arith.constant 640 : i32
      %dma_start3A_300 = arith.constant 0 : i32
      %dma_start3A_301 = tpu.memref_slice %arg8[%dma_start3A_299, %dma_start3A_300] : memref<1280x16xf32, #tpu.memory_space<vmem>> -> memref<128x16xf32, #tpu.memory_space<vmem>>
      %dma_start3A_302 = arith.constant 0 : i32
      %dma_start3A_303 = tpu.memref_slice %arg7[%rem3A_52, %dma_start3A_298, %dma_start3A_302] : memref<2x10x128xi32, #tpu.memory_space<vmem>> -> memref<1x1x128xi32, #tpu.memory_space<vmem>>
      %dma_start3A_304 = tpu.memref_squeeze %dma_start3A_303 : memref<1x1x128xi32, #tpu.memory_space<vmem>> -> memref<128xi32, #tpu.memory_space<vmem>>
      %dma_start3A_305 = arith.constant 0 : i32
      %dma_start3A_306 = arith.constant 0 : i32
      %dma_start3A_307 = tpu.memref_slice %arg10[%dma_start3A_305, %dma_start3A_306] : memref<100352x16xf32, #tpu.memory_space<vmem_shared>> -> memref<100352x16xf32, #tpu.memory_space<vmem_shared>>
      tpu.enqueue_indirect_dma source(%dma_start3A_301 : memref<128x16xf32, #tpu.memory_space<vmem>>) target(%dma_start3A_307 : memref<100352x16xf32, #tpu.memory_space<vmem_shared>>) offsets(%dma_start3A_304 : memref<128xi32, #tpu.memory_space<vmem>>) semaphore(%arg13 : memref<!tpu.dma_semaphore, #tpu.memory_space<semaphore_mem>>) {add = true}
      %dma_wait3A_308 = arith.constant 6 : i32
      %dma_wait3A_309 = arith.constant 768 : i32
      %dma_wait3A_310 = arith.constant 0 : i32
      %dma_wait3A_311 = tpu.memref_slice %arg8[%dma_wait3A_309, %dma_wait3A_310] : memref<1280x16xf32, #tpu.memory_space<vmem>> -> memref<128x16xf32, #tpu.memory_space<vmem>>
      %dma_wait3A_312 = arith.constant 0 : i32
      %dma_wait3A_313 = tpu.memref_slice %arg6[%rem3A_52, %dma_wait3A_308, %dma_wait3A_312] : memref<2x10x128xi32, #tpu.memory_space<vmem>> -> memref<1x1x128xi32, #tpu.memory_space<vmem>>
      %dma_wait3A_314 = tpu.memref_squeeze %dma_wait3A_313 : memref<1x1x128xi32, #tpu.memory_space<vmem>> -> memref<128xi32, #tpu.memory_space<vmem>>
      %dma_wait3A_315 = arith.constant 0 : i32
      %dma_wait3A_316 = arith.constant 0 : i32
      %dma_wait3A_317 = tpu.memref_slice %arg4[%dma_wait3A_315, %dma_wait3A_316] : memref<100352x16xf32, #tpu.memory_space<hbm>> -> memref<100352x16xf32, #tpu.memory_space<hbm>>
      tpu.wait_indirect_dma semaphore(%arg12 : memref<!tpu.dma_semaphore, #tpu.memory_space<semaphore_mem>>) src(%dma_wait3A_317 : memref<100352x16xf32, #tpu.memory_space<hbm>>) dst(%dma_wait3A_311 : memref<128x16xf32, #tpu.memory_space<vmem>>)
      %dma_start3A_318 = arith.constant 6 : i32
      %dma_start3A_319 = arith.constant 768 : i32
      %dma_start3A_320 = arith.constant 0 : i32
      %dma_start3A_321 = tpu.memref_slice %arg8[%dma_start3A_319, %dma_start3A_320] : memref<1280x16xf32, #tpu.memory_space<vmem>> -> memref<128x16xf32, #tpu.memory_space<vmem>>
      %dma_start3A_322 = arith.constant 0 : i32
      %dma_start3A_323 = tpu.memref_slice %arg7[%rem3A_52, %dma_start3A_318, %dma_start3A_322] : memref<2x10x128xi32, #tpu.memory_space<vmem>> -> memref<1x1x128xi32, #tpu.memory_space<vmem>>
      %dma_start3A_324 = tpu.memref_squeeze %dma_start3A_323 : memref<1x1x128xi32, #tpu.memory_space<vmem>> -> memref<128xi32, #tpu.memory_space<vmem>>
      %dma_start3A_325 = arith.constant 0 : i32
      %dma_start3A_326 = arith.constant 0 : i32
      %dma_start3A_327 = tpu.memref_slice %arg10[%dma_start3A_325, %dma_start3A_326] : memref<100352x16xf32, #tpu.memory_space<vmem_shared>> -> memref<100352x16xf32, #tpu.memory_space<vmem_shared>>
      tpu.enqueue_indirect_dma source(%dma_start3A_321 : memref<128x16xf32, #tpu.memory_space<vmem>>) target(%dma_start3A_327 : memref<100352x16xf32, #tpu.memory_space<vmem_shared>>) offsets(%dma_start3A_324 : memref<128xi32, #tpu.memory_space<vmem>>) semaphore(%arg13 : memref<!tpu.dma_semaphore, #tpu.memory_space<semaphore_mem>>) {add = true}
      %dma_wait3A_328 = arith.constant 7 : i32
      %dma_wait3A_329 = arith.constant 896 : i32
      %dma_wait3A_330 = arith.constant 0 : i32
      %dma_wait3A_331 = tpu.memref_slice %arg8[%dma_wait3A_329, %dma_wait3A_330] : memref<1280x16xf32, #tpu.memory_space<vmem>> -> memref<128x16xf32, #tpu.memory_space<vmem>>
      %dma_wait3A_332 = arith.constant 0 : i32
      %dma_wait3A_333 = tpu.memref_slice %arg6[%rem3A_52, %dma_wait3A_328, %dma_wait3A_332] : memref<2x10x128xi32, #tpu.memory_space<vmem>> -> memref<1x1x128xi32, #tpu.memory_space<vmem>>
      %dma_wait3A_334 = tpu.memref_squeeze %dma_wait3A_333 : memref<1x1x128xi32, #tpu.memory_space<vmem>> -> memref<128xi32, #tpu.memory_space<vmem>>
      %dma_wait3A_335 = arith.constant 0 : i32
      %dma_wait3A_336 = arith.constant 0 : i32
      %dma_wait3A_337 = tpu.memref_slice %arg4[%dma_wait3A_335, %dma_wait3A_336] : memref<100352x16xf32, #tpu.memory_space<hbm>> -> memref<100352x16xf32, #tpu.memory_space<hbm>>
      tpu.wait_indirect_dma semaphore(%arg12 : memref<!tpu.dma_semaphore, #tpu.memory_space<semaphore_mem>>) src(%dma_wait3A_337 : memref<100352x16xf32, #tpu.memory_space<hbm>>) dst(%dma_wait3A_331 : memref<128x16xf32, #tpu.memory_space<vmem>>)
      %dma_start3A_338 = arith.constant 7 : i32
      %dma_start3A_339 = arith.constant 896 : i32
      %dma_start3A_340 = arith.constant 0 : i32
      %dma_start3A_341 = tpu.memref_slice %arg8[%dma_start3A_339, %dma_start3A_340] : memref<1280x16xf32, #tpu.memory_space<vmem>> -> memref<128x16xf32, #tpu.memory_space<vmem>>
      %dma_start3A_342 = arith.constant 0 : i32
      %dma_start3A_343 = tpu.memref_slice %arg7[%rem3A_52, %dma_start3A_338, %dma_start3A_342] : memref<2x10x128xi32, #tpu.memory_space<vmem>> -> memref<1x1x128xi32, #tpu.memory_space<vmem>>
      %dma_start3A_344 = tpu.memref_squeeze %dma_start3A_343 : memref<1x1x128xi32, #tpu.memory_space<vmem>> -> memref<128xi32, #tpu.memory_space<vmem>>
      %dma_start3A_345 = arith.constant 0 : i32
      %dma_start3A_346 = arith.constant 0 : i32
      %dma_start3A_347 = tpu.memref_slice %arg10[%dma_start3A_345, %dma_start3A_346] : memref<100352x16xf32, #tpu.memory_space<vmem_shared>> -> memref<100352x16xf32, #tpu.memory_space<vmem_shared>>
      tpu.enqueue_indirect_dma source(%dma_start3A_341 : memref<128x16xf32, #tpu.memory_space<vmem>>) target(%dma_start3A_347 : memref<100352x16xf32, #tpu.memory_space<vmem_shared>>) offsets(%dma_start3A_344 : memref<128xi32, #tpu.memory_space<vmem>>) semaphore(%arg13 : memref<!tpu.dma_semaphore, #tpu.memory_space<semaphore_mem>>) {add = true}
      %dma_wait3A_348 = arith.constant 8 : i32
      %dma_wait3A_349 = arith.constant 1024 : i32
      %dma_wait3A_350 = arith.constant 0 : i32
      %dma_wait3A_351 = tpu.memref_slice %arg8[%dma_wait3A_349, %dma_wait3A_350] : memref<1280x16xf32, #tpu.memory_space<vmem>> -> memref<128x16xf32, #tpu.memory_space<vmem>>
      %dma_wait3A_352 = arith.constant 0 : i32
      %dma_wait3A_353 = tpu.memref_slice %arg6[%rem3A_52, %dma_wait3A_348, %dma_wait3A_352] : memref<2x10x128xi32, #tpu.memory_space<vmem>> -> memref<1x1x128xi32, #tpu.memory_space<vmem>>
      %dma_wait3A_354 = tpu.memref_squeeze %dma_wait3A_353 : memref<1x1x128xi32, #tpu.memory_space<vmem>> -> memref<128xi32, #tpu.memory_space<vmem>>
      %dma_wait3A_355 = arith.constant 0 : i32
      %dma_wait3A_356 = arith.constant 0 : i32
      %dma_wait3A_357 = tpu.memref_slice %arg4[%dma_wait3A_355, %dma_wait3A_356] : memref<100352x16xf32, #tpu.memory_space<hbm>> -> memref<100352x16xf32, #tpu.memory_space<hbm>>
      tpu.wait_indirect_dma semaphore(%arg12 : memref<!tpu.dma_semaphore, #tpu.memory_space<semaphore_mem>>) src(%dma_wait3A_357 : memref<100352x16xf32, #tpu.memory_space<hbm>>) dst(%dma_wait3A_351 : memref<128x16xf32, #tpu.memory_space<vmem>>)
      %dma_start3A_358 = arith.constant 8 : i32
      %dma_start3A_359 = arith.constant 1024 : i32
      %dma_start3A_360 = arith.constant 0 : i32
      %dma_start3A_361 = tpu.memref_slice %arg8[%dma_start3A_359, %dma_start3A_360] : memref<1280x16xf32, #tpu.memory_space<vmem>> -> memref<128x16xf32, #tpu.memory_space<vmem>>
      %dma_start3A_362 = arith.constant 0 : i32
      %dma_start3A_363 = tpu.memref_slice %arg7[%rem3A_52, %dma_start3A_358, %dma_start3A_362] : memref<2x10x128xi32, #tpu.memory_space<vmem>> -> memref<1x1x128xi32, #tpu.memory_space<vmem>>
      %dma_start3A_364 = tpu.memref_squeeze %dma_start3A_363 : memref<1x1x128xi32, #tpu.memory_space<vmem>> -> memref<128xi32, #tpu.memory_space<vmem>>
      %dma_start3A_365 = arith.constant 0 : i32
      %dma_start3A_366 = arith.constant 0 : i32
      %dma_start3A_367 = tpu.memref_slice %arg10[%dma_start3A_365, %dma_start3A_366] : memref<100352x16xf32, #tpu.memory_space<vmem_shared>> -> memref<100352x16xf32, #tpu.memory_space<vmem_shared>>
      tpu.enqueue_indirect_dma source(%dma_start3A_361 : memref<128x16xf32, #tpu.memory_space<vmem>>) target(%dma_start3A_367 : memref<100352x16xf32, #tpu.memory_space<vmem_shared>>) offsets(%dma_start3A_364 : memref<128xi32, #tpu.memory_space<vmem>>) semaphore(%arg13 : memref<!tpu.dma_semaphore, #tpu.memory_space<semaphore_mem>>) {add = true}
      %dma_wait3A_368 = arith.constant 9 : i32
      %dma_wait3A_369 = arith.constant 1152 : i32
      %dma_wait3A_370 = arith.constant 0 : i32
      %dma_wait3A_371 = tpu.memref_slice %arg8[%dma_wait3A_369, %dma_wait3A_370] : memref<1280x16xf32, #tpu.memory_space<vmem>> -> memref<128x16xf32, #tpu.memory_space<vmem>>
      %dma_wait3A_372 = arith.constant 0 : i32
      %dma_wait3A_373 = tpu.memref_slice %arg6[%rem3A_52, %dma_wait3A_368, %dma_wait3A_372] : memref<2x10x128xi32, #tpu.memory_space<vmem>> -> memref<1x1x128xi32, #tpu.memory_space<vmem>>
      %dma_wait3A_374 = tpu.memref_squeeze %dma_wait3A_373 : memref<1x1x128xi32, #tpu.memory_space<vmem>> -> memref<128xi32, #tpu.memory_space<vmem>>
      %dma_wait3A_375 = arith.constant 0 : i32
      %dma_wait3A_376 = arith.constant 0 : i32
      %dma_wait3A_377 = tpu.memref_slice %arg4[%dma_wait3A_375, %dma_wait3A_376] : memref<100352x16xf32, #tpu.memory_space<hbm>> -> memref<100352x16xf32, #tpu.memory_space<hbm>>
      tpu.wait_indirect_dma semaphore(%arg12 : memref<!tpu.dma_semaphore, #tpu.memory_space<semaphore_mem>>) src(%dma_wait3A_377 : memref<100352x16xf32, #tpu.memory_space<hbm>>) dst(%dma_wait3A_371 : memref<128x16xf32, #tpu.memory_space<vmem>>)
      %dma_start3A_378 = arith.constant 9 : i32
      %dma_start3A_379 = arith.constant 1152 : i32
      %dma_start3A_380 = arith.constant 0 : i32
      %dma_start3A_381 = tpu.memref_slice %arg8[%dma_start3A_379, %dma_start3A_380] : memref<1280x16xf32, #tpu.memory_space<vmem>> -> memref<128x16xf32, #tpu.memory_space<vmem>>
      %dma_start3A_382 = arith.constant 0 : i32
      %dma_start3A_383 = tpu.memref_slice %arg7[%rem3A_52, %dma_start3A_378, %dma_start3A_382] : memref<2x10x128xi32, #tpu.memory_space<vmem>> -> memref<1x1x128xi32, #tpu.memory_space<vmem>>
      %dma_start3A_384 = tpu.memref_squeeze %dma_start3A_383 : memref<1x1x128xi32, #tpu.memory_space<vmem>> -> memref<128xi32, #tpu.memory_space<vmem>>
      %dma_start3A_385 = arith.constant 0 : i32
      %dma_start3A_386 = arith.constant 0 : i32
      %dma_start3A_387 = tpu.memref_slice %arg10[%dma_start3A_385, %dma_start3A_386] : memref<100352x16xf32, #tpu.memory_space<vmem_shared>> -> memref<100352x16xf32, #tpu.memory_space<vmem_shared>>
      tpu.enqueue_indirect_dma source(%dma_start3A_381 : memref<128x16xf32, #tpu.memory_space<vmem>>) target(%dma_start3A_387 : memref<100352x16xf32, #tpu.memory_space<vmem_shared>>) offsets(%dma_start3A_384 : memref<128xi32, #tpu.memory_space<vmem>>) semaphore(%arg13 : memref<!tpu.dma_semaphore, #tpu.memory_space<semaphore_mem>>) {add = true}
      %while3A_388 = arith.constant 0 : i32
      scf.yield %while3A_388 : i32
    }
    %gt3A_40 = arith.constant 0 : i32
    %gt3A_41 = arith.cmpi sgt, %select_n3A_26, %gt3A_40 : i32
    %convert_element_type3A_42 = arith.extui %gt3A_41 : i1 to i32
    %cond3A_43 = arith.constant 0 : i32
    %cond3A_44 = arith.cmpi ne, %convert_element_type3A_42, %cond3A_43 : i32
    scf.if %cond3A_44 {
      %dma_wait3A = arith.constant 0 : i32
      %dma_wait3A_50 = arith.constant 0 : i32
      %dma_wait3A_51 = tpu.memref_slice %arg4[%dma_wait3A, %dma_wait3A_50] : memref<100352x16xf32, #tpu.memory_space<hbm>> -> memref<1280x16xf32, #tpu.memory_space<hbm>>
      %dma_wait3A_52 = arith.constant 0 : i32
      %dma_wait3A_53 = arith.constant 0 : i32
      %dma_wait3A_54 = tpu.memref_slice %arg4[%dma_wait3A_52, %dma_wait3A_53] : memref<100352x16xf32, #tpu.memory_space<hbm>> -> memref<1280x16xf32, #tpu.memory_space<hbm>>
      tpu.wait_dma2 semaphore(%arg13 : memref<!tpu.dma_semaphore, #tpu.memory_space<semaphore_mem>>) src(%dma_wait3A_54 : memref<1280x16xf32, #tpu.memory_space<hbm>>) dst(%arg8 : memref<1280x16xf32, #tpu.memory_space<vmem>>)
    } else {
    }
    %barrier3A_45 = arith.constant 0 : index
    tpu.barrier barrier_id(%barrier3A_45)
    %mul3A_46 = arith.constant 6272 : i32
    %mul3A_47 = arith.muli %arg1, %mul3A_46 : i32
    %mul3A_48 = arith.constant 6272 : i32
    %mul3A_49 = arith.muli %arg1, %mul3A_48 : i32
    "tpu.region"() ({
      %run_scoped3A = tpu.sem_alloc : memref<!tpu.dma_semaphore, #tpu.memory_space<semaphore_mem>>
      %dma_start3A = arith.constant 0 : i32
      %dma_start3A_50 = tpu.memref_slice %arg5[%arg0, %mul3A_49, %dma_start3A] : memref<2x100352x16xf32, #tpu.memory_space<hbm>> -> memref<1x6272x16xf32, #tpu.memory_space<hbm>>
      %dma_start3A_51 = tpu.memref_squeeze %dma_start3A_50 : memref<1x6272x16xf32, #tpu.memory_space<hbm>> -> memref<6272x16xf32, #tpu.memory_space<hbm>>
      %dma_start3A_52 = arith.constant 0 : i32
      %dma_start3A_53 = tpu.memref_slice %arg10[%mul3A_47, %dma_start3A_52] : memref<100352x16xf32, #tpu.memory_space<vmem_shared>> -> memref<6272x16xf32, #tpu.memory_space<vmem_shared>>
      tpu.enqueue_dma source(%dma_start3A_53 : memref<6272x16xf32, #tpu.memory_space<vmem_shared>>) target(%dma_start3A_51 : memref<6272x16xf32, #tpu.memory_space<hbm>>) target_semaphore(%run_scoped3A : memref<!tpu.dma_semaphore, #tpu.memory_space<semaphore_mem>>)
      %dma_wait3A = arith.constant 0 : i32
      %dma_wait3A_54 = tpu.memref_slice %arg5[%arg0, %mul3A_49, %dma_wait3A] : memref<2x100352x16xf32, #tpu.memory_space<hbm>> -> memref<1x6272x16xf32, #tpu.memory_space<hbm>>
      %dma_wait3A_55 = tpu.memref_squeeze %dma_wait3A_54 : memref<1x6272x16xf32, #tpu.memory_space<hbm>> -> memref<6272x16xf32, #tpu.memory_space<hbm>>
      %dma_wait3A_56 = arith.constant 0 : i32
      %dma_wait3A_57 = tpu.memref_slice %arg10[%mul3A_47, %dma_wait3A_56] : memref<100352x16xf32, #tpu.memory_space<vmem_shared>> -> memref<6272x16xf32, #tpu.memory_space<vmem_shared>>
      tpu.wait_dma2 semaphore(%run_scoped3A : memref<!tpu.dma_semaphore, #tpu.memory_space<semaphore_mem>>) src(%dma_wait3A_57 : memref<6272x16xf32, #tpu.memory_space<vmem_shared>>) dst(%dma_wait3A_55 : memref<6272x16xf32, #tpu.memory_space<hbm>>)
      tpu.yield
    }) : () -> ()
    return
  }
}

#map = affine_map<(d0, d1) -> (0, 0)>
#map1 = affine_map<(d0, d1) -> (0, 0, 0)>
module attributes {stable_mosaic.version = 14 : i64} {
  func.func @_agg_body(%arg0: i32, %arg1: i32, %arg2: memref<25600x128xi32, #tpu.memory_space<hbm>>, %arg3: memref<25600x128xi32, #tpu.memory_space<hbm>>, %arg4: memref<100352x16xf32, #tpu.memory_space<hbm>>, %arg5: memref<2x100352x16xf32, #tpu.memory_space<hbm>>, %arg6: memref<2x10x128xi32, #tpu.memory_space<vmem>>, %arg7: memref<2x10x128xi32, #tpu.memory_space<vmem>>, %arg8: memref<1280x16xf32, #tpu.memory_space<vmem>>, %arg9: memref<128x16xf32, #tpu.memory_space<vmem>>, %arg10: memref<100352x16xf32, #tpu.memory_space<vmem_shared>>, %arg11: memref<!tpu.dma_semaphore, #tpu.memory_space<semaphore_mem>>, %arg12: memref<!tpu.dma_semaphore, #tpu.memory_space<semaphore_mem>>, %arg13: memref<!tpu.dma_semaphore, #tpu.memory_space<semaphore_mem>>) attributes {dimension_semantics = [#tpu.dimension_semantics<core_parallel>, #tpu.dimension_semantics<subcore_parallel>], iteration_bounds = array<i64: 2, 16>, scalar_prefetch = 0 : i64, scratch_operands = 8 : i64, tpu.core_type = #tpu.core_type<sc_vector_subcore>, window_params = [{transform_indices = #map}, {transform_indices = #map}, {transform_indices = #map}, {transform_indices = #map1}]} {
    %mul3A = arith.constant 16 : i32
    %mul3A_0 = arith.muli %arg0, %mul3A : i32
    %add3A = arith.addi %mul3A_0, %arg1 : i32
    %scan3A = arith.constant 0 : i32
    %scan3A_1 = arith.constant 0 : i32
    %scan3A_2 = arith.constant 128 : i32
    %scan3A_3 = arith.addi %scan3A_1, %scan3A_2 : i32
    %scan3A_4 = arith.constant 1 : i32
    %scan3A_5 = scf.for %scan3A_50 = %scan3A_1 to %scan3A_3 step %scan3A_4 iter_args(%scan3A_51 = %scan3A) -> (i32)  : i32 {
      %broadcast_in_dim3A = arith.constant 0.000000e+00 : f32
      %broadcast_in_dim3A_52 = vector.broadcast %broadcast_in_dim3A : f32 to vector<16xf32>
      %swap3A = arith.index_cast %scan3A_50 : i32 to index
      %swap3A_53 = arith.constant 0 : index
      %swap3A_54 = tpu.vector_load %arg9[%swap3A, %swap3A_53] {strides = array<i32>} : memref<128x16xf32, #tpu.memory_space<vmem>>, vector<1x16xf32>,
      %swap3A_55 = vector.shape_cast %swap3A_54 : vector<1x16xf32> to vector<16xf32>
      %swap3A_56 = vector.shape_cast %broadcast_in_dim3A_52 : vector<16xf32> to vector<1x16xf32>
      tpu.vector_store %arg9[%swap3A, %swap3A_53], %swap3A_56 {strides = array<i32>} : memref<128x16xf32, #tpu.memory_space<vmem>>, vector<1x16xf32>,
      %scan3A_57 = arith.constant 0 : i32
      scf.yield %scan3A_57 : i32
    }
    %scan3A_6 = arith.constant 128 : i32
    %scan3A_7 = arith.constant 0 : i32
    %scan3A_8 = arith.constant 0 : i32
    %scan3A_9 = arith.constant 49 : i32
    %scan3A_10 = arith.addi %scan3A_8, %scan3A_9 : i32
    %scan3A_11 = arith.constant 1 : i32
    %scan3A_12 = scf.for %scan3A_50 = %scan3A_8 to %scan3A_10 step %scan3A_11 iter_args(%scan3A_51 = %scan3A_7) -> (i32)  : i32 {
      %mul3A_52 = arith.constant 6272 : i32
      %mul3A_53 = arith.muli %arg1, %mul3A_52 : i32
      %mul3A_54 = arith.constant 128 : i32
      %mul3A_55 = arith.muli %scan3A_50, %mul3A_54 : i32
      %add3A_56 = arith.addi %mul3A_53, %mul3A_55 : i32
      "tpu.region"() ({
        %run_scoped3A = tpu.sem_alloc : memref<!tpu.dma_semaphore, #tpu.memory_space<semaphore_mem>>
        %dma_start3A = arith.constant 0 : i32
        %dma_start3A_58 = tpu.memref_slice %arg10[%add3A_56, %dma_start3A] : memref<100352x16xf32, #tpu.memory_space<vmem_shared>> -> memref<128x16xf32, #tpu.memory_space<vmem_shared>>
        %dma_start3A_59 = arith.constant 0 : i32
        %dma_start3A_60 = tpu.memref_slice %arg10[%add3A_56, %dma_start3A_59] : memref<100352x16xf32, #tpu.memory_space<vmem_shared>> -> memref<128x16xf32, #tpu.memory_space<vmem_shared>>
        tpu.enqueue_dma source(%arg9 : memref<128x16xf32, #tpu.memory_space<vmem>>) target(%dma_start3A_60 : memref<128x16xf32, #tpu.memory_space<vmem_shared>>) target_semaphore(%run_scoped3A : memref<!tpu.dma_semaphore, #tpu.memory_space<semaphore_mem>>)
        %dma_wait3A = arith.constant 0 : i32
        %dma_wait3A_61 = tpu.memref_slice %arg10[%add3A_56, %dma_wait3A] : memref<100352x16xf32, #tpu.memory_space<vmem_shared>> -> memref<128x16xf32, #tpu.memory_space<vmem_shared>>
        %dma_wait3A_62 = arith.constant 0 : i32
        %dma_wait3A_63 = tpu.memref_slice %arg10[%add3A_56, %dma_wait3A_62] : memref<100352x16xf32, #tpu.memory_space<vmem_shared>> -> memref<128x16xf32, #tpu.memory_space<vmem_shared>>
        tpu.wait_dma2 semaphore(%run_scoped3A : memref<!tpu.dma_semaphore, #tpu.memory_space<semaphore_mem>>) src(%arg9 : memref<128x16xf32, #tpu.memory_space<vmem>>) dst(%dma_wait3A_63 : memref<128x16xf32, #tpu.memory_space<vmem_shared>>)
        tpu.yield
      }) : () -> ()
      %scan3A_57 = arith.constant 0 : i32
      scf.yield %scan3A_57 : i32
    }
    %scan3A_13 = arith.constant 49 : i32
    %barrier3A = arith.constant 0 : index
    tpu.barrier barrier_id(%barrier3A)
    %eq3A = arith.constant 0 : i32
    %eq3A_14 = arith.cmpi eq, %arg0, %eq3A : i32
    %mul3A_15 = arith.constant 1400 : i32
    %mul3A_16 = arith.muli %arg1, %mul3A_15 : i32
    %mul3A_17 = arith.constant 200 : i32
    %mul3A_18 = arith.muli %arg1, %mul3A_17 : i32
    %add3A_19 = arith.constant 22400 : i32
    %add3A_20 = arith.addi %add3A_19, %mul3A_18 : i32
    %select_n3A = arith.select %eq3A_14, %mul3A_16, %add3A_20 : i32
    %min3A = arith.constant 25590 : i32
    %min3A_21 = arith.minsi %select_n3A, %min3A : i32
    %eq3A_22 = arith.constant 0 : i32
    %eq3A_23 = arith.cmpi eq, %arg0, %eq3A_22 : i32
    %select_n3A_24 = arith.constant 20 : i32
    %select_n3A_25 = arith.constant 140 : i32
    %select_n3A_26 = arith.select %eq3A_23, %select_n3A_25, %select_n3A_24 : i32
    %gt3A = arith.constant 0 : i32
    %gt3A_27 = arith.cmpi sgt, %select_n3A_26, %gt3A : i32
    %convert_element_type3A = arith.extui %gt3A_27 : i1 to i32
    %cond3A = arith.constant 0 : i32
    %cond3A_28 = arith.cmpi ne, %convert_element_type3A, %cond3A : i32
    scf.if %cond3A_28 {
      %add3A_50 = arith.constant 0 : i32
      %add3A_51 = arith.addi %min3A_21, %add3A_50 : i32
      %rem3A = arith.constant 0 : i32
      %rem3A_52 = arith.constant 2 : i32
      %rem3A_53 = arith.remsi %rem3A, %rem3A_52 : i32
      %dma_start3A = arith.constant 0 : i32
      %dma_start3A_54 = arith.constant 0 : i32
      %dma_start3A_55 = tpu.memref_slice %arg6[%rem3A_53, %dma_start3A, %dma_start3A_54] : memref<2x10x128xi32, #tpu.memory_space<vmem>> -> memref<1x10x128xi32, #tpu.memory_space<vmem>>
      %dma_start3A_56 = tpu.memref_squeeze %dma_start3A_55 : memref<1x10x128xi32, #tpu.memory_space<vmem>> -> memref<10x128xi32, #tpu.memory_space<vmem>>
      %dma_start3A_57 = arith.constant 0 : i32
      %dma_start3A_58 = tpu.memref_slice %arg2[%add3A_51, %dma_start3A_57] : memref<25600x128xi32, #tpu.memory_space<hbm>> -> memref<10x128xi32, #tpu.memory_space<hbm>>
      %dma_start3A_59 = arith.constant 0 : i32
      %dma_start3A_60 = arith.constant 0 : i32
      %dma_start3A_61 = tpu.memref_slice %arg6[%rem3A_53, %dma_start3A_59, %dma_start3A_60] : memref<2x10x128xi32, #tpu.memory_space<vmem>> -> memref<1x10x128xi32, #tpu.memory_space<vmem>>
      %dma_start3A_62 = tpu.memref_squeeze %dma_start3A_61 : memref<1x10x128xi32, #tpu.memory_space<vmem>> -> memref<10x128xi32, #tpu.memory_space<vmem>>
      %dma_start3A_63 = arith.constant 0 : i32
      %dma_start3A_64 = tpu.memref_slice %arg2[%add3A_51, %dma_start3A_63] : memref<25600x128xi32, #tpu.memory_space<hbm>> -> memref<10x128xi32, #tpu.memory_space<hbm>>
      tpu.enqueue_dma source(%dma_start3A_64 : memref<10x128xi32, #tpu.memory_space<hbm>>) target(%dma_start3A_62 : memref<10x128xi32, #tpu.memory_space<vmem>>) target_semaphore(%arg11 : memref<!tpu.dma_semaphore, #tpu.memory_space<semaphore_mem>>)
      %dma_start3A_65 = arith.constant 0 : i32
      %dma_start3A_66 = arith.constant 0 : i32
      %dma_start3A_67 = tpu.memref_slice %arg7[%rem3A_53, %dma_start3A_65, %dma_start3A_66] : memref<2x10x128xi32, #tpu.memory_space<vmem>> -> memref<1x10x128xi32, #tpu.memory_space<vmem>>
      %dma_start3A_68 = tpu.memref_squeeze %dma_start3A_67 : memref<1x10x128xi32, #tpu.memory_space<vmem>> -> memref<10x128xi32, #tpu.memory_space<vmem>>
      %dma_start3A_69 = arith.constant 0 : i32
      %dma_start3A_70 = tpu.memref_slice %arg3[%add3A_51, %dma_start3A_69] : memref<25600x128xi32, #tpu.memory_space<hbm>> -> memref<10x128xi32, #tpu.memory_space<hbm>>
      %dma_start3A_71 = arith.constant 0 : i32
      %dma_start3A_72 = arith.constant 0 : i32
      %dma_start3A_73 = tpu.memref_slice %arg7[%rem3A_53, %dma_start3A_71, %dma_start3A_72] : memref<2x10x128xi32, #tpu.memory_space<vmem>> -> memref<1x10x128xi32, #tpu.memory_space<vmem>>
      %dma_start3A_74 = tpu.memref_squeeze %dma_start3A_73 : memref<1x10x128xi32, #tpu.memory_space<vmem>> -> memref<10x128xi32, #tpu.memory_space<vmem>>
      %dma_start3A_75 = arith.constant 0 : i32
      %dma_start3A_76 = tpu.memref_slice %arg3[%add3A_51, %dma_start3A_75] : memref<25600x128xi32, #tpu.memory_space<hbm>> -> memref<10x128xi32, #tpu.memory_space<hbm>>
      tpu.enqueue_dma source(%dma_start3A_76 : memref<10x128xi32, #tpu.memory_space<hbm>>) target(%dma_start3A_74 : memref<10x128xi32, #tpu.memory_space<vmem>>) target_semaphore(%arg11 : memref<!tpu.dma_semaphore, #tpu.memory_space<semaphore_mem>>)
    } else {
    }
    %while3A = arith.constant 0 : i32
    %while3A_29 = arith.constant 0 : i32
    %while3A_30 = arith.subi %select_n3A_26, %while3A : i32
    %while3A_31 = arith.addi %while3A, %while3A_30 : i32
    %while3A_32 = arith.constant 1 : i32
    %while3A_33 = arith.divsi %while3A_30, %while3A_32 : i32
    %while3A_34 = arith.muli %while3A_33, %while3A_32 : i32
    %while3A_35 = arith.addi %while3A, %while3A_34 : i32
    %while3A_36 = arith.constant 1 : i32
    %while3A_37 = scf.for %while3A_50 = %while3A to %while3A_35 step %while3A_36 iter_args(%while3A_51 = %while3A_29) -> (i32)  : i32 {
      %rem3A = arith.constant 2 : i32
      %rem3A_52 = arith.remsi %while3A_50, %rem3A : i32
      %gt3A_53 = arith.constant 0 : i32
      %gt3A_54 = arith.cmpi sgt, %while3A_50, %gt3A_53 : i32
      %convert_element_type3A_55 = arith.extui %gt3A_54 : i1 to i32
      %cond3A_56 = arith.constant 0 : i32
      %cond3A_57 = arith.cmpi ne, %convert_element_type3A_55, %cond3A_56 : i32
      scf.if %cond3A_57 {
        %dma_wait3A_389 = arith.constant 0 : i32
        %dma_wait3A_390 = arith.constant 0 : i32
        %dma_wait3A_391 = tpu.memref_slice %arg4[%dma_wait3A_389, %dma_wait3A_390] : memref<100352x16xf32, #tpu.memory_space<hbm>> -> memref<1280x16xf32, #tpu.memory_space<hbm>>
        %dma_wait3A_392 = arith.constant 0 : i32
        %dma_wait3A_393 = arith.constant 0 : i32
        %dma_wait3A_394 = tpu.memref_slice %arg4[%dma_wait3A_392, %dma_wait3A_393] : memref<100352x16xf32, #tpu.memory_space<hbm>> -> memref<1280x16xf32, #tpu.memory_space<hbm>>
        tpu.wait_dma2 semaphore(%arg13 : memref<!tpu.dma_semaphore, #tpu.memory_space<semaphore_mem>>) src(%dma_wait3A_394 : memref<1280x16xf32, #tpu.memory_space<hbm>>) dst(%arg8 : memref<1280x16xf32, #tpu.memory_space<vmem>>)
      } else {
      }
      %dma_wait3A = arith.constant 0 : i32
      %dma_wait3A_58 = arith.constant 0 : i32
      %dma_wait3A_59 = tpu.memref_slice %arg6[%rem3A_52, %dma_wait3A, %dma_wait3A_58] : memref<2x10x128xi32, #tpu.memory_space<vmem>> -> memref<1x10x128xi32, #tpu.memory_space<vmem>>
      %dma_wait3A_60 = tpu.memref_squeeze %dma_wait3A_59 : memref<1x10x128xi32, #tpu.memory_space<vmem>> -> memref<10x128xi32, #tpu.memory_space<vmem>>
      %dma_wait3A_61 = arith.constant 0 : i32
      %dma_wait3A_62 = arith.constant 0 : i32
      %dma_wait3A_63 = tpu.memref_slice %arg2[%dma_wait3A_61, %dma_wait3A_62] : memref<25600x128xi32, #tpu.memory_space<hbm>> -> memref<10x128xi32, #tpu.memory_space<hbm>>
      %dma_wait3A_64 = arith.constant 0 : i32
      %dma_wait3A_65 = arith.constant 0 : i32
      %dma_wait3A_66 = tpu.memref_slice %arg6[%rem3A_52, %dma_wait3A_64, %dma_wait3A_65] : memref<2x10x128xi32, #tpu.memory_space<vmem>> -> memref<1x10x128xi32, #tpu.memory_space<vmem>>
      %dma_wait3A_67 = tpu.memref_squeeze %dma_wait3A_66 : memref<1x10x128xi32, #tpu.memory_space<vmem>> -> memref<10x128xi32, #tpu.memory_space<vmem>>
      %dma_wait3A_68 = arith.constant 0 : i32
      %dma_wait3A_69 = arith.constant 0 : i32
      %dma_wait3A_70 = tpu.memref_slice %arg2[%dma_wait3A_68, %dma_wait3A_69] : memref<25600x128xi32, #tpu.memory_space<hbm>> -> memref<10x128xi32, #tpu.memory_space<hbm>>
      tpu.wait_dma2 semaphore(%arg11 : memref<!tpu.dma_semaphore, #tpu.memory_space<semaphore_mem>>) src(%dma_wait3A_70 : memref<10x128xi32, #tpu.memory_space<hbm>>) dst(%dma_wait3A_67 : memref<10x128xi32, #tpu.memory_space<vmem>>)
      %dma_wait3A_71 = arith.constant 0 : i32
      %dma_wait3A_72 = arith.constant 0 : i32
      %dma_wait3A_73 = tpu.memref_slice %arg7[%rem3A_52, %dma_wait3A_71, %dma_wait3A_72] : memref<2x10x128xi32, #tpu.memory_space<vmem>> -> memref<1x10x128xi32, #tpu.memory_space<vmem>>
      %dma_wait3A_74 = tpu.memref_squeeze %dma_wait3A_73 : memref<1x10x128xi32, #tpu.memory_space<vmem>> -> memref<10x128xi32, #tpu.memory_space<vmem>>
      %dma_wait3A_75 = arith.constant 0 : i32
      %dma_wait3A_76 = arith.constant 0 : i32
      %dma_wait3A_77 = tpu.memref_slice %arg3[%dma_wait3A_75, %dma_wait3A_76] : memref<25600x128xi32, #tpu.memory_space<hbm>> -> memref<10x128xi32, #tpu.memory_space<hbm>>
      %dma_wait3A_78 = arith.constant 0 : i32
      %dma_wait3A_79 = arith.constant 0 : i32
      %dma_wait3A_80 = tpu.memref_slice %arg7[%rem3A_52, %dma_wait3A_78, %dma_wait3A_79] : memref<2x10x128xi32, #tpu.memory_space<vmem>> -> memref<1x10x128xi32, #tpu.memory_space<vmem>>
      %dma_wait3A_81 = tpu.memref_squeeze %dma_wait3A_80 : memref<1x10x128xi32, #tpu.memory_space<vmem>> -> memref<10x128xi32, #tpu.memory_space<vmem>>
      %dma_wait3A_82 = arith.constant 0 : i32
      %dma_wait3A_83 = arith.constant 0 : i32
      %dma_wait3A_84 = tpu.memref_slice %arg3[%dma_wait3A_82, %dma_wait3A_83] : memref<25600x128xi32, #tpu.memory_space<hbm>> -> memref<10x128xi32, #tpu.memory_space<hbm>>
      tpu.wait_dma2 semaphore(%arg11 : memref<!tpu.dma_semaphore, #tpu.memory_space<semaphore_mem>>) src(%dma_wait3A_84 : memref<10x128xi32, #tpu.memory_space<hbm>>) dst(%dma_wait3A_81 : memref<10x128xi32, #tpu.memory_space<vmem>>)
      %sub3A = arith.constant 1 : i32
      %sub3A_85 = arith.subi %select_n3A_26, %sub3A : i32
      %lt3A = arith.cmpi slt, %while3A_50, %sub3A_85 : i32
      %convert_element_type3A_86 = arith.extui %lt3A : i1 to i32
      %cond3A_87 = arith.constant 0 : i32
      %cond3A_88 = arith.cmpi ne, %convert_element_type3A_86, %cond3A_87 : i32
      scf.if %cond3A_88 {
        %add3A_389 = arith.constant 1 : i32
        %add3A_390 = arith.addi %while3A_50, %add3A_389 : i32
        %mul3A_391 = arith.constant 10 : i32
        %mul3A_392 = arith.muli %add3A_390, %mul3A_391 : i32
        %add3A_393 = arith.addi %min3A_21, %mul3A_392 : i32
        %rem3A_394 = arith.constant 2 : i32
        %rem3A_395 = arith.remsi %add3A_390, %rem3A_394 : i32
        %dma_start3A_396 = arith.constant 0 : i32
        %dma_start3A_397 = arith.constant 0 : i32
        %dma_start3A_398 = tpu.memref_slice %arg6[%rem3A_395, %dma_start3A_396, %dma_start3A_397] : memref<2x10x128xi32, #tpu.memory_space<vmem>> -> memref<1x10x128xi32, #tpu.memory_space<vmem>>
        %dma_start3A_399 = tpu.memref_squeeze %dma_start3A_398 : memref<1x10x128xi32, #tpu.memory_space<vmem>> -> memref<10x128xi32, #tpu.memory_space<vmem>>
        %dma_start3A_400 = arith.constant 0 : i32
        %dma_start3A_401 = tpu.memref_slice %arg2[%add3A_393, %dma_start3A_400] : memref<25600x128xi32, #tpu.memory_space<hbm>> -> memref<10x128xi32, #tpu.memory_space<hbm>>
        %dma_start3A_402 = arith.constant 0 : i32
        %dma_start3A_403 = arith.constant 0 : i32
        %dma_start3A_404 = tpu.memref_slice %arg6[%rem3A_395, %dma_start3A_402, %dma_start3A_403] : memref<2x10x128xi32, #tpu.memory_space<vmem>> -> memref<1x10x128xi32, #tpu.memory_space<vmem>>
        %dma_start3A_405 = tpu.memref_squeeze %dma_start3A_404 : memref<1x10x128xi32, #tpu.memory_space<vmem>> -> memref<10x128xi32, #tpu.memory_space<vmem>>
        %dma_start3A_406 = arith.constant 0 : i32
        %dma_start3A_407 = tpu.memref_slice %arg2[%add3A_393, %dma_start3A_406] : memref<25600x128xi32, #tpu.memory_space<hbm>> -> memref<10x128xi32, #tpu.memory_space<hbm>>
        tpu.enqueue_dma source(%dma_start3A_407 : memref<10x128xi32, #tpu.memory_space<hbm>>) target(%dma_start3A_405 : memref<10x128xi32, #tpu.memory_space<vmem>>) target_semaphore(%arg11 : memref<!tpu.dma_semaphore, #tpu.memory_space<semaphore_mem>>)
        %dma_start3A_408 = arith.constant 0 : i32
        %dma_start3A_409 = arith.constant 0 : i32
        %dma_start3A_410 = tpu.memref_slice %arg7[%rem3A_395, %dma_start3A_408, %dma_start3A_409] : memref<2x10x128xi32, #tpu.memory_space<vmem>> -> memref<1x10x128xi32, #tpu.memory_space<vmem>>
        %dma_start3A_411 = tpu.memref_squeeze %dma_start3A_410 : memref<1x10x128xi32, #tpu.memory_space<vmem>> -> memref<10x128xi32, #tpu.memory_space<vmem>>
        %dma_start3A_412 = arith.constant 0 : i32
        %dma_start3A_413 = tpu.memref_slice %arg3[%add3A_393, %dma_start3A_412] : memref<25600x128xi32, #tpu.memory_space<hbm>> -> memref<10x128xi32, #tpu.memory_space<hbm>>
        %dma_start3A_414 = arith.constant 0 : i32
        %dma_start3A_415 = arith.constant 0 : i32
        %dma_start3A_416 = tpu.memref_slice %arg7[%rem3A_395, %dma_start3A_414, %dma_start3A_415] : memref<2x10x128xi32, #tpu.memory_space<vmem>> -> memref<1x10x128xi32, #tpu.memory_space<vmem>>
        %dma_start3A_417 = tpu.memref_squeeze %dma_start3A_416 : memref<1x10x128xi32, #tpu.memory_space<vmem>> -> memref<10x128xi32, #tpu.memory_space<vmem>>
        %dma_start3A_418 = arith.constant 0 : i32
        %dma_start3A_419 = tpu.memref_slice %arg3[%add3A_393, %dma_start3A_418] : memref<25600x128xi32, #tpu.memory_space<hbm>> -> memref<10x128xi32, #tpu.memory_space<hbm>>
        tpu.enqueue_dma source(%dma_start3A_419 : memref<10x128xi32, #tpu.memory_space<hbm>>) target(%dma_start3A_417 : memref<10x128xi32, #tpu.memory_space<vmem>>) target_semaphore(%arg11 : memref<!tpu.dma_semaphore, #tpu.memory_space<semaphore_mem>>)
      } else {
      }
      %dma_start3A = arith.constant 0 : i32
      %dma_start3A_89 = arith.constant 0 : i32
      %dma_start3A_90 = arith.constant 0 : i32
      %dma_start3A_91 = tpu.memref_slice %arg8[%dma_start3A_89, %dma_start3A_90] : memref<1280x16xf32, #tpu.memory_space<vmem>> -> memref<128x16xf32, #tpu.memory_space<vmem>>
      %dma_start3A_92 = arith.constant 0 : i32
      %dma_start3A_93 = tpu.memref_slice %arg6[%rem3A_52, %dma_start3A, %dma_start3A_92] : memref<2x10x128xi32, #tpu.memory_space<vmem>> -> memref<1x1x128xi32, #tpu.memory_space<vmem>>
      %dma_start3A_94 = tpu.memref_squeeze %dma_start3A_93 : memref<1x1x128xi32, #tpu.memory_space<vmem>> -> memref<128xi32, #tpu.memory_space<vmem>>
      %dma_start3A_95 = arith.constant 0 : i32
      %dma_start3A_96 = arith.constant 0 : i32
      %dma_start3A_97 = tpu.memref_slice %arg4[%dma_start3A_95, %dma_start3A_96] : memref<100352x16xf32, #tpu.memory_space<hbm>> -> memref<100352x16xf32, #tpu.memory_space<hbm>>
      tpu.enqueue_indirect_dma source(%dma_start3A_97 : memref<100352x16xf32, #tpu.memory_space<hbm>>) target(%dma_start3A_91 : memref<128x16xf32, #tpu.memory_space<vmem>>) offsets(%dma_start3A_94 : memref<128xi32, #tpu.memory_space<vmem>>) semaphore(%arg12 : memref<!tpu.dma_semaphore, #tpu.memory_space<semaphore_mem>>)
      %dma_start3A_98 = arith.constant 1 : i32
      %dma_start3A_99 = arith.constant 128 : i32
      %dma_start3A_100 = arith.constant 0 : i32
      %dma_start3A_101 = tpu.memref_slice %arg8[%dma_start3A_99, %dma_start3A_100] : memref<1280x16xf32, #tpu.memory_space<vmem>> -> memref<128x16xf32, #tpu.memory_space<vmem>>
      %dma_start3A_102 = arith.constant 0 : i32
      %dma_start3A_103 = tpu.memref_slice %arg6[%rem3A_52, %dma_start3A_98, %dma_start3A_102] : memref<2x10x128xi32, #tpu.memory_space<vmem>> -> memref<1x1x128xi32, #tpu.memory_space<vmem>>
      %dma_start3A_104 = tpu.memref_squeeze %dma_start3A_103 : memref<1x1x128xi32, #tpu.memory_space<vmem>> -> memref<128xi32, #tpu.memory_space<vmem>>
      %dma_start3A_105 = arith.constant 0 : i32
      %dma_start3A_106 = arith.constant 0 : i32
      %dma_start3A_107 = tpu.memref_slice %arg4[%dma_start3A_105, %dma_start3A_106] : memref<100352x16xf32, #tpu.memory_space<hbm>> -> memref<100352x16xf32, #tpu.memory_space<hbm>>
      tpu.enqueue_indirect_dma source(%dma_start3A_107 : memref<100352x16xf32, #tpu.memory_space<hbm>>) target(%dma_start3A_101 : memref<128x16xf32, #tpu.memory_space<vmem>>) offsets(%dma_start3A_104 : memref<128xi32, #tpu.memory_space<vmem>>) semaphore(%arg12 : memref<!tpu.dma_semaphore, #tpu.memory_space<semaphore_mem>>)
      %dma_start3A_108 = arith.constant 2 : i32
      %dma_start3A_109 = arith.constant 256 : i32
      %dma_start3A_110 = arith.constant 0 : i32
      %dma_start3A_111 = tpu.memref_slice %arg8[%dma_start3A_109, %dma_start3A_110] : memref<1280x16xf32, #tpu.memory_space<vmem>> -> memref<128x16xf32, #tpu.memory_space<vmem>>
      %dma_start3A_112 = arith.constant 0 : i32
      %dma_start3A_113 = tpu.memref_slice %arg6[%rem3A_52, %dma_start3A_108, %dma_start3A_112] : memref<2x10x128xi32, #tpu.memory_space<vmem>> -> memref<1x1x128xi32, #tpu.memory_space<vmem>>
      %dma_start3A_114 = tpu.memref_squeeze %dma_start3A_113 : memref<1x1x128xi32, #tpu.memory_space<vmem>> -> memref<128xi32, #tpu.memory_space<vmem>>
      %dma_start3A_115 = arith.constant 0 : i32
      %dma_start3A_116 = arith.constant 0 : i32
      %dma_start3A_117 = tpu.memref_slice %arg4[%dma_start3A_115, %dma_start3A_116] : memref<100352x16xf32, #tpu.memory_space<hbm>> -> memref<100352x16xf32, #tpu.memory_space<hbm>>
      tpu.enqueue_indirect_dma source(%dma_start3A_117 : memref<100352x16xf32, #tpu.memory_space<hbm>>) target(%dma_start3A_111 : memref<128x16xf32, #tpu.memory_space<vmem>>) offsets(%dma_start3A_114 : memref<128xi32, #tpu.memory_space<vmem>>) semaphore(%arg12 : memref<!tpu.dma_semaphore, #tpu.memory_space<semaphore_mem>>)
      %dma_start3A_118 = arith.constant 3 : i32
      %dma_start3A_119 = arith.constant 384 : i32
      %dma_start3A_120 = arith.constant 0 : i32
      %dma_start3A_121 = tpu.memref_slice %arg8[%dma_start3A_119, %dma_start3A_120] : memref<1280x16xf32, #tpu.memory_space<vmem>> -> memref<128x16xf32, #tpu.memory_space<vmem>>
      %dma_start3A_122 = arith.constant 0 : i32
      %dma_start3A_123 = tpu.memref_slice %arg6[%rem3A_52, %dma_start3A_118, %dma_start3A_122] : memref<2x10x128xi32, #tpu.memory_space<vmem>> -> memref<1x1x128xi32, #tpu.memory_space<vmem>>
      %dma_start3A_124 = tpu.memref_squeeze %dma_start3A_123 : memref<1x1x128xi32, #tpu.memory_space<vmem>> -> memref<128xi32, #tpu.memory_space<vmem>>
      %dma_start3A_125 = arith.constant 0 : i32
      %dma_start3A_126 = arith.constant 0 : i32
      %dma_start3A_127 = tpu.memref_slice %arg4[%dma_start3A_125, %dma_start3A_126] : memref<100352x16xf32, #tpu.memory_space<hbm>> -> memref<100352x16xf32, #tpu.memory_space<hbm>>
      tpu.enqueue_indirect_dma source(%dma_start3A_127 : memref<100352x16xf32, #tpu.memory_space<hbm>>) target(%dma_start3A_121 : memref<128x16xf32, #tpu.memory_space<vmem>>) offsets(%dma_start3A_124 : memref<128xi32, #tpu.memory_space<vmem>>) semaphore(%arg12 : memref<!tpu.dma_semaphore, #tpu.memory_space<semaphore_mem>>)
      %dma_start3A_128 = arith.constant 4 : i32
      %dma_start3A_129 = arith.constant 512 : i32
      %dma_start3A_130 = arith.constant 0 : i32
      %dma_start3A_131 = tpu.memref_slice %arg8[%dma_start3A_129, %dma_start3A_130] : memref<1280x16xf32, #tpu.memory_space<vmem>> -> memref<128x16xf32, #tpu.memory_space<vmem>>
      %dma_start3A_132 = arith.constant 0 : i32
      %dma_start3A_133 = tpu.memref_slice %arg6[%rem3A_52, %dma_start3A_128, %dma_start3A_132] : memref<2x10x128xi32, #tpu.memory_space<vmem>> -> memref<1x1x128xi32, #tpu.memory_space<vmem>>
      %dma_start3A_134 = tpu.memref_squeeze %dma_start3A_133 : memref<1x1x128xi32, #tpu.memory_space<vmem>> -> memref<128xi32, #tpu.memory_space<vmem>>
      %dma_start3A_135 = arith.constant 0 : i32
      %dma_start3A_136 = arith.constant 0 : i32
      %dma_start3A_137 = tpu.memref_slice %arg4[%dma_start3A_135, %dma_start3A_136] : memref<100352x16xf32, #tpu.memory_space<hbm>> -> memref<100352x16xf32, #tpu.memory_space<hbm>>
      tpu.enqueue_indirect_dma source(%dma_start3A_137 : memref<100352x16xf32, #tpu.memory_space<hbm>>) target(%dma_start3A_131 : memref<128x16xf32, #tpu.memory_space<vmem>>) offsets(%dma_start3A_134 : memref<128xi32, #tpu.memory_space<vmem>>) semaphore(%arg12 : memref<!tpu.dma_semaphore, #tpu.memory_space<semaphore_mem>>)
      %dma_start3A_138 = arith.constant 5 : i32
      %dma_start3A_139 = arith.constant 640 : i32
      %dma_start3A_140 = arith.constant 0 : i32
      %dma_start3A_141 = tpu.memref_slice %arg8[%dma_start3A_139, %dma_start3A_140] : memref<1280x16xf32, #tpu.memory_space<vmem>> -> memref<128x16xf32, #tpu.memory_space<vmem>>
      %dma_start3A_142 = arith.constant 0 : i32
      %dma_start3A_143 = tpu.memref_slice %arg6[%rem3A_52, %dma_start3A_138, %dma_start3A_142] : memref<2x10x128xi32, #tpu.memory_space<vmem>> -> memref<1x1x128xi32, #tpu.memory_space<vmem>>
      %dma_start3A_144 = tpu.memref_squeeze %dma_start3A_143 : memref<1x1x128xi32, #tpu.memory_space<vmem>> -> memref<128xi32, #tpu.memory_space<vmem>>
      %dma_start3A_145 = arith.constant 0 : i32
      %dma_start3A_146 = arith.constant 0 : i32
      %dma_start3A_147 = tpu.memref_slice %arg4[%dma_start3A_145, %dma_start3A_146] : memref<100352x16xf32, #tpu.memory_space<hbm>> -> memref<100352x16xf32, #tpu.memory_space<hbm>>
      tpu.enqueue_indirect_dma source(%dma_start3A_147 : memref<100352x16xf32, #tpu.memory_space<hbm>>) target(%dma_start3A_141 : memref<128x16xf32, #tpu.memory_space<vmem>>) offsets(%dma_start3A_144 : memref<128xi32, #tpu.memory_space<vmem>>) semaphore(%arg12 : memref<!tpu.dma_semaphore, #tpu.memory_space<semaphore_mem>>)
      %dma_start3A_148 = arith.constant 6 : i32
      %dma_start3A_149 = arith.constant 768 : i32
      %dma_start3A_150 = arith.constant 0 : i32
      %dma_start3A_151 = tpu.memref_slice %arg8[%dma_start3A_149, %dma_start3A_150] : memref<1280x16xf32, #tpu.memory_space<vmem>> -> memref<128x16xf32, #tpu.memory_space<vmem>>
      %dma_start3A_152 = arith.constant 0 : i32
      %dma_start3A_153 = tpu.memref_slice %arg6[%rem3A_52, %dma_start3A_148, %dma_start3A_152] : memref<2x10x128xi32, #tpu.memory_space<vmem>> -> memref<1x1x128xi32, #tpu.memory_space<vmem>>
      %dma_start3A_154 = tpu.memref_squeeze %dma_start3A_153 : memref<1x1x128xi32, #tpu.memory_space<vmem>> -> memref<128xi32, #tpu.memory_space<vmem>>
      %dma_start3A_155 = arith.constant 0 : i32
      %dma_start3A_156 = arith.constant 0 : i32
      %dma_start3A_157 = tpu.memref_slice %arg4[%dma_start3A_155, %dma_start3A_156] : memref<100352x16xf32, #tpu.memory_space<hbm>> -> memref<100352x16xf32, #tpu.memory_space<hbm>>
      tpu.enqueue_indirect_dma source(%dma_start3A_157 : memref<100352x16xf32, #tpu.memory_space<hbm>>) target(%dma_start3A_151 : memref<128x16xf32, #tpu.memory_space<vmem>>) offsets(%dma_start3A_154 : memref<128xi32, #tpu.memory_space<vmem>>) semaphore(%arg12 : memref<!tpu.dma_semaphore, #tpu.memory_space<semaphore_mem>>)
      %dma_start3A_158 = arith.constant 7 : i32
      %dma_start3A_159 = arith.constant 896 : i32
      %dma_start3A_160 = arith.constant 0 : i32
      %dma_start3A_161 = tpu.memref_slice %arg8[%dma_start3A_159, %dma_start3A_160] : memref<1280x16xf32, #tpu.memory_space<vmem>> -> memref<128x16xf32, #tpu.memory_space<vmem>>
      %dma_start3A_162 = arith.constant 0 : i32
      %dma_start3A_163 = tpu.memref_slice %arg6[%rem3A_52, %dma_start3A_158, %dma_start3A_162] : memref<2x10x128xi32, #tpu.memory_space<vmem>> -> memref<1x1x128xi32, #tpu.memory_space<vmem>>
      %dma_start3A_164 = tpu.memref_squeeze %dma_start3A_163 : memref<1x1x128xi32, #tpu.memory_space<vmem>> -> memref<128xi32, #tpu.memory_space<vmem>>
      %dma_start3A_165 = arith.constant 0 : i32
      %dma_start3A_166 = arith.constant 0 : i32
      %dma_start3A_167 = tpu.memref_slice %arg4[%dma_start3A_165, %dma_start3A_166] : memref<100352x16xf32, #tpu.memory_space<hbm>> -> memref<100352x16xf32, #tpu.memory_space<hbm>>
      tpu.enqueue_indirect_dma source(%dma_start3A_167 : memref<100352x16xf32, #tpu.memory_space<hbm>>) target(%dma_start3A_161 : memref<128x16xf32, #tpu.memory_space<vmem>>) offsets(%dma_start3A_164 : memref<128xi32, #tpu.memory_space<vmem>>) semaphore(%arg12 : memref<!tpu.dma_semaphore, #tpu.memory_space<semaphore_mem>>)
      %dma_start3A_168 = arith.constant 8 : i32
      %dma_start3A_169 = arith.constant 1024 : i32
      %dma_start3A_170 = arith.constant 0 : i32
      %dma_start3A_171 = tpu.memref_slice %arg8[%dma_start3A_169, %dma_start3A_170] : memref<1280x16xf32, #tpu.memory_space<vmem>> -> memref<128x16xf32, #tpu.memory_space<vmem>>
      %dma_start3A_172 = arith.constant 0 : i32
      %dma_start3A_173 = tpu.memref_slice %arg6[%rem3A_52, %dma_start3A_168, %dma_start3A_172] : memref<2x10x128xi32, #tpu.memory_space<vmem>> -> memref<1x1x128xi32, #tpu.memory_space<vmem>>
      %dma_start3A_174 = tpu.memref_squeeze %dma_start3A_173 : memref<1x1x128xi32, #tpu.memory_space<vmem>> -> memref<128xi32, #tpu.memory_space<vmem>>
      %dma_start3A_175 = arith.constant 0 : i32
      %dma_start3A_176 = arith.constant 0 : i32
      %dma_start3A_177 = tpu.memref_slice %arg4[%dma_start3A_175, %dma_start3A_176] : memref<100352x16xf32, #tpu.memory_space<hbm>> -> memref<100352x16xf32, #tpu.memory_space<hbm>>
      tpu.enqueue_indirect_dma source(%dma_start3A_177 : memref<100352x16xf32, #tpu.memory_space<hbm>>) target(%dma_start3A_171 : memref<128x16xf32, #tpu.memory_space<vmem>>) offsets(%dma_start3A_174 : memref<128xi32, #tpu.memory_space<vmem>>) semaphore(%arg12 : memref<!tpu.dma_semaphore, #tpu.memory_space<semaphore_mem>>)
      %dma_start3A_178 = arith.constant 9 : i32
      %dma_start3A_179 = arith.constant 1152 : i32
      %dma_start3A_180 = arith.constant 0 : i32
      %dma_start3A_181 = tpu.memref_slice %arg8[%dma_start3A_179, %dma_start3A_180] : memref<1280x16xf32, #tpu.memory_space<vmem>> -> memref<128x16xf32, #tpu.memory_space<vmem>>
      %dma_start3A_182 = arith.constant 0 : i32
      %dma_start3A_183 = tpu.memref_slice %arg6[%rem3A_52, %dma_start3A_178, %dma_start3A_182] : memref<2x10x128xi32, #tpu.memory_space<vmem>> -> memref<1x1x128xi32, #tpu.memory_space<vmem>>
      %dma_start3A_184 = tpu.memref_squeeze %dma_start3A_183 : memref<1x1x128xi32, #tpu.memory_space<vmem>> -> memref<128xi32, #tpu.memory_space<vmem>>
      %dma_start3A_185 = arith.constant 0 : i32
      %dma_start3A_186 = arith.constant 0 : i32
      %dma_start3A_187 = tpu.memref_slice %arg4[%dma_start3A_185, %dma_start3A_186] : memref<100352x16xf32, #tpu.memory_space<hbm>> -> memref<100352x16xf32, #tpu.memory_space<hbm>>
      tpu.enqueue_indirect_dma source(%dma_start3A_187 : memref<100352x16xf32, #tpu.memory_space<hbm>>) target(%dma_start3A_181 : memref<128x16xf32, #tpu.memory_space<vmem>>) offsets(%dma_start3A_184 : memref<128xi32, #tpu.memory_space<vmem>>) semaphore(%arg12 : memref<!tpu.dma_semaphore, #tpu.memory_space<semaphore_mem>>)
      %dma_wait3A_188 = arith.constant 0 : i32
      %dma_wait3A_189 = arith.constant 0 : i32
      %dma_wait3A_190 = arith.constant 0 : i32
      %dma_wait3A_191 = tpu.memref_slice %arg8[%dma_wait3A_189, %dma_wait3A_190] : memref<1280x16xf32, #tpu.memory_space<vmem>> -> memref<128x16xf32, #tpu.memory_space<vmem>>
      %dma_wait3A_192 = arith.constant 0 : i32
      %dma_wait3A_193 = tpu.memref_slice %arg6[%rem3A_52, %dma_wait3A_188, %dma_wait3A_192] : memref<2x10x128xi32, #tpu.memory_space<vmem>> -> memref<1x1x128xi32, #tpu.memory_space<vmem>>
      %dma_wait3A_194 = tpu.memref_squeeze %dma_wait3A_193 : memref<1x1x128xi32, #tpu.memory_space<vmem>> -> memref<128xi32, #tpu.memory_space<vmem>>
      %dma_wait3A_195 = arith.constant 0 : i32
      %dma_wait3A_196 = arith.constant 0 : i32
      %dma_wait3A_197 = tpu.memref_slice %arg4[%dma_wait3A_195, %dma_wait3A_196] : memref<100352x16xf32, #tpu.memory_space<hbm>> -> memref<100352x16xf32, #tpu.memory_space<hbm>>
      tpu.wait_indirect_dma semaphore(%arg12 : memref<!tpu.dma_semaphore, #tpu.memory_space<semaphore_mem>>) src(%dma_wait3A_197 : memref<100352x16xf32, #tpu.memory_space<hbm>>) dst(%dma_wait3A_191 : memref<128x16xf32, #tpu.memory_space<vmem>>)
      %dma_start3A_198 = arith.constant 0 : i32
      %dma_start3A_199 = arith.constant 0 : i32
      %dma_start3A_200 = arith.constant 0 : i32
      %dma_start3A_201 = tpu.memref_slice %arg8[%dma_start3A_199, %dma_start3A_200] : memref<1280x16xf32, #tpu.memory_space<vmem>> -> memref<128x16xf32, #tpu.memory_space<vmem>>
      %dma_start3A_202 = arith.constant 0 : i32
      %dma_start3A_203 = tpu.memref_slice %arg7[%rem3A_52, %dma_start3A_198, %dma_start3A_202] : memref<2x10x128xi32, #tpu.memory_space<vmem>> -> memref<1x1x128xi32, #tpu.memory_space<vmem>>
      %dma_start3A_204 = tpu.memref_squeeze %dma_start3A_203 : memref<1x1x128xi32, #tpu.memory_space<vmem>> -> memref<128xi32, #tpu.memory_space<vmem>>
      %dma_start3A_205 = arith.constant 0 : i32
      %dma_start3A_206 = arith.constant 0 : i32
      %dma_start3A_207 = tpu.memref_slice %arg10[%dma_start3A_205, %dma_start3A_206] : memref<100352x16xf32, #tpu.memory_space<vmem_shared>> -> memref<100352x16xf32, #tpu.memory_space<vmem_shared>>
      tpu.enqueue_indirect_dma source(%dma_start3A_201 : memref<128x16xf32, #tpu.memory_space<vmem>>) target(%dma_start3A_207 : memref<100352x16xf32, #tpu.memory_space<vmem_shared>>) offsets(%dma_start3A_204 : memref<128xi32, #tpu.memory_space<vmem>>) semaphore(%arg13 : memref<!tpu.dma_semaphore, #tpu.memory_space<semaphore_mem>>) {add = true}
      %dma_wait3A_208 = arith.constant 1 : i32
      %dma_wait3A_209 = arith.constant 128 : i32
      %dma_wait3A_210 = arith.constant 0 : i32
      %dma_wait3A_211 = tpu.memref_slice %arg8[%dma_wait3A_209, %dma_wait3A_210] : memref<1280x16xf32, #tpu.memory_space<vmem>> -> memref<128x16xf32, #tpu.memory_space<vmem>>
      %dma_wait3A_212 = arith.constant 0 : i32
      %dma_wait3A_213 = tpu.memref_slice %arg6[%rem3A_52, %dma_wait3A_208, %dma_wait3A_212] : memref<2x10x128xi32, #tpu.memory_space<vmem>> -> memref<1x1x128xi32, #tpu.memory_space<vmem>>
      %dma_wait3A_214 = tpu.memref_squeeze %dma_wait3A_213 : memref<1x1x128xi32, #tpu.memory_space<vmem>> -> memref<128xi32, #tpu.memory_space<vmem>>
      %dma_wait3A_215 = arith.constant 0 : i32
      %dma_wait3A_216 = arith.constant 0 : i32
      %dma_wait3A_217 = tpu.memref_slice %arg4[%dma_wait3A_215, %dma_wait3A_216] : memref<100352x16xf32, #tpu.memory_space<hbm>> -> memref<100352x16xf32, #tpu.memory_space<hbm>>
      tpu.wait_indirect_dma semaphore(%arg12 : memref<!tpu.dma_semaphore, #tpu.memory_space<semaphore_mem>>) src(%dma_wait3A_217 : memref<100352x16xf32, #tpu.memory_space<hbm>>) dst(%dma_wait3A_211 : memref<128x16xf32, #tpu.memory_space<vmem>>)
      %dma_start3A_218 = arith.constant 1 : i32
      %dma_start3A_219 = arith.constant 128 : i32
      %dma_start3A_220 = arith.constant 0 : i32
      %dma_start3A_221 = tpu.memref_slice %arg8[%dma_start3A_219, %dma_start3A_220] : memref<1280x16xf32, #tpu.memory_space<vmem>> -> memref<128x16xf32, #tpu.memory_space<vmem>>
      %dma_start3A_222 = arith.constant 0 : i32
      %dma_start3A_223 = tpu.memref_slice %arg7[%rem3A_52, %dma_start3A_218, %dma_start3A_222] : memref<2x10x128xi32, #tpu.memory_space<vmem>> -> memref<1x1x128xi32, #tpu.memory_space<vmem>>
      %dma_start3A_224 = tpu.memref_squeeze %dma_start3A_223 : memref<1x1x128xi32, #tpu.memory_space<vmem>> -> memref<128xi32, #tpu.memory_space<vmem>>
      %dma_start3A_225 = arith.constant 0 : i32
      %dma_start3A_226 = arith.constant 0 : i32
      %dma_start3A_227 = tpu.memref_slice %arg10[%dma_start3A_225, %dma_start3A_226] : memref<100352x16xf32, #tpu.memory_space<vmem_shared>> -> memref<100352x16xf32, #tpu.memory_space<vmem_shared>>
      tpu.enqueue_indirect_dma source(%dma_start3A_221 : memref<128x16xf32, #tpu.memory_space<vmem>>) target(%dma_start3A_227 : memref<100352x16xf32, #tpu.memory_space<vmem_shared>>) offsets(%dma_start3A_224 : memref<128xi32, #tpu.memory_space<vmem>>) semaphore(%arg13 : memref<!tpu.dma_semaphore, #tpu.memory_space<semaphore_mem>>) {add = true}
      %dma_wait3A_228 = arith.constant 2 : i32
      %dma_wait3A_229 = arith.constant 256 : i32
      %dma_wait3A_230 = arith.constant 0 : i32
      %dma_wait3A_231 = tpu.memref_slice %arg8[%dma_wait3A_229, %dma_wait3A_230] : memref<1280x16xf32, #tpu.memory_space<vmem>> -> memref<128x16xf32, #tpu.memory_space<vmem>>
      %dma_wait3A_232 = arith.constant 0 : i32
      %dma_wait3A_233 = tpu.memref_slice %arg6[%rem3A_52, %dma_wait3A_228, %dma_wait3A_232] : memref<2x10x128xi32, #tpu.memory_space<vmem>> -> memref<1x1x128xi32, #tpu.memory_space<vmem>>
      %dma_wait3A_234 = tpu.memref_squeeze %dma_wait3A_233 : memref<1x1x128xi32, #tpu.memory_space<vmem>> -> memref<128xi32, #tpu.memory_space<vmem>>
      %dma_wait3A_235 = arith.constant 0 : i32
      %dma_wait3A_236 = arith.constant 0 : i32
      %dma_wait3A_237 = tpu.memref_slice %arg4[%dma_wait3A_235, %dma_wait3A_236] : memref<100352x16xf32, #tpu.memory_space<hbm>> -> memref<100352x16xf32, #tpu.memory_space<hbm>>
      tpu.wait_indirect_dma semaphore(%arg12 : memref<!tpu.dma_semaphore, #tpu.memory_space<semaphore_mem>>) src(%dma_wait3A_237 : memref<100352x16xf32, #tpu.memory_space<hbm>>) dst(%dma_wait3A_231 : memref<128x16xf32, #tpu.memory_space<vmem>>)
      %dma_start3A_238 = arith.constant 2 : i32
      %dma_start3A_239 = arith.constant 256 : i32
      %dma_start3A_240 = arith.constant 0 : i32
      %dma_start3A_241 = tpu.memref_slice %arg8[%dma_start3A_239, %dma_start3A_240] : memref<1280x16xf32, #tpu.memory_space<vmem>> -> memref<128x16xf32, #tpu.memory_space<vmem>>
      %dma_start3A_242 = arith.constant 0 : i32
      %dma_start3A_243 = tpu.memref_slice %arg7[%rem3A_52, %dma_start3A_238, %dma_start3A_242] : memref<2x10x128xi32, #tpu.memory_space<vmem>> -> memref<1x1x128xi32, #tpu.memory_space<vmem>>
      %dma_start3A_244 = tpu.memref_squeeze %dma_start3A_243 : memref<1x1x128xi32, #tpu.memory_space<vmem>> -> memref<128xi32, #tpu.memory_space<vmem>>
      %dma_start3A_245 = arith.constant 0 : i32
      %dma_start3A_246 = arith.constant 0 : i32
      %dma_start3A_247 = tpu.memref_slice %arg10[%dma_start3A_245, %dma_start3A_246] : memref<100352x16xf32, #tpu.memory_space<vmem_shared>> -> memref<100352x16xf32, #tpu.memory_space<vmem_shared>>
      tpu.enqueue_indirect_dma source(%dma_start3A_241 : memref<128x16xf32, #tpu.memory_space<vmem>>) target(%dma_start3A_247 : memref<100352x16xf32, #tpu.memory_space<vmem_shared>>) offsets(%dma_start3A_244 : memref<128xi32, #tpu.memory_space<vmem>>) semaphore(%arg13 : memref<!tpu.dma_semaphore, #tpu.memory_space<semaphore_mem>>) {add = true}
      %dma_wait3A_248 = arith.constant 3 : i32
      %dma_wait3A_249 = arith.constant 384 : i32
      %dma_wait3A_250 = arith.constant 0 : i32
      %dma_wait3A_251 = tpu.memref_slice %arg8[%dma_wait3A_249, %dma_wait3A_250] : memref<1280x16xf32, #tpu.memory_space<vmem>> -> memref<128x16xf32, #tpu.memory_space<vmem>>
      %dma_wait3A_252 = arith.constant 0 : i32
      %dma_wait3A_253 = tpu.memref_slice %arg6[%rem3A_52, %dma_wait3A_248, %dma_wait3A_252] : memref<2x10x128xi32, #tpu.memory_space<vmem>> -> memref<1x1x128xi32, #tpu.memory_space<vmem>>
      %dma_wait3A_254 = tpu.memref_squeeze %dma_wait3A_253 : memref<1x1x128xi32, #tpu.memory_space<vmem>> -> memref<128xi32, #tpu.memory_space<vmem>>
      %dma_wait3A_255 = arith.constant 0 : i32
      %dma_wait3A_256 = arith.constant 0 : i32
      %dma_wait3A_257 = tpu.memref_slice %arg4[%dma_wait3A_255, %dma_wait3A_256] : memref<100352x16xf32, #tpu.memory_space<hbm>> -> memref<100352x16xf32, #tpu.memory_space<hbm>>
      tpu.wait_indirect_dma semaphore(%arg12 : memref<!tpu.dma_semaphore, #tpu.memory_space<semaphore_mem>>) src(%dma_wait3A_257 : memref<100352x16xf32, #tpu.memory_space<hbm>>) dst(%dma_wait3A_251 : memref<128x16xf32, #tpu.memory_space<vmem>>)
      %dma_start3A_258 = arith.constant 3 : i32
      %dma_start3A_259 = arith.constant 384 : i32
      %dma_start3A_260 = arith.constant 0 : i32
      %dma_start3A_261 = tpu.memref_slice %arg8[%dma_start3A_259, %dma_start3A_260] : memref<1280x16xf32, #tpu.memory_space<vmem>> -> memref<128x16xf32, #tpu.memory_space<vmem>>
      %dma_start3A_262 = arith.constant 0 : i32
      %dma_start3A_263 = tpu.memref_slice %arg7[%rem3A_52, %dma_start3A_258, %dma_start3A_262] : memref<2x10x128xi32, #tpu.memory_space<vmem>> -> memref<1x1x128xi32, #tpu.memory_space<vmem>>
      %dma_start3A_264 = tpu.memref_squeeze %dma_start3A_263 : memref<1x1x128xi32, #tpu.memory_space<vmem>> -> memref<128xi32, #tpu.memory_space<vmem>>
      %dma_start3A_265 = arith.constant 0 : i32
      %dma_start3A_266 = arith.constant 0 : i32
      %dma_start3A_267 = tpu.memref_slice %arg10[%dma_start3A_265, %dma_start3A_266] : memref<100352x16xf32, #tpu.memory_space<vmem_shared>> -> memref<100352x16xf32, #tpu.memory_space<vmem_shared>>
      tpu.enqueue_indirect_dma source(%dma_start3A_261 : memref<128x16xf32, #tpu.memory_space<vmem>>) target(%dma_start3A_267 : memref<100352x16xf32, #tpu.memory_space<vmem_shared>>) offsets(%dma_start3A_264 : memref<128xi32, #tpu.memory_space<vmem>>) semaphore(%arg13 : memref<!tpu.dma_semaphore, #tpu.memory_space<semaphore_mem>>) {add = true}
      %dma_wait3A_268 = arith.constant 4 : i32
      %dma_wait3A_269 = arith.constant 512 : i32
      %dma_wait3A_270 = arith.constant 0 : i32
      %dma_wait3A_271 = tpu.memref_slice %arg8[%dma_wait3A_269, %dma_wait3A_270] : memref<1280x16xf32, #tpu.memory_space<vmem>> -> memref<128x16xf32, #tpu.memory_space<vmem>>
      %dma_wait3A_272 = arith.constant 0 : i32
      %dma_wait3A_273 = tpu.memref_slice %arg6[%rem3A_52, %dma_wait3A_268, %dma_wait3A_272] : memref<2x10x128xi32, #tpu.memory_space<vmem>> -> memref<1x1x128xi32, #tpu.memory_space<vmem>>
      %dma_wait3A_274 = tpu.memref_squeeze %dma_wait3A_273 : memref<1x1x128xi32, #tpu.memory_space<vmem>> -> memref<128xi32, #tpu.memory_space<vmem>>
      %dma_wait3A_275 = arith.constant 0 : i32
      %dma_wait3A_276 = arith.constant 0 : i32
      %dma_wait3A_277 = tpu.memref_slice %arg4[%dma_wait3A_275, %dma_wait3A_276] : memref<100352x16xf32, #tpu.memory_space<hbm>> -> memref<100352x16xf32, #tpu.memory_space<hbm>>
      tpu.wait_indirect_dma semaphore(%arg12 : memref<!tpu.dma_semaphore, #tpu.memory_space<semaphore_mem>>) src(%dma_wait3A_277 : memref<100352x16xf32, #tpu.memory_space<hbm>>) dst(%dma_wait3A_271 : memref<128x16xf32, #tpu.memory_space<vmem>>)
      %dma_start3A_278 = arith.constant 4 : i32
      %dma_start3A_279 = arith.constant 512 : i32
      %dma_start3A_280 = arith.constant 0 : i32
      %dma_start3A_281 = tpu.memref_slice %arg8[%dma_start3A_279, %dma_start3A_280] : memref<1280x16xf32, #tpu.memory_space<vmem>> -> memref<128x16xf32, #tpu.memory_space<vmem>>
      %dma_start3A_282 = arith.constant 0 : i32
      %dma_start3A_283 = tpu.memref_slice %arg7[%rem3A_52, %dma_start3A_278, %dma_start3A_282] : memref<2x10x128xi32, #tpu.memory_space<vmem>> -> memref<1x1x128xi32, #tpu.memory_space<vmem>>
      %dma_start3A_284 = tpu.memref_squeeze %dma_start3A_283 : memref<1x1x128xi32, #tpu.memory_space<vmem>> -> memref<128xi32, #tpu.memory_space<vmem>>
      %dma_start3A_285 = arith.constant 0 : i32
      %dma_start3A_286 = arith.constant 0 : i32
      %dma_start3A_287 = tpu.memref_slice %arg10[%dma_start3A_285, %dma_start3A_286] : memref<100352x16xf32, #tpu.memory_space<vmem_shared>> -> memref<100352x16xf32, #tpu.memory_space<vmem_shared>>
      tpu.enqueue_indirect_dma source(%dma_start3A_281 : memref<128x16xf32, #tpu.memory_space<vmem>>) target(%dma_start3A_287 : memref<100352x16xf32, #tpu.memory_space<vmem_shared>>) offsets(%dma_start3A_284 : memref<128xi32, #tpu.memory_space<vmem>>) semaphore(%arg13 : memref<!tpu.dma_semaphore, #tpu.memory_space<semaphore_mem>>) {add = true}
      %dma_wait3A_288 = arith.constant 5 : i32
      %dma_wait3A_289 = arith.constant 640 : i32
      %dma_wait3A_290 = arith.constant 0 : i32
      %dma_wait3A_291 = tpu.memref_slice %arg8[%dma_wait3A_289, %dma_wait3A_290] : memref<1280x16xf32, #tpu.memory_space<vmem>> -> memref<128x16xf32, #tpu.memory_space<vmem>>
      %dma_wait3A_292 = arith.constant 0 : i32
      %dma_wait3A_293 = tpu.memref_slice %arg6[%rem3A_52, %dma_wait3A_288, %dma_wait3A_292] : memref<2x10x128xi32, #tpu.memory_space<vmem>> -> memref<1x1x128xi32, #tpu.memory_space<vmem>>
      %dma_wait3A_294 = tpu.memref_squeeze %dma_wait3A_293 : memref<1x1x128xi32, #tpu.memory_space<vmem>> -> memref<128xi32, #tpu.memory_space<vmem>>
      %dma_wait3A_295 = arith.constant 0 : i32
      %dma_wait3A_296 = arith.constant 0 : i32
      %dma_wait3A_297 = tpu.memref_slice %arg4[%dma_wait3A_295, %dma_wait3A_296] : memref<100352x16xf32, #tpu.memory_space<hbm>> -> memref<100352x16xf32, #tpu.memory_space<hbm>>
      tpu.wait_indirect_dma semaphore(%arg12 : memref<!tpu.dma_semaphore, #tpu.memory_space<semaphore_mem>>) src(%dma_wait3A_297 : memref<100352x16xf32, #tpu.memory_space<hbm>>) dst(%dma_wait3A_291 : memref<128x16xf32, #tpu.memory_space<vmem>>)
      %dma_start3A_298 = arith.constant 5 : i32
      %dma_start3A_299 = arith.constant 640 : i32
      %dma_start3A_300 = arith.constant 0 : i32
      %dma_start3A_301 = tpu.memref_slice %arg8[%dma_start3A_299, %dma_start3A_300] : memref<1280x16xf32, #tpu.memory_space<vmem>> -> memref<128x16xf32, #tpu.memory_space<vmem>>
      %dma_start3A_302 = arith.constant 0 : i32
      %dma_start3A_303 = tpu.memref_slice %arg7[%rem3A_52, %dma_start3A_298, %dma_start3A_302] : memref<2x10x128xi32, #tpu.memory_space<vmem>> -> memref<1x1x128xi32, #tpu.memory_space<vmem>>
      %dma_start3A_304 = tpu.memref_squeeze %dma_start3A_303 : memref<1x1x128xi32, #tpu.memory_space<vmem>> -> memref<128xi32, #tpu.memory_space<vmem>>
      %dma_start3A_305 = arith.constant 0 : i32
      %dma_start3A_306 = arith.constant 0 : i32
      %dma_start3A_307 = tpu.memref_slice %arg10[%dma_start3A_305, %dma_start3A_306] : memref<100352x16xf32, #tpu.memory_space<vmem_shared>> -> memref<100352x16xf32, #tpu.memory_space<vmem_shared>>
      tpu.enqueue_indirect_dma source(%dma_start3A_301 : memref<128x16xf32, #tpu.memory_space<vmem>>) target(%dma_start3A_307 : memref<100352x16xf32, #tpu.memory_space<vmem_shared>>) offsets(%dma_start3A_304 : memref<128xi32, #tpu.memory_space<vmem>>) semaphore(%arg13 : memref<!tpu.dma_semaphore, #tpu.memory_space<semaphore_mem>>) {add = true}
      %dma_wait3A_308 = arith.constant 6 : i32
      %dma_wait3A_309 = arith.constant 768 : i32
      %dma_wait3A_310 = arith.constant 0 : i32
      %dma_wait3A_311 = tpu.memref_slice %arg8[%dma_wait3A_309, %dma_wait3A_310] : memref<1280x16xf32, #tpu.memory_space<vmem>> -> memref<128x16xf32, #tpu.memory_space<vmem>>
      %dma_wait3A_312 = arith.constant 0 : i32
      %dma_wait3A_313 = tpu.memref_slice %arg6[%rem3A_52, %dma_wait3A_308, %dma_wait3A_312] : memref<2x10x128xi32, #tpu.memory_space<vmem>> -> memref<1x1x128xi32, #tpu.memory_space<vmem>>
      %dma_wait3A_314 = tpu.memref_squeeze %dma_wait3A_313 : memref<1x1x128xi32, #tpu.memory_space<vmem>> -> memref<128xi32, #tpu.memory_space<vmem>>
      %dma_wait3A_315 = arith.constant 0 : i32
      %dma_wait3A_316 = arith.constant 0 : i32
      %dma_wait3A_317 = tpu.memref_slice %arg4[%dma_wait3A_315, %dma_wait3A_316] : memref<100352x16xf32, #tpu.memory_space<hbm>> -> memref<100352x16xf32, #tpu.memory_space<hbm>>
      tpu.wait_indirect_dma semaphore(%arg12 : memref<!tpu.dma_semaphore, #tpu.memory_space<semaphore_mem>>) src(%dma_wait3A_317 : memref<100352x16xf32, #tpu.memory_space<hbm>>) dst(%dma_wait3A_311 : memref<128x16xf32, #tpu.memory_space<vmem>>)
      %dma_start3A_318 = arith.constant 6 : i32
      %dma_start3A_319 = arith.constant 768 : i32
      %dma_start3A_320 = arith.constant 0 : i32
      %dma_start3A_321 = tpu.memref_slice %arg8[%dma_start3A_319, %dma_start3A_320] : memref<1280x16xf32, #tpu.memory_space<vmem>> -> memref<128x16xf32, #tpu.memory_space<vmem>>
      %dma_start3A_322 = arith.constant 0 : i32
      %dma_start3A_323 = tpu.memref_slice %arg7[%rem3A_52, %dma_start3A_318, %dma_start3A_322] : memref<2x10x128xi32, #tpu.memory_space<vmem>> -> memref<1x1x128xi32, #tpu.memory_space<vmem>>
      %dma_start3A_324 = tpu.memref_squeeze %dma_start3A_323 : memref<1x1x128xi32, #tpu.memory_space<vmem>> -> memref<128xi32, #tpu.memory_space<vmem>>
      %dma_start3A_325 = arith.constant 0 : i32
      %dma_start3A_326 = arith.constant 0 : i32
      %dma_start3A_327 = tpu.memref_slice %arg10[%dma_start3A_325, %dma_start3A_326] : memref<100352x16xf32, #tpu.memory_space<vmem_shared>> -> memref<100352x16xf32, #tpu.memory_space<vmem_shared>>
      tpu.enqueue_indirect_dma source(%dma_start3A_321 : memref<128x16xf32, #tpu.memory_space<vmem>>) target(%dma_start3A_327 : memref<100352x16xf32, #tpu.memory_space<vmem_shared>>) offsets(%dma_start3A_324 : memref<128xi32, #tpu.memory_space<vmem>>) semaphore(%arg13 : memref<!tpu.dma_semaphore, #tpu.memory_space<semaphore_mem>>) {add = true}
      %dma_wait3A_328 = arith.constant 7 : i32
      %dma_wait3A_329 = arith.constant 896 : i32
      %dma_wait3A_330 = arith.constant 0 : i32
      %dma_wait3A_331 = tpu.memref_slice %arg8[%dma_wait3A_329, %dma_wait3A_330] : memref<1280x16xf32, #tpu.memory_space<vmem>> -> memref<128x16xf32, #tpu.memory_space<vmem>>
      %dma_wait3A_332 = arith.constant 0 : i32
      %dma_wait3A_333 = tpu.memref_slice %arg6[%rem3A_52, %dma_wait3A_328, %dma_wait3A_332] : memref<2x10x128xi32, #tpu.memory_space<vmem>> -> memref<1x1x128xi32, #tpu.memory_space<vmem>>
      %dma_wait3A_334 = tpu.memref_squeeze %dma_wait3A_333 : memref<1x1x128xi32, #tpu.memory_space<vmem>> -> memref<128xi32, #tpu.memory_space<vmem>>
      %dma_wait3A_335 = arith.constant 0 : i32
      %dma_wait3A_336 = arith.constant 0 : i32
      %dma_wait3A_337 = tpu.memref_slice %arg4[%dma_wait3A_335, %dma_wait3A_336] : memref<100352x16xf32, #tpu.memory_space<hbm>> -> memref<100352x16xf32, #tpu.memory_space<hbm>>
      tpu.wait_indirect_dma semaphore(%arg12 : memref<!tpu.dma_semaphore, #tpu.memory_space<semaphore_mem>>) src(%dma_wait3A_337 : memref<100352x16xf32, #tpu.memory_space<hbm>>) dst(%dma_wait3A_331 : memref<128x16xf32, #tpu.memory_space<vmem>>)
      %dma_start3A_338 = arith.constant 7 : i32
      %dma_start3A_339 = arith.constant 896 : i32
      %dma_start3A_340 = arith.constant 0 : i32
      %dma_start3A_341 = tpu.memref_slice %arg8[%dma_start3A_339, %dma_start3A_340] : memref<1280x16xf32, #tpu.memory_space<vmem>> -> memref<128x16xf32, #tpu.memory_space<vmem>>
      %dma_start3A_342 = arith.constant 0 : i32
      %dma_start3A_343 = tpu.memref_slice %arg7[%rem3A_52, %dma_start3A_338, %dma_start3A_342] : memref<2x10x128xi32, #tpu.memory_space<vmem>> -> memref<1x1x128xi32, #tpu.memory_space<vmem>>
      %dma_start3A_344 = tpu.memref_squeeze %dma_start3A_343 : memref<1x1x128xi32, #tpu.memory_space<vmem>> -> memref<128xi32, #tpu.memory_space<vmem>>
      %dma_start3A_345 = arith.constant 0 : i32
      %dma_start3A_346 = arith.constant 0 : i32
      %dma_start3A_347 = tpu.memref_slice %arg10[%dma_start3A_345, %dma_start3A_346] : memref<100352x16xf32, #tpu.memory_space<vmem_shared>> -> memref<100352x16xf32, #tpu.memory_space<vmem_shared>>
      tpu.enqueue_indirect_dma source(%dma_start3A_341 : memref<128x16xf32, #tpu.memory_space<vmem>>) target(%dma_start3A_347 : memref<100352x16xf32, #tpu.memory_space<vmem_shared>>) offsets(%dma_start3A_344 : memref<128xi32, #tpu.memory_space<vmem>>) semaphore(%arg13 : memref<!tpu.dma_semaphore, #tpu.memory_space<semaphore_mem>>) {add = true}
      %dma_wait3A_348 = arith.constant 8 : i32
      %dma_wait3A_349 = arith.constant 1024 : i32
      %dma_wait3A_350 = arith.constant 0 : i32
      %dma_wait3A_351 = tpu.memref_slice %arg8[%dma_wait3A_349, %dma_wait3A_350] : memref<1280x16xf32, #tpu.memory_space<vmem>> -> memref<128x16xf32, #tpu.memory_space<vmem>>
      %dma_wait3A_352 = arith.constant 0 : i32
      %dma_wait3A_353 = tpu.memref_slice %arg6[%rem3A_52, %dma_wait3A_348, %dma_wait3A_352] : memref<2x10x128xi32, #tpu.memory_space<vmem>> -> memref<1x1x128xi32, #tpu.memory_space<vmem>>
      %dma_wait3A_354 = tpu.memref_squeeze %dma_wait3A_353 : memref<1x1x128xi32, #tpu.memory_space<vmem>> -> memref<128xi32, #tpu.memory_space<vmem>>
      %dma_wait3A_355 = arith.constant 0 : i32
      %dma_wait3A_356 = arith.constant 0 : i32
      %dma_wait3A_357 = tpu.memref_slice %arg4[%dma_wait3A_355, %dma_wait3A_356] : memref<100352x16xf32, #tpu.memory_space<hbm>> -> memref<100352x16xf32, #tpu.memory_space<hbm>>
      tpu.wait_indirect_dma semaphore(%arg12 : memref<!tpu.dma_semaphore, #tpu.memory_space<semaphore_mem>>) src(%dma_wait3A_357 : memref<100352x16xf32, #tpu.memory_space<hbm>>) dst(%dma_wait3A_351 : memref<128x16xf32, #tpu.memory_space<vmem>>)
      %dma_start3A_358 = arith.constant 8 : i32
      %dma_start3A_359 = arith.constant 1024 : i32
      %dma_start3A_360 = arith.constant 0 : i32
      %dma_start3A_361 = tpu.memref_slice %arg8[%dma_start3A_359, %dma_start3A_360] : memref<1280x16xf32, #tpu.memory_space<vmem>> -> memref<128x16xf32, #tpu.memory_space<vmem>>
      %dma_start3A_362 = arith.constant 0 : i32
      %dma_start3A_363 = tpu.memref_slice %arg7[%rem3A_52, %dma_start3A_358, %dma_start3A_362] : memref<2x10x128xi32, #tpu.memory_space<vmem>> -> memref<1x1x128xi32, #tpu.memory_space<vmem>>
      %dma_start3A_364 = tpu.memref_squeeze %dma_start3A_363 : memref<1x1x128xi32, #tpu.memory_space<vmem>> -> memref<128xi32, #tpu.memory_space<vmem>>
      %dma_start3A_365 = arith.constant 0 : i32
      %dma_start3A_366 = arith.constant 0 : i32
      %dma_start3A_367 = tpu.memref_slice %arg10[%dma_start3A_365, %dma_start3A_366] : memref<100352x16xf32, #tpu.memory_space<vmem_shared>> -> memref<100352x16xf32, #tpu.memory_space<vmem_shared>>
      tpu.enqueue_indirect_dma source(%dma_start3A_361 : memref<128x16xf32, #tpu.memory_space<vmem>>) target(%dma_start3A_367 : memref<100352x16xf32, #tpu.memory_space<vmem_shared>>) offsets(%dma_start3A_364 : memref<128xi32, #tpu.memory_space<vmem>>) semaphore(%arg13 : memref<!tpu.dma_semaphore, #tpu.memory_space<semaphore_mem>>) {add = true}
      %dma_wait3A_368 = arith.constant 9 : i32
      %dma_wait3A_369 = arith.constant 1152 : i32
      %dma_wait3A_370 = arith.constant 0 : i32
      %dma_wait3A_371 = tpu.memref_slice %arg8[%dma_wait3A_369, %dma_wait3A_370] : memref<1280x16xf32, #tpu.memory_space<vmem>> -> memref<128x16xf32, #tpu.memory_space<vmem>>
      %dma_wait3A_372 = arith.constant 0 : i32
      %dma_wait3A_373 = tpu.memref_slice %arg6[%rem3A_52, %dma_wait3A_368, %dma_wait3A_372] : memref<2x10x128xi32, #tpu.memory_space<vmem>> -> memref<1x1x128xi32, #tpu.memory_space<vmem>>
      %dma_wait3A_374 = tpu.memref_squeeze %dma_wait3A_373 : memref<1x1x128xi32, #tpu.memory_space<vmem>> -> memref<128xi32, #tpu.memory_space<vmem>>
      %dma_wait3A_375 = arith.constant 0 : i32
      %dma_wait3A_376 = arith.constant 0 : i32
      %dma_wait3A_377 = tpu.memref_slice %arg4[%dma_wait3A_375, %dma_wait3A_376] : memref<100352x16xf32, #tpu.memory_space<hbm>> -> memref<100352x16xf32, #tpu.memory_space<hbm>>
      tpu.wait_indirect_dma semaphore(%arg12 : memref<!tpu.dma_semaphore, #tpu.memory_space<semaphore_mem>>) src(%dma_wait3A_377 : memref<100352x16xf32, #tpu.memory_space<hbm>>) dst(%dma_wait3A_371 : memref<128x16xf32, #tpu.memory_space<vmem>>)
      %dma_start3A_378 = arith.constant 9 : i32
      %dma_start3A_379 = arith.constant 1152 : i32
      %dma_start3A_380 = arith.constant 0 : i32
      %dma_start3A_381 = tpu.memref_slice %arg8[%dma_start3A_379, %dma_start3A_380] : memref<1280x16xf32, #tpu.memory_space<vmem>> -> memref<128x16xf32, #tpu.memory_space<vmem>>
      %dma_start3A_382 = arith.constant 0 : i32
      %dma_start3A_383 = tpu.memref_slice %arg7[%rem3A_52, %dma_start3A_378, %dma_start3A_382] : memref<2x10x128xi32, #tpu.memory_space<vmem>> -> memref<1x1x128xi32, #tpu.memory_space<vmem>>
      %dma_start3A_384 = tpu.memref_squeeze %dma_start3A_383 : memref<1x1x128xi32, #tpu.memory_space<vmem>> -> memref<128xi32, #tpu.memory_space<vmem>>
      %dma_start3A_385 = arith.constant 0 : i32
      %dma_start3A_386 = arith.constant 0 : i32
      %dma_start3A_387 = tpu.memref_slice %arg10[%dma_start3A_385, %dma_start3A_386] : memref<100352x16xf32, #tpu.memory_space<vmem_shared>> -> memref<100352x16xf32, #tpu.memory_space<vmem_shared>>
      tpu.enqueue_indirect_dma source(%dma_start3A_381 : memref<128x16xf32, #tpu.memory_space<vmem>>) target(%dma_start3A_387 : memref<100352x16xf32, #tpu.memory_space<vmem_shared>>) offsets(%dma_start3A_384 : memref<128xi32, #tpu.memory_space<vmem>>) semaphore(%arg13 : memref<!tpu.dma_semaphore, #tpu.memory_space<semaphore_mem>>) {add = true}
      %while3A_388 = arith.constant 0 : i32
      scf.yield %while3A_388 : i32
    }
    %while3A_38 = arith.constant 1 : i32
    %while3A_39 = scf.for %while3A_50 = %while3A_35 to %while3A_31 step %while3A_38 iter_args(%while3A_51 = %while3A_37) -> (i32)  : i32 {
      %rem3A = arith.constant 2 : i32
      %rem3A_52 = arith.remsi %while3A_50, %rem3A : i32
      %gt3A_53 = arith.constant 0 : i32
      %gt3A_54 = arith.cmpi sgt, %while3A_50, %gt3A_53 : i32
      %convert_element_type3A_55 = arith.extui %gt3A_54 : i1 to i32
      %cond3A_56 = arith.constant 0 : i32
      %cond3A_57 = arith.cmpi ne, %convert_element_type3A_55, %cond3A_56 : i32
      scf.if %cond3A_57 {
        %dma_wait3A_389 = arith.constant 0 : i32
        %dma_wait3A_390 = arith.constant 0 : i32
        %dma_wait3A_391 = tpu.memref_slice %arg4[%dma_wait3A_389, %dma_wait3A_390] : memref<100352x16xf32, #tpu.memory_space<hbm>> -> memref<1280x16xf32, #tpu.memory_space<hbm>>
        %dma_wait3A_392 = arith.constant 0 : i32
        %dma_wait3A_393 = arith.constant 0 : i32
        %dma_wait3A_394 = tpu.memref_slice %arg4[%dma_wait3A_392, %dma_wait3A_393] : memref<100352x16xf32, #tpu.memory_space<hbm>> -> memref<1280x16xf32, #tpu.memory_space<hbm>>
        tpu.wait_dma2 semaphore(%arg13 : memref<!tpu.dma_semaphore, #tpu.memory_space<semaphore_mem>>) src(%dma_wait3A_394 : memref<1280x16xf32, #tpu.memory_space<hbm>>) dst(%arg8 : memref<1280x16xf32, #tpu.memory_space<vmem>>)
      } else {
      }
      %dma_wait3A = arith.constant 0 : i32
      %dma_wait3A_58 = arith.constant 0 : i32
      %dma_wait3A_59 = tpu.memref_slice %arg6[%rem3A_52, %dma_wait3A, %dma_wait3A_58] : memref<2x10x128xi32, #tpu.memory_space<vmem>> -> memref<1x10x128xi32, #tpu.memory_space<vmem>>
      %dma_wait3A_60 = tpu.memref_squeeze %dma_wait3A_59 : memref<1x10x128xi32, #tpu.memory_space<vmem>> -> memref<10x128xi32, #tpu.memory_space<vmem>>
      %dma_wait3A_61 = arith.constant 0 : i32
      %dma_wait3A_62 = arith.constant 0 : i32
      %dma_wait3A_63 = tpu.memref_slice %arg2[%dma_wait3A_61, %dma_wait3A_62] : memref<25600x128xi32, #tpu.memory_space<hbm>> -> memref<10x128xi32, #tpu.memory_space<hbm>>
      %dma_wait3A_64 = arith.constant 0 : i32
      %dma_wait3A_65 = arith.constant 0 : i32
      %dma_wait3A_66 = tpu.memref_slice %arg6[%rem3A_52, %dma_wait3A_64, %dma_wait3A_65] : memref<2x10x128xi32, #tpu.memory_space<vmem>> -> memref<1x10x128xi32, #tpu.memory_space<vmem>>
      %dma_wait3A_67 = tpu.memref_squeeze %dma_wait3A_66 : memref<1x10x128xi32, #tpu.memory_space<vmem>> -> memref<10x128xi32, #tpu.memory_space<vmem>>
      %dma_wait3A_68 = arith.constant 0 : i32
      %dma_wait3A_69 = arith.constant 0 : i32
      %dma_wait3A_70 = tpu.memref_slice %arg2[%dma_wait3A_68, %dma_wait3A_69] : memref<25600x128xi32, #tpu.memory_space<hbm>> -> memref<10x128xi32, #tpu.memory_space<hbm>>
      tpu.wait_dma2 semaphore(%arg11 : memref<!tpu.dma_semaphore, #tpu.memory_space<semaphore_mem>>) src(%dma_wait3A_70 : memref<10x128xi32, #tpu.memory_space<hbm>>) dst(%dma_wait3A_67 : memref<10x128xi32, #tpu.memory_space<vmem>>)
      %dma_wait3A_71 = arith.constant 0 : i32
      %dma_wait3A_72 = arith.constant 0 : i32
      %dma_wait3A_73 = tpu.memref_slice %arg7[%rem3A_52, %dma_wait3A_71, %dma_wait3A_72] : memref<2x10x128xi32, #tpu.memory_space<vmem>> -> memref<1x10x128xi32, #tpu.memory_space<vmem>>
      %dma_wait3A_74 = tpu.memref_squeeze %dma_wait3A_73 : memref<1x10x128xi32, #tpu.memory_space<vmem>> -> memref<10x128xi32, #tpu.memory_space<vmem>>
      %dma_wait3A_75 = arith.constant 0 : i32
      %dma_wait3A_76 = arith.constant 0 : i32
      %dma_wait3A_77 = tpu.memref_slice %arg3[%dma_wait3A_75, %dma_wait3A_76] : memref<25600x128xi32, #tpu.memory_space<hbm>> -> memref<10x128xi32, #tpu.memory_space<hbm>>
      %dma_wait3A_78 = arith.constant 0 : i32
      %dma_wait3A_79 = arith.constant 0 : i32
      %dma_wait3A_80 = tpu.memref_slice %arg7[%rem3A_52, %dma_wait3A_78, %dma_wait3A_79] : memref<2x10x128xi32, #tpu.memory_space<vmem>> -> memref<1x10x128xi32, #tpu.memory_space<vmem>>
      %dma_wait3A_81 = tpu.memref_squeeze %dma_wait3A_80 : memref<1x10x128xi32, #tpu.memory_space<vmem>> -> memref<10x128xi32, #tpu.memory_space<vmem>>
      %dma_wait3A_82 = arith.constant 0 : i32
      %dma_wait3A_83 = arith.constant 0 : i32
      %dma_wait3A_84 = tpu.memref_slice %arg3[%dma_wait3A_82, %dma_wait3A_83] : memref<25600x128xi32, #tpu.memory_space<hbm>> -> memref<10x128xi32, #tpu.memory_space<hbm>>
      tpu.wait_dma2 semaphore(%arg11 : memref<!tpu.dma_semaphore, #tpu.memory_space<semaphore_mem>>) src(%dma_wait3A_84 : memref<10x128xi32, #tpu.memory_space<hbm>>) dst(%dma_wait3A_81 : memref<10x128xi32, #tpu.memory_space<vmem>>)
      %sub3A = arith.constant 1 : i32
      %sub3A_85 = arith.subi %select_n3A_26, %sub3A : i32
      %lt3A = arith.cmpi slt, %while3A_50, %sub3A_85 : i32
      %convert_element_type3A_86 = arith.extui %lt3A : i1 to i32
      %cond3A_87 = arith.constant 0 : i32
      %cond3A_88 = arith.cmpi ne, %convert_element_type3A_86, %cond3A_87 : i32
      scf.if %cond3A_88 {
        %add3A_389 = arith.constant 1 : i32
        %add3A_390 = arith.addi %while3A_50, %add3A_389 : i32
        %mul3A_391 = arith.constant 10 : i32
        %mul3A_392 = arith.muli %add3A_390, %mul3A_391 : i32
        %add3A_393 = arith.addi %min3A_21, %mul3A_392 : i32
        %rem3A_394 = arith.constant 2 : i32
        %rem3A_395 = arith.remsi %add3A_390, %rem3A_394 : i32
        %dma_start3A_396 = arith.constant 0 : i32
        %dma_start3A_397 = arith.constant 0 : i32
        %dma_start3A_398 = tpu.memref_slice %arg6[%rem3A_395, %dma_start3A_396, %dma_start3A_397] : memref<2x10x128xi32, #tpu.memory_space<vmem>> -> memref<1x10x128xi32, #tpu.memory_space<vmem>>
        %dma_start3A_399 = tpu.memref_squeeze %dma_start3A_398 : memref<1x10x128xi32, #tpu.memory_space<vmem>> -> memref<10x128xi32, #tpu.memory_space<vmem>>
        %dma_start3A_400 = arith.constant 0 : i32
        %dma_start3A_401 = tpu.memref_slice %arg2[%add3A_393, %dma_start3A_400] : memref<25600x128xi32, #tpu.memory_space<hbm>> -> memref<10x128xi32, #tpu.memory_space<hbm>>
        %dma_start3A_402 = arith.constant 0 : i32
        %dma_start3A_403 = arith.constant 0 : i32
        %dma_start3A_404 = tpu.memref_slice %arg6[%rem3A_395, %dma_start3A_402, %dma_start3A_403] : memref<2x10x128xi32, #tpu.memory_space<vmem>> -> memref<1x10x128xi32, #tpu.memory_space<vmem>>
        %dma_start3A_405 = tpu.memref_squeeze %dma_start3A_404 : memref<1x10x128xi32, #tpu.memory_space<vmem>> -> memref<10x128xi32, #tpu.memory_space<vmem>>
        %dma_start3A_406 = arith.constant 0 : i32
        %dma_start3A_407 = tpu.memref_slice %arg2[%add3A_393, %dma_start3A_406] : memref<25600x128xi32, #tpu.memory_space<hbm>> -> memref<10x128xi32, #tpu.memory_space<hbm>>
        tpu.enqueue_dma source(%dma_start3A_407 : memref<10x128xi32, #tpu.memory_space<hbm>>) target(%dma_start3A_405 : memref<10x128xi32, #tpu.memory_space<vmem>>) target_semaphore(%arg11 : memref<!tpu.dma_semaphore, #tpu.memory_space<semaphore_mem>>)
        %dma_start3A_408 = arith.constant 0 : i32
        %dma_start3A_409 = arith.constant 0 : i32
        %dma_start3A_410 = tpu.memref_slice %arg7[%rem3A_395, %dma_start3A_408, %dma_start3A_409] : memref<2x10x128xi32, #tpu.memory_space<vmem>> -> memref<1x10x128xi32, #tpu.memory_space<vmem>>
        %dma_start3A_411 = tpu.memref_squeeze %dma_start3A_410 : memref<1x10x128xi32, #tpu.memory_space<vmem>> -> memref<10x128xi32, #tpu.memory_space<vmem>>
        %dma_start3A_412 = arith.constant 0 : i32
        %dma_start3A_413 = tpu.memref_slice %arg3[%add3A_393, %dma_start3A_412] : memref<25600x128xi32, #tpu.memory_space<hbm>> -> memref<10x128xi32, #tpu.memory_space<hbm>>
        %dma_start3A_414 = arith.constant 0 : i32
        %dma_start3A_415 = arith.constant 0 : i32
        %dma_start3A_416 = tpu.memref_slice %arg7[%rem3A_395, %dma_start3A_414, %dma_start3A_415] : memref<2x10x128xi32, #tpu.memory_space<vmem>> -> memref<1x10x128xi32, #tpu.memory_space<vmem>>
        %dma_start3A_417 = tpu.memref_squeeze %dma_start3A_416 : memref<1x10x128xi32, #tpu.memory_space<vmem>> -> memref<10x128xi32, #tpu.memory_space<vmem>>
        %dma_start3A_418 = arith.constant 0 : i32
        %dma_start3A_419 = tpu.memref_slice %arg3[%add3A_393, %dma_start3A_418] : memref<25600x128xi32, #tpu.memory_space<hbm>> -> memref<10x128xi32, #tpu.memory_space<hbm>>
        tpu.enqueue_dma source(%dma_start3A_419 : memref<10x128xi32, #tpu.memory_space<hbm>>) target(%dma_start3A_417 : memref<10x128xi32, #tpu.memory_space<vmem>>) target_semaphore(%arg11 : memref<!tpu.dma_semaphore, #tpu.memory_space<semaphore_mem>>)
      } else {
      }
      %dma_start3A = arith.constant 0 : i32
      %dma_start3A_89 = arith.constant 0 : i32
      %dma_start3A_90 = arith.constant 0 : i32
      %dma_start3A_91 = tpu.memref_slice %arg8[%dma_start3A_89, %dma_start3A_90] : memref<1280x16xf32, #tpu.memory_space<vmem>> -> memref<128x16xf32, #tpu.memory_space<vmem>>
      %dma_start3A_92 = arith.constant 0 : i32
      %dma_start3A_93 = tpu.memref_slice %arg6[%rem3A_52, %dma_start3A, %dma_start3A_92] : memref<2x10x128xi32, #tpu.memory_space<vmem>> -> memref<1x1x128xi32, #tpu.memory_space<vmem>>
      %dma_start3A_94 = tpu.memref_squeeze %dma_start3A_93 : memref<1x1x128xi32, #tpu.memory_space<vmem>> -> memref<128xi32, #tpu.memory_space<vmem>>
      %dma_start3A_95 = arith.constant 0 : i32
      %dma_start3A_96 = arith.constant 0 : i32
      %dma_start3A_97 = tpu.memref_slice %arg4[%dma_start3A_95, %dma_start3A_96] : memref<100352x16xf32, #tpu.memory_space<hbm>> -> memref<100352x16xf32, #tpu.memory_space<hbm>>
      tpu.enqueue_indirect_dma source(%dma_start3A_97 : memref<100352x16xf32, #tpu.memory_space<hbm>>) target(%dma_start3A_91 : memref<128x16xf32, #tpu.memory_space<vmem>>) offsets(%dma_start3A_94 : memref<128xi32, #tpu.memory_space<vmem>>) semaphore(%arg12 : memref<!tpu.dma_semaphore, #tpu.memory_space<semaphore_mem>>)
      %dma_start3A_98 = arith.constant 1 : i32
      %dma_start3A_99 = arith.constant 128 : i32
      %dma_start3A_100 = arith.constant 0 : i32
      %dma_start3A_101 = tpu.memref_slice %arg8[%dma_start3A_99, %dma_start3A_100] : memref<1280x16xf32, #tpu.memory_space<vmem>> -> memref<128x16xf32, #tpu.memory_space<vmem>>
      %dma_start3A_102 = arith.constant 0 : i32
      %dma_start3A_103 = tpu.memref_slice %arg6[%rem3A_52, %dma_start3A_98, %dma_start3A_102] : memref<2x10x128xi32, #tpu.memory_space<vmem>> -> memref<1x1x128xi32, #tpu.memory_space<vmem>>
      %dma_start3A_104 = tpu.memref_squeeze %dma_start3A_103 : memref<1x1x128xi32, #tpu.memory_space<vmem>> -> memref<128xi32, #tpu.memory_space<vmem>>
      %dma_start3A_105 = arith.constant 0 : i32
      %dma_start3A_106 = arith.constant 0 : i32
      %dma_start3A_107 = tpu.memref_slice %arg4[%dma_start3A_105, %dma_start3A_106] : memref<100352x16xf32, #tpu.memory_space<hbm>> -> memref<100352x16xf32, #tpu.memory_space<hbm>>
      tpu.enqueue_indirect_dma source(%dma_start3A_107 : memref<100352x16xf32, #tpu.memory_space<hbm>>) target(%dma_start3A_101 : memref<128x16xf32, #tpu.memory_space<vmem>>) offsets(%dma_start3A_104 : memref<128xi32, #tpu.memory_space<vmem>>) semaphore(%arg12 : memref<!tpu.dma_semaphore, #tpu.memory_space<semaphore_mem>>)
      %dma_start3A_108 = arith.constant 2 : i32
      %dma_start3A_109 = arith.constant 256 : i32
      %dma_start3A_110 = arith.constant 0 : i32
      %dma_start3A_111 = tpu.memref_slice %arg8[%dma_start3A_109, %dma_start3A_110] : memref<1280x16xf32, #tpu.memory_space<vmem>> -> memref<128x16xf32, #tpu.memory_space<vmem>>
      %dma_start3A_112 = arith.constant 0 : i32
      %dma_start3A_113 = tpu.memref_slice %arg6[%rem3A_52, %dma_start3A_108, %dma_start3A_112] : memref<2x10x128xi32, #tpu.memory_space<vmem>> -> memref<1x1x128xi32, #tpu.memory_space<vmem>>
      %dma_start3A_114 = tpu.memref_squeeze %dma_start3A_113 : memref<1x1x128xi32, #tpu.memory_space<vmem>> -> memref<128xi32, #tpu.memory_space<vmem>>
      %dma_start3A_115 = arith.constant 0 : i32
      %dma_start3A_116 = arith.constant 0 : i32
      %dma_start3A_117 = tpu.memref_slice %arg4[%dma_start3A_115, %dma_start3A_116] : memref<100352x16xf32, #tpu.memory_space<hbm>> -> memref<100352x16xf32, #tpu.memory_space<hbm>>
      tpu.enqueue_indirect_dma source(%dma_start3A_117 : memref<100352x16xf32, #tpu.memory_space<hbm>>) target(%dma_start3A_111 : memref<128x16xf32, #tpu.memory_space<vmem>>) offsets(%dma_start3A_114 : memref<128xi32, #tpu.memory_space<vmem>>) semaphore(%arg12 : memref<!tpu.dma_semaphore, #tpu.memory_space<semaphore_mem>>)
      %dma_start3A_118 = arith.constant 3 : i32
      %dma_start3A_119 = arith.constant 384 : i32
      %dma_start3A_120 = arith.constant 0 : i32
      %dma_start3A_121 = tpu.memref_slice %arg8[%dma_start3A_119, %dma_start3A_120] : memref<1280x16xf32, #tpu.memory_space<vmem>> -> memref<128x16xf32, #tpu.memory_space<vmem>>
      %dma_start3A_122 = arith.constant 0 : i32
      %dma_start3A_123 = tpu.memref_slice %arg6[%rem3A_52, %dma_start3A_118, %dma_start3A_122] : memref<2x10x128xi32, #tpu.memory_space<vmem>> -> memref<1x1x128xi32, #tpu.memory_space<vmem>>
      %dma_start3A_124 = tpu.memref_squeeze %dma_start3A_123 : memref<1x1x128xi32, #tpu.memory_space<vmem>> -> memref<128xi32, #tpu.memory_space<vmem>>
      %dma_start3A_125 = arith.constant 0 : i32
      %dma_start3A_126 = arith.constant 0 : i32
      %dma_start3A_127 = tpu.memref_slice %arg4[%dma_start3A_125, %dma_start3A_126] : memref<100352x16xf32, #tpu.memory_space<hbm>> -> memref<100352x16xf32, #tpu.memory_space<hbm>>
      tpu.enqueue_indirect_dma source(%dma_start3A_127 : memref<100352x16xf32, #tpu.memory_space<hbm>>) target(%dma_start3A_121 : memref<128x16xf32, #tpu.memory_space<vmem>>) offsets(%dma_start3A_124 : memref<128xi32, #tpu.memory_space<vmem>>) semaphore(%arg12 : memref<!tpu.dma_semaphore, #tpu.memory_space<semaphore_mem>>)
      %dma_start3A_128 = arith.constant 4 : i32
      %dma_start3A_129 = arith.constant 512 : i32
      %dma_start3A_130 = arith.constant 0 : i32
      %dma_start3A_131 = tpu.memref_slice %arg8[%dma_start3A_129, %dma_start3A_130] : memref<1280x16xf32, #tpu.memory_space<vmem>> -> memref<128x16xf32, #tpu.memory_space<vmem>>
      %dma_start3A_132 = arith.constant 0 : i32
      %dma_start3A_133 = tpu.memref_slice %arg6[%rem3A_52, %dma_start3A_128, %dma_start3A_132] : memref<2x10x128xi32, #tpu.memory_space<vmem>> -> memref<1x1x128xi32, #tpu.memory_space<vmem>>
      %dma_start3A_134 = tpu.memref_squeeze %dma_start3A_133 : memref<1x1x128xi32, #tpu.memory_space<vmem>> -> memref<128xi32, #tpu.memory_space<vmem>>
      %dma_start3A_135 = arith.constant 0 : i32
      %dma_start3A_136 = arith.constant 0 : i32
      %dma_start3A_137 = tpu.memref_slice %arg4[%dma_start3A_135, %dma_start3A_136] : memref<100352x16xf32, #tpu.memory_space<hbm>> -> memref<100352x16xf32, #tpu.memory_space<hbm>>
      tpu.enqueue_indirect_dma source(%dma_start3A_137 : memref<100352x16xf32, #tpu.memory_space<hbm>>) target(%dma_start3A_131 : memref<128x16xf32, #tpu.memory_space<vmem>>) offsets(%dma_start3A_134 : memref<128xi32, #tpu.memory_space<vmem>>) semaphore(%arg12 : memref<!tpu.dma_semaphore, #tpu.memory_space<semaphore_mem>>)
      %dma_start3A_138 = arith.constant 5 : i32
      %dma_start3A_139 = arith.constant 640 : i32
      %dma_start3A_140 = arith.constant 0 : i32
      %dma_start3A_141 = tpu.memref_slice %arg8[%dma_start3A_139, %dma_start3A_140] : memref<1280x16xf32, #tpu.memory_space<vmem>> -> memref<128x16xf32, #tpu.memory_space<vmem>>
      %dma_start3A_142 = arith.constant 0 : i32
      %dma_start3A_143 = tpu.memref_slice %arg6[%rem3A_52, %dma_start3A_138, %dma_start3A_142] : memref<2x10x128xi32, #tpu.memory_space<vmem>> -> memref<1x1x128xi32, #tpu.memory_space<vmem>>
      %dma_start3A_144 = tpu.memref_squeeze %dma_start3A_143 : memref<1x1x128xi32, #tpu.memory_space<vmem>> -> memref<128xi32, #tpu.memory_space<vmem>>
      %dma_start3A_145 = arith.constant 0 : i32
      %dma_start3A_146 = arith.constant 0 : i32
      %dma_start3A_147 = tpu.memref_slice %arg4[%dma_start3A_145, %dma_start3A_146] : memref<100352x16xf32, #tpu.memory_space<hbm>> -> memref<100352x16xf32, #tpu.memory_space<hbm>>
      tpu.enqueue_indirect_dma source(%dma_start3A_147 : memref<100352x16xf32, #tpu.memory_space<hbm>>) target(%dma_start3A_141 : memref<128x16xf32, #tpu.memory_space<vmem>>) offsets(%dma_start3A_144 : memref<128xi32, #tpu.memory_space<vmem>>) semaphore(%arg12 : memref<!tpu.dma_semaphore, #tpu.memory_space<semaphore_mem>>)
      %dma_start3A_148 = arith.constant 6 : i32
      %dma_start3A_149 = arith.constant 768 : i32
      %dma_start3A_150 = arith.constant 0 : i32
      %dma_start3A_151 = tpu.memref_slice %arg8[%dma_start3A_149, %dma_start3A_150] : memref<1280x16xf32, #tpu.memory_space<vmem>> -> memref<128x16xf32, #tpu.memory_space<vmem>>
      %dma_start3A_152 = arith.constant 0 : i32
      %dma_start3A_153 = tpu.memref_slice %arg6[%rem3A_52, %dma_start3A_148, %dma_start3A_152] : memref<2x10x128xi32, #tpu.memory_space<vmem>> -> memref<1x1x128xi32, #tpu.memory_space<vmem>>
      %dma_start3A_154 = tpu.memref_squeeze %dma_start3A_153 : memref<1x1x128xi32, #tpu.memory_space<vmem>> -> memref<128xi32, #tpu.memory_space<vmem>>
      %dma_start3A_155 = arith.constant 0 : i32
      %dma_start3A_156 = arith.constant 0 : i32
      %dma_start3A_157 = tpu.memref_slice %arg4[%dma_start3A_155, %dma_start3A_156] : memref<100352x16xf32, #tpu.memory_space<hbm>> -> memref<100352x16xf32, #tpu.memory_space<hbm>>
      tpu.enqueue_indirect_dma source(%dma_start3A_157 : memref<100352x16xf32, #tpu.memory_space<hbm>>) target(%dma_start3A_151 : memref<128x16xf32, #tpu.memory_space<vmem>>) offsets(%dma_start3A_154 : memref<128xi32, #tpu.memory_space<vmem>>) semaphore(%arg12 : memref<!tpu.dma_semaphore, #tpu.memory_space<semaphore_mem>>)
      %dma_start3A_158 = arith.constant 7 : i32
      %dma_start3A_159 = arith.constant 896 : i32
      %dma_start3A_160 = arith.constant 0 : i32
      %dma_start3A_161 = tpu.memref_slice %arg8[%dma_start3A_159, %dma_start3A_160] : memref<1280x16xf32, #tpu.memory_space<vmem>> -> memref<128x16xf32, #tpu.memory_space<vmem>>
      %dma_start3A_162 = arith.constant 0 : i32
      %dma_start3A_163 = tpu.memref_slice %arg6[%rem3A_52, %dma_start3A_158, %dma_start3A_162] : memref<2x10x128xi32, #tpu.memory_space<vmem>> -> memref<1x1x128xi32, #tpu.memory_space<vmem>>
      %dma_start3A_164 = tpu.memref_squeeze %dma_start3A_163 : memref<1x1x128xi32, #tpu.memory_space<vmem>> -> memref<128xi32, #tpu.memory_space<vmem>>
      %dma_start3A_165 = arith.constant 0 : i32
      %dma_start3A_166 = arith.constant 0 : i32
      %dma_start3A_167 = tpu.memref_slice %arg4[%dma_start3A_165, %dma_start3A_166] : memref<100352x16xf32, #tpu.memory_space<hbm>> -> memref<100352x16xf32, #tpu.memory_space<hbm>>
      tpu.enqueue_indirect_dma source(%dma_start3A_167 : memref<100352x16xf32, #tpu.memory_space<hbm>>) target(%dma_start3A_161 : memref<128x16xf32, #tpu.memory_space<vmem>>) offsets(%dma_start3A_164 : memref<128xi32, #tpu.memory_space<vmem>>) semaphore(%arg12 : memref<!tpu.dma_semaphore, #tpu.memory_space<semaphore_mem>>)
      %dma_start3A_168 = arith.constant 8 : i32
      %dma_start3A_169 = arith.constant 1024 : i32
      %dma_start3A_170 = arith.constant 0 : i32
      %dma_start3A_171 = tpu.memref_slice %arg8[%dma_start3A_169, %dma_start3A_170] : memref<1280x16xf32, #tpu.memory_space<vmem>> -> memref<128x16xf32, #tpu.memory_space<vmem>>
      %dma_start3A_172 = arith.constant 0 : i32
      %dma_start3A_173 = tpu.memref_slice %arg6[%rem3A_52, %dma_start3A_168, %dma_start3A_172] : memref<2x10x128xi32, #tpu.memory_space<vmem>> -> memref<1x1x128xi32, #tpu.memory_space<vmem>>
      %dma_start3A_174 = tpu.memref_squeeze %dma_start3A_173 : memref<1x1x128xi32, #tpu.memory_space<vmem>> -> memref<128xi32, #tpu.memory_space<vmem>>
      %dma_start3A_175 = arith.constant 0 : i32
      %dma_start3A_176 = arith.constant 0 : i32
      %dma_start3A_177 = tpu.memref_slice %arg4[%dma_start3A_175, %dma_start3A_176] : memref<100352x16xf32, #tpu.memory_space<hbm>> -> memref<100352x16xf32, #tpu.memory_space<hbm>>
      tpu.enqueue_indirect_dma source(%dma_start3A_177 : memref<100352x16xf32, #tpu.memory_space<hbm>>) target(%dma_start3A_171 : memref<128x16xf32, #tpu.memory_space<vmem>>) offsets(%dma_start3A_174 : memref<128xi32, #tpu.memory_space<vmem>>) semaphore(%arg12 : memref<!tpu.dma_semaphore, #tpu.memory_space<semaphore_mem>>)
      %dma_start3A_178 = arith.constant 9 : i32
      %dma_start3A_179 = arith.constant 1152 : i32
      %dma_start3A_180 = arith.constant 0 : i32
      %dma_start3A_181 = tpu.memref_slice %arg8[%dma_start3A_179, %dma_start3A_180] : memref<1280x16xf32, #tpu.memory_space<vmem>> -> memref<128x16xf32, #tpu.memory_space<vmem>>
      %dma_start3A_182 = arith.constant 0 : i32
      %dma_start3A_183 = tpu.memref_slice %arg6[%rem3A_52, %dma_start3A_178, %dma_start3A_182] : memref<2x10x128xi32, #tpu.memory_space<vmem>> -> memref<1x1x128xi32, #tpu.memory_space<vmem>>
      %dma_start3A_184 = tpu.memref_squeeze %dma_start3A_183 : memref<1x1x128xi32, #tpu.memory_space<vmem>> -> memref<128xi32, #tpu.memory_space<vmem>>
      %dma_start3A_185 = arith.constant 0 : i32
      %dma_start3A_186 = arith.constant 0 : i32
      %dma_start3A_187 = tpu.memref_slice %arg4[%dma_start3A_185, %dma_start3A_186] : memref<100352x16xf32, #tpu.memory_space<hbm>> -> memref<100352x16xf32, #tpu.memory_space<hbm>>
      tpu.enqueue_indirect_dma source(%dma_start3A_187 : memref<100352x16xf32, #tpu.memory_space<hbm>>) target(%dma_start3A_181 : memref<128x16xf32, #tpu.memory_space<vmem>>) offsets(%dma_start3A_184 : memref<128xi32, #tpu.memory_space<vmem>>) semaphore(%arg12 : memref<!tpu.dma_semaphore, #tpu.memory_space<semaphore_mem>>)
      %dma_wait3A_188 = arith.constant 0 : i32
      %dma_wait3A_189 = arith.constant 0 : i32
      %dma_wait3A_190 = arith.constant 0 : i32
      %dma_wait3A_191 = tpu.memref_slice %arg8[%dma_wait3A_189, %dma_wait3A_190] : memref<1280x16xf32, #tpu.memory_space<vmem>> -> memref<128x16xf32, #tpu.memory_space<vmem>>
      %dma_wait3A_192 = arith.constant 0 : i32
      %dma_wait3A_193 = tpu.memref_slice %arg6[%rem3A_52, %dma_wait3A_188, %dma_wait3A_192] : memref<2x10x128xi32, #tpu.memory_space<vmem>> -> memref<1x1x128xi32, #tpu.memory_space<vmem>>
      %dma_wait3A_194 = tpu.memref_squeeze %dma_wait3A_193 : memref<1x1x128xi32, #tpu.memory_space<vmem>> -> memref<128xi32, #tpu.memory_space<vmem>>
      %dma_wait3A_195 = arith.constant 0 : i32
      %dma_wait3A_196 = arith.constant 0 : i32
      %dma_wait3A_197 = tpu.memref_slice %arg4[%dma_wait3A_195, %dma_wait3A_196] : memref<100352x16xf32, #tpu.memory_space<hbm>> -> memref<100352x16xf32, #tpu.memory_space<hbm>>
      tpu.wait_indirect_dma semaphore(%arg12 : memref<!tpu.dma_semaphore, #tpu.memory_space<semaphore_mem>>) src(%dma_wait3A_197 : memref<100352x16xf32, #tpu.memory_space<hbm>>) dst(%dma_wait3A_191 : memref<128x16xf32, #tpu.memory_space<vmem>>)
      %dma_start3A_198 = arith.constant 0 : i32
      %dma_start3A_199 = arith.constant 0 : i32
      %dma_start3A_200 = arith.constant 0 : i32
      %dma_start3A_201 = tpu.memref_slice %arg8[%dma_start3A_199, %dma_start3A_200] : memref<1280x16xf32, #tpu.memory_space<vmem>> -> memref<128x16xf32, #tpu.memory_space<vmem>>
      %dma_start3A_202 = arith.constant 0 : i32
      %dma_start3A_203 = tpu.memref_slice %arg7[%rem3A_52, %dma_start3A_198, %dma_start3A_202] : memref<2x10x128xi32, #tpu.memory_space<vmem>> -> memref<1x1x128xi32, #tpu.memory_space<vmem>>
      %dma_start3A_204 = tpu.memref_squeeze %dma_start3A_203 : memref<1x1x128xi32, #tpu.memory_space<vmem>> -> memref<128xi32, #tpu.memory_space<vmem>>
      %dma_start3A_205 = arith.constant 0 : i32
      %dma_start3A_206 = arith.constant 0 : i32
      %dma_start3A_207 = tpu.memref_slice %arg10[%dma_start3A_205, %dma_start3A_206] : memref<100352x16xf32, #tpu.memory_space<vmem_shared>> -> memref<100352x16xf32, #tpu.memory_space<vmem_shared>>
      tpu.enqueue_indirect_dma source(%dma_start3A_201 : memref<128x16xf32, #tpu.memory_space<vmem>>) target(%dma_start3A_207 : memref<100352x16xf32, #tpu.memory_space<vmem_shared>>) offsets(%dma_start3A_204 : memref<128xi32, #tpu.memory_space<vmem>>) semaphore(%arg13 : memref<!tpu.dma_semaphore, #tpu.memory_space<semaphore_mem>>) {add = true}
      %dma_wait3A_208 = arith.constant 1 : i32
      %dma_wait3A_209 = arith.constant 128 : i32
      %dma_wait3A_210 = arith.constant 0 : i32
      %dma_wait3A_211 = tpu.memref_slice %arg8[%dma_wait3A_209, %dma_wait3A_210] : memref<1280x16xf32, #tpu.memory_space<vmem>> -> memref<128x16xf32, #tpu.memory_space<vmem>>
      %dma_wait3A_212 = arith.constant 0 : i32
      %dma_wait3A_213 = tpu.memref_slice %arg6[%rem3A_52, %dma_wait3A_208, %dma_wait3A_212] : memref<2x10x128xi32, #tpu.memory_space<vmem>> -> memref<1x1x128xi32, #tpu.memory_space<vmem>>
      %dma_wait3A_214 = tpu.memref_squeeze %dma_wait3A_213 : memref<1x1x128xi32, #tpu.memory_space<vmem>> -> memref<128xi32, #tpu.memory_space<vmem>>
      %dma_wait3A_215 = arith.constant 0 : i32
      %dma_wait3A_216 = arith.constant 0 : i32
      %dma_wait3A_217 = tpu.memref_slice %arg4[%dma_wait3A_215, %dma_wait3A_216] : memref<100352x16xf32, #tpu.memory_space<hbm>> -> memref<100352x16xf32, #tpu.memory_space<hbm>>
      tpu.wait_indirect_dma semaphore(%arg12 : memref<!tpu.dma_semaphore, #tpu.memory_space<semaphore_mem>>) src(%dma_wait3A_217 : memref<100352x16xf32, #tpu.memory_space<hbm>>) dst(%dma_wait3A_211 : memref<128x16xf32, #tpu.memory_space<vmem>>)
      %dma_start3A_218 = arith.constant 1 : i32
      %dma_start3A_219 = arith.constant 128 : i32
      %dma_start3A_220 = arith.constant 0 : i32
      %dma_start3A_221 = tpu.memref_slice %arg8[%dma_start3A_219, %dma_start3A_220] : memref<1280x16xf32, #tpu.memory_space<vmem>> -> memref<128x16xf32, #tpu.memory_space<vmem>>
      %dma_start3A_222 = arith.constant 0 : i32
      %dma_start3A_223 = tpu.memref_slice %arg7[%rem3A_52, %dma_start3A_218, %dma_start3A_222] : memref<2x10x128xi32, #tpu.memory_space<vmem>> -> memref<1x1x128xi32, #tpu.memory_space<vmem>>
      %dma_start3A_224 = tpu.memref_squeeze %dma_start3A_223 : memref<1x1x128xi32, #tpu.memory_space<vmem>> -> memref<128xi32, #tpu.memory_space<vmem>>
      %dma_start3A_225 = arith.constant 0 : i32
      %dma_start3A_226 = arith.constant 0 : i32
      %dma_start3A_227 = tpu.memref_slice %arg10[%dma_start3A_225, %dma_start3A_226] : memref<100352x16xf32, #tpu.memory_space<vmem_shared>> -> memref<100352x16xf32, #tpu.memory_space<vmem_shared>>
      tpu.enqueue_indirect_dma source(%dma_start3A_221 : memref<128x16xf32, #tpu.memory_space<vmem>>) target(%dma_start3A_227 : memref<100352x16xf32, #tpu.memory_space<vmem_shared>>) offsets(%dma_start3A_224 : memref<128xi32, #tpu.memory_space<vmem>>) semaphore(%arg13 : memref<!tpu.dma_semaphore, #tpu.memory_space<semaphore_mem>>) {add = true}
      %dma_wait3A_228 = arith.constant 2 : i32
      %dma_wait3A_229 = arith.constant 256 : i32
      %dma_wait3A_230 = arith.constant 0 : i32
      %dma_wait3A_231 = tpu.memref_slice %arg8[%dma_wait3A_229, %dma_wait3A_230] : memref<1280x16xf32, #tpu.memory_space<vmem>> -> memref<128x16xf32, #tpu.memory_space<vmem>>
      %dma_wait3A_232 = arith.constant 0 : i32
      %dma_wait3A_233 = tpu.memref_slice %arg6[%rem3A_52, %dma_wait3A_228, %dma_wait3A_232] : memref<2x10x128xi32, #tpu.memory_space<vmem>> -> memref<1x1x128xi32, #tpu.memory_space<vmem>>
      %dma_wait3A_234 = tpu.memref_squeeze %dma_wait3A_233 : memref<1x1x128xi32, #tpu.memory_space<vmem>> -> memref<128xi32, #tpu.memory_space<vmem>>
      %dma_wait3A_235 = arith.constant 0 : i32
      %dma_wait3A_236 = arith.constant 0 : i32
      %dma_wait3A_237 = tpu.memref_slice %arg4[%dma_wait3A_235, %dma_wait3A_236] : memref<100352x16xf32, #tpu.memory_space<hbm>> -> memref<100352x16xf32, #tpu.memory_space<hbm>>
      tpu.wait_indirect_dma semaphore(%arg12 : memref<!tpu.dma_semaphore, #tpu.memory_space<semaphore_mem>>) src(%dma_wait3A_237 : memref<100352x16xf32, #tpu.memory_space<hbm>>) dst(%dma_wait3A_231 : memref<128x16xf32, #tpu.memory_space<vmem>>)
      %dma_start3A_238 = arith.constant 2 : i32
      %dma_start3A_239 = arith.constant 256 : i32
      %dma_start3A_240 = arith.constant 0 : i32
      %dma_start3A_241 = tpu.memref_slice %arg8[%dma_start3A_239, %dma_start3A_240] : memref<1280x16xf32, #tpu.memory_space<vmem>> -> memref<128x16xf32, #tpu.memory_space<vmem>>
      %dma_start3A_242 = arith.constant 0 : i32
      %dma_start3A_243 = tpu.memref_slice %arg7[%rem3A_52, %dma_start3A_238, %dma_start3A_242] : memref<2x10x128xi32, #tpu.memory_space<vmem>> -> memref<1x1x128xi32, #tpu.memory_space<vmem>>
      %dma_start3A_244 = tpu.memref_squeeze %dma_start3A_243 : memref<1x1x128xi32, #tpu.memory_space<vmem>> -> memref<128xi32, #tpu.memory_space<vmem>>
      %dma_start3A_245 = arith.constant 0 : i32
      %dma_start3A_246 = arith.constant 0 : i32
      %dma_start3A_247 = tpu.memref_slice %arg10[%dma_start3A_245, %dma_start3A_246] : memref<100352x16xf32, #tpu.memory_space<vmem_shared>> -> memref<100352x16xf32, #tpu.memory_space<vmem_shared>>
      tpu.enqueue_indirect_dma source(%dma_start3A_241 : memref<128x16xf32, #tpu.memory_space<vmem>>) target(%dma_start3A_247 : memref<100352x16xf32, #tpu.memory_space<vmem_shared>>) offsets(%dma_start3A_244 : memref<128xi32, #tpu.memory_space<vmem>>) semaphore(%arg13 : memref<!tpu.dma_semaphore, #tpu.memory_space<semaphore_mem>>) {add = true}
      %dma_wait3A_248 = arith.constant 3 : i32
      %dma_wait3A_249 = arith.constant 384 : i32
      %dma_wait3A_250 = arith.constant 0 : i32
      %dma_wait3A_251 = tpu.memref_slice %arg8[%dma_wait3A_249, %dma_wait3A_250] : memref<1280x16xf32, #tpu.memory_space<vmem>> -> memref<128x16xf32, #tpu.memory_space<vmem>>
      %dma_wait3A_252 = arith.constant 0 : i32
      %dma_wait3A_253 = tpu.memref_slice %arg6[%rem3A_52, %dma_wait3A_248, %dma_wait3A_252] : memref<2x10x128xi32, #tpu.memory_space<vmem>> -> memref<1x1x128xi32, #tpu.memory_space<vmem>>
      %dma_wait3A_254 = tpu.memref_squeeze %dma_wait3A_253 : memref<1x1x128xi32, #tpu.memory_space<vmem>> -> memref<128xi32, #tpu.memory_space<vmem>>
      %dma_wait3A_255 = arith.constant 0 : i32
      %dma_wait3A_256 = arith.constant 0 : i32
      %dma_wait3A_257 = tpu.memref_slice %arg4[%dma_wait3A_255, %dma_wait3A_256] : memref<100352x16xf32, #tpu.memory_space<hbm>> -> memref<100352x16xf32, #tpu.memory_space<hbm>>
      tpu.wait_indirect_dma semaphore(%arg12 : memref<!tpu.dma_semaphore, #tpu.memory_space<semaphore_mem>>) src(%dma_wait3A_257 : memref<100352x16xf32, #tpu.memory_space<hbm>>) dst(%dma_wait3A_251 : memref<128x16xf32, #tpu.memory_space<vmem>>)
      %dma_start3A_258 = arith.constant 3 : i32
      %dma_start3A_259 = arith.constant 384 : i32
      %dma_start3A_260 = arith.constant 0 : i32
      %dma_start3A_261 = tpu.memref_slice %arg8[%dma_start3A_259, %dma_start3A_260] : memref<1280x16xf32, #tpu.memory_space<vmem>> -> memref<128x16xf32, #tpu.memory_space<vmem>>
      %dma_start3A_262 = arith.constant 0 : i32
      %dma_start3A_263 = tpu.memref_slice %arg7[%rem3A_52, %dma_start3A_258, %dma_start3A_262] : memref<2x10x128xi32, #tpu.memory_space<vmem>> -> memref<1x1x128xi32, #tpu.memory_space<vmem>>
      %dma_start3A_264 = tpu.memref_squeeze %dma_start3A_263 : memref<1x1x128xi32, #tpu.memory_space<vmem>> -> memref<128xi32, #tpu.memory_space<vmem>>
      %dma_start3A_265 = arith.constant 0 : i32
      %dma_start3A_266 = arith.constant 0 : i32
      %dma_start3A_267 = tpu.memref_slice %arg10[%dma_start3A_265, %dma_start3A_266] : memref<100352x16xf32, #tpu.memory_space<vmem_shared>> -> memref<100352x16xf32, #tpu.memory_space<vmem_shared>>
      tpu.enqueue_indirect_dma source(%dma_start3A_261 : memref<128x16xf32, #tpu.memory_space<vmem>>) target(%dma_start3A_267 : memref<100352x16xf32, #tpu.memory_space<vmem_shared>>) offsets(%dma_start3A_264 : memref<128xi32, #tpu.memory_space<vmem>>) semaphore(%arg13 : memref<!tpu.dma_semaphore, #tpu.memory_space<semaphore_mem>>) {add = true}
      %dma_wait3A_268 = arith.constant 4 : i32
      %dma_wait3A_269 = arith.constant 512 : i32
      %dma_wait3A_270 = arith.constant 0 : i32
      %dma_wait3A_271 = tpu.memref_slice %arg8[%dma_wait3A_269, %dma_wait3A_270] : memref<1280x16xf32, #tpu.memory_space<vmem>> -> memref<128x16xf32, #tpu.memory_space<vmem>>
      %dma_wait3A_272 = arith.constant 0 : i32
      %dma_wait3A_273 = tpu.memref_slice %arg6[%rem3A_52, %dma_wait3A_268, %dma_wait3A_272] : memref<2x10x128xi32, #tpu.memory_space<vmem>> -> memref<1x1x128xi32, #tpu.memory_space<vmem>>
      %dma_wait3A_274 = tpu.memref_squeeze %dma_wait3A_273 : memref<1x1x128xi32, #tpu.memory_space<vmem>> -> memref<128xi32, #tpu.memory_space<vmem>>
      %dma_wait3A_275 = arith.constant 0 : i32
      %dma_wait3A_276 = arith.constant 0 : i32
      %dma_wait3A_277 = tpu.memref_slice %arg4[%dma_wait3A_275, %dma_wait3A_276] : memref<100352x16xf32, #tpu.memory_space<hbm>> -> memref<100352x16xf32, #tpu.memory_space<hbm>>
      tpu.wait_indirect_dma semaphore(%arg12 : memref<!tpu.dma_semaphore, #tpu.memory_space<semaphore_mem>>) src(%dma_wait3A_277 : memref<100352x16xf32, #tpu.memory_space<hbm>>) dst(%dma_wait3A_271 : memref<128x16xf32, #tpu.memory_space<vmem>>)
      %dma_start3A_278 = arith.constant 4 : i32
      %dma_start3A_279 = arith.constant 512 : i32
      %dma_start3A_280 = arith.constant 0 : i32
      %dma_start3A_281 = tpu.memref_slice %arg8[%dma_start3A_279, %dma_start3A_280] : memref<1280x16xf32, #tpu.memory_space<vmem>> -> memref<128x16xf32, #tpu.memory_space<vmem>>
      %dma_start3A_282 = arith.constant 0 : i32
      %dma_start3A_283 = tpu.memref_slice %arg7[%rem3A_52, %dma_start3A_278, %dma_start3A_282] : memref<2x10x128xi32, #tpu.memory_space<vmem>> -> memref<1x1x128xi32, #tpu.memory_space<vmem>>
      %dma_start3A_284 = tpu.memref_squeeze %dma_start3A_283 : memref<1x1x128xi32, #tpu.memory_space<vmem>> -> memref<128xi32, #tpu.memory_space<vmem>>
      %dma_start3A_285 = arith.constant 0 : i32
      %dma_start3A_286 = arith.constant 0 : i32
      %dma_start3A_287 = tpu.memref_slice %arg10[%dma_start3A_285, %dma_start3A_286] : memref<100352x16xf32, #tpu.memory_space<vmem_shared>> -> memref<100352x16xf32, #tpu.memory_space<vmem_shared>>
      tpu.enqueue_indirect_dma source(%dma_start3A_281 : memref<128x16xf32, #tpu.memory_space<vmem>>) target(%dma_start3A_287 : memref<100352x16xf32, #tpu.memory_space<vmem_shared>>) offsets(%dma_start3A_284 : memref<128xi32, #tpu.memory_space<vmem>>) semaphore(%arg13 : memref<!tpu.dma_semaphore, #tpu.memory_space<semaphore_mem>>) {add = true}
      %dma_wait3A_288 = arith.constant 5 : i32
      %dma_wait3A_289 = arith.constant 640 : i32
      %dma_wait3A_290 = arith.constant 0 : i32
      %dma_wait3A_291 = tpu.memref_slice %arg8[%dma_wait3A_289, %dma_wait3A_290] : memref<1280x16xf32, #tpu.memory_space<vmem>> -> memref<128x16xf32, #tpu.memory_space<vmem>>
      %dma_wait3A_292 = arith.constant 0 : i32
      %dma_wait3A_293 = tpu.memref_slice %arg6[%rem3A_52, %dma_wait3A_288, %dma_wait3A_292] : memref<2x10x128xi32, #tpu.memory_space<vmem>> -> memref<1x1x128xi32, #tpu.memory_space<vmem>>
      %dma_wait3A_294 = tpu.memref_squeeze %dma_wait3A_293 : memref<1x1x128xi32, #tpu.memory_space<vmem>> -> memref<128xi32, #tpu.memory_space<vmem>>
      %dma_wait3A_295 = arith.constant 0 : i32
      %dma_wait3A_296 = arith.constant 0 : i32
      %dma_wait3A_297 = tpu.memref_slice %arg4[%dma_wait3A_295, %dma_wait3A_296] : memref<100352x16xf32, #tpu.memory_space<hbm>> -> memref<100352x16xf32, #tpu.memory_space<hbm>>
      tpu.wait_indirect_dma semaphore(%arg12 : memref<!tpu.dma_semaphore, #tpu.memory_space<semaphore_mem>>) src(%dma_wait3A_297 : memref<100352x16xf32, #tpu.memory_space<hbm>>) dst(%dma_wait3A_291 : memref<128x16xf32, #tpu.memory_space<vmem>>)
      %dma_start3A_298 = arith.constant 5 : i32
      %dma_start3A_299 = arith.constant 640 : i32
      %dma_start3A_300 = arith.constant 0 : i32
      %dma_start3A_301 = tpu.memref_slice %arg8[%dma_start3A_299, %dma_start3A_300] : memref<1280x16xf32, #tpu.memory_space<vmem>> -> memref<128x16xf32, #tpu.memory_space<vmem>>
      %dma_start3A_302 = arith.constant 0 : i32
      %dma_start3A_303 = tpu.memref_slice %arg7[%rem3A_52, %dma_start3A_298, %dma_start3A_302] : memref<2x10x128xi32, #tpu.memory_space<vmem>> -> memref<1x1x128xi32, #tpu.memory_space<vmem>>
      %dma_start3A_304 = tpu.memref_squeeze %dma_start3A_303 : memref<1x1x128xi32, #tpu.memory_space<vmem>> -> memref<128xi32, #tpu.memory_space<vmem>>
      %dma_start3A_305 = arith.constant 0 : i32
      %dma_start3A_306 = arith.constant 0 : i32
      %dma_start3A_307 = tpu.memref_slice %arg10[%dma_start3A_305, %dma_start3A_306] : memref<100352x16xf32, #tpu.memory_space<vmem_shared>> -> memref<100352x16xf32, #tpu.memory_space<vmem_shared>>
      tpu.enqueue_indirect_dma source(%dma_start3A_301 : memref<128x16xf32, #tpu.memory_space<vmem>>) target(%dma_start3A_307 : memref<100352x16xf32, #tpu.memory_space<vmem_shared>>) offsets(%dma_start3A_304 : memref<128xi32, #tpu.memory_space<vmem>>) semaphore(%arg13 : memref<!tpu.dma_semaphore, #tpu.memory_space<semaphore_mem>>) {add = true}
      %dma_wait3A_308 = arith.constant 6 : i32
      %dma_wait3A_309 = arith.constant 768 : i32
      %dma_wait3A_310 = arith.constant 0 : i32
      %dma_wait3A_311 = tpu.memref_slice %arg8[%dma_wait3A_309, %dma_wait3A_310] : memref<1280x16xf32, #tpu.memory_space<vmem>> -> memref<128x16xf32, #tpu.memory_space<vmem>>
      %dma_wait3A_312 = arith.constant 0 : i32
      %dma_wait3A_313 = tpu.memref_slice %arg6[%rem3A_52, %dma_wait3A_308, %dma_wait3A_312] : memref<2x10x128xi32, #tpu.memory_space<vmem>> -> memref<1x1x128xi32, #tpu.memory_space<vmem>>
      %dma_wait3A_314 = tpu.memref_squeeze %dma_wait3A_313 : memref<1x1x128xi32, #tpu.memory_space<vmem>> -> memref<128xi32, #tpu.memory_space<vmem>>
      %dma_wait3A_315 = arith.constant 0 : i32
      %dma_wait3A_316 = arith.constant 0 : i32
      %dma_wait3A_317 = tpu.memref_slice %arg4[%dma_wait3A_315, %dma_wait3A_316] : memref<100352x16xf32, #tpu.memory_space<hbm>> -> memref<100352x16xf32, #tpu.memory_space<hbm>>
      tpu.wait_indirect_dma semaphore(%arg12 : memref<!tpu.dma_semaphore, #tpu.memory_space<semaphore_mem>>) src(%dma_wait3A_317 : memref<100352x16xf32, #tpu.memory_space<hbm>>) dst(%dma_wait3A_311 : memref<128x16xf32, #tpu.memory_space<vmem>>)
      %dma_start3A_318 = arith.constant 6 : i32
      %dma_start3A_319 = arith.constant 768 : i32
      %dma_start3A_320 = arith.constant 0 : i32
      %dma_start3A_321 = tpu.memref_slice %arg8[%dma_start3A_319, %dma_start3A_320] : memref<1280x16xf32, #tpu.memory_space<vmem>> -> memref<128x16xf32, #tpu.memory_space<vmem>>
      %dma_start3A_322 = arith.constant 0 : i32
      %dma_start3A_323 = tpu.memref_slice %arg7[%rem3A_52, %dma_start3A_318, %dma_start3A_322] : memref<2x10x128xi32, #tpu.memory_space<vmem>> -> memref<1x1x128xi32, #tpu.memory_space<vmem>>
      %dma_start3A_324 = tpu.memref_squeeze %dma_start3A_323 : memref<1x1x128xi32, #tpu.memory_space<vmem>> -> memref<128xi32, #tpu.memory_space<vmem>>
      %dma_start3A_325 = arith.constant 0 : i32
      %dma_start3A_326 = arith.constant 0 : i32
      %dma_start3A_327 = tpu.memref_slice %arg10[%dma_start3A_325, %dma_start3A_326] : memref<100352x16xf32, #tpu.memory_space<vmem_shared>> -> memref<100352x16xf32, #tpu.memory_space<vmem_shared>>
      tpu.enqueue_indirect_dma source(%dma_start3A_321 : memref<128x16xf32, #tpu.memory_space<vmem>>) target(%dma_start3A_327 : memref<100352x16xf32, #tpu.memory_space<vmem_shared>>) offsets(%dma_start3A_324 : memref<128xi32, #tpu.memory_space<vmem>>) semaphore(%arg13 : memref<!tpu.dma_semaphore, #tpu.memory_space<semaphore_mem>>) {add = true}
      %dma_wait3A_328 = arith.constant 7 : i32
      %dma_wait3A_329 = arith.constant 896 : i32
      %dma_wait3A_330 = arith.constant 0 : i32
      %dma_wait3A_331 = tpu.memref_slice %arg8[%dma_wait3A_329, %dma_wait3A_330] : memref<1280x16xf32, #tpu.memory_space<vmem>> -> memref<128x16xf32, #tpu.memory_space<vmem>>
      %dma_wait3A_332 = arith.constant 0 : i32
      %dma_wait3A_333 = tpu.memref_slice %arg6[%rem3A_52, %dma_wait3A_328, %dma_wait3A_332] : memref<2x10x128xi32, #tpu.memory_space<vmem>> -> memref<1x1x128xi32, #tpu.memory_space<vmem>>
      %dma_wait3A_334 = tpu.memref_squeeze %dma_wait3A_333 : memref<1x1x128xi32, #tpu.memory_space<vmem>> -> memref<128xi32, #tpu.memory_space<vmem>>
      %dma_wait3A_335 = arith.constant 0 : i32
      %dma_wait3A_336 = arith.constant 0 : i32
      %dma_wait3A_337 = tpu.memref_slice %arg4[%dma_wait3A_335, %dma_wait3A_336] : memref<100352x16xf32, #tpu.memory_space<hbm>> -> memref<100352x16xf32, #tpu.memory_space<hbm>>
      tpu.wait_indirect_dma semaphore(%arg12 : memref<!tpu.dma_semaphore, #tpu.memory_space<semaphore_mem>>) src(%dma_wait3A_337 : memref<100352x16xf32, #tpu.memory_space<hbm>>) dst(%dma_wait3A_331 : memref<128x16xf32, #tpu.memory_space<vmem>>)
      %dma_start3A_338 = arith.constant 7 : i32
      %dma_start3A_339 = arith.constant 896 : i32
      %dma_start3A_340 = arith.constant 0 : i32
      %dma_start3A_341 = tpu.memref_slice %arg8[%dma_start3A_339, %dma_start3A_340] : memref<1280x16xf32, #tpu.memory_space<vmem>> -> memref<128x16xf32, #tpu.memory_space<vmem>>
      %dma_start3A_342 = arith.constant 0 : i32
      %dma_start3A_343 = tpu.memref_slice %arg7[%rem3A_52, %dma_start3A_338, %dma_start3A_342] : memref<2x10x128xi32, #tpu.memory_space<vmem>> -> memref<1x1x128xi32, #tpu.memory_space<vmem>>
      %dma_start3A_344 = tpu.memref_squeeze %dma_start3A_343 : memref<1x1x128xi32, #tpu.memory_space<vmem>> -> memref<128xi32, #tpu.memory_space<vmem>>
      %dma_start3A_345 = arith.constant 0 : i32
      %dma_start3A_346 = arith.constant 0 : i32
      %dma_start3A_347 = tpu.memref_slice %arg10[%dma_start3A_345, %dma_start3A_346] : memref<100352x16xf32, #tpu.memory_space<vmem_shared>> -> memref<100352x16xf32, #tpu.memory_space<vmem_shared>>
      tpu.enqueue_indirect_dma source(%dma_start3A_341 : memref<128x16xf32, #tpu.memory_space<vmem>>) target(%dma_start3A_347 : memref<100352x16xf32, #tpu.memory_space<vmem_shared>>) offsets(%dma_start3A_344 : memref<128xi32, #tpu.memory_space<vmem>>) semaphore(%arg13 : memref<!tpu.dma_semaphore, #tpu.memory_space<semaphore_mem>>) {add = true}
      %dma_wait3A_348 = arith.constant 8 : i32
      %dma_wait3A_349 = arith.constant 1024 : i32
      %dma_wait3A_350 = arith.constant 0 : i32
      %dma_wait3A_351 = tpu.memref_slice %arg8[%dma_wait3A_349, %dma_wait3A_350] : memref<1280x16xf32, #tpu.memory_space<vmem>> -> memref<128x16xf32, #tpu.memory_space<vmem>>
      %dma_wait3A_352 = arith.constant 0 : i32
      %dma_wait3A_353 = tpu.memref_slice %arg6[%rem3A_52, %dma_wait3A_348, %dma_wait3A_352] : memref<2x10x128xi32, #tpu.memory_space<vmem>> -> memref<1x1x128xi32, #tpu.memory_space<vmem>>
      %dma_wait3A_354 = tpu.memref_squeeze %dma_wait3A_353 : memref<1x1x128xi32, #tpu.memory_space<vmem>> -> memref<128xi32, #tpu.memory_space<vmem>>
      %dma_wait3A_355 = arith.constant 0 : i32
      %dma_wait3A_356 = arith.constant 0 : i32
      %dma_wait3A_357 = tpu.memref_slice %arg4[%dma_wait3A_355, %dma_wait3A_356] : memref<100352x16xf32, #tpu.memory_space<hbm>> -> memref<100352x16xf32, #tpu.memory_space<hbm>>
      tpu.wait_indirect_dma semaphore(%arg12 : memref<!tpu.dma_semaphore, #tpu.memory_space<semaphore_mem>>) src(%dma_wait3A_357 : memref<100352x16xf32, #tpu.memory_space<hbm>>) dst(%dma_wait3A_351 : memref<128x16xf32, #tpu.memory_space<vmem>>)
      %dma_start3A_358 = arith.constant 8 : i32
      %dma_start3A_359 = arith.constant 1024 : i32
      %dma_start3A_360 = arith.constant 0 : i32
      %dma_start3A_361 = tpu.memref_slice %arg8[%dma_start3A_359, %dma_start3A_360] : memref<1280x16xf32, #tpu.memory_space<vmem>> -> memref<128x16xf32, #tpu.memory_space<vmem>>
      %dma_start3A_362 = arith.constant 0 : i32
      %dma_start3A_363 = tpu.memref_slice %arg7[%rem3A_52, %dma_start3A_358, %dma_start3A_362] : memref<2x10x128xi32, #tpu.memory_space<vmem>> -> memref<1x1x128xi32, #tpu.memory_space<vmem>>
      %dma_start3A_364 = tpu.memref_squeeze %dma_start3A_363 : memref<1x1x128xi32, #tpu.memory_space<vmem>> -> memref<128xi32, #tpu.memory_space<vmem>>
      %dma_start3A_365 = arith.constant 0 : i32
      %dma_start3A_366 = arith.constant 0 : i32
      %dma_start3A_367 = tpu.memref_slice %arg10[%dma_start3A_365, %dma_start3A_366] : memref<100352x16xf32, #tpu.memory_space<vmem_shared>> -> memref<100352x16xf32, #tpu.memory_space<vmem_shared>>
      tpu.enqueue_indirect_dma source(%dma_start3A_361 : memref<128x16xf32, #tpu.memory_space<vmem>>) target(%dma_start3A_367 : memref<100352x16xf32, #tpu.memory_space<vmem_shared>>) offsets(%dma_start3A_364 : memref<128xi32, #tpu.memory_space<vmem>>) semaphore(%arg13 : memref<!tpu.dma_semaphore, #tpu.memory_space<semaphore_mem>>) {add = true}
      %dma_wait3A_368 = arith.constant 9 : i32
      %dma_wait3A_369 = arith.constant 1152 : i32
      %dma_wait3A_370 = arith.constant 0 : i32
      %dma_wait3A_371 = tpu.memref_slice %arg8[%dma_wait3A_369, %dma_wait3A_370] : memref<1280x16xf32, #tpu.memory_space<vmem>> -> memref<128x16xf32, #tpu.memory_space<vmem>>
      %dma_wait3A_372 = arith.constant 0 : i32
      %dma_wait3A_373 = tpu.memref_slice %arg6[%rem3A_52, %dma_wait3A_368, %dma_wait3A_372] : memref<2x10x128xi32, #tpu.memory_space<vmem>> -> memref<1x1x128xi32, #tpu.memory_space<vmem>>
      %dma_wait3A_374 = tpu.memref_squeeze %dma_wait3A_373 : memref<1x1x128xi32, #tpu.memory_space<vmem>> -> memref<128xi32, #tpu.memory_space<vmem>>
      %dma_wait3A_375 = arith.constant 0 : i32
      %dma_wait3A_376 = arith.constant 0 : i32
      %dma_wait3A_377 = tpu.memref_slice %arg4[%dma_wait3A_375, %dma_wait3A_376] : memref<100352x16xf32, #tpu.memory_space<hbm>> -> memref<100352x16xf32, #tpu.memory_space<hbm>>
      tpu.wait_indirect_dma semaphore(%arg12 : memref<!tpu.dma_semaphore, #tpu.memory_space<semaphore_mem>>) src(%dma_wait3A_377 : memref<100352x16xf32, #tpu.memory_space<hbm>>) dst(%dma_wait3A_371 : memref<128x16xf32, #tpu.memory_space<vmem>>)
      %dma_start3A_378 = arith.constant 9 : i32
      %dma_start3A_379 = arith.constant 1152 : i32
      %dma_start3A_380 = arith.constant 0 : i32
      %dma_start3A_381 = tpu.memref_slice %arg8[%dma_start3A_379, %dma_start3A_380] : memref<1280x16xf32, #tpu.memory_space<vmem>> -> memref<128x16xf32, #tpu.memory_space<vmem>>
      %dma_start3A_382 = arith.constant 0 : i32
      %dma_start3A_383 = tpu.memref_slice %arg7[%rem3A_52, %dma_start3A_378, %dma_start3A_382] : memref<2x10x128xi32, #tpu.memory_space<vmem>> -> memref<1x1x128xi32, #tpu.memory_space<vmem>>
      %dma_start3A_384 = tpu.memref_squeeze %dma_start3A_383 : memref<1x1x128xi32, #tpu.memory_space<vmem>> -> memref<128xi32, #tpu.memory_space<vmem>>
      %dma_start3A_385 = arith.constant 0 : i32
      %dma_start3A_386 = arith.constant 0 : i32
      %dma_start3A_387 = tpu.memref_slice %arg10[%dma_start3A_385, %dma_start3A_386] : memref<100352x16xf32, #tpu.memory_space<vmem_shared>> -> memref<100352x16xf32, #tpu.memory_space<vmem_shared>>
      tpu.enqueue_indirect_dma source(%dma_start3A_381 : memref<128x16xf32, #tpu.memory_space<vmem>>) target(%dma_start3A_387 : memref<100352x16xf32, #tpu.memory_space<vmem_shared>>) offsets(%dma_start3A_384 : memref<128xi32, #tpu.memory_space<vmem>>) semaphore(%arg13 : memref<!tpu.dma_semaphore, #tpu.memory_space<semaphore_mem>>) {add = true}
      %while3A_388 = arith.constant 0 : i32
      scf.yield %while3A_388 : i32
    }
    %gt3A_40 = arith.constant 0 : i32
    %gt3A_41 = arith.cmpi sgt, %select_n3A_26, %gt3A_40 : i32
    %convert_element_type3A_42 = arith.extui %gt3A_41 : i1 to i32
    %cond3A_43 = arith.constant 0 : i32
    %cond3A_44 = arith.cmpi ne, %convert_element_type3A_42, %cond3A_43 : i32
    scf.if %cond3A_44 {
      %dma_wait3A = arith.constant 0 : i32
      %dma_wait3A_50 = arith.constant 0 : i32
      %dma_wait3A_51 = tpu.memref_slice %arg4[%dma_wait3A, %dma_wait3A_50] : memref<100352x16xf32, #tpu.memory_space<hbm>> -> memref<1280x16xf32, #tpu.memory_space<hbm>>
      %dma_wait3A_52 = arith.constant 0 : i32
      %dma_wait3A_53 = arith.constant 0 : i32
      %dma_wait3A_54 = tpu.memref_slice %arg4[%dma_wait3A_52, %dma_wait3A_53] : memref<100352x16xf32, #tpu.memory_space<hbm>> -> memref<1280x16xf32, #tpu.memory_space<hbm>>
      tpu.wait_dma2 semaphore(%arg13 : memref<!tpu.dma_semaphore, #tpu.memory_space<semaphore_mem>>) src(%dma_wait3A_54 : memref<1280x16xf32, #tpu.memory_space<hbm>>) dst(%arg8 : memref<1280x16xf32, #tpu.memory_space<vmem>>)
    } else {
    }
    %barrier3A_45 = arith.constant 0 : index
    tpu.barrier barrier_id(%barrier3A_45)
    %mul3A_46 = arith.constant 6272 : i32
    %mul3A_47 = arith.muli %arg1, %mul3A_46 : i32
    %mul3A_48 = arith.constant 6272 : i32
    %mul3A_49 = arith.muli %arg1, %mul3A_48 : i32
    "tpu.region"() ({
      %run_scoped3A = tpu.sem_alloc : memref<!tpu.dma_semaphore, #tpu.memory_space<semaphore_mem>>
      %dma_start3A = arith.constant 0 : i32
      %dma_start3A_50 = tpu.memref_slice %arg5[%arg0, %mul3A_49, %dma_start3A] : memref<2x100352x16xf32, #tpu.memory_space<hbm>> -> memref<1x6272x16xf32, #tpu.memory_space<hbm>>
      %dma_start3A_51 = tpu.memref_squeeze %dma_start3A_50 : memref<1x6272x16xf32, #tpu.memory_space<hbm>> -> memref<6272x16xf32, #tpu.memory_space<hbm>>
      %dma_start3A_52 = arith.constant 0 : i32
      %dma_start3A_53 = tpu.memref_slice %arg10[%mul3A_47, %dma_start3A_52] : memref<100352x16xf32, #tpu.memory_space<vmem_shared>> -> memref<6272x16xf32, #tpu.memory_space<vmem_shared>>
      tpu.enqueue_dma source(%dma_start3A_53 : memref<6272x16xf32, #tpu.memory_space<vmem_shared>>) target(%dma_start3A_51 : memref<6272x16xf32, #tpu.memory_space<hbm>>) target_semaphore(%run_scoped3A : memref<!tpu.dma_semaphore, #tpu.memory_space<semaphore_mem>>)
      %dma_wait3A = arith.constant 0 : i32
      %dma_wait3A_54 = tpu.memref_slice %arg5[%arg0, %mul3A_49, %dma_wait3A] : memref<2x100352x16xf32, #tpu.memory_space<hbm>> -> memref<1x6272x16xf32, #tpu.memory_space<hbm>>
      %dma_wait3A_55 = tpu.memref_squeeze %dma_wait3A_54 : memref<1x6272x16xf32, #tpu.memory_space<hbm>> -> memref<6272x16xf32, #tpu.memory_space<hbm>>
      %dma_wait3A_56 = arith.constant 0 : i32
      %dma_wait3A_57 = tpu.memref_slice %arg10[%mul3A_47, %dma_wait3A_56] : memref<100352x16xf32, #tpu.memory_space<vmem_shared>> -> memref<6272x16xf32, #tpu.memory_space<vmem_shared>>
      tpu.wait_dma2 semaphore(%run_scoped3A : memref<!tpu.dma_semaphore, #tpu.memory_space<semaphore_mem>>) src(%dma_wait3A_57 : memref<6272x16xf32, #tpu.memory_space<vmem_shared>>) dst(%dma_wait3A_55 : memref<6272x16xf32, #tpu.memory_space<hbm>>)
      tpu.yield
    }) : () -> ()
    return
  }
}

module attributes {stable_mosaic.version = 14 : i64} {
  func.func @_tc0_body(%arg0: i32, %arg1: memref<1024x10xf32, #tpu.memory_space<vmem>>, %arg2: memref<10x16xf32, #tpu.memory_space<vmem>>, %arg3: memref<1024x16xf32, #tpu.memory_space<vmem>>) attributes {dimension_semantics = [#tpu.dimension_semantics<arbitrary>], iteration_bounds = array<i64: 98>, scalar_prefetch = 0 : i64, scratch_operands = 0 : i64, tpu.core_type = #tpu.core_type<tc>, window_params = [{transform_indices = @transform_0, window_bounds = array<i64: 1024, 10>}, {pipeline_mode = #tpu.pipeline_mode<synchronous>, transform_indices = @transform_1, window_bounds = array<i64: 10, 16>}, {transform_indices = @transform_2, window_bounds = array<i64: 1024, 16>}]} {
    %get3A = arith.constant 0 : index
    %get3A_0 = arith.constant 0 : index
    %get3A_1 = vector.load %arg1[%get3A, %get3A_0] : memref<1024x10xf32, #tpu.memory_space<vmem>>, vector<1024x10xf32>
    %get3A_2 = arith.constant 0 : index
    %get3A_3 = arith.constant 0 : index
    %get3A_4 = vector.load %arg2[%get3A_2, %get3A_3] : memref<10x16xf32, #tpu.memory_space<vmem>>, vector<10x16xf32>
    %dot_general3A = arith.constant dense<0.000000e+00> : vector<1024x16xf32>
    %dot_general3A_5 = tpu.matmul %get3A_1, %get3A_4, %dot_general3A {dimension_numbers = #tpu.dot_dimension_numbers<[1], [0], [0], [1], [0, 0, 1, 1], [], []>, precision = #tpu.contract_precision<fp32>, transpose_lhs_hint = false} : vector<1024x10xf32>, vector<10x16xf32>, vector<1024x16xf32> -> vector<1024x16xf32>
    %swap3A = arith.constant 0 : index
    %swap3A_6 = arith.constant 0 : index
    %swap3A_7 = vector.load %arg3[%swap3A, %swap3A_6] : memref<1024x16xf32, #tpu.memory_space<vmem>>, vector<1024x16xf32>
    tpu.vector_store %arg3[%swap3A, %swap3A_6], %dot_general3A_5 {strides = array<i32>} : memref<1024x16xf32, #tpu.memory_space<vmem>>, vector<1024x16xf32>,
    return
  }
  func.func @transform_0(%arg0: i32) -> (i32, i32) {
    %c0_i32 = arith.constant 0 : i32
    %c0_i32_0 = arith.constant 0 : i32
    return %arg0, %c0_i32 : i32, i32
  }
  func.func @transform_1(%arg0: i32) -> (i32, i32) {
    %c0_i32 = arith.constant 0 : i32
    %c0_i32_0 = arith.constant 0 : i32
    %c0_i32_1 = arith.constant 0 : i32
    return %c0_i32, %c0_i32_0 : i32, i32
  }
  func.func @transform_2(%arg0: i32) -> (i32, i32) {
    %c0_i32 = arith.constant 0 : i32
    %c0_i32_0 = arith.constant 0 : i32
    return %arg0, %c0_i32 : i32, i32
  }
}

module attributes {stable_mosaic.version = 14 : i64} {
  func.func @_tc1_body(%arg0: i32, %arg1: memref<1024x16xf32, #tpu.memory_space<vmem>>, %arg2: memref<2x2x1024xf32, #tpu.memory_space<vmem>>, %arg3: memref<1024x16xf32, #tpu.memory_space<vmem>>) attributes {dimension_semantics = [#tpu.dimension_semantics<arbitrary>], iteration_bounds = array<i64: 98>, scalar_prefetch = 0 : i64, scratch_operands = 0 : i64, tpu.core_type = #tpu.core_type<tc>, window_params = [{transform_indices = @transform_0, window_bounds = array<i64: 1024, 16>}, {transform_indices = @transform_1, window_bounds = array<i64: 2, 2, 1024>}, {transform_indices = @transform_2, window_bounds = array<i64: 1024, 16>}]} {
    %get3A = arith.constant 0 : index
    %get3A_0 = arith.constant 0 : index
    %get3A_1 = arith.constant 0 : index
    %get3A_2 = vector.load %arg2[%get3A, %get3A_0, %get3A_1] : memref<2x2x1024xf32, #tpu.memory_space<vmem>>, vector<1x1x1024xf32>
    %get3A_3 = vector.shape_cast %get3A_2 : vector<1x1x1024xf32> to vector<1024xf32>
    %get3A_4 = arith.constant 1 : index
    %get3A_5 = arith.constant 0 : index
    %get3A_6 = arith.constant 0 : index
    %get3A_7 = vector.load %arg2[%get3A_4, %get3A_5, %get3A_6] : memref<2x2x1024xf32, #tpu.memory_space<vmem>>, vector<1x1x1024xf32>
    %get3A_8 = vector.shape_cast %get3A_7 : vector<1x1x1024xf32> to vector<1024xf32>
    %add3A = arith.addf %get3A_3, %get3A_8 : vector<1024xf32>
    %max3A = arith.constant 1.000000e+00 : f32
    %max3A_9 = vector.broadcast %max3A : f32 to vector<1024xf32>
    %max3A_10 = arith.maximumf %add3A, %max3A_9 : vector<1024xf32>
    %rsqrt3A = math.rsqrt %max3A_10 : vector<1024xf32>
    %reshape3A = vector.shape_cast %rsqrt3A : vector<1024xf32> to vector<1024x1xf32>
    %get3A_11 = arith.constant 0 : index
    %get3A_12 = arith.constant 0 : index
    %get3A_13 = vector.load %arg1[%get3A_11, %get3A_12] : memref<1024x16xf32, #tpu.memory_space<vmem>>, vector<1024x16xf32>
    %mul3A = vector.broadcast %reshape3A : vector<1024x1xf32> to vector<1024x16xf32>
    %mul3A_14 = arith.mulf %get3A_13, %mul3A : vector<1024x16xf32>
    %swap3A = arith.constant 0 : index
    %swap3A_15 = arith.constant 0 : index
    %swap3A_16 = vector.load %arg3[%swap3A, %swap3A_15] : memref<1024x16xf32, #tpu.memory_space<vmem>>, vector<1024x16xf32>
    tpu.vector_store %arg3[%swap3A, %swap3A_15], %mul3A_14 {strides = array<i32>} : memref<1024x16xf32, #tpu.memory_space<vmem>>, vector<1024x16xf32>,
    return
  }
  func.func @transform_0(%arg0: i32) -> (i32, i32) {
    %c0_i32 = arith.constant 0 : i32
    %c0_i32_0 = arith.constant 0 : i32
    return %arg0, %c0_i32 : i32, i32
  }
  func.func @transform_1(%arg0: i32) -> (i32, i32, i32) {
    %c0_i32 = arith.constant 0 : i32
    %c0_i32_0 = arith.constant 0 : i32
    %c0_i32_1 = arith.constant 0 : i32
    return %c0_i32, %c0_i32_0, %arg0 : i32, i32, i32
  }
  func.func @transform_2(%arg0: i32) -> (i32, i32) {
    %c0_i32 = arith.constant 0 : i32
    %c0_i32_0 = arith.constant 0 : i32
    return %arg0, %c0_i32 : i32, i32
  }
}

module attributes {stable_mosaic.version = 14 : i64} {
  func.func @_tc2_body(%arg0: i32, %arg1: memref<2x1024x16xf32, #tpu.memory_space<vmem>>, %arg2: memref<2x2x1024xf32, #tpu.memory_space<vmem>>, %arg3: memref<1x16xf32, #tpu.memory_space<vmem>>, %arg4: memref<1024x16xf32, #tpu.memory_space<vmem>>) attributes {dimension_semantics = [#tpu.dimension_semantics<arbitrary>], iteration_bounds = array<i64: 98>, scalar_prefetch = 0 : i64, scratch_operands = 0 : i64, tpu.core_type = #tpu.core_type<tc>, window_params = [{transform_indices = @transform_0, window_bounds = array<i64: 2, 1024, 16>}, {transform_indices = @transform_1, window_bounds = array<i64: 2, 2, 1024>}, {pipeline_mode = #tpu.pipeline_mode<synchronous>, transform_indices = @transform_2, window_bounds = array<i64: 1, 16>}, {transform_indices = @transform_3, window_bounds = array<i64: 1024, 16>}]} {
    %get3A = arith.constant 0 : index
    %get3A_0 = arith.constant 0 : index
    %get3A_1 = arith.constant 0 : index
    %get3A_2 = vector.load %arg1[%get3A, %get3A_0, %get3A_1] : memref<2x1024x16xf32, #tpu.memory_space<vmem>>, vector<1x1024x16xf32>
    %get3A_3 = vector.shape_cast %get3A_2 : vector<1x1024x16xf32> to vector<1024x16xf32>
    %get3A_4 = arith.constant 1 : index
    %get3A_5 = arith.constant 0 : index
    %get3A_6 = arith.constant 0 : index
    %get3A_7 = vector.load %arg1[%get3A_4, %get3A_5, %get3A_6] : memref<2x1024x16xf32, #tpu.memory_space<vmem>>, vector<1x1024x16xf32>
    %get3A_8 = vector.shape_cast %get3A_7 : vector<1x1024x16xf32> to vector<1024x16xf32>
    %add3A = arith.addf %get3A_3, %get3A_8 : vector<1024x16xf32>
    %get3A_9 = arith.constant 0 : index
    %get3A_10 = arith.constant 1 : index
    %get3A_11 = arith.constant 0 : index
    %get3A_12 = vector.load %arg2[%get3A_9, %get3A_10, %get3A_11] : memref<2x2x1024xf32, #tpu.memory_space<vmem>>, vector<1x1x1024xf32>
    %get3A_13 = vector.shape_cast %get3A_12 : vector<1x1x1024xf32> to vector<1024xf32>
    %get3A_14 = arith.constant 1 : index
    %get3A_15 = arith.constant 1 : index
    %get3A_16 = arith.constant 0 : index
    %get3A_17 = vector.load %arg2[%get3A_14, %get3A_15, %get3A_16] : memref<2x2x1024xf32, #tpu.memory_space<vmem>>, vector<1x1x1024xf32>
    %get3A_18 = vector.shape_cast %get3A_17 : vector<1x1x1024xf32> to vector<1024xf32>
    %add3A_19 = arith.addf %get3A_13, %get3A_18 : vector<1024xf32>
    %max3A = arith.constant 1.000000e+00 : f32
    %max3A_20 = vector.broadcast %max3A : f32 to vector<1024xf32>
    %max3A_21 = arith.maximumf %add3A_19, %max3A_20 : vector<1024xf32>
    %rsqrt3A = math.rsqrt %max3A_21 : vector<1024xf32>
    %reshape3A = vector.shape_cast %rsqrt3A : vector<1024xf32> to vector<1024x1xf32>
    %get3A_22 = arith.constant 0 : index
    %get3A_23 = arith.constant 0 : index
    %get3A_24 = arith.constant 0 : index
    %get3A_25 = vector.load %arg2[%get3A_22, %get3A_23, %get3A_24] : memref<2x2x1024xf32, #tpu.memory_space<vmem>>, vector<1x1x1024xf32>
    %get3A_26 = vector.shape_cast %get3A_25 : vector<1x1x1024xf32> to vector<1024xf32>
    %get3A_27 = arith.constant 1 : index
    %get3A_28 = arith.constant 0 : index
    %get3A_29 = arith.constant 0 : index
    %get3A_30 = vector.load %arg2[%get3A_27, %get3A_28, %get3A_29] : memref<2x2x1024xf32, #tpu.memory_space<vmem>>, vector<1x1x1024xf32>
    %get3A_31 = vector.shape_cast %get3A_30 : vector<1x1x1024xf32> to vector<1024xf32>
    %add3A_32 = arith.addf %get3A_26, %get3A_31 : vector<1024xf32>
    %max3A_33 = arith.constant 1.000000e+00 : f32
    %max3A_34 = vector.broadcast %max3A_33 : f32 to vector<1024xf32>
    %max3A_35 = arith.maximumf %add3A_32, %max3A_34 : vector<1024xf32>
    %rsqrt3A_36 = math.rsqrt %max3A_35 : vector<1024xf32>
    %reshape3A_37 = vector.shape_cast %rsqrt3A_36 : vector<1024xf32> to vector<1024x1xf32>
    %mul3A = vector.broadcast %reshape3A : vector<1024x1xf32> to vector<1024x16xf32>
    %mul3A_38 = arith.mulf %add3A, %mul3A : vector<1024x16xf32>
    %get3A_39 = arith.constant 0 : index
    %get3A_40 = arith.constant 0 : index
    %get3A_41 = vector.load %arg3[%get3A_39, %get3A_40] : memref<1x16xf32, #tpu.memory_space<vmem>>, vector<1x16xf32>
    %add3A_42 = vector.broadcast %get3A_41 : vector<1x16xf32> to vector<1024x16xf32>
    %add3A_43 = arith.addf %mul3A_38, %add3A_42 : vector<1024x16xf32>
    %max3A_44 = arith.constant 0.000000e+00 : f32
    %max3A_45 = vector.broadcast %max3A_44 : f32 to vector<1024x16xf32>
    %max3A_46 = arith.maximumf %add3A_43, %max3A_45 : vector<1024x16xf32>
    %mul3A_47 = vector.broadcast %reshape3A_37 : vector<1024x1xf32> to vector<1024x16xf32>
    %mul3A_48 = arith.mulf %max3A_46, %mul3A_47 : vector<1024x16xf32>
    %swap3A = arith.constant 0 : index
    %swap3A_49 = arith.constant 0 : index
    %swap3A_50 = vector.load %arg4[%swap3A, %swap3A_49] : memref<1024x16xf32, #tpu.memory_space<vmem>>, vector<1024x16xf32>
    tpu.vector_store %arg4[%swap3A, %swap3A_49], %mul3A_48 {strides = array<i32>} : memref<1024x16xf32, #tpu.memory_space<vmem>>, vector<1024x16xf32>,
    return
  }
  func.func @transform_0(%arg0: i32) -> (i32, i32, i32) {
    %c0_i32 = arith.constant 0 : i32
    %c0_i32_0 = arith.constant 0 : i32
    %c0_i32_1 = arith.constant 0 : i32
    return %c0_i32, %arg0, %c0_i32_0 : i32, i32, i32
  }
  func.func @transform_1(%arg0: i32) -> (i32, i32, i32) {
    %c0_i32 = arith.constant 0 : i32
    %c0_i32_0 = arith.constant 0 : i32
    %c0_i32_1 = arith.constant 0 : i32
    return %c0_i32, %c0_i32_0, %arg0 : i32, i32, i32
  }
  func.func @transform_2(%arg0: i32) -> (i32, i32) {
    %c0_i32 = arith.constant 0 : i32
    %c0_i32_0 = arith.constant 0 : i32
    %c0_i32_1 = arith.constant 0 : i32
    return %c0_i32, %c0_i32_0 : i32, i32
  }
  func.func @transform_3(%arg0: i32) -> (i32, i32) {
    %c0_i32 = arith.constant 0 : i32
    %c0_i32_0 = arith.constant 0 : i32
    return %arg0, %c0_i32 : i32, i32
  }
}

module attributes {stable_mosaic.version = 14 : i64} {
  func.func @_tc3_body(%arg0: i32, %arg1: memref<2x1024x16xf32, #tpu.memory_space<vmem>>, %arg2: memref<2x2x1024xf32, #tpu.memory_space<vmem>>, %arg3: memref<16x16xf32, #tpu.memory_space<vmem>>, %arg4: memref<1x16xf32, #tpu.memory_space<vmem>>, %arg5: memref<1024x2xf32, #tpu.memory_space<vmem>>) attributes {dimension_semantics = [#tpu.dimension_semantics<arbitrary>], iteration_bounds = array<i64: 98>, scalar_prefetch = 0 : i64, scratch_operands = 0 : i64, tpu.core_type = #tpu.core_type<tc>, window_params = [{transform_indices = @transform_0, window_bounds = array<i64: 2, 1024, 16>}, {transform_indices = @transform_1, window_bounds = array<i64: 2, 2, 1024>}, {pipeline_mode = #tpu.pipeline_mode<synchronous>, transform_indices = @transform_2, window_bounds = array<i64: 16, 16>}, {pipeline_mode = #tpu.pipeline_mode<synchronous>, transform_indices = @transform_3, window_bounds = array<i64: 1, 16>}, {transform_indices = @transform_4, window_bounds = array<i64: 1024, 2>}]} {
    %get3A = arith.constant 0 : index
    %get3A_0 = arith.constant 0 : index
    %get3A_1 = arith.constant 0 : index
    %get3A_2 = vector.load %arg1[%get3A, %get3A_0, %get3A_1] : memref<2x1024x16xf32, #tpu.memory_space<vmem>>, vector<1x1024x16xf32>
    %get3A_3 = vector.shape_cast %get3A_2 : vector<1x1024x16xf32> to vector<1024x16xf32>
    %get3A_4 = arith.constant 1 : index
    %get3A_5 = arith.constant 0 : index
    %get3A_6 = arith.constant 0 : index
    %get3A_7 = vector.load %arg1[%get3A_4, %get3A_5, %get3A_6] : memref<2x1024x16xf32, #tpu.memory_space<vmem>>, vector<1x1024x16xf32>
    %get3A_8 = vector.shape_cast %get3A_7 : vector<1x1024x16xf32> to vector<1024x16xf32>
    %add3A = arith.addf %get3A_3, %get3A_8 : vector<1024x16xf32>
    %get3A_9 = arith.constant 0 : index
    %get3A_10 = arith.constant 1 : index
    %get3A_11 = arith.constant 0 : index
    %get3A_12 = vector.load %arg2[%get3A_9, %get3A_10, %get3A_11] : memref<2x2x1024xf32, #tpu.memory_space<vmem>>, vector<1x1x1024xf32>
    %get3A_13 = vector.shape_cast %get3A_12 : vector<1x1x1024xf32> to vector<1024xf32>
    %get3A_14 = arith.constant 1 : index
    %get3A_15 = arith.constant 1 : index
    %get3A_16 = arith.constant 0 : index
    %get3A_17 = vector.load %arg2[%get3A_14, %get3A_15, %get3A_16] : memref<2x2x1024xf32, #tpu.memory_space<vmem>>, vector<1x1x1024xf32>
    %get3A_18 = vector.shape_cast %get3A_17 : vector<1x1x1024xf32> to vector<1024xf32>
    %add3A_19 = arith.addf %get3A_13, %get3A_18 : vector<1024xf32>
    %max3A = arith.constant 1.000000e+00 : f32
    %max3A_20 = vector.broadcast %max3A : f32 to vector<1024xf32>
    %max3A_21 = arith.maximumf %add3A_19, %max3A_20 : vector<1024xf32>
    %rsqrt3A = math.rsqrt %max3A_21 : vector<1024xf32>
    %reshape3A = vector.shape_cast %rsqrt3A : vector<1024xf32> to vector<1024x1xf32>
    %get3A_22 = arith.constant 0 : index
    %get3A_23 = arith.constant 0 : index
    %get3A_24 = vector.load %arg3[%get3A_22, %get3A_23] : memref<16x16xf32, #tpu.memory_space<vmem>>, vector<16x16xf32>
    %dot_general3A = arith.constant dense<0.000000e+00> : vector<1024x16xf32>
    %dot_general3A_25 = tpu.matmul %add3A, %get3A_24, %dot_general3A {dimension_numbers = #tpu.dot_dimension_numbers<[1], [0], [0], [1], [0, 0, 1, 1], [], []>, precision = #tpu.contract_precision<fp32>, transpose_lhs_hint = false} : vector<1024x16xf32>, vector<16x16xf32>, vector<1024x16xf32> -> vector<1024x16xf32>
    %mul3A = vector.broadcast %reshape3A : vector<1024x1xf32> to vector<1024x16xf32>
    %mul3A_26 = arith.mulf %dot_general3A_25, %mul3A : vector<1024x16xf32>
    %get3A_27 = arith.constant 0 : index
    %get3A_28 = arith.constant 0 : index
    %get3A_29 = vector.load %arg4[%get3A_27, %get3A_28] : memref<1x16xf32, #tpu.memory_space<vmem>>, vector<1x16xf32>
    %add3A_30 = vector.broadcast %get3A_29 : vector<1x16xf32> to vector<1024x16xf32>
    %add3A_31 = arith.addf %mul3A_26, %add3A_30 : vector<1024x16xf32>
    %slice3A = vector.extract_strided_slice %add3A_31 {offsets = [0, 0], sizes = [1024, 2], strides = [1, 1]} : vector<1024x16xf32> to vector<1024x2xf32>
    %swap3A = arith.constant 0 : index
    %swap3A_32 = arith.constant 0 : index
    %swap3A_33 = vector.load %arg5[%swap3A, %swap3A_32] : memref<1024x2xf32, #tpu.memory_space<vmem>>, vector<1024x2xf32>
    tpu.vector_store %arg5[%swap3A, %swap3A_32], %slice3A {strides = array<i32>} : memref<1024x2xf32, #tpu.memory_space<vmem>>, vector<1024x2xf32>,
    return
  }
  func.func @transform_0(%arg0: i32) -> (i32, i32, i32) {
    %c0_i32 = arith.constant 0 : i32
    %c0_i32_0 = arith.constant 0 : i32
    %c0_i32_1 = arith.constant 0 : i32
    return %c0_i32, %arg0, %c0_i32_0 : i32, i32, i32
  }
  func.func @transform_1(%arg0: i32) -> (i32, i32, i32) {
    %c0_i32 = arith.constant 0 : i32
    %c0_i32_0 = arith.constant 0 : i32
    %c0_i32_1 = arith.constant 0 : i32
    return %c0_i32, %c0_i32_0, %arg0 : i32, i32, i32
  }
  func.func @transform_2(%arg0: i32) -> (i32, i32) {
    %c0_i32 = arith.constant 0 : i32
    %c0_i32_0 = arith.constant 0 : i32
    %c0_i32_1 = arith.constant 0 : i32
    return %c0_i32, %c0_i32_0 : i32, i32
  }
  func.func @transform_3(%arg0: i32) -> (i32, i32) {
    %c0_i32 = arith.constant 0 : i32
    %c0_i32_0 = arith.constant 0 : i32
    %c0_i32_1 = arith.constant 0 : i32
    return %c0_i32, %c0_i32_0 : i32, i32
  }
  func.func @transform_4(%arg0: i32) -> (i32, i32) {
    %c0_i32 = arith.constant 0 : i32
    %c0_i32_0 = arith.constant 0 : i32
    return %arg0, %c0_i32 : i32, i32
  }
}

</mosaic_0001>

<sc_bundles>
// kernel: kernel.12.cloned.1.call-start
scs
__scs_entry_jumppad:
0x0: {  	(pc) =	sbr.rel $0x88, $3  }
0x1: {  	(tag) =	ssettag $0x0;
	lr =	simm.s32 $0x1  }
0x2: {  	[smem:$0x3F9B] =	sst lr;
	_ =	strace $0xD0000000  }
0x3: {  	_ = 	snop  }
0x4: {  	_ = 	snop  }
0x5: {  	_ = 	snop  }
0x6: {  	_ = 	snop  }
0x7: {  	_ = 	snop  }
__scs_overlays_trampoline_lowered:
0x8: {  	[smem:$0x3FAA] =	sst s0  }
0x9: {  	[smem:$0x3FAB] =	sst s1  }
0xa: {  	[smem:$0x3FAC] =	sst s2  }
0xb: {  	[smem:$0x3FAD] =	sst s3  }
0xc: {  	[smem:$0x3FAE] =	sst s4  }
0xd: {  	[smem:$0x3FAF] =	sst s5  }
0xe: {  	[smem:$0x3FB0] =	sst s6  }
0xf: {  	[smem:$0x3FB1] =	sst s7  }
0x10: {  	[smem:$0x3FB2] =	sst s8  }
0x11: {  	[smem:$0x3FB3] =	sst s9;
	s0 =	simm.s32 @!p0 $0x0  }
0x12: {  	s1 =	sld [smem:$0x3F99];
	s0 =	simm.s32 @p0 $0x1  }
0x13: {  	[smem:$0x3FB4] =	sst s0;
	s0 =	simm.s32 @!p1 $0x0  }
0x14: {  	s2 =	sld [smem:$0x3F98];
	s0 =	simm.s32 @p1 $0x1  }
0x15: {  	[smem:$0x3FB5] =	sst s0;
	s0 =	simm.s32 @!p2 $0x0  }
0x16: {  	s3 =	sld [smem:$0x3FDB];
	s0 =	simm.s32 @p2 $0x1  }
0x17: {  	s4 =	simm.s32 $0x1BF5;
	[smem:$0x3FB7] =	sst s0  }
0x18: {  	s0 =	sld [smem:$0x3F9A];
	_ =	swait.ge [sflag:s4], $0x0  }
0x19: {  	s7 =	sld [smem:$0x3F9B]  }
0x1a: {  	s8 =	sadd.s32 $0xFFFFE003, lr  }
0x1b: {  	s9 =	sadd.s32 $0xFFFFFEF7, lr;
	s5 =	simm.s32 $0xFFFFFFFF;
	p2 =	slt.u32 s8, $0xFFFFF086  }
0x1c: {  	p1 =	slt.u32 s9, $0xF7A;
	s5 =	simm.s32 @!p2 $0x0  }
0x1d: {  	s5 =	simm.s32 @p1 $0x1;
	p0 =	seq.s32 s7, s2  }
0x1e: {  	s7 =	smul.u32 @!p0 $0xF7A, s2;
	p2 =	seq.s32 @!p0 s5, $0x0  }
0x1f: {  	s9 =	smul.u32 $0xF7A, s1;
	s8 =	simm.s32 @!p0 $0x1BF5;
	p2 =	por !p2, p0  }
0x20: {  	[sflag:s8] =	ssyncset.s32 @!p0 $0xFFFFF086;
	s6 =	sadd.s32 @!p0 s3, s7;
	s7 =	simm.s32 @!p0 $0x108  }
0x21: {  	s3 =	sadd.s32 s3, s9;
	s6 =	sadd.s32 @!p0 $0x88, s6;
	s7 =	simm.s32 @p2 $0x1082  }
0x22: {  	[simem:s7], [sflag:s8] =	dma.local @!p0 [hbm:s6], $0xF7A  }
0x23: {  	s9 =	sor.u32 $0xD0000000, s2;
	s6 =	simm.s32 $0x108;
	_ =	swait.ge @!p0 [sflag:s8], $0x0  }
0x24: {  	s3 =	sadd.s32 $0x88, s3;
	s6 =	simm.s32 @!p1 $0x1082;
	[sflag:s4] =	ssyncset.s32 $0xFFFFF086  }
0x25: {  	[simem:s6], [sflag:s4] =	dma.local [hbm:s3], $0xF7A  }
0x26: {  	[smem:$0x3F9B] =	sst s1;
	(tag) =	ssettag s2;
	_ =	strace s9  }
0x27: {  	s1 =	sld [smem:$0x3FAB]  }
0x28: {  	s2 =	sld [smem:$0x3FAC]  }
0x29: {  	s4 =	sld [smem:$0x3FAE]  }
0x2a: {  	p0 =	seq.s32 s5, $0x0;
	s5 =	sld [smem:$0x3FAF]  }
0x2b: {  	s6 =	sld [smem:$0x3FB0]  }
0x2c: {  	s7 =	sld [smem:$0x3FB1]  }
0x2d: {  	s3 =	simm.s32 $0x108;
	s8 =	sld [smem:$0x3FB2]  }
0x2e: {  	s3 =	simm.s32 @!p0 $0x1082;
	s9 =	sld [smem:$0x3FB3]  }
0x2f: {  	lr =	sadd.s32 s0, s3;
	s0 =	sld [smem:$0x3FAA]  }
0x30: {  	s3 =	sld [smem:$0x3FAD]  }
0x31: {  	[smem:$0x3FB6] =	sst s10  }
0x32: {  	s10 =	sld [smem:$0x3FB4];
	_ =	sdelay $0x3  }
0x33: {  	p0 =	seq.s32 s10, $0x1;
	s10 =	sld [smem:$0x3FB6];
	_ =	sdelay $0x3  }
0x34: {  	[smem:$0x3FB6] =	sst s10  }
0x35: {  	s10 =	sld [smem:$0x3FB5];
	_ =	sdelay $0x3  }
0x36: {  	p1 =	seq.s32 s10, $0x1;
	s10 =	sld [smem:$0x3FB6];
	_ =	sdelay $0x3  }
0x37: {  	[smem:$0x3FB6] =	sst s10  }
0x38: {  	s10 =	sld [smem:$0x3FB7]  }
0x39: {  	_ = 	snop;
	(pc) =	sbr.ind lr, $3  }
0x3a: {  	_ = 	snop  }
0x3b: {  	_ = 	snop  }
0x3c: {  	p2 =	seq.s32 s10, $0x1;
	s10 =	sld [smem:$0x3FB6]  }
0x3d: {  	_ =	shalt  }
0x3e: {  	_ =	shalt  }
0x3f: {  	_ =	shalt  }
0x40: {  	_ =	shalt  }
0x41: {  	_ =	shalt  }
0x42: {  	_ =	shalt  }
0x43: {  	_ =	shalt  }
0x44: {  	_ =	shalt  }
0x45: {  	_ =	shalt  }
0x46: {  	_ =	shalt  }
0x47: {  	_ =	shalt  }
0x48: {  	_ =	shalt  }
0x49: {  	_ =	shalt  }
0x4a: {  	_ =	shalt  }
0x4b: {  	_ =	shalt  }
0x4c: {  	_ =	shalt  }
0x4d: {  	_ =	shalt  }
0x4e: {  	_ =	shalt  }
0x4f: {  	_ =	shalt  }
0x50: {  	_ =	shalt  }
0x51: {  	_ =	shalt  }
0x52: {  	_ =	shalt  }
0x53: {  	_ =	shalt  }
0x54: {  	_ =	shalt  }
0x55: {  	_ =	shalt  }
0x56: {  	_ =	shalt  }
0x57: {  	_ =	shalt  }
0x58: {  	_ =	shalt  }
0x59: {  	_ =	shalt  }
0x5a: {  	_ =	shalt  }
0x5b: {  	_ =	shalt  }
0x5c: {  	_ =	shalt  }
0x5d: {  	_ =	shalt  }
0x5e: {  	_ =	shalt  }
0x5f: {  	_ =	shalt  }
0x60: {  	_ =	shalt  }
0x61: {  	_ =	shalt  }
0x62: {  	_ =	shalt  }
0x63: {  	_ =	shalt  }
0x64: {  	_ =	shalt  }
0x65: {  	_ =	shalt  }
0x66: {  	_ =	shalt  }
0x67: {  	_ =	shalt  }
0x68: {  	_ =	shalt  }
0x69: {  	_ =	shalt  }
0x6a: {  	_ =	shalt  }
0x6b: {  	_ =	shalt  }
0x6c: {  	_ =	shalt  }
0x6d: {  	_ =	shalt  }
0x6e: {  	_ =	shalt  }
0x6f: {  	_ =	shalt  }
0x70: {  	_ =	shalt  }
0x71: {  	_ =	shalt  }
0x72: {  	_ =	shalt  }
0x73: {  	_ =	shalt  }
0x74: {  	_ =	shalt  }
0x75: {  	_ =	shalt  }
0x76: {  	_ =	shalt  }
0x77: {  	_ =	shalt  }
0x78: {  	_ =	shalt  }
0x79: {  	_ =	shalt  }
0x7a: {  	_ =	shalt  }
0x7b: {  	_ =	shalt  }
0x7c: {  	_ =	shalt  }
0x7d: {  	_ =	shalt  }
0x7e: {  	_ =	shalt  }
0x7f: {  	_ =	shalt  }
0x80: {  	_ =	shalt  }
0x81: {  	_ =	shalt  }
0x82: {  	_ =	shalt  }
0x83: {  	_ =	shalt  }
0x84: {  	_ =	shalt  }
0x85: {  	_ =	shalt  }
0x86: {  	_ =	shalt  }
0x87: {  	_ =	shalt  }
.Lfunc_end0:
.L_simem_size_0:
called_computation.1_lowered:
.L_overlay_start_0:
0x88: {  	s2 =	sld [smem:$0x3FD9]  }
0x89: {  	s3 =	sld [smem:$0x3FFE];
	_ =	sdelay $0x1  }
0x8a: {  	s1 =	srdreg.scid  }
0x8b: {  	s0 =	sand.u32 $0x1, s1  }
0x8c: {  	s16 =	sshll.u32 s0, $0xA;
	s2 =	sadd.s32 s3, s2  }
0x8d: {  	s2 =	sadd.s32 s2, s16  }
0x8e: {  	[smem:$0x3FC2] =	sst s2  }
0x8f: {  	_ = 	snop  }
0x90: {  	(tm) =	ssettm $0x1  }
0x91: {  	s17 =	sld [smem:$0x3FFB];
	_ =	sdelay $0x3  }
0x92: {  	_ =	strace s17  }
0x93: {  	s2 =	sld [smem:$0x3FFC];
	_ =	sdelay $0x3  }
0x94: {  	_ =	strace s2  }
0x95: {  	s2 =	sld [smem:$0x3FFD];
	_ =	sdelay $0x3  }
0x96: {  	_ =	strace s2  }
0x97: {  	_ =	strace $0x8FFFFFFF  }
0x98: {  	s18 =	sld [smem:$0x3FDB];
	_ =	sdelay $0x1  }
0x99: {  	s19 =	simm.s32 $_scs_section_size  }
0x9a: {  	s4 =	simm.s32 $_size__tile_overlayer_lowered;
	s5 =	simm.s32 $_tile_overlayer_lowered  }
0x9b: {  	s22 =	simm.s32 $0x1BFF;
	s21 =	sshll.u32 s5, $0x1;
	s2 =	sadd.s32 s19, s18  }
0x9c: {  	s6 =	simm.s32 $0x0;
	s20 =	sshll.u32 s4, $0x1;
	s4 =	sadd.s32 s21, s2  }
0x9d: {  	[timem:s6], [sflag:s22] =	dma.local [hbm:s4], s20  }
0x9e: {  	_ =	swait.ge [sflag:s22], s20  }
0x9f: {  	s3 =	ssub.s32 $0x0, s20;
	[sflag:s22] =	ssyncset.done $0x0  }
0xa0: {  	[sflag:s22] =	ssyncadd.s32 s3;
	_ =	sdelay $0x1  }
0xa1: {  	s23 =	simm.s32 $0x1B8B  }
0xa2: {  	_ =	swait.ge [sflag:s23], $0x1  }
0xa3: {  	[sflag:s23] =	ssyncset.done $0x0  }
0xa4: {  	s25 =	simm.s32 $0x1B8E;
	s24 =	sld [smem:$0x3FFE];
	[sflag:s23] =	ssyncadd.s32 $0xFFFFFFFF  }
0xa5: {  	s26 =	simm.s32 $execute0_lowered;
	[smem:$0x3FD2] =	sst s25  }
0xa6: {  	s4 =	sshll.u32 s26, $0x1;
	_ =	strace $0x80000049;
	[dreg:$0x1] =	wrdreg $0xFFFFFFFF  }
0xa7: {  	s28 =	simm.s32 $_size_execute0_lowered;
	s2 =	sadd.s32 s2, s4;
	[dreg:$0x0] =	wrdreg $0x0  }
0xa8: {  	s4 =	sshll.u32 s28, $0x1;
	[dreg:$0x2] =	wrdreg s2  }
0xa9: {  	[dreg:$0x3] =	wrdreg s4  }
0xaa: {  	[dreg:$0x4] =	wrdreg $0xC0  }
0xab: {  	_ =	task [dreg:s6], $0x5FFFF  }
0xac: {  	[dreg:$0x1] =	wrdreg $0xFFFFFFFF  }
0xad: {  	[dreg:$0x0] =	wrdreg $0x60  }
0xae: {  	[dreg:$0x2] =	wrdreg s24  }
0xaf: {  	[dreg:$0x3] =	wrdreg $0x6C000  }
0xb0: {  	[dreg:$0x4] =	wrdreg $0x9  }
0xb1: {  	_ =	task.clear_ibuf [dreg:s6], $0x5FFFF;
	_ =	strace $0x90000049  }
0xb2: {  	s29 =	simm.s32 $0x9;
	_ =	strace $0x8000004B  }
0xb3: {  	_ =	swait.ge [sflag:s29], $0x1  }
0xb4: {  	[sflag:s29] =	ssyncadd.s32 $0xFFFFFFFF  }
0xb5: {  	_ =	strace $0x9000004B  }
0xb6: {  	_ =	sfence  }
0xb7: {  	s30 =	sld [smem:$0x0];
	_ =	sdelay $0x2  }
0xb8: {  	s31 =	sshll.u32 s1, $0xD;
	s1 =	sshrl.u32 s1, $0x2  }
0xb9: {  	s3 =	sand.u32 $0x4000, s31;
	s1 =	sadd.s32 s1, s30  }
0xba: {  	s0 =	sor.u32 s3, s0;
	s1 =	sshll.u32 s1, $0x11  }
0xbb: {  	s0 =	sor.u32 s1, s0  }
0xbc: {  	s0 =	sadd.s32 $0x8F2B, s0  }
0xbd: {  	[sflag:s0] =	ssyncadd.remote.s32 $0x1  }
0xbe: {  	_ =	sfence.sel $0xFFFF  }
0xbf: {  	[dreg:$0x0] =	wrdreg $0xFFFFFFFF;
	(pc) =	sbr.abs _section_cstart, $3  }
0xc0: {  	[dreg:$0x1] =	wrdreg $0xFFFFFFFF  }
0xc1: {  	_ =	task.clear_ibuf [dreg:s6], $0x2FFFF;
	_ =	strace $0x9FFFFFFF  }
0xc2: {  	(tm) =	ssettm $0x7FFFFFFF  }
0xc3: {  	_ =	shalt  }
tec
execute0_lowered:
.L_overlay_start_1:
0x0: {  	(tag) =	ssettag $0x1  }
0x1: {  	s0 =	rddreg [dreg:$0x0]  }
0x2: {  	s2 =	rddreg [dreg:$0x1]  }
0x3: {  	s9 =	stileid.u32;
	s3 =	simm.s32 $0x0;
	s1 =	srdreg.scid  }
0x4: {  	s13 =	simm.s32 $0x6400;
	s14 =	simm.s32 $0x4;
	s16 =	simm.s32 $0x1  }
0x5: {  	s31 =	simm.s32 $0x500;
	s17 =	simm.s32 $0x80;
	s4 =	smul.u32 $0xC8, s9  }
0x6: {  	s18 =	simm.s32 $0x1400;
	s19 =	simm.s32 $0x1C00;
	s5 =	smul.u32 $0x578, s9  }
0x7: {  	s28 =	simm.s32 $0x5400;
	s29 =	simm.s32 $0x5C00;
	s7 =	smul.u32 $0x18800, s9  }
0x8: {  	s30 =	simm.s32 $0x2;
	s1 =	sand.u32 $0x1, s1;
	s21 =	smul.u32 $0x62000, s9  }
0x9: {  	[smem:$0x7FF] =	sst s3;
	p0 =	seq.s32 s1, $0x0;
	s6 =	smul.u32 $0x188000, s1  }
0xa: {  	_ =	strace $0x8000004A;
	s1 =	ssub.s32 $0x2, s1;
	[dreg:$0x4] =	wrdreg s31  }
0xb: {  	s4 =	sadd.s32 $0x5780, s4;
	s22 =	sshrl.u32 s1, $0x1;
	s25 =	sadd.s32 s7, s2  }
0xc: {  	s4 =	smov.u32 @p0 s5;
	s20 =	sadd.s32 s7, s6;
	s1 =	ssub.s32 s1, s22  }
0xd: {  	s6 =	sshrl.u32 s21, $0x2;
	s21 =	simm.s32 $0x2C00;
	s22 =	simm.s32 $0x3400  }
0xe: {  	s4 =	sshll.u32 s4, $0x4;
	s5 =	sshrl.u32 s20, $0x3;
	s6 =	sadd.s32 s6, s2  }
0xf: {  	s1 =	smax.u32 s1, $0x1;
	s20 =	simm.s32 $0x2400;
	s8 =	sadd.s32 s4, s0  }
0x10: {  	s4 =	sadd.s32 $0x251E00, s0;
	[dreg:$0x8] =	wrdreg s1;
	s23 =	sadd.s32 $0x65E00, s8  }
0x11: {  	s0 =	sadd.s32 s5, s0;
	s10 =	sadd.s32 $0x1E00, s8;
	[dreg:$0x5] =	wrdreg s23  }
0x12: {  	s5 =	simm.s32 $0x8C;
	s0 =	sadd.s32 $0xC9E00, s0;
	[dreg:$0x6] =	wrdreg s10  }
0x13: {  	s5 =	simm.s32 @!p0 $0x14;
	s26 =	sadd.s32 $0x1EA0, s8;
	[dreg:$0x7] =	wrdreg s0  }
0x14: {  	s15 =	sadd.s32 $0x65EA0, s8;
	s24 =	sadd.s32 $0xFFFFFFFF, s5;
	[dreg:$0x9] =	wrdreg s26  }
0x15: {  	s23 =	simm.s32 $0x3C00;
	s0 =	sshrl.u32 s25, $0x3;
	[dreg:$0x3] =	wrdreg s24  }
0x16: {  	v0 =	vimm.f32 $0.0e+00;
	s26 =	simm.s32 $0x4C00;
	s24 =	simm.s32 $0x4400;
	[dreg:$0xa] =	wrdreg s0  }
.LBB2_1:
0x17: {  	s0 =	simm.s32 $0x0  }
.LBB2_2:
0x18: {  	p0 =	sne.s32 s0, $0x1FC0  }
.Ltmp0:
0x19: {  	_ = 	snop;
	(pc) =	sbr.rel @p0 .LBB2_2-.Ltmp0, $3  }
0x1a: {  	_ =	sdelay $0x1  }
0x1b: {  	s7 =	sshra.s32 s0, $0x2  }
0x1c: {  	s0 =	sadd.s32 $0x40, s0;
	[tilespmem:s7+$0x6400] =	vst v0  }
0x1d: {  	s0 =	sadd.s32 $0x0, s6  }
0x1e: {  	[spmem:s0] =	stream.linear.scatter [tilespmem:s13], [sflag:$0x4], $0x800, $0x38;
	[tilespmem:$0x1F400] =	vst v63  }
0x1f: {  	s0 =	simm.s32 $0x2000;
	_ =	swait.ge [sflag:s14], $0x800  }
.LBB2_4:
0x20: {  	s7 =	sshra.s32 s0, $0x2;
	[sflag:s14] =	ssyncset.done $0x0;
	p0 =	sne.s32 s0, $0x60000  }
.Ltmp1:
0x21: {  	s7 =	sadd.s32 s7, s6;
	[sflag:s14] =	ssyncadd.s32 $0xFFFFF800;
	(pc) =	sbr.rel @p0 .LBB2_4-.Ltmp1, $3  }
0x22: {  	[spmem:s7] =	stream.linear.scatter [tilespmem:s13], [sflag:$0x4], $0x800, $0x38;
	[tilespmem:$0x1F400] =	vst v63  }
0x23: {  	s0 =	sadd.s32 $0x2000, s0;
	_ =	sdelay $0x1  }
0x24: {  	_ =	swait.ge [sflag:s14], $0x800  }
0x25: {  	[sflag:s14] =	ssyncset.done $0x0  }
0x26: {  	s9 =	simm.s32 $0x0;
	p2 =	sne.s32 s5, $0x1;
	[sflag:s14] =	ssyncadd.s32 $0xFFFFF800  }
.Ltmp2:
0x27: {  	s1 =	simm.s32 $0xA00;
	[bflag:$0x0] =	sbarrier.arrive $0xFFFF;
	(pc) =	sbr.rel @!p2 .LBB2_6-.Ltmp2, $4  }
0x28: {  	p0 =	por $0x1, $0x1;
	s7 =	simm.s32 $0x1;
	s0 =	rddreg [dreg:$0x5]  }
0x29: {  	[tilespmem:s9], [sflag:$0x1] =	stream.linear.gather [hbm4b:s0+s9], $0x500, $0x38;
	[tilespmem:$0x1F400] =	vst v63  }
0x2a: {  	p1 =	por $0x0, $0x0;
	p0 =	por p0, p0;
	s31 =	rddreg [dreg:$0x6]  }
0x2b: {  	[tilespmem:s1], [sflag:$0x1] =	stream.linear.gather [hbm4b:s31+s9], $0x500, $0x38;
	[tilespmem:$0x1F400] =	vst v63  }
0x2c: {  	s0 =	simm.s32 @!p0 $0x3  }
0x2d: {  	_ =	swait.ge @!p0 [sflag:s0], $0x5000  }
0x2e: {  	[sflag:s0] =	ssyncset.done @!p0 $0x0  }
0x2f: {  	[sflag:s0] =	ssyncadd.s32 @!p0 $0xFFFFB000  }
0x30: {  	_ =	swait.ge [sflag:s16], $0x500  }
0x31: {  	[sflag:s16] =	ssyncset.done $0x0  }
0x32: {  	[sflag:s16] =	ssyncadd.s32 $0xFFFFFB00  }
0x33: {  	_ =	swait.ge [sflag:s16], $0x500  }
0x34: {  	s8 =	rddreg [dreg:$0x3]  }
0x35: {  	p0 =	sle.u32 s8, $0x0  }
0x36: {  	s0 =	sand.u32 @!p0 $0x1, s7  }
0x37: {  	p1 =	seq.s32 @!p0 s0, $0x1  }
0x38: {  	[sflag:s16] =	ssyncset.done $0x0;
	s0 =	simm.s32 @!p0 $0x500;
	p1 =	por !p1, p0  }
0x39: {  	[sflag:s16] =	ssyncadd.s32 $0xFFFFFB00;
	s10 =	simm.s32 @!p0 $0x0;
	s0 =	simm.s32 @p1 $0x0  }
0x3a: {  	[tilespmem:s0], [sflag:$0x1] =	stream.linear.gather @!p0 [hbm4b:s15+s10], $0x500, $0x38;
	[tilespmem:$0x1F400] =	vst v63  }
0x3b: {  	s9 =	sand.u32 $0x1, s9;
	s1 =	rddreg [dreg:$0x9];
	s0 =	sor.u32 @!p0 $0xA00, s0  }
0x3c: {  	[tilespmem:s0], [sflag:$0x1] =	stream.linear.gather @!p0 [hbm4b:s1+s10], $0x500, $0x38;
	[tilespmem:$0x1F400] =	vst v63  }
0x3d: {  	s8 =	rddreg [dreg:$0x4];
	p0 =	seq.s32 s9, $0x1  }
0x3e: {  	s8 =	simm.s32 @!p0 $0x0  }
0x3f: {  	[tilespmem:s18], [sflag:$0x2] =	stream.indirect.gather [hbm4b:s4+s17], $0x10, s8, s17, $0xb8;
	[tilespmem:$0x1F400] =	vst v63  }
0x40: {  	s9 =	sor.u32 $0x80, s8  }
0x41: {  	[tilespmem:s19], [sflag:$0x2] =	stream.indirect.gather [hbm4b:s4+s17], $0x10, s9, s17, $0xb8;
	[tilespmem:$0x1F400] =	vst v63  }
0x42: {  	s10 =	sadd.s32 $0x100, s8  }
0x43: {  	[tilespmem:s20], [sflag:$0x2] =	stream.indirect.gather [hbm4b:s4+s17], $0x10, s10, s17, $0xb8;
	[tilespmem:$0x1F400] =	vst v63  }
0x44: {  	s11 =	sadd.s32 $0x180, s8  }
0x45: {  	[tilespmem:s21], [sflag:$0x2] =	stream.indirect.gather [hbm4b:s4+s17], $0x10, s11, s17, $0xb8;
	[tilespmem:$0x1F400] =	vst v63  }
0x46: {  	s12 =	sor.u32 $0x200, s8  }
0x47: {  	[tilespmem:s22], [sflag:$0x2] =	stream.indirect.gather [hbm4b:s4+s17], $0x10, s12, s17, $0xb8;
	[tilespmem:$0x1F400] =	vst v63  }
0x48: {  	s25 =	sor.u32 $0x280, s8  }
0x49: {  	[tilespmem:s23], [sflag:$0x2] =	stream.indirect.gather [hbm4b:s4+s17], $0x10, s25, s17, $0xb8;
	[tilespmem:$0x1F400] =	vst v63  }
0x4a: {  	s31 =	sadd.s32 $0x300, s8  }
0x4b: {  	[tilespmem:s24], [sflag:$0x2] =	stream.indirect.gather [hbm4b:s4+s17], $0x10, s31, s17, $0xb8;
	[tilespmem:$0x1F400] =	vst v63  }
0x4c: {  	s9 =	sadd.s32 $0x380, s8  }
0x4d: {  	[tilespmem:s26], [sflag:$0x2] =	stream.indirect.gather [hbm4b:s4+s17], $0x10, s9, s17, $0xb8;
	[tilespmem:$0x1F400] =	vst v63  }
0x4e: {  	s10 =	sadd.s32 $0x400, s8  }
0x4f: {  	[tilespmem:s28], [sflag:$0x2] =	stream.indirect.gather [hbm4b:s4+s17], $0x10, s10, s17, $0xb8;
	[tilespmem:$0x1F400] =	vst v63  }
0x50: {  	s11 =	sadd.s32 $0x480, s8  }
0x51: {  	[tilespmem:s29], [sflag:$0x2] =	stream.indirect.gather [hbm4b:s4+s17], $0x10, s11, s17, $0xb8;
	[tilespmem:$0x1F400] =	vst v63  }
0x52: {  	_ =	swait.ge [sflag:s30], $0x800  }
0x53: {  	[sflag:s30] =	ssyncset.done $0x0  }
0x54: {  	s12 =	sor.u32 $0xA00, s8;
	[sflag:s30] =	ssyncadd.s32 $0xFFFFF800  }
0x55: {  	[spmem:s2] =	stream.indirect.scatter.add.f32 [tilespmem:s18], [sflag:$0x3], $0x10, s12, s17, $0xb8;
	[tilespmem:$0x1F400] =	vst v63  }
0x56: {  	_ =	swait.ge [sflag:s30], $0x800  }
0x57: {  	[sflag:s30] =	ssyncset.done $0x0  }
0x58: {  	s25 =	sor.u32 $0xA80, s8;
	[sflag:s30] =	ssyncadd.s32 $0xFFFFF800  }
0x59: {  	[spmem:s2] =	stream.indirect.scatter.add.f32 [tilespmem:s19], [sflag:$0x3], $0x10, s25, s17, $0xb8;
	[tilespmem:$0x1F400] =	vst v63  }
0x5a: {  	_ =	swait.ge [sflag:s30], $0x800  }
0x5b: {  	[sflag:s30] =	ssyncset.done $0x0  }
0x5c: {  	s31 =	sadd.s32 $0xB00, s8;
	[sflag:s30] =	ssyncadd.s32 $0xFFFFF800  }
0x5d: {  	[spmem:s2] =	stream.indirect.scatter.add.f32 [tilespmem:s20], [sflag:$0x3], $0x10, s31, s17, $0xb8;
	[tilespmem:$0x1F400] =	vst v63  }
0x5e: {  	_ =	swait.ge [sflag:s30], $0x800  }
0x5f: {  	[sflag:s30] =	ssyncset.done $0x0  }
0x60: {  	s9 =	sadd.s32 $0xB80, s8;
	[sflag:s30] =	ssyncadd.s32 $0xFFFFF800  }
0x61: {  	[spmem:s2] =	stream.indirect.scatter.add.f32 [tilespmem:s21], [sflag:$0x3], $0x10, s9, s17, $0xb8;
	[tilespmem:$0x1F400] =	vst v63  }
0x62: {  	_ =	swait.ge [sflag:s30], $0x800  }
0x63: {  	[sflag:s30] =	ssyncset.done $0x0  }
0x64: {  	s10 =	sadd.s32 $0xC00, s8;
	[sflag:s30] =	ssyncadd.s32 $0xFFFFF800  }
0x65: {  	[spmem:s2] =	stream.indirect.scatter.add.f32 [tilespmem:s22], [sflag:$0x3], $0x10, s10, s17, $0xb8;
	[tilespmem:$0x1F400] =	vst v63  }
0x66: {  	_ =	swait.ge [sflag:s30], $0x800  }
0x67: {  	[sflag:s30] =	ssyncset.done $0x0  }
0x68: {  	s11 =	sadd.s32 $0xC80, s8;
	[sflag:s30] =	ssyncadd.s32 $0xFFFFF800  }
0x69: {  	[spmem:s2] =	stream.indirect.scatter.add.f32 [tilespmem:s23], [sflag:$0x3], $0x10, s11, s17, $0xb8;
	[tilespmem:$0x1F400] =	vst v63  }
0x6a: {  	_ =	swait.ge [sflag:s30], $0x800  }
0x6b: {  	[sflag:s30] =	ssyncset.done $0x0  }
0x6c: {  	s12 =	sadd.s32 $0xD00, s8;
	[sflag:s30] =	ssyncadd.s32 $0xFFFFF800  }
0x6d: {  	[spmem:s2] =	stream.indirect.scatter.add.f32 [tilespmem:s24], [sflag:$0x3], $0x10, s12, s17, $0xb8;
	[tilespmem:$0x1F400] =	vst v63  }
0x6e: {  	_ =	swait.ge [sflag:s30], $0x800  }
0x6f: {  	[sflag:s30] =	ssyncset.done $0x0  }
0x70: {  	p6 =	por $0x0, $0x0;
	s25 =	sadd.s32 $0xD80, s8;
	[sflag:s30] =	ssyncadd.s32 $0xFFFFF800  }
0x71: {  	[spmem:s2] =	stream.indirect.scatter.add.f32 [tilespmem:s26], [sflag:$0x3], $0x10, s25, s17, $0xb8;
	[tilespmem:$0x1F400] =	vst v63  }
0x72: {  	p2 =	sne.s32 s5, $0x2;
	p1 =	por $0x1, $0x1;
	_ =	swait.ge [sflag:s30], $0x800  }
.Ltmp3:
0x73: {  	s0 =	simm.s32 $0x2;
	[sflag:s30] =	ssyncset.done $0x0;
	(pc) =	sbr.rel @!p2 .LBB2_8-.Ltmp3, $4  }
0x74: {  	p0 =	por p6, p6;
	s31 =	sadd.s32 $0xE00, s8;
	[sflag:s30] =	ssyncadd.s32 $0xFFFFF800  }
0x75: {  	[spmem:s2] =	stream.indirect.scatter.add.f32 [tilespmem:s28], [sflag:$0x3], $0x10, s31, s17, $0xb8;
	[tilespmem:$0x1F400] =	vst v63  }
0x76: {  	s10 =	sadd.s32 $0xE80, s8;
	s8 =	simm.s32 $0x2;
	_ =	swait.ge [sflag:s30], $0x800  }
0x77: {  	s11 =	sadd.s32 $0xA0, s1;
	s12 =	sadd.s32 $0xA0, s15;
	[sflag:s30] =	ssyncset.done $0x0  }
.LBB2_9:
0x78: {  	s9 =	simm.s32 @!p0 $0x3;
	[sflag:s30] =	ssyncadd.s32 $0xFFFFF800  }
0x79: {  	[spmem:s2] =	stream.indirect.scatter.add.f32 [tilespmem:s29], [sflag:$0x3], $0x10, s10, s17, $0xb8;
	[tilespmem:$0x1F400] =	vst v63  }
0x7a: {  	_ =	swait.ge @!p0 [sflag:s9], $0x5000  }
0x7b: {  	[sflag:s9] =	ssyncset.done @!p0 $0x0  }
0x7c: {  	[sflag:s9] =	ssyncadd.s32 @!p0 $0xFFFFB000  }
0x7d: {  	_ =	swait.ge [sflag:s16], $0x500  }
0x7e: {  	[sflag:s16] =	ssyncset.done $0x0  }
0x7f: {  	[sflag:s16] =	ssyncadd.s32 $0xFFFFFB00  }
0x80: {  	_ =	swait.ge [sflag:s16], $0x500  }
0x81: {  	p3 =	seq.s32 s8, $0x0;
	s1 =	rddreg [dreg:$0x3]  }
0x82: {  	p0 =	por p3, p3;
	p3 =	sge.u32 s7, s1  }
0x83: {  	s9 =	sand.u32 @!p3 $0x1, s0  }
0x84: {  	p4 =	seq.s32 @!p3 s9, $0x1  }
0x85: {  	[sflag:s16] =	ssyncset.done $0x0;
	s25 =	simm.s32 @!p3 $0x500;
	p4 =	por !p4, p3  }
0x86: {  	[sflag:s16] =	ssyncadd.s32 $0xFFFFFB00;
	s31 =	simm.s32 @!p3 $0x0;
	s25 =	simm.s32 @p4 $0x0  }
0x87: {  	[tilespmem:s25], [sflag:$0x1] =	stream.linear.gather @!p3 [hbm4b:s12+s31], $0x500, $0x38;
	[tilespmem:$0x1F400] =	vst v63  }
0x88: {  	s1 =	sand.u32 $0x1, s7;
	s25 =	sor.u32 @!p3 $0xA00, s25  }
0x89: {  	[tilespmem:s25], [sflag:$0x1] =	stream.linear.gather @!p3 [hbm4b:s11+s31], $0x500, $0x38;
	[tilespmem:$0x1F400] =	vst v63  }
0x8a: {  	s9 =	rddreg [dreg:$0x4];
	p3 =	seq.s32 s1, $0x1  }
0x8b: {  	s10 =	smov.u32 s8;
	s9 =	simm.s32 @!p3 $0x0  }
0x8c: {  	[tilespmem:s18], [sflag:$0x2] =	stream.indirect.gather [hbm4b:s4+s17], $0x10, s9, s17, $0xb8;
	[tilespmem:$0x1F400] =	vst v63  }
0x8d: {  	s7 =	smov.u32 s10;
	s10 =	sor.u32 $0x80, s9  }
0x8e: {  	[tilespmem:s19], [sflag:$0x2] =	stream.indirect.gather [hbm4b:s4+s17], $0x10, s10, s17, $0xb8;
	[tilespmem:$0x1F400] =	vst v63  }
0x8f: {  	s25 =	sadd.s32 $0x100, s9  }
0x90: {  	[tilespmem:s20], [sflag:$0x2] =	stream.indirect.gather [hbm4b:s4+s17], $0x10, s25, s17, $0xb8;
	[tilespmem:$0x1F400] =	vst v63  }
0x91: {  	s31 =	sadd.s32 $0x180, s9  }
0x92: {  	[tilespmem:s21], [sflag:$0x2] =	stream.indirect.gather [hbm4b:s4+s17], $0x10, s31, s17, $0xb8;
	[tilespmem:$0x1F400] =	vst v63  }
0x93: {  	s25 =	sor.u32 $0x200, s9  }
0x94: {  	[tilespmem:s22], [sflag:$0x2] =	stream.indirect.gather [hbm4b:s4+s17], $0x10, s25, s17, $0xb8;
	[tilespmem:$0x1F400] =	vst v63  }
0x95: {  	s31 =	sor.u32 $0x280, s9  }
0x96: {  	[tilespmem:s23], [sflag:$0x2] =	stream.indirect.gather [hbm4b:s4+s17], $0x10, s31, s17, $0xb8;
	[tilespmem:$0x1F400] =	vst v63  }
0x97: {  	s25 =	sadd.s32 $0x300, s9  }
0x98: {  	[tilespmem:s24], [sflag:$0x2] =	stream.indirect.gather [hbm4b:s4+s17], $0x10, s25, s17, $0xb8;
	[tilespmem:$0x1F400] =	vst v63  }
0x99: {  	s31 =	sadd.s32 $0x380, s9  }
0x9a: {  	[tilespmem:s26], [sflag:$0x2] =	stream.indirect.gather [hbm4b:s4+s17], $0x10, s31, s17, $0xb8;
	[tilespmem:$0x1F400] =	vst v63  }
0x9b: {  	s25 =	sadd.s32 $0x400, s9  }
0x9c: {  	[tilespmem:s28], [sflag:$0x2] =	stream.indirect.gather [hbm4b:s4+s17], $0x10, s25, s17, $0xb8;
	[tilespmem:$0x1F400] =	vst v63  }
0x9d: {  	s31 =	sadd.s32 $0x480, s9  }
0x9e: {  	[tilespmem:s29], [sflag:$0x2] =	stream.indirect.gather [hbm4b:s4+s17], $0x10, s31, s17, $0xb8;
	[tilespmem:$0x1F400] =	vst v63  }
0x9f: {  	_ =	swait.ge [sflag:s30], $0x800  }
0xa0: {  	[sflag:s30] =	ssyncset.done $0x0  }
0xa1: {  	s10 =	sor.u32 $0xA00, s9;
	[sflag:s30] =	ssyncadd.s32 $0xFFFFF800  }
0xa2: {  	[spmem:s2] =	stream.indirect.scatter.add.f32 [tilespmem:s18], [sflag:$0x3], $0x10, s10, s17, $0xb8;
	[tilespmem:$0x1F400] =	vst v63  }
0xa3: {  	_ =	swait.ge [sflag:s30], $0x800  }
0xa4: {  	[sflag:s30] =	ssyncset.done $0x0  }
0xa5: {  	s25 =	sor.u32 $0xA80, s9;
	[sflag:s30] =	ssyncadd.s32 $0xFFFFF800  }
0xa6: {  	[spmem:s2] =	stream.indirect.scatter.add.f32 [tilespmem:s19], [sflag:$0x3], $0x10, s25, s17, $0xb8;
	[tilespmem:$0x1F400] =	vst v63  }
0xa7: {  	_ =	swait.ge [sflag:s30], $0x800  }
0xa8: {  	[sflag:s30] =	ssyncset.done $0x0  }
0xa9: {  	s31 =	sadd.s32 $0xB00, s9;
	[sflag:s30] =	ssyncadd.s32 $0xFFFFF800  }
0xaa: {  	[spmem:s2] =	stream.indirect.scatter.add.f32 [tilespmem:s20], [sflag:$0x3], $0x10, s31, s17, $0xb8;
	[tilespmem:$0x1F400] =	vst v63  }
0xab: {  	_ =	swait.ge [sflag:s30], $0x800  }
0xac: {  	[sflag:s30] =	ssyncset.done $0x0  }
0xad: {  	s10 =	sadd.s32 $0xB80, s9;
	[sflag:s30] =	ssyncadd.s32 $0xFFFFF800  }
0xae: {  	[spmem:s2] =	stream.indirect.scatter.add.f32 [tilespmem:s21], [sflag:$0x3], $0x10, s10, s17, $0xb8;
	[tilespmem:$0x1F400] =	vst v63  }
0xaf: {  	_ =	swait.ge [sflag:s30], $0x800  }
0xb0: {  	[sflag:s30] =	ssyncset.done $0x0  }
0xb1: {  	s25 =	sadd.s32 $0xC00, s9;
	[sflag:s30] =	ssyncadd.s32 $0xFFFFF800  }
0xb2: {  	[spmem:s2] =	stream.indirect.scatter.add.f32 [tilespmem:s22], [sflag:$0x3], $0x10, s25, s17, $0xb8;
	[tilespmem:$0x1F400] =	vst v63  }
0xb3: {  	_ =	swait.ge [sflag:s30], $0x800  }
0xb4: {  	[sflag:s30] =	ssyncset.done $0x0  }
0xb5: {  	s31 =	sadd.s32 $0xC80, s9;
	[sflag:s30] =	ssyncadd.s32 $0xFFFFF800  }
0xb6: {  	[spmem:s2] =	stream.indirect.scatter.add.f32 [tilespmem:s23], [sflag:$0x3], $0x10, s31, s17, $0xb8;
	[tilespmem:$0x1F400] =	vst v63  }
0xb7: {  	_ =	swait.ge [sflag:s30], $0x800  }
0xb8: {  	[sflag:s30] =	ssyncset.done $0x0  }
0xb9: {  	s10 =	sadd.s32 $0xD00, s9;
	[sflag:s30] =	ssyncadd.s32 $0xFFFFF800  }
0xba: {  	[spmem:s2] =	stream.indirect.scatter.add.f32 [tilespmem:s24], [sflag:$0x3], $0x10, s10, s17, $0xb8;
	[tilespmem:$0x1F400] =	vst v63  }
0xbb: {  	_ =	swait.ge [sflag:s30], $0x800  }
0xbc: {  	[sflag:s30] =	ssyncset.done $0x0  }
0xbd: {  	s8 =	sadd.s32 $0x1, s8;
	s25 =	sadd.s32 $0xD80, s9;
	[sflag:s30] =	ssyncadd.s32 $0xFFFFF800  }
0xbe: {  	[spmem:s2] =	stream.indirect.scatter.add.f32 [tilespmem:s26], [sflag:$0x3], $0x10, s25, s17, $0xb8;
	[tilespmem:$0x1F400] =	vst v63  }
0xbf: {  	p2 =	sne.s32 s5, s8;
	_ =	swait.ge [sflag:s30], $0x800  }
.Ltmp4:
0xc0: {  	[sflag:s30] =	ssyncset.done $0x0;
	(pc) =	sbr.rel @p2 .LBB2_9-.Ltmp4, $4  }
0xc1: {  	s31 =	sadd.s32 $0xE00, s9;
	[sflag:s30] =	ssyncadd.s32 $0xFFFFF800  }
0xc2: {  	[spmem:s2] =	stream.indirect.scatter.add.f32 [tilespmem:s28], [sflag:$0x3], $0x10, s31, s17, $0xb8;
	[tilespmem:$0x1F400] =	vst v63  }
0xc3: {  	s0 =	smov.u32 s8;
	s12 =	sadd.s32 $0xA0, s12;
	_ =	swait.ge [sflag:s30], $0x800  }
0xc4: {  	s11 =	sadd.s32 $0xA0, s11;
	s10 =	sadd.s32 $0xE80, s9;
	[sflag:s30] =	ssyncset.done $0x0  }
0xc5: {  	s9 =	smov.u32 s7;
	s7 =	smov.u32 s0  }
.LBB2_11:
0xc6: {  	[sflag:s30] =	ssyncadd.s32 @p1 $0xFFFFF800;
	s0 =	simm.s32 @!p0 $0x3  }
0xc7: {  	[spmem:s2] =	stream.indirect.scatter.add.f32 @p1 [tilespmem:s29], [sflag:$0x3], $0x10, s10, s17, $0xb8;
	[tilespmem:$0x1F400] =	vst v63  }
0xc8: {  	_ =	swait.ge @!p0 [sflag:s0], $0x5000  }
0xc9: {  	[sflag:s0] =	ssyncset.done @!p0 $0x0  }
0xca: {  	[sflag:s0] =	ssyncadd.s32 @!p0 $0xFFFFB000  }
0xcb: {  	_ =	swait.ge [sflag:s16], $0x500  }
0xcc: {  	[sflag:s16] =	ssyncset.done $0x0  }
0xcd: {  	[sflag:s16] =	ssyncadd.s32 $0xFFFFFB00  }
0xce: {  	_ =	swait.ge [sflag:s16], $0x500  }
0xcf: {  	s1 =	rddreg [dreg:$0x3]  }
0xd0: {  	p0 =	sge.u32 s9, s1  }
0xd1: {  	s0 =	sand.u32 @!p0 $0x1, s7  }
0xd2: {  	p1 =	seq.s32 @!p0 s0, $0x1  }
0xd3: {  	[sflag:s16] =	ssyncset.done $0x0;
	s0 =	simm.s32 @!p0 $0x500;
	p1 =	por !p1, p0  }
0xd4: {  	[sflag:s16] =	ssyncadd.s32 $0xFFFFFB00;
	s1 =	simm.s32 @!p0 $0x0;
	s0 =	simm.s32 @p1 $0x0  }
0xd5: {  	[tilespmem:s0], [sflag:$0x1] =	stream.linear.gather @!p0 [hbm4b:s12+s1], $0x500, $0x38;
	[tilespmem:$0x1F400] =	vst v63  }
0xd6: {  	s7 =	sand.u32 $0x1, s9;
	s0 =	sor.u32 @!p0 $0xA00, s0  }
0xd7: {  	[tilespmem:s0], [sflag:$0x1] =	stream.linear.gather @!p0 [hbm4b:s11+s1], $0x500, $0x38;
	[tilespmem:$0x1F400] =	vst v63  }
0xd8: {  	s0 =	rddreg [dreg:$0x4];
	p0 =	seq.s32 s7, $0x1  }
0xd9: {  	s0 =	simm.s32 @!p0 $0x0  }
0xda: {  	[tilespmem:s18], [sflag:$0x2] =	stream.indirect.gather [hbm4b:s4+s17], $0x10, s0, s17, $0xb8;
	[tilespmem:$0x1F400] =	vst v63  }
0xdb: {  	s8 =	sor.u32 $0x80, s0  }
0xdc: {  	[tilespmem:s19], [sflag:$0x2] =	stream.indirect.gather [hbm4b:s4+s17], $0x10, s8, s17, $0xb8;
	[tilespmem:$0x1F400] =	vst v63  }
0xdd: {  	s9 =	sadd.s32 $0x100, s0  }
0xde: {  	[tilespmem:s20], [sflag:$0x2] =	stream.indirect.gather [hbm4b:s4+s17], $0x10, s9, s17, $0xb8;
	[tilespmem:$0x1F400] =	vst v63  }
0xdf: {  	s10 =	sadd.s32 $0x180, s0  }
0xe0: {  	[tilespmem:s21], [sflag:$0x2] =	stream.indirect.gather [hbm4b:s4+s17], $0x10, s10, s17, $0xb8;
	[tilespmem:$0x1F400] =	vst v63  }
0xe1: {  	s11 =	sor.u32 $0x200, s0  }
0xe2: {  	[tilespmem:s22], [sflag:$0x2] =	stream.indirect.gather [hbm4b:s4+s17], $0x10, s11, s17, $0xb8;
	[tilespmem:$0x1F400] =	vst v63  }
0xe3: {  	s12 =	sor.u32 $0x280, s0  }
0xe4: {  	[tilespmem:s23], [sflag:$0x2] =	stream.indirect.gather [hbm4b:s4+s17], $0x10, s12, s17, $0xb8;
	[tilespmem:$0x1F400] =	vst v63  }
0xe5: {  	s25 =	sadd.s32 $0x300, s0  }
0xe6: {  	[tilespmem:s24], [sflag:$0x2] =	stream.indirect.gather [hbm4b:s4+s17], $0x10, s25, s17, $0xb8;
	[tilespmem:$0x1F400] =	vst v63  }
0xe7: {  	s31 =	sadd.s32 $0x380, s0  }
0xe8: {  	[tilespmem:s26], [sflag:$0x2] =	stream.indirect.gather [hbm4b:s4+s17], $0x10, s31, s17, $0xb8;
	[tilespmem:$0x1F400] =	vst v63  }
0xe9: {  	s7 =	sadd.s32 $0x400, s0  }
0xea: {  	[tilespmem:s28], [sflag:$0x2] =	stream.indirect.gather [hbm4b:s4+s17], $0x10, s7, s17, $0xb8;
	[tilespmem:$0x1F400] =	vst v63  }
0xeb: {  	s8 =	sadd.s32 $0x480, s0  }
0xec: {  	[tilespmem:s29], [sflag:$0x2] =	stream.indirect.gather [hbm4b:s4+s17], $0x10, s8, s17, $0xb8;
	[tilespmem:$0x1F400] =	vst v63  }
0xed: {  	_ =	swait.ge [sflag:s30], $0x800  }
0xee: {  	[sflag:s30] =	ssyncset.done $0x0  }
0xef: {  	s9 =	sor.u32 $0xA00, s0;
	[sflag:s30] =	ssyncadd.s32 $0xFFFFF800  }
0xf0: {  	[spmem:s2] =	stream.indirect.scatter.add.f32 [tilespmem:s18], [sflag:$0x3], $0x10, s9, s17, $0xb8;
	[tilespmem:$0x1F400] =	vst v63  }
0xf1: {  	_ =	swait.ge [sflag:s30], $0x800  }
0xf2: {  	[sflag:s30] =	ssyncset.done $0x0  }
0xf3: {  	s10 =	sor.u32 $0xA80, s0;
	[sflag:s30] =	ssyncadd.s32 $0xFFFFF800  }
0xf4: {  	[spmem:s2] =	stream.indirect.scatter.add.f32 [tilespmem:s19], [sflag:$0x3], $0x10, s10, s17, $0xb8;
	[tilespmem:$0x1F400] =	vst v63  }
0xf5: {  	_ =	swait.ge [sflag:s30], $0x800  }
0xf6: {  	[sflag:s30] =	ssyncset.done $0x0  }
0xf7: {  	s11 =	sadd.s32 $0xB00, s0;
	[sflag:s30] =	ssyncadd.s32 $0xFFFFF800  }
0xf8: {  	[spmem:s2] =	stream.indirect.scatter.add.f32 [tilespmem:s20], [sflag:$0x3], $0x10, s11, s17, $0xb8;
	[tilespmem:$0x1F400] =	vst v63  }
0xf9: {  	_ =	swait.ge [sflag:s30], $0x800  }
0xfa: {  	[sflag:s30] =	ssyncset.done $0x0  }
0xfb: {  	s12 =	sadd.s32 $0xB80, s0;
	[sflag:s30] =	ssyncadd.s32 $0xFFFFF800  }
0xfc: {  	[spmem:s2] =	stream.indirect.scatter.add.f32 [tilespmem:s21], [sflag:$0x3], $0x10, s12, s17, $0xb8;
	[tilespmem:$0x1F400] =	vst v63  }
0xfd: {  	_ =	swait.ge [sflag:s30], $0x800  }
0xfe: {  	[sflag:s30] =	ssyncset.done $0x0  }
0xff: {  	s25 =	sadd.s32 $0xC00, s0;
	[sflag:s30] =	ssyncadd.s32 $0xFFFFF800  }
0x100: {  	[spmem:s2] =	stream.indirect.scatter.add.f32 [tilespmem:s22], [sflag:$0x3], $0x10, s25, s17, $0xb8;
	[tilespmem:$0x1F400] =	vst v63  }
0x101: {  	_ =	swait.ge [sflag:s30], $0x800  }
0x102: {  	[sflag:s30] =	ssyncset.done $0x0  }
0x103: {  	s31 =	sadd.s32 $0xC80, s0;
	[sflag:s30] =	ssyncadd.s32 $0xFFFFF800  }
0x104: {  	[spmem:s2] =	stream.indirect.scatter.add.f32 [tilespmem:s23], [sflag:$0x3], $0x10, s31, s17, $0xb8;
	[tilespmem:$0x1F400] =	vst v63  }
0x105: {  	_ =	swait.ge [sflag:s30], $0x800  }
0x106: {  	[sflag:s30] =	ssyncset.done $0x0  }
0x107: {  	s7 =	sadd.s32 $0xD00, s0;
	[sflag:s30] =	ssyncadd.s32 $0xFFFFF800  }
0x108: {  	[spmem:s2] =	stream.indirect.scatter.add.f32 [tilespmem:s24], [sflag:$0x3], $0x10, s7, s17, $0xb8;
	[tilespmem:$0x1F400] =	vst v63  }
0x109: {  	_ =	swait.ge [sflag:s30], $0x800  }
0x10a: {  	[sflag:s30] =	ssyncset.done $0x0  }
0x10b: {  	s8 =	sadd.s32 $0xD80, s0;
	[sflag:s30] =	ssyncadd.s32 $0xFFFFF800  }
0x10c: {  	[spmem:s2] =	stream.indirect.scatter.add.f32 [tilespmem:s26], [sflag:$0x3], $0x10, s8, s17, $0xb8;
	[tilespmem:$0x1F400] =	vst v63  }
0x10d: {  	_ =	swait.ge [sflag:s30], $0x800  }
0x10e: {  	[sflag:s30] =	ssyncset.done $0x0  }
0x10f: {  	s9 =	sadd.s32 $0xE00, s0;
	[sflag:s30] =	ssyncadd.s32 $0xFFFFF800  }
0x110: {  	[spmem:s2] =	stream.indirect.scatter.add.f32 [tilespmem:s28], [sflag:$0x3], $0x10, s9, s17, $0xb8;
	[tilespmem:$0x1F400] =	vst v63  }
0x111: {  	_ =	swait.ge [sflag:s30], $0x800  }
0x112: {  	[sflag:s30] =	ssyncset.done $0x0  }
0x113: {  	s0 =	sadd.s32 $0xE80, s0;
	s10 =	simm.s32 $0x3;
	[sflag:s30] =	ssyncadd.s32 $0xFFFFF800  }
0x114: {  	[spmem:s2] =	stream.indirect.scatter.add.f32 [tilespmem:s29], [sflag:$0x3], $0x10, s0, s17, $0xb8;
	[tilespmem:$0x1F400] =	vst v63  }
0x115: {  	_ =	swait.ge [sflag:s10], $0x5000  }
0x116: {  	[sflag:s10] =	ssyncset.done $0x0  }
0x117: {  	[sflag:s10] =	ssyncadd.s32 $0xFFFFB000  }
0x118: {  	s11 =	stileid.u32;
	[bflag:$0x0] =	sbarrier.arrive $0xFFFF  }
0x119: {  	s0 =	sshll.u32 s11, $0x6;
	s12 =	rddreg [dreg:$0x7]  }
0x11a: {  	s0 =	sor.u32 $0x1C04, s0;
	s25 =	rddreg [dreg:$0xa]  }
0x11b: {  	[hbm:s12], [sflag:s0] =	dma.local [spmem:s25], $0x3100  }
0x11c: {  	_ =	swait.ge [sflag:s14], $0x3100  }
0x11d: {  	s3 =	sadd.s32 $0x1, s3;
	s31 =	rddreg [dreg:$0x8]  }
0x11e: {  	p0 =	sne.s32 s3, s31  }
.Ltmp5:
0x11f: {  	_ = 	snop;
	(pc) =	sbr.rel @p0 .LBB2_1-.Ltmp5, $4  }
.Ltmp6:
0x120: {  	_ = 	snop;
	(pc) =	sbr.rel @!p0 .LBB2_12-.Ltmp6, $4  }
0x121: {  	_ = 	snop  }
0x122: {  	[sflag:s14] =	ssyncset.done $0x0  }
0x123: {  	[sflag:s14] =	ssyncadd.s32 $0xFFFFCF00  }
0x124: {  	_ = 	snop  }
.LBB2_6:
.Ltmp7:
0x125: {  	(pc) =	sbr.rel .LBB2_11-.Ltmp7, $2  }
0x126: {  	_ =	sdelay $0x2  }
0x127: {  	s12 =	smov.u32 s15;
	s11 =	rddreg [dreg:$0x9]  }
.LBB2_8:
.Ltmp8:
0x128: {  	(pc) =	sbr.rel .LBB2_11-.Ltmp8, $2  }
0x129: {  	_ =	sdelay $0x2  }
0x12a: {  	s9 =	simm.s32 $0x1;
	s7 =	simm.s32 $0x2  }
.LBB2_12:
0x12b: {  	_ =	sfence.sel $0x180000  }
0x12c: {  	[bflag:$0x0] =	sbarrier.arrive $0xFFFF  }
0x12d: {  	_ =	strace $0x9000004A  }
0x12e: {  	s0 =	stileid.u32;
	[bflag:$0x2] =	sbarrier.arrive $0xFFFF  }
0x12f: {  	p0 =	sne.s32 s0, $0x0;
	s0 =	rddreg [dreg:$0x2]  }
0x130: {  	s0 =	sadd.s32 @!p0 $0x100000, s0  }
0x131: {  	[sflag:s0] =	ssyncadd.tile.s32 @!p0 $0x1;
	_ =	shalt  }
.Lfunc_end2:
_tile_overlayer_lowered:
.L_overlay_start_2:
0x132: {  	(tag) =	ssettag $0x2  }
0x133: {  	s0 =	rddreg [dreg:$0x0];
	s2 =	stileid.u32  }
0x134: {  	s1 =	rddreg [dreg:$0x1];
	p0 =	sne.s32 s2, $0x0  }
0x135: {  	s3 =	rddreg [dreg:$0x2];
	[bflag:$0x3] =	sbarrier.arrive $0xFFFF;
	s2 =	simm.s32 @!p0 $0x1C04  }
0x136: {  	[timem:s3], [sflag:s2] =	dma.local @!p0 [hbm:s0], s1  }
0x137: {  	s0 =	simm.s32 @!p0 $0x4  }
0x138: {  	_ =	swait.ge @!p0 [sflag:s0], s1  }
0x139: {  	s1 =	ssub.s32 @!p0 $0x0, s1;
	[sflag:s0] =	ssyncset.done @!p0 $0x0  }
0x13a: {  	[sflag:s0] =	ssyncadd.s32 @!p0 s1  }
0x13b: {  	[bflag:$0x3] =	sbarrier.arrive $0xFFFF  }
0x13c: {  	_ =	shalt  }

// kernel: kernel.15.cloned.1.call-start
scs
__scs_entry_jumppad:
0x0: {  	(pc) =	sbr.rel $0x88, $3  }
0x1: {  	(tag) =	ssettag $0x0;
	lr =	simm.s32 $0x1  }
0x2: {  	[smem:$0x3F9B] =	sst lr;
	_ =	strace $0xD0000000  }
0x3: {  	_ = 	snop  }
0x4: {  	_ = 	snop  }
0x5: {  	_ = 	snop  }
0x6: {  	_ = 	snop  }
0x7: {  	_ = 	snop  }
__scs_overlays_trampoline_lowered:
0x8: {  	[smem:$0x3FAA] =	sst s0  }
0x9: {  	[smem:$0x3FAB] =	sst s1  }
0xa: {  	[smem:$0x3FAC] =	sst s2  }
0xb: {  	[smem:$0x3FAD] =	sst s3  }
0xc: {  	[smem:$0x3FAE] =	sst s4  }
0xd: {  	[smem:$0x3FAF] =	sst s5  }
0xe: {  	[smem:$0x3FB0] =	sst s6  }
0xf: {  	[smem:$0x3FB1] =	sst s7  }
0x10: {  	[smem:$0x3FB2] =	sst s8  }
0x11: {  	[smem:$0x3FB3] =	sst s9;
	s0 =	simm.s32 @!p0 $0x0  }
0x12: {  	s1 =	sld [smem:$0x3F99];
	s0 =	simm.s32 @p0 $0x1  }
0x13: {  	[smem:$0x3FB4] =	sst s0;
	s0 =	simm.s32 @!p1 $0x0  }
0x14: {  	s2 =	sld [smem:$0x3F98];
	s0 =	simm.s32 @p1 $0x1  }
0x15: {  	[smem:$0x3FB5] =	sst s0;
	s0 =	simm.s32 @!p2 $0x0  }
0x16: {  	s3 =	sld [smem:$0x3FDB];
	s0 =	simm.s32 @p2 $0x1  }
0x17: {  	s4 =	simm.s32 $0x1BF5;
	[smem:$0x3FB7] =	sst s0  }
0x18: {  	s0 =	sld [smem:$0x3F9A];
	_ =	swait.ge [sflag:s4], $0x0  }
0x19: {  	s7 =	sld [smem:$0x3F9B]  }
0x1a: {  	s8 =	sadd.s32 $0xFFFFE003, lr  }
0x1b: {  	s9 =	sadd.s32 $0xFFFFFEF7, lr;
	s5 =	simm.s32 $0xFFFFFFFF;
	p2 =	slt.u32 s8, $0xFFFFF086  }
0x1c: {  	p1 =	slt.u32 s9, $0xF7A;
	s5 =	simm.s32 @!p2 $0x0  }
0x1d: {  	s5 =	simm.s32 @p1 $0x1;
	p0 =	seq.s32 s7, s2  }
0x1e: {  	s7 =	smul.u32 @!p0 $0xF7A, s2;
	p2 =	seq.s32 @!p0 s5, $0x0  }
0x1f: {  	s9 =	smul.u32 $0xF7A, s1;
	s8 =	simm.s32 @!p0 $0x1BF5;
	p2 =	por !p2, p0  }
0x20: {  	[sflag:s8] =	ssyncset.s32 @!p0 $0xFFFFF086;
	s6 =	sadd.s32 @!p0 s3, s7;
	s7 =	simm.s32 @!p0 $0x108  }
0x21: {  	s3 =	sadd.s32 s3, s9;
	s6 =	sadd.s32 @!p0 $0x88, s6;
	s7 =	simm.s32 @p2 $0x1082  }
0x22: {  	[simem:s7], [sflag:s8] =	dma.local @!p0 [hbm:s6], $0xF7A  }
0x23: {  	s9 =	sor.u32 $0xD0000000, s2;
	s6 =	simm.s32 $0x108;
	_ =	swait.ge @!p0 [sflag:s8], $0x0  }
0x24: {  	s3 =	sadd.s32 $0x88, s3;
	s6 =	simm.s32 @!p1 $0x1082;
	[sflag:s4] =	ssyncset.s32 $0xFFFFF086  }
0x25: {  	[simem:s6], [sflag:s4] =	dma.local [hbm:s3], $0xF7A  }
0x26: {  	[smem:$0x3F9B] =	sst s1;
	(tag) =	ssettag s2;
	_ =	strace s9  }
0x27: {  	s1 =	sld [smem:$0x3FAB]  }
0x28: {  	s2 =	sld [smem:$0x3FAC]  }
0x29: {  	s4 =	sld [smem:$0x3FAE]  }
0x2a: {  	p0 =	seq.s32 s5, $0x0;
	s5 =	sld [smem:$0x3FAF]  }
0x2b: {  	s6 =	sld [smem:$0x3FB0]  }
0x2c: {  	s7 =	sld [smem:$0x3FB1]  }
0x2d: {  	s3 =	simm.s32 $0x108;
	s8 =	sld [smem:$0x3FB2]  }
0x2e: {  	s3 =	simm.s32 @!p0 $0x1082;
	s9 =	sld [smem:$0x3FB3]  }
0x2f: {  	lr =	sadd.s32 s0, s3;
	s0 =	sld [smem:$0x3FAA]  }
0x30: {  	s3 =	sld [smem:$0x3FAD]  }
0x31: {  	[smem:$0x3FB6] =	sst s10  }
0x32: {  	s10 =	sld [smem:$0x3FB4];
	_ =	sdelay $0x3  }
0x33: {  	p0 =	seq.s32 s10, $0x1;
	s10 =	sld [smem:$0x3FB6];
	_ =	sdelay $0x3  }
0x34: {  	[smem:$0x3FB6] =	sst s10  }
0x35: {  	s10 =	sld [smem:$0x3FB5];
	_ =	sdelay $0x3  }
0x36: {  	p1 =	seq.s32 s10, $0x1;
	s10 =	sld [smem:$0x3FB6];
	_ =	sdelay $0x3  }
0x37: {  	[smem:$0x3FB6] =	sst s10  }
0x38: {  	s10 =	sld [smem:$0x3FB7]  }
0x39: {  	_ = 	snop;
	(pc) =	sbr.ind lr, $3  }
0x3a: {  	_ = 	snop  }
0x3b: {  	_ = 	snop  }
0x3c: {  	p2 =	seq.s32 s10, $0x1;
	s10 =	sld [smem:$0x3FB6]  }
0x3d: {  	_ =	shalt  }
0x3e: {  	_ =	shalt  }
0x3f: {  	_ =	shalt  }
0x40: {  	_ =	shalt  }
0x41: {  	_ =	shalt  }
0x42: {  	_ =	shalt  }
0x43: {  	_ =	shalt  }
0x44: {  	_ =	shalt  }
0x45: {  	_ =	shalt  }
0x46: {  	_ =	shalt  }
0x47: {  	_ =	shalt  }
0x48: {  	_ =	shalt  }
0x49: {  	_ =	shalt  }
0x4a: {  	_ =	shalt  }
0x4b: {  	_ =	shalt  }
0x4c: {  	_ =	shalt  }
0x4d: {  	_ =	shalt  }
0x4e: {  	_ =	shalt  }
0x4f: {  	_ =	shalt  }
0x50: {  	_ =	shalt  }
0x51: {  	_ =	shalt  }
0x52: {  	_ =	shalt  }
0x53: {  	_ =	shalt  }
0x54: {  	_ =	shalt  }
0x55: {  	_ =	shalt  }
0x56: {  	_ =	shalt  }
0x57: {  	_ =	shalt  }
0x58: {  	_ =	shalt  }
0x59: {  	_ =	shalt  }
0x5a: {  	_ =	shalt  }
0x5b: {  	_ =	shalt  }
0x5c: {  	_ =	shalt  }
0x5d: {  	_ =	shalt  }
0x5e: {  	_ =	shalt  }
0x5f: {  	_ =	shalt  }
0x60: {  	_ =	shalt  }
0x61: {  	_ =	shalt  }
0x62: {  	_ =	shalt  }
0x63: {  	_ =	shalt  }
0x64: {  	_ =	shalt  }
0x65: {  	_ =	shalt  }
0x66: {  	_ =	shalt  }
0x67: {  	_ =	shalt  }
0x68: {  	_ =	shalt  }
0x69: {  	_ =	shalt  }
0x6a: {  	_ =	shalt  }
0x6b: {  	_ =	shalt  }
0x6c: {  	_ =	shalt  }
0x6d: {  	_ =	shalt  }
0x6e: {  	_ =	shalt  }
0x6f: {  	_ =	shalt  }
0x70: {  	_ =	shalt  }
0x71: {  	_ =	shalt  }
0x72: {  	_ =	shalt  }
0x73: {  	_ =	shalt  }
0x74: {  	_ =	shalt  }
0x75: {  	_ =	shalt  }
0x76: {  	_ =	shalt  }
0x77: {  	_ =	shalt  }
0x78: {  	_ =	shalt  }
0x79: {  	_ =	shalt  }
0x7a: {  	_ =	shalt  }
0x7b: {  	_ =	shalt  }
0x7c: {  	_ =	shalt  }
0x7d: {  	_ =	shalt  }
0x7e: {  	_ =	shalt  }
0x7f: {  	_ =	shalt  }
0x80: {  	_ =	shalt  }
0x81: {  	_ =	shalt  }
0x82: {  	_ =	shalt  }
0x83: {  	_ =	shalt  }
0x84: {  	_ =	shalt  }
0x85: {  	_ =	shalt  }
0x86: {  	_ =	shalt  }
0x87: {  	_ =	shalt  }
.Lfunc_end0:
.L_simem_size_0:
called_computation.2_lowered:
.L_overlay_start_0:
0x88: {  	s2 =	sld [smem:$0x3FD9]  }
0x89: {  	s3 =	sld [smem:$0x3FFE];
	_ =	sdelay $0x1  }
0x8a: {  	s1 =	srdreg.scid  }
0x8b: {  	s0 =	sand.u32 $0x1, s1  }
0x8c: {  	s16 =	sshll.u32 s0, $0xA;
	s2 =	sadd.s32 s3, s2  }
0x8d: {  	s2 =	sadd.s32 s2, s16  }
0x8e: {  	[smem:$0x3FC2] =	sst s2  }
0x8f: {  	_ = 	snop  }
0x90: {  	(tm) =	ssettm $0x1  }
0x91: {  	s17 =	sld [smem:$0x3FFB];
	_ =	sdelay $0x3  }
0x92: {  	_ =	strace s17  }
0x93: {  	s2 =	sld [smem:$0x3FFC];
	_ =	sdelay $0x3  }
0x94: {  	_ =	strace s2  }
0x95: {  	s2 =	sld [smem:$0x3FFD];
	_ =	sdelay $0x3  }
0x96: {  	_ =	strace s2  }
0x97: {  	_ =	strace $0x8FFFFFFF  }
0x98: {  	s18 =	sld [smem:$0x3FDB];
	_ =	sdelay $0x1  }
0x99: {  	s19 =	simm.s32 $_scs_section_size  }
0x9a: {  	s4 =	simm.s32 $_size__tile_overlayer_lowered;
	s5 =	simm.s32 $_tile_overlayer_lowered  }
0x9b: {  	s22 =	simm.s32 $0x1BFF;
	s21 =	sshll.u32 s5, $0x1;
	s2 =	sadd.s32 s19, s18  }
0x9c: {  	s6 =	simm.s32 $0x0;
	s20 =	sshll.u32 s4, $0x1;
	s4 =	sadd.s32 s21, s2  }
0x9d: {  	[timem:s6], [sflag:s22] =	dma.local [hbm:s4], s20  }
0x9e: {  	_ =	swait.ge [sflag:s22], s20  }
0x9f: {  	s3 =	ssub.s32 $0x0, s20;
	[sflag:s22] =	ssyncset.done $0x0  }
0xa0: {  	[sflag:s22] =	ssyncadd.s32 s3;
	_ =	sdelay $0x1  }
0xa1: {  	s23 =	simm.s32 $0x1B8B  }
0xa2: {  	_ =	swait.ge [sflag:s23], $0x1  }
0xa3: {  	[sflag:s23] =	ssyncset.done $0x0  }
0xa4: {  	s25 =	simm.s32 $0x1B8E;
	s24 =	sld [smem:$0x3FFE];
	[sflag:s23] =	ssyncadd.s32 $0xFFFFFFFF  }
0xa5: {  	s26 =	simm.s32 $execute0_lowered;
	[smem:$0x3FD2] =	sst s25  }
0xa6: {  	s4 =	sshll.u32 s26, $0x1;
	_ =	strace $0x8000004C;
	[dreg:$0x1] =	wrdreg $0xFFFFFFFF  }
0xa7: {  	s28 =	simm.s32 $_size_execute0_lowered;
	s2 =	sadd.s32 s2, s4;
	[dreg:$0x0] =	wrdreg $0x0  }
0xa8: {  	s4 =	sshll.u32 s28, $0x1;
	[dreg:$0x2] =	wrdreg s2  }
0xa9: {  	[dreg:$0x3] =	wrdreg s4  }
0xaa: {  	[dreg:$0x4] =	wrdreg $0xC0  }
0xab: {  	_ =	task [dreg:s6], $0x5FFFF  }
0xac: {  	[dreg:$0x1] =	wrdreg $0xFFFFFFFF  }
0xad: {  	[dreg:$0x0] =	wrdreg $0x60  }
0xae: {  	[dreg:$0x2] =	wrdreg s24  }
0xaf: {  	[dreg:$0x3] =	wrdreg $0x6C000  }
0xb0: {  	[dreg:$0x4] =	wrdreg $0x9  }
0xb1: {  	_ =	task.clear_ibuf [dreg:s6], $0x5FFFF;
	_ =	strace $0x9000004C  }
0xb2: {  	s29 =	simm.s32 $0x9;
	_ =	strace $0x8000004E  }
0xb3: {  	_ =	swait.ge [sflag:s29], $0x1  }
0xb4: {  	[sflag:s29] =	ssyncadd.s32 $0xFFFFFFFF  }
0xb5: {  	_ =	strace $0x9000004E  }
0xb6: {  	_ =	sfence  }
0xb7: {  	s30 =	sld [smem:$0x0];
	_ =	sdelay $0x2  }
0xb8: {  	s31 =	sshll.u32 s1, $0xD;
	s1 =	sshrl.u32 s1, $0x2  }
0xb9: {  	s3 =	sand.u32 $0x4000, s31;
	s1 =	sadd.s32 s1, s30  }
0xba: {  	s0 =	sor.u32 s3, s0;
	s1 =	sshll.u32 s1, $0x11  }
0xbb: {  	s0 =	sor.u32 s1, s0  }
0xbc: {  	s0 =	sadd.s32 $0x8F2B, s0  }
0xbd: {  	[sflag:s0] =	ssyncadd.remote.s32 $0x1  }
0xbe: {  	_ =	sfence.sel $0xFFFF  }
0xbf: {  	[dreg:$0x0] =	wrdreg $0xFFFFFFFF;
	(pc) =	sbr.abs _section_cstart, $3  }
0xc0: {  	[dreg:$0x1] =	wrdreg $0xFFFFFFFF  }
0xc1: {  	_ =	task.clear_ibuf [dreg:s6], $0x2FFFF;
	_ =	strace $0x9FFFFFFF  }
0xc2: {  	(tm) =	ssettm $0x7FFFFFFF  }
0xc3: {  	_ =	shalt  }
tec
execute0_lowered:
.L_overlay_start_1:
0x0: {  	(tag) =	ssettag $0x1  }
0x1: {  	s0 =	rddreg [dreg:$0x0]  }
0x2: {  	s2 =	rddreg [dreg:$0x1]  }
0x3: {  	s9 =	stileid.u32;
	s3 =	simm.s32 $0x0;
	s1 =	srdreg.scid  }
0x4: {  	s13 =	simm.s32 $0x6400;
	s14 =	simm.s32 $0x4;
	s16 =	simm.s32 $0x1  }
0x5: {  	s31 =	simm.s32 $0x500;
	s17 =	simm.s32 $0x80;
	s4 =	smul.u32 $0xC8, s9  }
0x6: {  	s18 =	simm.s32 $0x1400;
	s19 =	simm.s32 $0x1C00;
	s5 =	smul.u32 $0x578, s9  }
0x7: {  	s28 =	simm.s32 $0x5400;
	s29 =	simm.s32 $0x5C00;
	s7 =	smul.u32 $0x18800, s9  }
0x8: {  	s30 =	simm.s32 $0x2;
	s1 =	sand.u32 $0x1, s1;
	s21 =	smul.u32 $0x62000, s9  }
0x9: {  	[smem:$0x7FF] =	sst s3;
	p0 =	seq.s32 s1, $0x0;
	s6 =	smul.u32 $0x188000, s1  }
0xa: {  	_ =	strace $0x8000004D;
	s1 =	ssub.s32 $0x2, s1;
	[dreg:$0x4] =	wrdreg s31  }
0xb: {  	s4 =	sadd.s32 $0x5780, s4;
	s22 =	sshrl.u32 s1, $0x1;
	s25 =	sadd.s32 s7, s2  }
0xc: {  	s4 =	smov.u32 @p0 s5;
	s20 =	sadd.s32 s7, s6;
	s1 =	ssub.s32 s1, s22  }
0xd: {  	s6 =	sshrl.u32 s21, $0x2;
	s21 =	simm.s32 $0x2C00;
	s22 =	simm.s32 $0x3400  }
0xe: {  	s4 =	sshll.u32 s4, $0x4;
	s5 =	sshrl.u32 s20, $0x3;
	s6 =	sadd.s32 s6, s2  }
0xf: {  	s1 =	smax.u32 s1, $0x1;
	s20 =	simm.s32 $0x2400;
	s8 =	sadd.s32 s4, s0  }
0x10: {  	s4 =	sadd.s32 $0xC9E00, s0;
	[dreg:$0x8] =	wrdreg s1;
	s23 =	sadd.s32 $0x65E00, s8  }
0x11: {  	s0 =	sadd.s32 s5, s0;
	s10 =	sadd.s32 $0x1E00, s8;
	[dreg:$0x5] =	wrdreg s23  }
0x12: {  	s5 =	simm.s32 $0x8C;
	s0 =	sadd.s32 $0xFAE00, s0;
	[dreg:$0x6] =	wrdreg s10  }
0x13: {  	s5 =	simm.s32 @!p0 $0x14;
	s26 =	sadd.s32 $0x1EA0, s8;
	[dreg:$0x7] =	wrdreg s0  }
0x14: {  	s15 =	sadd.s32 $0x65EA0, s8;
	s24 =	sadd.s32 $0xFFFFFFFF, s5;
	[dreg:$0x9] =	wrdreg s26  }
0x15: {  	s23 =	simm.s32 $0x3C00;
	s0 =	sshrl.u32 s25, $0x3;
	[dreg:$0x3] =	wrdreg s24  }
0x16: {  	v0 =	vimm.f32 $0.0e+00;
	s26 =	simm.s32 $0x4C00;
	s24 =	simm.s32 $0x4400;
	[dreg:$0xa] =	wrdreg s0  }
.LBB2_1:
0x17: {  	s0 =	simm.s32 $0x0  }
.LBB2_2:
0x18: {  	p0 =	sne.s32 s0, $0x1FC0  }
.Ltmp0:
0x19: {  	_ = 	snop;
	(pc) =	sbr.rel @p0 .LBB2_2-.Ltmp0, $3  }
0x1a: {  	_ =	sdelay $0x1  }
0x1b: {  	s7 =	sshra.s32 s0, $0x2  }
0x1c: {  	s0 =	sadd.s32 $0x40, s0;
	[tilespmem:s7+$0x6400] =	vst v0  }
0x1d: {  	s0 =	sadd.s32 $0x0, s6  }
0x1e: {  	[spmem:s0] =	stream.linear.scatter [tilespmem:s13], [sflag:$0x4], $0x800, $0x38;
	[tilespmem:$0x1F400] =	vst v63  }
0x1f: {  	s0 =	simm.s32 $0x2000;
	_ =	swait.ge [sflag:s14], $0x800  }
.LBB2_4:
0x20: {  	s7 =	sshra.s32 s0, $0x2;
	[sflag:s14] =	ssyncset.done $0x0;
	p0 =	sne.s32 s0, $0x60000  }
.Ltmp1:
0x21: {  	s7 =	sadd.s32 s7, s6;
	[sflag:s14] =	ssyncadd.s32 $0xFFFFF800;
	(pc) =	sbr.rel @p0 .LBB2_4-.Ltmp1, $3  }
0x22: {  	[spmem:s7] =	stream.linear.scatter [tilespmem:s13], [sflag:$0x4], $0x800, $0x38;
	[tilespmem:$0x1F400] =	vst v63  }
0x23: {  	s0 =	sadd.s32 $0x2000, s0;
	_ =	sdelay $0x1  }
0x24: {  	_ =	swait.ge [sflag:s14], $0x800  }
0x25: {  	[sflag:s14] =	ssyncset.done $0x0  }
0x26: {  	s9 =	simm.s32 $0x0;
	p2 =	sne.s32 s5, $0x1;
	[sflag:s14] =	ssyncadd.s32 $0xFFFFF800  }
.Ltmp2:
0x27: {  	s1 =	simm.s32 $0xA00;
	[bflag:$0x0] =	sbarrier.arrive $0xFFFF;
	(pc) =	sbr.rel @!p2 .LBB2_6-.Ltmp2, $4  }
0x28: {  	p0 =	por $0x1, $0x1;
	s7 =	simm.s32 $0x1;
	s0 =	rddreg [dreg:$0x5]  }
0x29: {  	[tilespmem:s9], [sflag:$0x1] =	stream.linear.gather [hbm4b:s0+s9], $0x500, $0x38;
	[tilespmem:$0x1F400] =	vst v63  }
0x2a: {  	p1 =	por $0x0, $0x0;
	p0 =	por p0, p0;
	s31 =	rddreg [dreg:$0x6]  }
0x2b: {  	[tilespmem:s1], [sflag:$0x1] =	stream.linear.gather [hbm4b:s31+s9], $0x500, $0x38;
	[tilespmem:$0x1F400] =	vst v63  }
0x2c: {  	s0 =	simm.s32 @!p0 $0x3  }
0x2d: {  	_ =	swait.ge @!p0 [sflag:s0], $0x5000  }
0x2e: {  	[sflag:s0] =	ssyncset.done @!p0 $0x0  }
0x2f: {  	[sflag:s0] =	ssyncadd.s32 @!p0 $0xFFFFB000  }
0x30: {  	_ =	swait.ge [sflag:s16], $0x500  }
0x31: {  	[sflag:s16] =	ssyncset.done $0x0  }
0x32: {  	[sflag:s16] =	ssyncadd.s32 $0xFFFFFB00  }
0x33: {  	_ =	swait.ge [sflag:s16], $0x500  }
0x34: {  	s8 =	rddreg [dreg:$0x3]  }
0x35: {  	p0 =	sle.u32 s8, $0x0  }
0x36: {  	s0 =	sand.u32 @!p0 $0x1, s7  }
0x37: {  	p1 =	seq.s32 @!p0 s0, $0x1  }
0x38: {  	[sflag:s16] =	ssyncset.done $0x0;
	s0 =	simm.s32 @!p0 $0x500;
	p1 =	por !p1, p0  }
0x39: {  	[sflag:s16] =	ssyncadd.s32 $0xFFFFFB00;
	s10 =	simm.s32 @!p0 $0x0;
	s0 =	simm.s32 @p1 $0x0  }
0x3a: {  	[tilespmem:s0], [sflag:$0x1] =	stream.linear.gather @!p0 [hbm4b:s15+s10], $0x500, $0x38;
	[tilespmem:$0x1F400] =	vst v63  }
0x3b: {  	s9 =	sand.u32 $0x1, s9;
	s1 =	rddreg [dreg:$0x9];
	s0 =	sor.u32 @!p0 $0xA00, s0  }
0x3c: {  	[tilespmem:s0], [sflag:$0x1] =	stream.linear.gather @!p0 [hbm4b:s1+s10], $0x500, $0x38;
	[tilespmem:$0x1F400] =	vst v63  }
0x3d: {  	s8 =	rddreg [dreg:$0x4];
	p0 =	seq.s32 s9, $0x1  }
0x3e: {  	s8 =	simm.s32 @!p0 $0x0  }
0x3f: {  	[tilespmem:s18], [sflag:$0x2] =	stream.indirect.gather [hbm4b:s4+s17], $0x10, s8, s17, $0xb8;
	[tilespmem:$0x1F400] =	vst v63  }
0x40: {  	s9 =	sor.u32 $0x80, s8  }
0x41: {  	[tilespmem:s19], [sflag:$0x2] =	stream.indirect.gather [hbm4b:s4+s17], $0x10, s9, s17, $0xb8;
	[tilespmem:$0x1F400] =	vst v63  }
0x42: {  	s10 =	sadd.s32 $0x100, s8  }
0x43: {  	[tilespmem:s20], [sflag:$0x2] =	stream.indirect.gather [hbm4b:s4+s17], $0x10, s10, s17, $0xb8;
	[tilespmem:$0x1F400] =	vst v63  }
0x44: {  	s11 =	sadd.s32 $0x180, s8  }
0x45: {  	[tilespmem:s21], [sflag:$0x2] =	stream.indirect.gather [hbm4b:s4+s17], $0x10, s11, s17, $0xb8;
	[tilespmem:$0x1F400] =	vst v63  }
0x46: {  	s12 =	sor.u32 $0x200, s8  }
0x47: {  	[tilespmem:s22], [sflag:$0x2] =	stream.indirect.gather [hbm4b:s4+s17], $0x10, s12, s17, $0xb8;
	[tilespmem:$0x1F400] =	vst v63  }
0x48: {  	s25 =	sor.u32 $0x280, s8  }
0x49: {  	[tilespmem:s23], [sflag:$0x2] =	stream.indirect.gather [hbm4b:s4+s17], $0x10, s25, s17, $0xb8;
	[tilespmem:$0x1F400] =	vst v63  }
0x4a: {  	s31 =	sadd.s32 $0x300, s8  }
0x4b: {  	[tilespmem:s24], [sflag:$0x2] =	stream.indirect.gather [hbm4b:s4+s17], $0x10, s31, s17, $0xb8;
	[tilespmem:$0x1F400] =	vst v63  }
0x4c: {  	s9 =	sadd.s32 $0x380, s8  }
0x4d: {  	[tilespmem:s26], [sflag:$0x2] =	stream.indirect.gather [hbm4b:s4+s17], $0x10, s9, s17, $0xb8;
	[tilespmem:$0x1F400] =	vst v63  }
0x4e: {  	s10 =	sadd.s32 $0x400, s8  }
0x4f: {  	[tilespmem:s28], [sflag:$0x2] =	stream.indirect.gather [hbm4b:s4+s17], $0x10, s10, s17, $0xb8;
	[tilespmem:$0x1F400] =	vst v63  }
0x50: {  	s11 =	sadd.s32 $0x480, s8  }
0x51: {  	[tilespmem:s29], [sflag:$0x2] =	stream.indirect.gather [hbm4b:s4+s17], $0x10, s11, s17, $0xb8;
	[tilespmem:$0x1F400] =	vst v63  }
0x52: {  	_ =	swait.ge [sflag:s30], $0x800  }
0x53: {  	[sflag:s30] =	ssyncset.done $0x0  }
0x54: {  	s12 =	sor.u32 $0xA00, s8;
	[sflag:s30] =	ssyncadd.s32 $0xFFFFF800  }
0x55: {  	[spmem:s2] =	stream.indirect.scatter.add.f32 [tilespmem:s18], [sflag:$0x3], $0x10, s12, s17, $0xb8;
	[tilespmem:$0x1F400] =	vst v63  }
0x56: {  	_ =	swait.ge [sflag:s30], $0x800  }
0x57: {  	[sflag:s30] =	ssyncset.done $0x0  }
0x58: {  	s25 =	sor.u32 $0xA80, s8;
	[sflag:s30] =	ssyncadd.s32 $0xFFFFF800  }
0x59: {  	[spmem:s2] =	stream.indirect.scatter.add.f32 [tilespmem:s19], [sflag:$0x3], $0x10, s25, s17, $0xb8;
	[tilespmem:$0x1F400] =	vst v63  }
0x5a: {  	_ =	swait.ge [sflag:s30], $0x800  }
0x5b: {  	[sflag:s30] =	ssyncset.done $0x0  }
0x5c: {  	s31 =	sadd.s32 $0xB00, s8;
	[sflag:s30] =	ssyncadd.s32 $0xFFFFF800  }
0x5d: {  	[spmem:s2] =	stream.indirect.scatter.add.f32 [tilespmem:s20], [sflag:$0x3], $0x10, s31, s17, $0xb8;
	[tilespmem:$0x1F400] =	vst v63  }
0x5e: {  	_ =	swait.ge [sflag:s30], $0x800  }
0x5f: {  	[sflag:s30] =	ssyncset.done $0x0  }
0x60: {  	s9 =	sadd.s32 $0xB80, s8;
	[sflag:s30] =	ssyncadd.s32 $0xFFFFF800  }
0x61: {  	[spmem:s2] =	stream.indirect.scatter.add.f32 [tilespmem:s21], [sflag:$0x3], $0x10, s9, s17, $0xb8;
	[tilespmem:$0x1F400] =	vst v63  }
0x62: {  	_ =	swait.ge [sflag:s30], $0x800  }
0x63: {  	[sflag:s30] =	ssyncset.done $0x0  }
0x64: {  	s10 =	sadd.s32 $0xC00, s8;
	[sflag:s30] =	ssyncadd.s32 $0xFFFFF800  }
0x65: {  	[spmem:s2] =	stream.indirect.scatter.add.f32 [tilespmem:s22], [sflag:$0x3], $0x10, s10, s17, $0xb8;
	[tilespmem:$0x1F400] =	vst v63  }
0x66: {  	_ =	swait.ge [sflag:s30], $0x800  }
0x67: {  	[sflag:s30] =	ssyncset.done $0x0  }
0x68: {  	s11 =	sadd.s32 $0xC80, s8;
	[sflag:s30] =	ssyncadd.s32 $0xFFFFF800  }
0x69: {  	[spmem:s2] =	stream.indirect.scatter.add.f32 [tilespmem:s23], [sflag:$0x3], $0x10, s11, s17, $0xb8;
	[tilespmem:$0x1F400] =	vst v63  }
0x6a: {  	_ =	swait.ge [sflag:s30], $0x800  }
0x6b: {  	[sflag:s30] =	ssyncset.done $0x0  }
0x6c: {  	s12 =	sadd.s32 $0xD00, s8;
	[sflag:s30] =	ssyncadd.s32 $0xFFFFF800  }
0x6d: {  	[spmem:s2] =	stream.indirect.scatter.add.f32 [tilespmem:s24], [sflag:$0x3], $0x10, s12, s17, $0xb8;
	[tilespmem:$0x1F400] =	vst v63  }
0x6e: {  	_ =	swait.ge [sflag:s30], $0x800  }
0x6f: {  	[sflag:s30] =	ssyncset.done $0x0  }
0x70: {  	p6 =	por $0x0, $0x0;
	s25 =	sadd.s32 $0xD80, s8;
	[sflag:s30] =	ssyncadd.s32 $0xFFFFF800  }
0x71: {  	[spmem:s2] =	stream.indirect.scatter.add.f32 [tilespmem:s26], [sflag:$0x3], $0x10, s25, s17, $0xb8;
	[tilespmem:$0x1F400] =	vst v63  }
0x72: {  	p2 =	sne.s32 s5, $0x2;
	p1 =	por $0x1, $0x1;
	_ =	swait.ge [sflag:s30], $0x800  }
.Ltmp3:
0x73: {  	s0 =	simm.s32 $0x2;
	[sflag:s30] =	ssyncset.done $0x0;
	(pc) =	sbr.rel @!p2 .LBB2_8-.Ltmp3, $4  }
0x74: {  	p0 =	por p6, p6;
	s31 =	sadd.s32 $0xE00, s8;
	[sflag:s30] =	ssyncadd.s32 $0xFFFFF800  }
0x75: {  	[spmem:s2] =	stream.indirect.scatter.add.f32 [tilespmem:s28], [sflag:$0x3], $0x10, s31, s17, $0xb8;
	[tilespmem:$0x1F400] =	vst v63  }
0x76: {  	s10 =	sadd.s32 $0xE80, s8;
	s8 =	simm.s32 $0x2;
	_ =	swait.ge [sflag:s30], $0x800  }
0x77: {  	s11 =	sadd.s32 $0xA0, s1;
	s12 =	sadd.s32 $0xA0, s15;
	[sflag:s30] =	ssyncset.done $0x0  }
.LBB2_9:
0x78: {  	s9 =	simm.s32 @!p0 $0x3;
	[sflag:s30] =	ssyncadd.s32 $0xFFFFF800  }
0x79: {  	[spmem:s2] =	stream.indirect.scatter.add.f32 [tilespmem:s29], [sflag:$0x3], $0x10, s10, s17, $0xb8;
	[tilespmem:$0x1F400] =	vst v63  }
0x7a: {  	_ =	swait.ge @!p0 [sflag:s9], $0x5000  }
0x7b: {  	[sflag:s9] =	ssyncset.done @!p0 $0x0  }
0x7c: {  	[sflag:s9] =	ssyncadd.s32 @!p0 $0xFFFFB000  }
0x7d: {  	_ =	swait.ge [sflag:s16], $0x500  }
0x7e: {  	[sflag:s16] =	ssyncset.done $0x0  }
0x7f: {  	[sflag:s16] =	ssyncadd.s32 $0xFFFFFB00  }
0x80: {  	_ =	swait.ge [sflag:s16], $0x500  }
0x81: {  	p3 =	seq.s32 s8, $0x0;
	s1 =	rddreg [dreg:$0x3]  }
0x82: {  	p0 =	por p3, p3;
	p3 =	sge.u32 s7, s1  }
0x83: {  	s9 =	sand.u32 @!p3 $0x1, s0  }
0x84: {  	p4 =	seq.s32 @!p3 s9, $0x1  }
0x85: {  	[sflag:s16] =	ssyncset.done $0x0;
	s25 =	simm.s32 @!p3 $0x500;
	p4 =	por !p4, p3  }
0x86: {  	[sflag:s16] =	ssyncadd.s32 $0xFFFFFB00;
	s31 =	simm.s32 @!p3 $0x0;
	s25 =	simm.s32 @p4 $0x0  }
0x87: {  	[tilespmem:s25], [sflag:$0x1] =	stream.linear.gather @!p3 [hbm4b:s12+s31], $0x500, $0x38;
	[tilespmem:$0x1F400] =	vst v63  }
0x88: {  	s1 =	sand.u32 $0x1, s7;
	s25 =	sor.u32 @!p3 $0xA00, s25  }
0x89: {  	[tilespmem:s25], [sflag:$0x1] =	stream.linear.gather @!p3 [hbm4b:s11+s31], $0x500, $0x38;
	[tilespmem:$0x1F400] =	vst v63  }
0x8a: {  	s9 =	rddreg [dreg:$0x4];
	p3 =	seq.s32 s1, $0x1  }
0x8b: {  	s10 =	smov.u32 s8;
	s9 =	simm.s32 @!p3 $0x0  }
0x8c: {  	[tilespmem:s18], [sflag:$0x2] =	stream.indirect.gather [hbm4b:s4+s17], $0x10, s9, s17, $0xb8;
	[tilespmem:$0x1F400] =	vst v63  }
0x8d: {  	s7 =	smov.u32 s10;
	s10 =	sor.u32 $0x80, s9  }
0x8e: {  	[tilespmem:s19], [sflag:$0x2] =	stream.indirect.gather [hbm4b:s4+s17], $0x10, s10, s17, $0xb8;
	[tilespmem:$0x1F400] =	vst v63  }
0x8f: {  	s25 =	sadd.s32 $0x100, s9  }
0x90: {  	[tilespmem:s20], [sflag:$0x2] =	stream.indirect.gather [hbm4b:s4+s17], $0x10, s25, s17, $0xb8;
	[tilespmem:$0x1F400] =	vst v63  }
0x91: {  	s31 =	sadd.s32 $0x180, s9  }
0x92: {  	[tilespmem:s21], [sflag:$0x2] =	stream.indirect.gather [hbm4b:s4+s17], $0x10, s31, s17, $0xb8;
	[tilespmem:$0x1F400] =	vst v63  }
0x93: {  	s25 =	sor.u32 $0x200, s9  }
0x94: {  	[tilespmem:s22], [sflag:$0x2] =	stream.indirect.gather [hbm4b:s4+s17], $0x10, s25, s17, $0xb8;
	[tilespmem:$0x1F400] =	vst v63  }
0x95: {  	s31 =	sor.u32 $0x280, s9  }
0x96: {  	[tilespmem:s23], [sflag:$0x2] =	stream.indirect.gather [hbm4b:s4+s17], $0x10, s31, s17, $0xb8;
	[tilespmem:$0x1F400] =	vst v63  }
0x97: {  	s25 =	sadd.s32 $0x300, s9  }
0x98: {  	[tilespmem:s24], [sflag:$0x2] =	stream.indirect.gather [hbm4b:s4+s17], $0x10, s25, s17, $0xb8;
	[tilespmem:$0x1F400] =	vst v63  }
0x99: {  	s31 =	sadd.s32 $0x380, s9  }
0x9a: {  	[tilespmem:s26], [sflag:$0x2] =	stream.indirect.gather [hbm4b:s4+s17], $0x10, s31, s17, $0xb8;
	[tilespmem:$0x1F400] =	vst v63  }
0x9b: {  	s25 =	sadd.s32 $0x400, s9  }
0x9c: {  	[tilespmem:s28], [sflag:$0x2] =	stream.indirect.gather [hbm4b:s4+s17], $0x10, s25, s17, $0xb8;
	[tilespmem:$0x1F400] =	vst v63  }
0x9d: {  	s31 =	sadd.s32 $0x480, s9  }
0x9e: {  	[tilespmem:s29], [sflag:$0x2] =	stream.indirect.gather [hbm4b:s4+s17], $0x10, s31, s17, $0xb8;
	[tilespmem:$0x1F400] =	vst v63  }
0x9f: {  	_ =	swait.ge [sflag:s30], $0x800  }
0xa0: {  	[sflag:s30] =	ssyncset.done $0x0  }
0xa1: {  	s10 =	sor.u32 $0xA00, s9;
	[sflag:s30] =	ssyncadd.s32 $0xFFFFF800  }
0xa2: {  	[spmem:s2] =	stream.indirect.scatter.add.f32 [tilespmem:s18], [sflag:$0x3], $0x10, s10, s17, $0xb8;
	[tilespmem:$0x1F400] =	vst v63  }
0xa3: {  	_ =	swait.ge [sflag:s30], $0x800  }
0xa4: {  	[sflag:s30] =	ssyncset.done $0x0  }
0xa5: {  	s25 =	sor.u32 $0xA80, s9;
	[sflag:s30] =	ssyncadd.s32 $0xFFFFF800  }
0xa6: {  	[spmem:s2] =	stream.indirect.scatter.add.f32 [tilespmem:s19], [sflag:$0x3], $0x10, s25, s17, $0xb8;
	[tilespmem:$0x1F400] =	vst v63  }
0xa7: {  	_ =	swait.ge [sflag:s30], $0x800  }
0xa8: {  	[sflag:s30] =	ssyncset.done $0x0  }
0xa9: {  	s31 =	sadd.s32 $0xB00, s9;
	[sflag:s30] =	ssyncadd.s32 $0xFFFFF800  }
0xaa: {  	[spmem:s2] =	stream.indirect.scatter.add.f32 [tilespmem:s20], [sflag:$0x3], $0x10, s31, s17, $0xb8;
	[tilespmem:$0x1F400] =	vst v63  }
0xab: {  	_ =	swait.ge [sflag:s30], $0x800  }
0xac: {  	[sflag:s30] =	ssyncset.done $0x0  }
0xad: {  	s10 =	sadd.s32 $0xB80, s9;
	[sflag:s30] =	ssyncadd.s32 $0xFFFFF800  }
0xae: {  	[spmem:s2] =	stream.indirect.scatter.add.f32 [tilespmem:s21], [sflag:$0x3], $0x10, s10, s17, $0xb8;
	[tilespmem:$0x1F400] =	vst v63  }
0xaf: {  	_ =	swait.ge [sflag:s30], $0x800  }
0xb0: {  	[sflag:s30] =	ssyncset.done $0x0  }
0xb1: {  	s25 =	sadd.s32 $0xC00, s9;
	[sflag:s30] =	ssyncadd.s32 $0xFFFFF800  }
0xb2: {  	[spmem:s2] =	stream.indirect.scatter.add.f32 [tilespmem:s22], [sflag:$0x3], $0x10, s25, s17, $0xb8;
	[tilespmem:$0x1F400] =	vst v63  }
0xb3: {  	_ =	swait.ge [sflag:s30], $0x800  }
0xb4: {  	[sflag:s30] =	ssyncset.done $0x0  }
0xb5: {  	s31 =	sadd.s32 $0xC80, s9;
	[sflag:s30] =	ssyncadd.s32 $0xFFFFF800  }
0xb6: {  	[spmem:s2] =	stream.indirect.scatter.add.f32 [tilespmem:s23], [sflag:$0x3], $0x10, s31, s17, $0xb8;
	[tilespmem:$0x1F400] =	vst v63  }
0xb7: {  	_ =	swait.ge [sflag:s30], $0x800  }
0xb8: {  	[sflag:s30] =	ssyncset.done $0x0  }
0xb9: {  	s10 =	sadd.s32 $0xD00, s9;
	[sflag:s30] =	ssyncadd.s32 $0xFFFFF800  }
0xba: {  	[spmem:s2] =	stream.indirect.scatter.add.f32 [tilespmem:s24], [sflag:$0x3], $0x10, s10, s17, $0xb8;
	[tilespmem:$0x1F400] =	vst v63  }
0xbb: {  	_ =	swait.ge [sflag:s30], $0x800  }
0xbc: {  	[sflag:s30] =	ssyncset.done $0x0  }
0xbd: {  	s8 =	sadd.s32 $0x1, s8;
	s25 =	sadd.s32 $0xD80, s9;
	[sflag:s30] =	ssyncadd.s32 $0xFFFFF800  }
0xbe: {  	[spmem:s2] =	stream.indirect.scatter.add.f32 [tilespmem:s26], [sflag:$0x3], $0x10, s25, s17, $0xb8;
	[tilespmem:$0x1F400] =	vst v63  }
0xbf: {  	p2 =	sne.s32 s5, s8;
	_ =	swait.ge [sflag:s30], $0x800  }
.Ltmp4:
0xc0: {  	[sflag:s30] =	ssyncset.done $0x0;
	(pc) =	sbr.rel @p2 .LBB2_9-.Ltmp4, $4  }
0xc1: {  	s31 =	sadd.s32 $0xE00, s9;
	[sflag:s30] =	ssyncadd.s32 $0xFFFFF800  }
0xc2: {  	[spmem:s2] =	stream.indirect.scatter.add.f32 [tilespmem:s28], [sflag:$0x3], $0x10, s31, s17, $0xb8;
	[tilespmem:$0x1F400] =	vst v63  }
0xc3: {  	s0 =	smov.u32 s8;
	s12 =	sadd.s32 $0xA0, s12;
	_ =	swait.ge [sflag:s30], $0x800  }
0xc4: {  	s11 =	sadd.s32 $0xA0, s11;
	s10 =	sadd.s32 $0xE80, s9;
	[sflag:s30] =	ssyncset.done $0x0  }
0xc5: {  	s9 =	smov.u32 s7;
	s7 =	smov.u32 s0  }
.LBB2_11:
0xc6: {  	[sflag:s30] =	ssyncadd.s32 @p1 $0xFFFFF800;
	s0 =	simm.s32 @!p0 $0x3  }
0xc7: {  	[spmem:s2] =	stream.indirect.scatter.add.f32 @p1 [tilespmem:s29], [sflag:$0x3], $0x10, s10, s17, $0xb8;
	[tilespmem:$0x1F400] =	vst v63  }
0xc8: {  	_ =	swait.ge @!p0 [sflag:s0], $0x5000  }
0xc9: {  	[sflag:s0] =	ssyncset.done @!p0 $0x0  }
0xca: {  	[sflag:s0] =	ssyncadd.s32 @!p0 $0xFFFFB000  }
0xcb: {  	_ =	swait.ge [sflag:s16], $0x500  }
0xcc: {  	[sflag:s16] =	ssyncset.done $0x0  }
0xcd: {  	[sflag:s16] =	ssyncadd.s32 $0xFFFFFB00  }
0xce: {  	_ =	swait.ge [sflag:s16], $0x500  }
0xcf: {  	s1 =	rddreg [dreg:$0x3]  }
0xd0: {  	p0 =	sge.u32 s9, s1  }
0xd1: {  	s0 =	sand.u32 @!p0 $0x1, s7  }
0xd2: {  	p1 =	seq.s32 @!p0 s0, $0x1  }
0xd3: {  	[sflag:s16] =	ssyncset.done $0x0;
	s0 =	simm.s32 @!p0 $0x500;
	p1 =	por !p1, p0  }
0xd4: {  	[sflag:s16] =	ssyncadd.s32 $0xFFFFFB00;
	s1 =	simm.s32 @!p0 $0x0;
	s0 =	simm.s32 @p1 $0x0  }
0xd5: {  	[tilespmem:s0], [sflag:$0x1] =	stream.linear.gather @!p0 [hbm4b:s12+s1], $0x500, $0x38;
	[tilespmem:$0x1F400] =	vst v63  }
0xd6: {  	s7 =	sand.u32 $0x1, s9;
	s0 =	sor.u32 @!p0 $0xA00, s0  }
0xd7: {  	[tilespmem:s0], [sflag:$0x1] =	stream.linear.gather @!p0 [hbm4b:s11+s1], $0x500, $0x38;
	[tilespmem:$0x1F400] =	vst v63  }
0xd8: {  	s0 =	rddreg [dreg:$0x4];
	p0 =	seq.s32 s7, $0x1  }
0xd9: {  	s0 =	simm.s32 @!p0 $0x0  }
0xda: {  	[tilespmem:s18], [sflag:$0x2] =	stream.indirect.gather [hbm4b:s4+s17], $0x10, s0, s17, $0xb8;
	[tilespmem:$0x1F400] =	vst v63  }
0xdb: {  	s8 =	sor.u32 $0x80, s0  }
0xdc: {  	[tilespmem:s19], [sflag:$0x2] =	stream.indirect.gather [hbm4b:s4+s17], $0x10, s8, s17, $0xb8;
	[tilespmem:$0x1F400] =	vst v63  }
0xdd: {  	s9 =	sadd.s32 $0x100, s0  }
0xde: {  	[tilespmem:s20], [sflag:$0x2] =	stream.indirect.gather [hbm4b:s4+s17], $0x10, s9, s17, $0xb8;
	[tilespmem:$0x1F400] =	vst v63  }
0xdf: {  	s10 =	sadd.s32 $0x180, s0  }
0xe0: {  	[tilespmem:s21], [sflag:$0x2] =	stream.indirect.gather [hbm4b:s4+s17], $0x10, s10, s17, $0xb8;
	[tilespmem:$0x1F400] =	vst v63  }
0xe1: {  	s11 =	sor.u32 $0x200, s0  }
0xe2: {  	[tilespmem:s22], [sflag:$0x2] =	stream.indirect.gather [hbm4b:s4+s17], $0x10, s11, s17, $0xb8;
	[tilespmem:$0x1F400] =	vst v63  }
0xe3: {  	s12 =	sor.u32 $0x280, s0  }
0xe4: {  	[tilespmem:s23], [sflag:$0x2] =	stream.indirect.gather [hbm4b:s4+s17], $0x10, s12, s17, $0xb8;
	[tilespmem:$0x1F400] =	vst v63  }
0xe5: {  	s25 =	sadd.s32 $0x300, s0  }
0xe6: {  	[tilespmem:s24], [sflag:$0x2] =	stream.indirect.gather [hbm4b:s4+s17], $0x10, s25, s17, $0xb8;
	[tilespmem:$0x1F400] =	vst v63  }
0xe7: {  	s31 =	sadd.s32 $0x380, s0  }
0xe8: {  	[tilespmem:s26], [sflag:$0x2] =	stream.indirect.gather [hbm4b:s4+s17], $0x10, s31, s17, $0xb8;
	[tilespmem:$0x1F400] =	vst v63  }
0xe9: {  	s7 =	sadd.s32 $0x400, s0  }
0xea: {  	[tilespmem:s28], [sflag:$0x2] =	stream.indirect.gather [hbm4b:s4+s17], $0x10, s7, s17, $0xb8;
	[tilespmem:$0x1F400] =	vst v63  }
0xeb: {  	s8 =	sadd.s32 $0x480, s0  }
0xec: {  	[tilespmem:s29], [sflag:$0x2] =	stream.indirect.gather [hbm4b:s4+s17], $0x10, s8, s17, $0xb8;
	[tilespmem:$0x1F400] =	vst v63  }
0xed: {  	_ =	swait.ge [sflag:s30], $0x800  }
0xee: {  	[sflag:s30] =	ssyncset.done $0x0  }
0xef: {  	s9 =	sor.u32 $0xA00, s0;
	[sflag:s30] =	ssyncadd.s32 $0xFFFFF800  }
0xf0: {  	[spmem:s2] =	stream.indirect.scatter.add.f32 [tilespmem:s18], [sflag:$0x3], $0x10, s9, s17, $0xb8;
	[tilespmem:$0x1F400] =	vst v63  }
0xf1: {  	_ =	swait.ge [sflag:s30], $0x800  }
0xf2: {  	[sflag:s30] =	ssyncset.done $0x0  }
0xf3: {  	s10 =	sor.u32 $0xA80, s0;
	[sflag:s30] =	ssyncadd.s32 $0xFFFFF800  }
0xf4: {  	[spmem:s2] =	stream.indirect.scatter.add.f32 [tilespmem:s19], [sflag:$0x3], $0x10, s10, s17, $0xb8;
	[tilespmem:$0x1F400] =	vst v63  }
0xf5: {  	_ =	swait.ge [sflag:s30], $0x800  }
0xf6: {  	[sflag:s30] =	ssyncset.done $0x0  }
0xf7: {  	s11 =	sadd.s32 $0xB00, s0;
	[sflag:s30] =	ssyncadd.s32 $0xFFFFF800  }
0xf8: {  	[spmem:s2] =	stream.indirect.scatter.add.f32 [tilespmem:s20], [sflag:$0x3], $0x10, s11, s17, $0xb8;
	[tilespmem:$0x1F400] =	vst v63  }
0xf9: {  	_ =	swait.ge [sflag:s30], $0x800  }
0xfa: {  	[sflag:s30] =	ssyncset.done $0x0  }
0xfb: {  	s12 =	sadd.s32 $0xB80, s0;
	[sflag:s30] =	ssyncadd.s32 $0xFFFFF800  }
0xfc: {  	[spmem:s2] =	stream.indirect.scatter.add.f32 [tilespmem:s21], [sflag:$0x3], $0x10, s12, s17, $0xb8;
	[tilespmem:$0x1F400] =	vst v63  }
0xfd: {  	_ =	swait.ge [sflag:s30], $0x800  }
0xfe: {  	[sflag:s30] =	ssyncset.done $0x0  }
0xff: {  	s25 =	sadd.s32 $0xC00, s0;
	[sflag:s30] =	ssyncadd.s32 $0xFFFFF800  }
0x100: {  	[spmem:s2] =	stream.indirect.scatter.add.f32 [tilespmem:s22], [sflag:$0x3], $0x10, s25, s17, $0xb8;
	[tilespmem:$0x1F400] =	vst v63  }
0x101: {  	_ =	swait.ge [sflag:s30], $0x800  }
0x102: {  	[sflag:s30] =	ssyncset.done $0x0  }
0x103: {  	s31 =	sadd.s32 $0xC80, s0;
	[sflag:s30] =	ssyncadd.s32 $0xFFFFF800  }
0x104: {  	[spmem:s2] =	stream.indirect.scatter.add.f32 [tilespmem:s23], [sflag:$0x3], $0x10, s31, s17, $0xb8;
	[tilespmem:$0x1F400] =	vst v63  }
0x105: {  	_ =	swait.ge [sflag:s30], $0x800  }
0x106: {  	[sflag:s30] =	ssyncset.done $0x0  }
0x107: {  	s7 =	sadd.s32 $0xD00, s0;
	[sflag:s30] =	ssyncadd.s32 $0xFFFFF800  }
0x108: {  	[spmem:s2] =	stream.indirect.scatter.add.f32 [tilespmem:s24], [sflag:$0x3], $0x10, s7, s17, $0xb8;
	[tilespmem:$0x1F400] =	vst v63  }
0x109: {  	_ =	swait.ge [sflag:s30], $0x800  }
0x10a: {  	[sflag:s30] =	ssyncset.done $0x0  }
0x10b: {  	s8 =	sadd.s32 $0xD80, s0;
	[sflag:s30] =	ssyncadd.s32 $0xFFFFF800  }
0x10c: {  	[spmem:s2] =	stream.indirect.scatter.add.f32 [tilespmem:s26], [sflag:$0x3], $0x10, s8, s17, $0xb8;
	[tilespmem:$0x1F400] =	vst v63  }
0x10d: {  	_ =	swait.ge [sflag:s30], $0x800  }
0x10e: {  	[sflag:s30] =	ssyncset.done $0x0  }
0x10f: {  	s9 =	sadd.s32 $0xE00, s0;
	[sflag:s30] =	ssyncadd.s32 $0xFFFFF800  }
0x110: {  	[spmem:s2] =	stream.indirect.scatter.add.f32 [tilespmem:s28], [sflag:$0x3], $0x10, s9, s17, $0xb8;
	[tilespmem:$0x1F400] =	vst v63  }
0x111: {  	_ =	swait.ge [sflag:s30], $0x800  }
0x112: {  	[sflag:s30] =	ssyncset.done $0x0  }
0x113: {  	s0 =	sadd.s32 $0xE80, s0;
	s10 =	simm.s32 $0x3;
	[sflag:s30] =	ssyncadd.s32 $0xFFFFF800  }
0x114: {  	[spmem:s2] =	stream.indirect.scatter.add.f32 [tilespmem:s29], [sflag:$0x3], $0x10, s0, s17, $0xb8;
	[tilespmem:$0x1F400] =	vst v63  }
0x115: {  	_ =	swait.ge [sflag:s10], $0x5000  }
0x116: {  	[sflag:s10] =	ssyncset.done $0x0  }
0x117: {  	[sflag:s10] =	ssyncadd.s32 $0xFFFFB000  }
0x118: {  	s11 =	stileid.u32;
	[bflag:$0x0] =	sbarrier.arrive $0xFFFF  }
0x119: {  	s0 =	sshll.u32 s11, $0x6;
	s12 =	rddreg [dreg:$0x7]  }
0x11a: {  	s0 =	sor.u32 $0x1C04, s0;
	s25 =	rddreg [dreg:$0xa]  }
0x11b: {  	[hbm:s12], [sflag:s0] =	dma.local [spmem:s25], $0x3100  }
0x11c: {  	_ =	swait.ge [sflag:s14], $0x3100  }
0x11d: {  	s3 =	sadd.s32 $0x1, s3;
	s31 =	rddreg [dreg:$0x8]  }
0x11e: {  	p0 =	sne.s32 s3, s31  }
.Ltmp5:
0x11f: {  	_ = 	snop;
	(pc) =	sbr.rel @p0 .LBB2_1-.Ltmp5, $4  }
.Ltmp6:
0x120: {  	_ = 	snop;
	(pc) =	sbr.rel @!p0 .LBB2_12-.Ltmp6, $4  }
0x121: {  	_ = 	snop  }
0x122: {  	[sflag:s14] =	ssyncset.done $0x0  }
0x123: {  	[sflag:s14] =	ssyncadd.s32 $0xFFFFCF00  }
0x124: {  	_ = 	snop  }
.LBB2_6:
.Ltmp7:
0x125: {  	(pc) =	sbr.rel .LBB2_11-.Ltmp7, $2  }
0x126: {  	_ =	sdelay $0x2  }
0x127: {  	s12 =	smov.u32 s15;
	s11 =	rddreg [dreg:$0x9]  }
.LBB2_8:
.Ltmp8:
0x128: {  	(pc) =	sbr.rel .LBB2_11-.Ltmp8, $2  }
0x129: {  	_ =	sdelay $0x2  }
0x12a: {  	s9 =	simm.s32 $0x1;
	s7 =	simm.s32 $0x2  }
.LBB2_12:
0x12b: {  	_ =	sfence.sel $0x180000  }
0x12c: {  	[bflag:$0x0] =	sbarrier.arrive $0xFFFF  }
0x12d: {  	_ =	strace $0x9000004D  }
0x12e: {  	s0 =	stileid.u32;
	[bflag:$0x2] =	sbarrier.arrive $0xFFFF  }
0x12f: {  	p0 =	sne.s32 s0, $0x0;
	s0 =	rddreg [dreg:$0x2]  }
0x130: {  	s0 =	sadd.s32 @!p0 $0x100000, s0  }
0x131: {  	[sflag:s0] =	ssyncadd.tile.s32 @!p0 $0x1;
	_ =	shalt  }
.Lfunc_end2:
_tile_overlayer_lowered:
.L_overlay_start_2:
0x132: {  	(tag) =	ssettag $0x2  }
0x133: {  	s0 =	rddreg [dreg:$0x0];
	s2 =	stileid.u32  }
0x134: {  	s1 =	rddreg [dreg:$0x1];
	p0 =	sne.s32 s2, $0x0  }
0x135: {  	s3 =	rddreg [dreg:$0x2];
	[bflag:$0x3] =	sbarrier.arrive $0xFFFF;
	s2 =	simm.s32 @!p0 $0x1C04  }
0x136: {  	[timem:s3], [sflag:s2] =	dma.local @!p0 [hbm:s0], s1  }
0x137: {  	s0 =	simm.s32 @!p0 $0x4  }
0x138: {  	_ =	swait.ge @!p0 [sflag:s0], s1  }
0x139: {  	s1 =	ssub.s32 @!p0 $0x0, s1;
	[sflag:s0] =	ssyncset.done @!p0 $0x0  }
0x13a: {  	[sflag:s0] =	ssyncadd.s32 @!p0 s1  }
0x13b: {  	[bflag:$0x3] =	sbarrier.arrive $0xFFFF  }
0x13c: {  	_ =	shalt  }

// kernel: kernel.9.cloned.1.call-start
scs
__scs_entry_jumppad:
0x0: {  	(pc) =	sbr.rel $0x88, $3  }
0x1: {  	(tag) =	ssettag $0x0;
	lr =	simm.s32 $0x1  }
0x2: {  	[smem:$0x3F9B] =	sst lr;
	_ =	strace $0xD0000000  }
0x3: {  	_ = 	snop  }
0x4: {  	_ = 	snop  }
0x5: {  	_ = 	snop  }
0x6: {  	_ = 	snop  }
0x7: {  	_ = 	snop  }
__scs_overlays_trampoline_lowered:
0x8: {  	[smem:$0x3FAA] =	sst s0  }
0x9: {  	[smem:$0x3FAB] =	sst s1  }
0xa: {  	[smem:$0x3FAC] =	sst s2  }
0xb: {  	[smem:$0x3FAD] =	sst s3  }
0xc: {  	[smem:$0x3FAE] =	sst s4  }
0xd: {  	[smem:$0x3FAF] =	sst s5  }
0xe: {  	[smem:$0x3FB0] =	sst s6  }
0xf: {  	[smem:$0x3FB1] =	sst s7  }
0x10: {  	[smem:$0x3FB2] =	sst s8  }
0x11: {  	[smem:$0x3FB3] =	sst s9;
	s0 =	simm.s32 @!p0 $0x0  }
0x12: {  	s1 =	sld [smem:$0x3F99];
	s0 =	simm.s32 @p0 $0x1  }
0x13: {  	[smem:$0x3FB4] =	sst s0;
	s0 =	simm.s32 @!p1 $0x0  }
0x14: {  	s2 =	sld [smem:$0x3F98];
	s0 =	simm.s32 @p1 $0x1  }
0x15: {  	[smem:$0x3FB5] =	sst s0;
	s0 =	simm.s32 @!p2 $0x0  }
0x16: {  	s3 =	sld [smem:$0x3FDB];
	s0 =	simm.s32 @p2 $0x1  }
0x17: {  	s4 =	simm.s32 $0x1BF5;
	[smem:$0x3FB7] =	sst s0  }
0x18: {  	s0 =	sld [smem:$0x3F9A];
	_ =	swait.ge [sflag:s4], $0x0  }
0x19: {  	s7 =	sld [smem:$0x3F9B]  }
0x1a: {  	s8 =	sadd.s32 $0xFFFFE003, lr  }
0x1b: {  	s9 =	sadd.s32 $0xFFFFFEF7, lr;
	s5 =	simm.s32 $0xFFFFFFFF;
	p2 =	slt.u32 s8, $0xFFFFF086  }
0x1c: {  	p1 =	slt.u32 s9, $0xF7A;
	s5 =	simm.s32 @!p2 $0x0  }
0x1d: {  	s5 =	simm.s32 @p1 $0x1;
	p0 =	seq.s32 s7, s2  }
0x1e: {  	s7 =	smul.u32 @!p0 $0xF7A, s2;
	p2 =	seq.s32 @!p0 s5, $0x0  }
0x1f: {  	s9 =	smul.u32 $0xF7A, s1;
	s8 =	simm.s32 @!p0 $0x1BF5;
	p2 =	por !p2, p0  }
0x20: {  	[sflag:s8] =	ssyncset.s32 @!p0 $0xFFFFF086;
	s6 =	sadd.s32 @!p0 s3, s7;
	s7 =	simm.s32 @!p0 $0x108  }
0x21: {  	s3 =	sadd.s32 s3, s9;
	s6 =	sadd.s32 @!p0 $0x88, s6;
	s7 =	simm.s32 @p2 $0x1082  }
0x22: {  	[simem:s7], [sflag:s8] =	dma.local @!p0 [hbm:s6], $0xF7A  }
0x23: {  	s9 =	sor.u32 $0xD0000000, s2;
	s6 =	simm.s32 $0x108;
	_ =	swait.ge @!p0 [sflag:s8], $0x0  }
0x24: {  	s3 =	sadd.s32 $0x88, s3;
	s6 =	simm.s32 @!p1 $0x1082;
	[sflag:s4] =	ssyncset.s32 $0xFFFFF086  }
0x25: {  	[simem:s6], [sflag:s4] =	dma.local [hbm:s3], $0xF7A  }
0x26: {  	[smem:$0x3F9B] =	sst s1;
	(tag) =	ssettag s2;
	_ =	strace s9  }
0x27: {  	s1 =	sld [smem:$0x3FAB]  }
0x28: {  	s2 =	sld [smem:$0x3FAC]  }
0x29: {  	s4 =	sld [smem:$0x3FAE]  }
0x2a: {  	p0 =	seq.s32 s5, $0x0;
	s5 =	sld [smem:$0x3FAF]  }
0x2b: {  	s6 =	sld [smem:$0x3FB0]  }
0x2c: {  	s7 =	sld [smem:$0x3FB1]  }
0x2d: {  	s3 =	simm.s32 $0x108;
	s8 =	sld [smem:$0x3FB2]  }
0x2e: {  	s3 =	simm.s32 @!p0 $0x1082;
	s9 =	sld [smem:$0x3FB3]  }
0x2f: {  	lr =	sadd.s32 s0, s3;
	s0 =	sld [smem:$0x3FAA]  }
0x30: {  	s3 =	sld [smem:$0x3FAD]  }
0x31: {  	[smem:$0x3FB6] =	sst s10  }
0x32: {  	s10 =	sld [smem:$0x3FB4];
	_ =	sdelay $0x3  }
0x33: {  	p0 =	seq.s32 s10, $0x1;
	s10 =	sld [smem:$0x3FB6];
	_ =	sdelay $0x3  }
0x34: {  	[smem:$0x3FB6] =	sst s10  }
0x35: {  	s10 =	sld [smem:$0x3FB5];
	_ =	sdelay $0x3  }
0x36: {  	p1 =	seq.s32 s10, $0x1;
	s10 =	sld [smem:$0x3FB6];
	_ =	sdelay $0x3  }
0x37: {  	[smem:$0x3FB6] =	sst s10  }
0x38: {  	s10 =	sld [smem:$0x3FB7]  }
0x39: {  	_ = 	snop;
	(pc) =	sbr.ind lr, $3  }
0x3a: {  	_ = 	snop  }
0x3b: {  	_ = 	snop  }
0x3c: {  	p2 =	seq.s32 s10, $0x1;
	s10 =	sld [smem:$0x3FB6]  }
0x3d: {  	_ =	shalt  }
0x3e: {  	_ =	shalt  }
0x3f: {  	_ =	shalt  }
0x40: {  	_ =	shalt  }
0x41: {  	_ =	shalt  }
0x42: {  	_ =	shalt  }
0x43: {  	_ =	shalt  }
0x44: {  	_ =	shalt  }
0x45: {  	_ =	shalt  }
0x46: {  	_ =	shalt  }
0x47: {  	_ =	shalt  }
0x48: {  	_ =	shalt  }
0x49: {  	_ =	shalt  }
0x4a: {  	_ =	shalt  }
0x4b: {  	_ =	shalt  }
0x4c: {  	_ =	shalt  }
0x4d: {  	_ =	shalt  }
0x4e: {  	_ =	shalt  }
0x4f: {  	_ =	shalt  }
0x50: {  	_ =	shalt  }
0x51: {  	_ =	shalt  }
0x52: {  	_ =	shalt  }
0x53: {  	_ =	shalt  }
0x54: {  	_ =	shalt  }
0x55: {  	_ =	shalt  }
0x56: {  	_ =	shalt  }
0x57: {  	_ =	shalt  }
0x58: {  	_ =	shalt  }
0x59: {  	_ =	shalt  }
0x5a: {  	_ =	shalt  }
0x5b: {  	_ =	shalt  }
0x5c: {  	_ =	shalt  }
0x5d: {  	_ =	shalt  }
0x5e: {  	_ =	shalt  }
0x5f: {  	_ =	shalt  }
0x60: {  	_ =	shalt  }
0x61: {  	_ =	shalt  }
0x62: {  	_ =	shalt  }
0x63: {  	_ =	shalt  }
0x64: {  	_ =	shalt  }
0x65: {  	_ =	shalt  }
0x66: {  	_ =	shalt  }
0x67: {  	_ =	shalt  }
0x68: {  	_ =	shalt  }
0x69: {  	_ =	shalt  }
0x6a: {  	_ =	shalt  }
0x6b: {  	_ =	shalt  }
0x6c: {  	_ =	shalt  }
0x6d: {  	_ =	shalt  }
0x6e: {  	_ =	shalt  }
0x6f: {  	_ =	shalt  }
0x70: {  	_ =	shalt  }
0x71: {  	_ =	shalt  }
0x72: {  	_ =	shalt  }
0x73: {  	_ =	shalt  }
0x74: {  	_ =	shalt  }
0x75: {  	_ =	shalt  }
0x76: {  	_ =	shalt  }
0x77: {  	_ =	shalt  }
0x78: {  	_ =	shalt  }
0x79: {  	_ =	shalt  }
0x7a: {  	_ =	shalt  }
0x7b: {  	_ =	shalt  }
0x7c: {  	_ =	shalt  }
0x7d: {  	_ =	shalt  }
0x7e: {  	_ =	shalt  }
0x7f: {  	_ =	shalt  }
0x80: {  	_ =	shalt  }
0x81: {  	_ =	shalt  }
0x82: {  	_ =	shalt  }
0x83: {  	_ =	shalt  }
0x84: {  	_ =	shalt  }
0x85: {  	_ =	shalt  }
0x86: {  	_ =	shalt  }
0x87: {  	_ =	shalt  }
.Lfunc_end0:
.L_simem_size_0:
called_computation_lowered:
.L_overlay_start_0:
0x88: {  	s2 =	sld [smem:$0x3FD9]  }
0x89: {  	s3 =	sld [smem:$0x3FFE];
	_ =	sdelay $0x1  }
0x8a: {  	s1 =	srdreg.scid  }
0x8b: {  	s0 =	sand.u32 $0x1, s1  }
0x8c: {  	s16 =	sshll.u32 s0, $0xA;
	s2 =	sadd.s32 s3, s2  }
0x8d: {  	s2 =	sadd.s32 s2, s16  }
0x8e: {  	[smem:$0x3FC2] =	sst s2  }
0x8f: {  	_ = 	snop  }
0x90: {  	(tm) =	ssettm $0x1  }
0x91: {  	s17 =	sld [smem:$0x3FFB];
	_ =	sdelay $0x3  }
0x92: {  	_ =	strace s17  }
0x93: {  	s2 =	sld [smem:$0x3FFC];
	_ =	sdelay $0x3  }
0x94: {  	_ =	strace s2  }
0x95: {  	s2 =	sld [smem:$0x3FFD];
	_ =	sdelay $0x3  }
0x96: {  	_ =	strace s2  }
0x97: {  	_ =	strace $0x8FFFFFFF  }
0x98: {  	s18 =	sld [smem:$0x3FDB];
	_ =	sdelay $0x1  }
0x99: {  	s19 =	simm.s32 $_scs_section_size  }
0x9a: {  	s4 =	simm.s32 $_size__tile_overlayer_lowered;
	s5 =	simm.s32 $_tile_overlayer_lowered  }
0x9b: {  	s22 =	simm.s32 $0x1BFF;
	s21 =	sshll.u32 s5, $0x1;
	s2 =	sadd.s32 s19, s18  }
0x9c: {  	s6 =	simm.s32 $0x0;
	s20 =	sshll.u32 s4, $0x1;
	s4 =	sadd.s32 s21, s2  }
0x9d: {  	[timem:s6], [sflag:s22] =	dma.local [hbm:s4], s20  }
0x9e: {  	_ =	swait.ge [sflag:s22], s20  }
0x9f: {  	s3 =	ssub.s32 $0x0, s20;
	[sflag:s22] =	ssyncset.done $0x0  }
0xa0: {  	[sflag:s22] =	ssyncadd.s32 s3;
	_ =	sdelay $0x1  }
0xa1: {  	s23 =	simm.s32 $0x1B8B  }
0xa2: {  	_ =	swait.ge [sflag:s23], $0x1  }
0xa3: {  	[sflag:s23] =	ssyncset.done $0x0  }
0xa4: {  	s25 =	simm.s32 $0x1B8E;
	s24 =	sld [smem:$0x3FFE];
	[sflag:s23] =	ssyncadd.s32 $0xFFFFFFFF  }
0xa5: {  	s26 =	simm.s32 $execute0_lowered;
	[smem:$0x3FD2] =	sst s25  }
0xa6: {  	s4 =	sshll.u32 s26, $0x1;
	_ =	strace $0x80000046;
	[dreg:$0x1] =	wrdreg $0xFFFFFFFF  }
0xa7: {  	s28 =	simm.s32 $_size_execute0_lowered;
	s2 =	sadd.s32 s2, s4;
	[dreg:$0x0] =	wrdreg $0x0  }
0xa8: {  	s4 =	sshll.u32 s28, $0x1;
	[dreg:$0x2] =	wrdreg s2  }
0xa9: {  	[dreg:$0x3] =	wrdreg s4  }
0xaa: {  	[dreg:$0x4] =	wrdreg $0xC0  }
0xab: {  	_ =	task [dreg:s6], $0x5FFFF  }
0xac: {  	[dreg:$0x1] =	wrdreg $0xFFFFFFFF  }
0xad: {  	[dreg:$0x0] =	wrdreg $0x60  }
0xae: {  	[dreg:$0x2] =	wrdreg s24  }
0xaf: {  	[dreg:$0x3] =	wrdreg $0x39000  }
0xb0: {  	[dreg:$0x4] =	wrdreg $0x51800  }
0xb1: {  	[dreg:$0x5] =	wrdreg $0x9  }
0xb2: {  	_ =	task.clear_ibuf [dreg:s6], $0x6FFFF;
	_ =	strace $0x90000046  }
0xb3: {  	s29 =	simm.s32 $0x9;
	_ =	strace $0x80000048  }
0xb4: {  	_ =	swait.ge [sflag:s29], $0x1  }
0xb5: {  	[sflag:s29] =	ssyncadd.s32 $0xFFFFFFFF  }
0xb6: {  	_ =	strace $0x90000048  }
0xb7: {  	_ =	sfence  }
0xb8: {  	s30 =	sld [smem:$0x0];
	_ =	sdelay $0x2  }
0xb9: {  	s31 =	sshll.u32 s1, $0xD;
	s1 =	sshrl.u32 s1, $0x2  }
0xba: {  	s3 =	sand.u32 $0x4000, s31;
	s1 =	sadd.s32 s1, s30  }
0xbb: {  	s0 =	sor.u32 s3, s0;
	s1 =	sshll.u32 s1, $0x11  }
0xbc: {  	s0 =	sor.u32 s1, s0  }
0xbd: {  	s0 =	sadd.s32 $0x8F2B, s0  }
0xbe: {  	[sflag:s0] =	ssyncadd.remote.s32 $0x1  }
0xbf: {  	_ =	sfence.sel $0xFFFF  }
0xc0: {  	[dreg:$0x0] =	wrdreg $0xFFFFFFFF;
	(pc) =	sbr.abs _section_cstart, $3  }
0xc1: {  	[dreg:$0x1] =	wrdreg $0xFFFFFFFF  }
0xc2: {  	_ =	task.clear_ibuf [dreg:s6], $0x2FFFF;
	_ =	strace $0x9FFFFFFF  }
0xc3: {  	(tm) =	ssettm $0x7FFFFFFF  }
tec
execute0_lowered:
.L_overlay_start_1:
0x0: {  	(tag) =	ssettag $0x1  }
0x1: {  	s5 =	rddreg [dreg:$0x0]  }
0x2: {  	s2 =	rddreg [dreg:$0x1]  }
0x3: {  	s3 =	rddreg [dreg:$0x2];
	s1 =	stileid.u32  }
0x4: {  	s0 =	rddreg [dreg:$0x3];
	s7 =	srdreg.scid;
	s4 =	simm.s32 $0x0  }
0x5: {  	s12 =	simm.s32 $0x3A;
	s15 =	simm.s32 $0x2;
	s16 =	simm.s32 $0x1000  }
0x6: {  	s17 =	simm.s32 $0x1;
	s18 =	simm.s32 $0x80;
	s6 =	smul.u32 $0x3A0, s1  }
0x7: {  	s19 =	simm.s32 $0x2000;
	s8 =	smul.u32 $0x2A0, s1;
	s7 =	sand.u32 $0x1, s7  }
0x8: {  	s9 =	smul.u32 $0x1880, s1;
	[smem:$0x7FF] =	sst s4;
	p0 =	seq.s32 s7, $0x0  }
0x9: {  	s10 =	smul.u32 $0x31000, s7;
	_ =	strace $0x80000047;
	s7 =	ssub.s32 $0x2, s7  }
0xa: {  	s8 =	sadd.s32 $0x3A00, s8;
	s30 =	sshrl.u32 s7, $0x1;
	s12 =	simm.s32 @!p0 $0x2A  }
0xb: {  	s8 =	smov.u32 @p0 s6;
	s26 =	sadd.s32 s9, s10;
	s11 =	ssub.s32 s7, s30  }
0xc: {  	s31 =	sadd.s32 $0xFFFFFFFF, s12;
	s14 =	sshll.u32 s12, $0xB;
	s6 =	sshll.u32 s8, $0x4  }
0xd: {  	s28 =	sshrl.u32 s26, $0x3;
	[dreg:$0x4] =	wrdreg s31;
	s11 =	smax.u32 s11, $0x1  }
0xe: {  	[dreg:$0x5] =	wrdreg s14;
	s14 =	simm.s32 $0x2080;
	s13 =	sadd.s32 s6, s5  }
0xf: {  	s29 =	sadd.s32 s28, s5;
	s5 =	sadd.s32 s9, s2;
	s6 =	sadd.s32 s9, s3  }
0x10: {  	s7 =	sadd.s32 $0x65E00, s13;
	s8 =	sadd.s32 $0x1E00, s13;
	s9 =	sadd.s32 $0xC9E00, s29  }
0x11: {  	v0 =	vimm.f32 $0.0e+00;
	v1 =	vimm.f32 $1.000000000e+00;
	s10 =	sadd.s32 $0xCCF00, s29;
	s12 =	sadd.s32 $0x1F00, s13;
	s13 =	sadd.s32 $0x65F00, s13  }
.LBB2_1:
0x12: {  	s20 =	simm.s32 $0x40;
	s21 =	simm.s32 $0x0  }
.LBB2_2:
0x13: {  	p0 =	sne.s32 s20, $0x61C0;
	[tilespmem:s21+$0x2080] =	vst v0;
	s21 =	smov.u32 s20;
	s20 =	sadd.s32 $0x40, s20  }
.Ltmp0:
0x14: {  	(pc) =	sbr.rel @p0 .LBB2_2-.Ltmp0, $2  }
0x15: {  	_ =	sdelay $0x2  }
0x16: {  	s21 =	sshra.s32 s21, $0x2  }
0x17: {  	[tilespmem:s21+$0x2080] =	vst v0  }
0x18: {  	[tilespmem:$0x2000] =	vst v1  }
0x19: {  	[tilespmem:$0x2010] =	vst v1  }
0x1a: {  	[tilespmem:$0x2020] =	vst v1  }
0x1b: {  	[tilespmem:$0x2030] =	vst v1  }
0x1c: {  	[tilespmem:$0x2040] =	vst v1  }
0x1d: {  	[tilespmem:$0x2050] =	vst v1  }
0x1e: {  	[tilespmem:$0x2060] =	vst v1  }
0x1f: {  	[tilespmem:$0x2070] =	vst v1  }
0x20: {  	[spmem:s5] =	stream.linear.scatter [tilespmem:s14], [sflag:$0x2], $0x1880, $0x38;
	[tilespmem:$0x6A00] =	vst v63  }
0x21: {  	_ =	swait.ge [sflag:s15], $0x1880  }
0x22: {  	[sflag:s15] =	ssyncset.done $0x0  }
0x23: {  	[sflag:s15] =	ssyncadd.s32 $0xFFFFE780  }
0x24: {  	[spmem:s6] =	stream.linear.scatter [tilespmem:s14], [sflag:$0x2], $0x1880, $0x38;
	[tilespmem:$0x6A00] =	vst v63  }
0x25: {  	_ =	swait.ge [sflag:s15], $0x1880  }
0x26: {  	[sflag:s15] =	ssyncset.done $0x0  }
0x27: {  	[sflag:s15] =	ssyncadd.s32 $0xFFFFE780  }
0x28: {  	s20 =	simm.s32 $0x0;
	[bflag:$0x0] =	sbarrier.arrive $0xFFFF  }
0x29: {  	[tilespmem:s20], [sflag:$0x1] =	stream.linear.gather [hbm4b:s7+s20], $0x800, $0x38;
	[tilespmem:$0x6A00] =	vst v63  }
0x2a: {  	s21 =	smov.u32 s13;
	s22 =	smov.u32 s12;
	s23 =	simm.s32 $0x0  }
0x2b: {  	[tilespmem:s16], [sflag:$0x1] =	stream.linear.gather [hbm4b:s8+s20], $0x800, $0x38;
	[tilespmem:$0x6A00] =	vst v63  }
.LBB2_4:
0x2c: {  	_ =	swait.ge [sflag:s17], $0x800  }
0x2d: {  	[sflag:s17] =	ssyncset.done $0x0  }
0x2e: {  	[sflag:s17] =	ssyncadd.s32 $0xFFFFF800  }
0x2f: {  	_ =	swait.ge [sflag:s17], $0x800  }
0x30: {  	s24 =	rddreg [dreg:$0x4]  }
0x31: {  	p0 =	sge.u32 s23, s24  }
0x32: {  	[sflag:s17] =	ssyncset.done $0x0;
	s24 =	sxor.u32 @!p0 $0xFFFFFFFF, s20  }
0x33: {  	[sflag:s17] =	ssyncadd.s32 $0xFFFFF800;
	s25 =	simm.s32 @!p0 $0x0;
	s24 =	sand.u32 @!p0 $0x800, s24  }
0x34: {  	[tilespmem:s24], [sflag:$0x1] =	stream.linear.gather @!p0 [hbm4b:s21+s25], $0x800, $0x38;
	[tilespmem:$0x6A00] =	vst v63  }
0x35: {  	s24 =	sor.u32 @!p0 $0x1000, s24  }
0x36: {  	[tilespmem:s24], [sflag:$0x1] =	stream.linear.gather @!p0 [hbm4b:s22+s25], $0x800, $0x38;
	[tilespmem:$0x6A00] =	vst v63  }
0x37: {  	s24 =	sand.u32 $0x800, s20  }
0x38: {  	[spmem:s2] =	stream.indirect.scatter.add.f32 [tilespmem:s19], [sflag:$0x2], $0x1, s24, s18, $0xb8;
	[tilespmem:$0x6A00] =	vst v63  }
0x39: {  	_ =	swait.ge [sflag:s15], $0x80  }
0x3a: {  	[sflag:s15] =	ssyncset.done $0x0  }
0x3b: {  	s31 =	sor.u32 $0x1000, s24;
	[sflag:s15] =	ssyncadd.s32 $0xFFFFFF80  }
0x3c: {  	[spmem:s3] =	stream.indirect.scatter.add.f32 [tilespmem:s19], [sflag:$0x2], $0x1, s31, s18, $0xb8;
	[tilespmem:$0x6A00] =	vst v63  }
0x3d: {  	_ =	swait.ge [sflag:s15], $0x80  }
0x3e: {  	[sflag:s15] =	ssyncset.done $0x0  }
0x3f: {  	s26 =	sor.u32 $0x80, s24;
	[sflag:s15] =	ssyncadd.s32 $0xFFFFFF80  }
0x40: {  	[spmem:s2] =	stream.indirect.scatter.add.f32 [tilespmem:s19], [sflag:$0x2], $0x1, s26, s18, $0xb8;
	[tilespmem:$0x6A00] =	vst v63  }
0x41: {  	_ =	swait.ge [sflag:s15], $0x80  }
0x42: {  	[sflag:s15] =	ssyncset.done $0x0  }
0x43: {  	s28 =	sor.u32 $0x1080, s24;
	[sflag:s15] =	ssyncadd.s32 $0xFFFFFF80  }
0x44: {  	[spmem:s3] =	stream.indirect.scatter.add.f32 [tilespmem:s19], [sflag:$0x2], $0x1, s28, s18, $0xb8;
	[tilespmem:$0x6A00] =	vst v63  }
0x45: {  	_ =	swait.ge [sflag:s15], $0x80  }
0x46: {  	[sflag:s15] =	ssyncset.done $0x0  }
0x47: {  	s29 =	sor.u32 $0x100, s24;
	[sflag:s15] =	ssyncadd.s32 $0xFFFFFF80  }
0x48: {  	[spmem:s2] =	stream.indirect.scatter.add.f32 [tilespmem:s19], [sflag:$0x2], $0x1, s29, s18, $0xb8;
	[tilespmem:$0x6A00] =	vst v63  }
0x49: {  	_ =	swait.ge [sflag:s15], $0x80  }
0x4a: {  	[sflag:s15] =	ssyncset.done $0x0  }
0x4b: {  	s30 =	sor.u32 $0x1100, s24;
	[sflag:s15] =	ssyncadd.s32 $0xFFFFFF80  }
0x4c: {  	[spmem:s3] =	stream.indirect.scatter.add.f32 [tilespmem:s19], [sflag:$0x2], $0x1, s30, s18, $0xb8;
	[tilespmem:$0x6A00] =	vst v63  }
0x4d: {  	_ =	swait.ge [sflag:s15], $0x80  }
0x4e: {  	[sflag:s15] =	ssyncset.done $0x0  }
0x4f: {  	s31 =	sor.u32 $0x180, s24;
	[sflag:s15] =	ssyncadd.s32 $0xFFFFFF80  }
0x50: {  	[spmem:s2] =	stream.indirect.scatter.add.f32 [tilespmem:s19], [sflag:$0x2], $0x1, s31, s18, $0xb8;
	[tilespmem:$0x6A00] =	vst v63  }
0x51: {  	_ =	swait.ge [sflag:s15], $0x80  }
0x52: {  	[sflag:s15] =	ssyncset.done $0x0  }
0x53: {  	s26 =	sor.u32 $0x1180, s24;
	[sflag:s15] =	ssyncadd.s32 $0xFFFFFF80  }
0x54: {  	[spmem:s3] =	stream.indirect.scatter.add.f32 [tilespmem:s19], [sflag:$0x2], $0x1, s26, s18, $0xb8;
	[tilespmem:$0x6A00] =	vst v63  }
0x55: {  	_ =	swait.ge [sflag:s15], $0x80  }
0x56: {  	[sflag:s15] =	ssyncset.done $0x0  }
0x57: {  	s28 =	sor.u32 $0x200, s24;
	[sflag:s15] =	ssyncadd.s32 $0xFFFFFF80  }
0x58: {  	[spmem:s2] =	stream.indirect.scatter.add.f32 [tilespmem:s19], [sflag:$0x2], $0x1, s28, s18, $0xb8;
	[tilespmem:$0x6A00] =	vst v63  }
0x59: {  	_ =	swait.ge [sflag:s15], $0x80  }
0x5a: {  	[sflag:s15] =	ssyncset.done $0x0  }
0x5b: {  	s29 =	sor.u32 $0x1200, s24;
	[sflag:s15] =	ssyncadd.s32 $0xFFFFFF80  }
0x5c: {  	[spmem:s3] =	stream.indirect.scatter.add.f32 [tilespmem:s19], [sflag:$0x2], $0x1, s29, s18, $0xb8;
	[tilespmem:$0x6A00] =	vst v63  }
0x5d: {  	_ =	swait.ge [sflag:s15], $0x80  }
0x5e: {  	[sflag:s15] =	ssyncset.done $0x0  }
0x5f: {  	s30 =	sor.u32 $0x280, s24;
	[sflag:s15] =	ssyncadd.s32 $0xFFFFFF80  }
0x60: {  	[spmem:s2] =	stream.indirect.scatter.add.f32 [tilespmem:s19], [sflag:$0x2], $0x1, s30, s18, $0xb8;
	[tilespmem:$0x6A00] =	vst v63  }
0x61: {  	_ =	swait.ge [sflag:s15], $0x80  }
0x62: {  	[sflag:s15] =	ssyncset.done $0x0  }
0x63: {  	s31 =	sor.u32 $0x1280, s24;
	[sflag:s15] =	ssyncadd.s32 $0xFFFFFF80  }
0x64: {  	[spmem:s3] =	stream.indirect.scatter.add.f32 [tilespmem:s19], [sflag:$0x2], $0x1, s31, s18, $0xb8;
	[tilespmem:$0x6A00] =	vst v63  }
0x65: {  	_ =	swait.ge [sflag:s15], $0x80  }
0x66: {  	[sflag:s15] =	ssyncset.done $0x0  }
0x67: {  	s26 =	sor.u32 $0x300, s24;
	[sflag:s15] =	ssyncadd.s32 $0xFFFFFF80  }
0x68: {  	[spmem:s2] =	stream.indirect.scatter.add.f32 [tilespmem:s19], [sflag:$0x2], $0x1, s26, s18, $0xb8;
	[tilespmem:$0x6A00] =	vst v63  }
0x69: {  	_ =	swait.ge [sflag:s15], $0x80  }
0x6a: {  	[sflag:s15] =	ssyncset.done $0x0  }
0x6b: {  	s28 =	sor.u32 $0x1300, s24;
	[sflag:s15] =	ssyncadd.s32 $0xFFFFFF80  }
0x6c: {  	[spmem:s3] =	stream.indirect.scatter.add.f32 [tilespmem:s19], [sflag:$0x2], $0x1, s28, s18, $0xb8;
	[tilespmem:$0x6A00] =	vst v63  }
0x6d: {  	_ =	swait.ge [sflag:s15], $0x80  }
0x6e: {  	[sflag:s15] =	ssyncset.done $0x0  }
0x6f: {  	s29 =	sor.u32 $0x380, s24;
	[sflag:s15] =	ssyncadd.s32 $0xFFFFFF80  }
0x70: {  	[spmem:s2] =	stream.indirect.scatter.add.f32 [tilespmem:s19], [sflag:$0x2], $0x1, s29, s18, $0xb8;
	[tilespmem:$0x6A00] =	vst v63  }
0x71: {  	_ =	swait.ge [sflag:s15], $0x80  }
0x72: {  	[sflag:s15] =	ssyncset.done $0x0  }
0x73: {  	s30 =	sor.u32 $0x1380, s24;
	[sflag:s15] =	ssyncadd.s32 $0xFFFFFF80  }
0x74: {  	[spmem:s3] =	stream.indirect.scatter.add.f32 [tilespmem:s19], [sflag:$0x2], $0x1, s30, s18, $0xb8;
	[tilespmem:$0x6A00] =	vst v63  }
0x75: {  	_ =	swait.ge [sflag:s15], $0x80  }
0x76: {  	[sflag:s15] =	ssyncset.done $0x0  }
0x77: {  	s31 =	sor.u32 $0x400, s24;
	[sflag:s15] =	ssyncadd.s32 $0xFFFFFF80  }
0x78: {  	[spmem:s2] =	stream.indirect.scatter.add.f32 [tilespmem:s19], [sflag:$0x2], $0x1, s31, s18, $0xb8;
	[tilespmem:$0x6A00] =	vst v63  }
0x79: {  	_ =	swait.ge [sflag:s15], $0x80  }
0x7a: {  	[sflag:s15] =	ssyncset.done $0x0  }
0x7b: {  	s26 =	sor.u32 $0x1400, s24;
	[sflag:s15] =	ssyncadd.s32 $0xFFFFFF80  }
0x7c: {  	[spmem:s3] =	stream.indirect.scatter.add.f32 [tilespmem:s19], [sflag:$0x2], $0x1, s26, s18, $0xb8;
	[tilespmem:$0x6A00] =	vst v63  }
0x7d: {  	_ =	swait.ge [sflag:s15], $0x80  }
0x7e: {  	[sflag:s15] =	ssyncset.done $0x0  }
0x7f: {  	s28 =	sor.u32 $0x480, s24;
	[sflag:s15] =	ssyncadd.s32 $0xFFFFFF80  }
0x80: {  	[spmem:s2] =	stream.indirect.scatter.add.f32 [tilespmem:s19], [sflag:$0x2], $0x1, s28, s18, $0xb8;
	[tilespmem:$0x6A00] =	vst v63  }
0x81: {  	_ =	swait.ge [sflag:s15], $0x80  }
0x82: {  	[sflag:s15] =	ssyncset.done $0x0  }
0x83: {  	s29 =	sor.u32 $0x1480, s24;
	[sflag:s15] =	ssyncadd.s32 $0xFFFFFF80  }
0x84: {  	[spmem:s3] =	stream.indirect.scatter.add.f32 [tilespmem:s19], [sflag:$0x2], $0x1, s29, s18, $0xb8;
	[tilespmem:$0x6A00] =	vst v63  }
0x85: {  	_ =	swait.ge [sflag:s15], $0x80  }
0x86: {  	[sflag:s15] =	ssyncset.done $0x0  }
0x87: {  	s30 =	sor.u32 $0x500, s24;
	[sflag:s15] =	ssyncadd.s32 $0xFFFFFF80  }
0x88: {  	[spmem:s2] =	stream.indirect.scatter.add.f32 [tilespmem:s19], [sflag:$0x2], $0x1, s30, s18, $0xb8;
	[tilespmem:$0x6A00] =	vst v63  }
0x89: {  	_ =	swait.ge [sflag:s15], $0x80  }
0x8a: {  	[sflag:s15] =	ssyncset.done $0x0  }
0x8b: {  	s31 =	sor.u32 $0x1500, s24;
	[sflag:s15] =	ssyncadd.s32 $0xFFFFFF80  }
0x8c: {  	[spmem:s3] =	stream.indirect.scatter.add.f32 [tilespmem:s19], [sflag:$0x2], $0x1, s31, s18, $0xb8;
	[tilespmem:$0x6A00] =	vst v63  }
0x8d: {  	_ =	swait.ge [sflag:s15], $0x80  }
0x8e: {  	[sflag:s15] =	ssyncset.done $0x0  }
0x8f: {  	s26 =	sor.u32 $0x580, s24;
	[sflag:s15] =	ssyncadd.s32 $0xFFFFFF80  }
0x90: {  	[spmem:s2] =	stream.indirect.scatter.add.f32 [tilespmem:s19], [sflag:$0x2], $0x1, s26, s18, $0xb8;
	[tilespmem:$0x6A00] =	vst v63  }
0x91: {  	_ =	swait.ge [sflag:s15], $0x80  }
0x92: {  	[sflag:s15] =	ssyncset.done $0x0  }
0x93: {  	s28 =	sor.u32 $0x1580, s24;
	[sflag:s15] =	ssyncadd.s32 $0xFFFFFF80  }
0x94: {  	[spmem:s3] =	stream.indirect.scatter.add.f32 [tilespmem:s19], [sflag:$0x2], $0x1, s28, s18, $0xb8;
	[tilespmem:$0x6A00] =	vst v63  }
0x95: {  	_ =	swait.ge [sflag:s15], $0x80  }
0x96: {  	[sflag:s15] =	ssyncset.done $0x0  }
0x97: {  	s29 =	sor.u32 $0x600, s24;
	[sflag:s15] =	ssyncadd.s32 $0xFFFFFF80  }
0x98: {  	[spmem:s2] =	stream.indirect.scatter.add.f32 [tilespmem:s19], [sflag:$0x2], $0x1, s29, s18, $0xb8;
	[tilespmem:$0x6A00] =	vst v63  }
0x99: {  	_ =	swait.ge [sflag:s15], $0x80  }
0x9a: {  	[sflag:s15] =	ssyncset.done $0x0  }
0x9b: {  	s30 =	sor.u32 $0x1600, s24;
	[sflag:s15] =	ssyncadd.s32 $0xFFFFFF80  }
0x9c: {  	[spmem:s3] =	stream.indirect.scatter.add.f32 [tilespmem:s19], [sflag:$0x2], $0x1, s30, s18, $0xb8;
	[tilespmem:$0x6A00] =	vst v63  }
0x9d: {  	_ =	swait.ge [sflag:s15], $0x80  }
0x9e: {  	[sflag:s15] =	ssyncset.done $0x0  }
0x9f: {  	s31 =	sor.u32 $0x680, s24;
	[sflag:s15] =	ssyncadd.s32 $0xFFFFFF80  }
0xa0: {  	[spmem:s2] =	stream.indirect.scatter.add.f32 [tilespmem:s19], [sflag:$0x2], $0x1, s31, s18, $0xb8;
	[tilespmem:$0x6A00] =	vst v63  }
0xa1: {  	_ =	swait.ge [sflag:s15], $0x80  }
0xa2: {  	[sflag:s15] =	ssyncset.done $0x0  }
0xa3: {  	s26 =	sor.u32 $0x1680, s24;
	[sflag:s15] =	ssyncadd.s32 $0xFFFFFF80  }
0xa4: {  	[spmem:s3] =	stream.indirect.scatter.add.f32 [tilespmem:s19], [sflag:$0x2], $0x1, s26, s18, $0xb8;
	[tilespmem:$0x6A00] =	vst v63  }
0xa5: {  	_ =	swait.ge [sflag:s15], $0x80  }
0xa6: {  	[sflag:s15] =	ssyncset.done $0x0  }
0xa7: {  	s28 =	sor.u32 $0x700, s24;
	[sflag:s15] =	ssyncadd.s32 $0xFFFFFF80  }
0xa8: {  	[spmem:s2] =	stream.indirect.scatter.add.f32 [tilespmem:s19], [sflag:$0x2], $0x1, s28, s18, $0xb8;
	[tilespmem:$0x6A00] =	vst v63  }
0xa9: {  	_ =	swait.ge [sflag:s15], $0x80  }
0xaa: {  	[sflag:s15] =	ssyncset.done $0x0  }
0xab: {  	s29 =	sor.u32 $0x1700, s24;
	[sflag:s15] =	ssyncadd.s32 $0xFFFFFF80  }
0xac: {  	[spmem:s3] =	stream.indirect.scatter.add.f32 [tilespmem:s19], [sflag:$0x2], $0x1, s29, s18, $0xb8;
	[tilespmem:$0x6A00] =	vst v63  }
0xad: {  	_ =	swait.ge [sflag:s15], $0x80  }
0xae: {  	[sflag:s15] =	ssyncset.done $0x0  }
0xaf: {  	s30 =	sor.u32 $0x780, s24;
	[sflag:s15] =	ssyncadd.s32 $0xFFFFFF80  }
0xb0: {  	[spmem:s2] =	stream.indirect.scatter.add.f32 [tilespmem:s19], [sflag:$0x2], $0x1, s30, s18, $0xb8;
	[tilespmem:$0x6A00] =	vst v63  }
0xb1: {  	_ =	swait.ge [sflag:s15], $0x80  }
0xb2: {  	[sflag:s15] =	ssyncset.done $0x0  }
0xb3: {  	s24 =	sor.u32 $0x1780, s24;
	[sflag:s15] =	ssyncadd.s32 $0xFFFFFF80  }
0xb4: {  	[spmem:s3] =	stream.indirect.scatter.add.f32 [tilespmem:s19], [sflag:$0x2], $0x1, s24, s18, $0xb8;
	[tilespmem:$0x6A00] =	vst v63  }
0xb5: {  	_ =	swait.ge [sflag:s15], $0x80  }
0xb6: {  	s20 =	sadd.s32 $0x800, s20;
	s31 =	rddreg [dreg:$0x5]  }
0xb7: {  	p0 =	sne.s32 s31, s20  }
.Ltmp1:
0xb8: {  	_ = 	snop;
	(pc) =	sbr.rel @p0 .LBB2_4-.Ltmp1, $3  }
0xb9: {  	_ =	sdelay $0x1  }
0xba: {  	s23 =	sadd.s32 $0x1, s23;
	[sflag:s15] =	ssyncset.done $0x0  }
0xbb: {  	s21 =	sadd.s32 $0x100, s21;
	s22 =	sadd.s32 $0x100, s22;
	[sflag:s15] =	ssyncadd.s32 $0xFFFFFF80  }
0xbc: {  	s20 =	sshll.u32 s1, $0x6  }
0xbd: {  	[bflag:$0x0] =	sbarrier.arrive $0xFFFF;
	s21 =	sshrl.u32 s5, $0x3;
	s20 =	sor.u32 $0x1C02, s20  }
0xbe: {  	[hbm:s9], [sflag:s20] =	dma.local [spmem:s21], $0x310  }
0xbf: {  	s4 =	sadd.s32 $0x1, s4;
	_ =	swait.ge [sflag:s15], $0x310  }
0xc0: {  	p0 =	sne.s32 s4, s11;
	[sflag:s15] =	ssyncset.done $0x0  }
.Ltmp2:
0xc1: {  	s31 =	sshrl.u32 s6, $0x3;
	[sflag:s15] =	ssyncadd.s32 $0xFFFFFCF0;
	(pc) =	sbr.rel @p0 .LBB2_1-.Ltmp2, $4  }
0xc2: {  	[hbm:s10], [sflag:s20] =	dma.local [spmem:s31], $0x310  }
0xc3: {  	_ =	swait.ge [sflag:s15], $0x310  }
0xc4: {  	[sflag:s15] =	ssyncset.done $0x0  }
0xc5: {  	[sflag:s15] =	ssyncadd.s32 $0xFFFFFCF0  }
0xc6: {  	_ =	sfence.sel $0x180000  }
0xc7: {  	[bflag:$0x0] =	sbarrier.arrive $0xFFFF  }
0xc8: {  	p0 =	sne.s32 s1, $0x0;
	_ =	strace $0x90000047  }
0xc9: {  	s0 =	sadd.s32 @!p0 $0x100000, s0;
	[bflag:$0x2] =	sbarrier.arrive $0xFFFF  }
0xca: {  	[sflag:s0] =	ssyncadd.tile.s32 @!p0 $0x1;
	_ =	shalt  }
.Lfunc_end2:
_tile_overlayer_lowered:
.L_overlay_start_2:
0xcb: {  	(tag) =	ssettag $0x2  }
0xcc: {  	s0 =	rddreg [dreg:$0x0];
	s2 =	stileid.u32  }
0xcd: {  	s1 =	rddreg [dreg:$0x1];
	p0 =	sne.s32 s2, $0x0  }
0xce: {  	s3 =	rddreg [dreg:$0x2];
	[bflag:$0x3] =	sbarrier.arrive $0xFFFF;
	s2 =	simm.s32 @!p0 $0x1C02  }
0xcf: {  	[timem:s3], [sflag:s2] =	dma.local @!p0 [hbm:s0], s1  }
0xd0: {  	s0 =	simm.s32 @!p0 $0x2  }
0xd1: {  	_ =	swait.ge @!p0 [sflag:s0], s1  }
0xd2: {  	s1 =	ssub.s32 @!p0 $0x0, s1;
	[sflag:s0] =	ssyncset.done @!p0 $0x0  }
0xd3: {  	[sflag:s0] =	ssyncadd.s32 @!p0 s1  }
0xd4: {  	[bflag:$0x3] =	sbarrier.arrive $0xFFFF  }
0xd5: {  	_ =	shalt  }

</sc_bundles>
